<compile_context>
chip_gen: v7x
topology: tpu7x:2x2x1
jax: 0.10.2.dev20260603
libtpu: 0.0.44.dev20260713+nightly
codegen_flags: <defaults>
</compile_context>

<pallas_src>
import functools

import jax
import jax.numpy as jnp
from jax import lax
from jax.experimental import pallas as pl
from jax.experimental.pallas import tpu as pltpu
from jax.experimental.pallas import tpu_sc as plsc

DIM = 32
NUM_CORES = 2
NUM_SUBCORES = 16
NUM_WORKERS = NUM_CORES * NUM_SUBCORES
RB = 4
S = RB * 128


@jax.jit
def _gather_sc(ids_l, embeddings):
    B = ids_l.shape[0]
    R = 16384
    NL = B // R
    n_rh = R // 128
    U = (NL * (n_rh // RB)) // NUM_WORKERS
    mesh = plsc.VectorSubcoreMesh(
        core_axis_name="c",
        subcore_axis_name="s",
        num_cores=NUM_CORES,
        num_subcores=NUM_SUBCORES,
    )

    @functools.partial(
        pl.kernel,
        mesh=mesh,
        compiler_params=pltpu.CompilerParams(
            use_tc_tiling_on_sc=False,
            needs_layout_passes=False,
            disable_bounds_checks=True,
        ),
        out_type=jax.ShapeDtypeStruct((NL * 4 * n_rh * 8 * 128,), jnp.float32),
        scratch_types=[
            pltpu.VMEM((B // NUM_WORKERS,), jnp.int32),
            pltpu.VMEM((S, DIM), jnp.float32),
            pltpu.VMEM((S, DIM), jnp.float32),
            pltpu.VMEM((4 * RB * 8 * 128,), jnp.float32),
            pltpu.VMEM((4 * RB * 8 * 128,), jnp.float32),
            pltpu.SemaphoreType.DMA,
            pltpu.SemaphoreType.DMA,
            pltpu.SemaphoreType.DMA,
            pltpu.SemaphoreType.DMA,
        ],
    )
    def k(idx_hbm, table_hbm, out_hbm, idx_all, rows0, rows1,
          t0, t1, gsem0, gsem1, osem0, osem1):
        rows_b = (rows0, rows1)
        t_b = (t0, t1)
        gsem_b = (gsem0, gsem1)
        osem_b = (osem0, osem1)

        wid = lax.axis_index("s") * NUM_CORES + lax.axis_index("c")
        u0 = wid * U
        iota = lax.iota(jnp.int32, 16)

        def out_off(u, ch):
            l = u // (n_rh // RB)
            rhb = u % (n_rh // RB)
            return ((l * 4 + ch) * n_rh + rhb * RB) * 1024

        pltpu.sync_copy(idx_hbm.at[pl.ds(u0 * S, U * S)], idx_all)

        def fire(i, b):
            pltpu.async_copy(
                table_hbm.at[idx_all.at[pl.ds(i * S, S)]],
                rows_b[b], gsem_b[b])

        def transpose_unit(b):
            rows, t = rows_b[b], t_b[b]

            @plsc.parallel_loop(0, S // 16, unroll=8)
            def sblock(v):
                s0 = v * 16
                svec = iota + s0
                soff = (s0 // 128) * 1024 + (s0 % 128) + iota
                for k_ in range(DIM):
                    c = (iota + k_) & 31
                    caddr = ((c & 24) << 9) + ((c & 7) << 7)
                    val = plsc.load_gather(rows, [svec, c])
                    plsc.store_scatter(t, [caddr + soff], val)

        def store_unit(u, b):
            for ch in range(4):
                pltpu.async_copy(
                    t_b[b].at[pl.ds(ch * RB * 1024, RB * 1024)],
                    out_hbm.at[pl.ds(out_off(u, ch), RB * 1024)],
                    osem_b[b])

        def drain_unit(u, b):
            for ch in range(4):
                pltpu.make_async_copy(
                    t_b[b].at[pl.ds(ch * RB * 1024, RB * 1024)],
                    out_hbm.at[pl.ds(out_off(u, ch), RB * 1024)],
                    osem_b[b]).wait()

        fire(0, 0)

        def body(o, carry):
            for b in range(2):
                i = 2 * o + b
                u = u0 + i

                @pl.when(i + 1 < U)
                def _():
                    fire(i + 1, 1 - b)

                pltpu.make_async_copy(
                    table_hbm.at[idx_all.at[pl.ds(i * S, S)]],
                    rows_b[b], gsem_b[b]).wait()

                @pl.when(i >= 2)
                def _():
                    drain_unit(u - 2, b)

                transpose_unit(b)
                store_unit(u, b)
            return carry

        lax.fori_loop(0, U // 2, body, 0)

        for b in range(2):
            drain_unit(u0 + U - 2 + b, b)

    return k(ids_l, embeddings)


def kernel(inputs, embeddings):
    R, NL = inputs.shape
    ids_l = jnp.reshape(jnp.transpose(inputs), (-1,)).astype(jnp.int32)
    out5 = _gather_sc(ids_l, embeddings)
    out = jnp.reshape(out5, (NL, 4, R // 128, 8, 128))
    out = jnp.transpose(out, (2, 4, 0, 1, 3))
    return jnp.reshape(out, (R, NL, DIM))

# --- scband reference (transcript-rebuilt; emitter-appended) ---
"""Pipeline reference for scband-embedding-84361747628646 (READ-ONLY COPY).

The authoritative reference and input builder live on the scoring server;
editing this copy changes nothing except your own understanding.
"""

import jax, jax.numpy as jnp
import numpy as np

MAX_ID = 1000000
DIM = 32


def setup_inputs(seed: int = 0) -> dict:
    key = jax.random.key(seed)
    k_idx, k_emb = jax.random.split(key)
    inputs = jax.random.randint(k_idx, (16384, 50), 0, MAX_ID + 1, dtype=jnp.int64 if jax.config.jax_enable_x64 else jnp.int32)
    # truncated_normal_initializer(stddev=0.1) approximated with truncated normal
    embeddings = 0.1 * jax.random.truncated_normal(k_emb, -2.0, 2.0, (MAX_ID + 1, DIM), dtype=jnp.float32)
    return {"inputs": inputs, "embeddings": embeddings}


def reference(inputs, embeddings):
    # Faithful translation of Embedding.call: flatten ids, embedding_lookup, reshape to shape + [dim]
    shape = inputs.shape
    flat = jnp.reshape(inputs, (-1,))
    looked_up = jnp.take(embeddings, flat, axis=0)
    out = jnp.reshape(looked_up, shape + (DIM,))
    return out

if __name__ == "__main__":
    import jax
    _d = setup_inputs()
    print(jax.jit(kernel)(*tuple(_d.values())))

</pallas_src>

<mosaic_0001>
#map = affine_map<(d0, d1) -> (0)>
#map1 = affine_map<(d0, d1) -> (0, 0)>
module attributes {stable_mosaic.version = 14 : i64} {
  func.func @k(%arg0: i32, %arg1: i32, %arg2: memref<819200xi32, #tpu.memory_space<hbm>>, %arg3: memref<1000001x32xf32, #tpu.memory_space<hbm>>, %arg4: memref<26214400xf32, #tpu.memory_space<hbm>>, %arg5: memref<25600xi32, #tpu.memory_space<vmem>>, %arg6: memref<512x32xf32, #tpu.memory_space<vmem>>, %arg7: memref<512x32xf32, #tpu.memory_space<vmem>>, %arg8: memref<16384xf32, #tpu.memory_space<vmem>>, %arg9: memref<16384xf32, #tpu.memory_space<vmem>>, %arg10: memref<!tpu.dma_semaphore, #tpu.memory_space<semaphore_mem>>, %arg11: memref<!tpu.dma_semaphore, #tpu.memory_space<semaphore_mem>>, %arg12: memref<!tpu.dma_semaphore, #tpu.memory_space<semaphore_mem>>, %arg13: memref<!tpu.dma_semaphore, #tpu.memory_space<semaphore_mem>>) attributes {dimension_semantics = [#tpu.dimension_semantics<core_parallel>, #tpu.dimension_semantics<subcore_parallel>], iteration_bounds = array<i64: 2, 16>, scalar_prefetch = 0 : i64, scratch_operands = 9 : i64, tpu.core_type = #tpu.core_type<sc_vector_subcore>, window_params = [{transform_indices = #map}, {transform_indices = #map1}, {transform_indices = #map}]} {
    %mul3A = arith.constant 2 : i32
    %mul3A_0 = arith.muli %arg1, %mul3A : i32
    %add3A = arith.addi %mul3A_0, %arg0 : i32
    %mul3A_1 = arith.constant 50 : i32
    %mul3A_2 = arith.muli %add3A, %mul3A_1 : i32
    %iota3A = tpu.iota {dimensions = array<i32: 0>} : vector<16xi32>
    %mul3A_3 = arith.constant 512 : i32
    %mul3A_4 = arith.muli %mul3A_2, %mul3A_3 : i32
    "tpu.region"() ({
      %run_scoped3A = tpu.sem_alloc : memref<!tpu.dma_semaphore, #tpu.memory_space<semaphore_mem>>
      %dma_start3A_471 = tpu.memref_slice %arg2[%mul3A_4] : memref<819200xi32, #tpu.memory_space<hbm>> -> memref<25600xi32, #tpu.memory_space<hbm>>
      %dma_start3A_472 = tpu.memref_slice %arg2[%mul3A_4] : memref<819200xi32, #tpu.memory_space<hbm>> -> memref<25600xi32, #tpu.memory_space<hbm>>
      tpu.enqueue_dma source(%dma_start3A_472 : memref<25600xi32, #tpu.memory_space<hbm>>) target(%arg5 : memref<25600xi32, #tpu.memory_space<vmem>>) target_semaphore(%run_scoped3A : memref<!tpu.dma_semaphore, #tpu.memory_space<semaphore_mem>>)
      %dma_wait3A_473 = tpu.memref_slice %arg2[%mul3A_4] : memref<819200xi32, #tpu.memory_space<hbm>> -> memref<25600xi32, #tpu.memory_space<hbm>>
      %dma_wait3A_474 = tpu.memref_slice %arg2[%mul3A_4] : memref<819200xi32, #tpu.memory_space<hbm>> -> memref<25600xi32, #tpu.memory_space<hbm>>
      tpu.wait_dma2 semaphore(%run_scoped3A : memref<!tpu.dma_semaphore, #tpu.memory_space<semaphore_mem>>) src(%dma_wait3A_474 : memref<25600xi32, #tpu.memory_space<hbm>>) dst(%arg5 : memref<25600xi32, #tpu.memory_space<vmem>>)
      tpu.yield
    }) : () -> ()
    %dma_start3A = arith.constant 0 : i32
    %dma_start3A_5 = tpu.memref_slice %arg5[%dma_start3A] : memref<25600xi32, #tpu.memory_space<vmem>> -> memref<512xi32, #tpu.memory_space<vmem>>
    %dma_start3A_6 = arith.constant 0 : i32
    %dma_start3A_7 = arith.constant 0 : i32
    %dma_start3A_8 = tpu.memref_slice %arg3[%dma_start3A_6, %dma_start3A_7] : memref<1000001x32xf32, #tpu.memory_space<hbm>> -> memref<1000001x32xf32, #tpu.memory_space<hbm>>
    tpu.enqueue_indirect_dma source(%dma_start3A_8 : memref<1000001x32xf32, #tpu.memory_space<hbm>>) target(%arg6 : memref<512x32xf32, #tpu.memory_space<vmem>>) offsets(%dma_start3A_5 : memref<512xi32, #tpu.memory_space<vmem>>) semaphore(%arg10 : memref<!tpu.dma_semaphore, #tpu.memory_space<semaphore_mem>>)
    %scan3A = arith.constant 0 : i32
    %scan3A_9 = arith.constant 0 : i32
    %scan3A_10 = arith.constant 25 : i32
    %scan3A_11 = arith.addi %scan3A_9, %scan3A_10 : i32
    %scan3A_12 = arith.constant 1 : i32
    scf.for %scan3A_471 = %scan3A_9 to %scan3A_11 step %scan3A_12  : i32 {
      %mul3A_472 = arith.constant 2 : i32
      %mul3A_473 = arith.muli %mul3A_472, %scan3A_471 : i32
      %add3A_474 = arith.constant 0 : i32
      %add3A_475 = arith.addi %mul3A_473, %add3A_474 : i32
      %add3A_476 = arith.addi %mul3A_2, %add3A_475 : i32
      %add3A_477 = arith.constant 1 : i32
      %add3A_478 = arith.addi %add3A_475, %add3A_477 : i32
      %lt3A_479 = arith.constant 50 : i32
      %lt3A_480 = arith.cmpi slt, %add3A_478, %lt3A_479 : i32
      %convert_element_type3A = arith.extui %lt3A_480 : i1 to i32
      %cond3A = arith.constant 0 : i32
      %cond3A_481 = arith.cmpi ne, %convert_element_type3A, %cond3A : i32
      scf.if %cond3A_481 {
        %add3A_976 = arith.constant 1 : i32
        %add3A_977 = arith.addi %add3A_475, %add3A_976 : i32
        %mul3A_978 = arith.constant 512 : i32
        %mul3A_979 = arith.muli %add3A_977, %mul3A_978 : i32
        %dma_start3A_980 = tpu.memref_slice %arg5[%mul3A_979] : memref<25600xi32, #tpu.memory_space<vmem>> -> memref<512xi32, #tpu.memory_space<vmem>>
        %dma_start3A_981 = arith.constant 0 : i32
        %dma_start3A_982 = arith.constant 0 : i32
        %dma_start3A_983 = tpu.memref_slice %arg3[%dma_start3A_981, %dma_start3A_982] : memref<1000001x32xf32, #tpu.memory_space<hbm>> -> memref<1000001x32xf32, #tpu.memory_space<hbm>>
        tpu.enqueue_indirect_dma source(%dma_start3A_983 : memref<1000001x32xf32, #tpu.memory_space<hbm>>) target(%arg7 : memref<512x32xf32, #tpu.memory_space<vmem>>) offsets(%dma_start3A_980 : memref<512xi32, #tpu.memory_space<vmem>>) semaphore(%arg11 : memref<!tpu.dma_semaphore, #tpu.memory_space<semaphore_mem>>)
      } else {
      }
      %mul3A_482 = arith.constant 512 : i32
      %mul3A_483 = arith.muli %add3A_475, %mul3A_482 : i32
      %dma_wait3A_484 = tpu.memref_slice %arg5[%mul3A_483] : memref<25600xi32, #tpu.memory_space<vmem>> -> memref<512xi32, #tpu.memory_space<vmem>>
      %dma_wait3A_485 = arith.constant 0 : i32
      %dma_wait3A_486 = arith.constant 0 : i32
      %dma_wait3A_487 = tpu.memref_slice %arg3[%dma_wait3A_485, %dma_wait3A_486] : memref<1000001x32xf32, #tpu.memory_space<hbm>> -> memref<1000001x32xf32, #tpu.memory_space<hbm>>
      tpu.wait_indirect_dma semaphore(%arg10 : memref<!tpu.dma_semaphore, #tpu.memory_space<semaphore_mem>>) src(%dma_wait3A_487 : memref<1000001x32xf32, #tpu.memory_space<hbm>>) dst(%arg6 : memref<512x32xf32, #tpu.memory_space<vmem>>)
      %ge3A = arith.constant 2 : i32
      %ge3A_488 = arith.cmpi sge, %add3A_475, %ge3A : i32
      %convert_element_type3A_489 = arith.extui %ge3A_488 : i1 to i32
      %cond3A_490 = arith.constant 0 : i32
      %cond3A_491 = arith.cmpi ne, %convert_element_type3A_489, %cond3A_490 : i32
      scf.if %cond3A_491 {
        %sub3A_976 = arith.constant 2 : i32
        %sub3A_977 = arith.subi %add3A_476, %sub3A_976 : i32
        %jit3A_978 = arith.constant 32 : i32
        %div3A_979 = arith.divsi %sub3A_977, %jit3A_978 : i32
        %sign3A_980 = arith.constant 0 : i32
        %sign3A_981 = arith.cmpi sgt, %sub3A_977, %sign3A_980 : i32
        %sign3A_982 = arith.extui %sign3A_981 : i1 to i32
        %sign3A_983 = arith.constant 0 : i32
        %sign3A_984 = arith.cmpi slt, %sub3A_977, %sign3A_983 : i32
        %sign3A_985 = arith.extui %sign3A_984 : i1 to i32
        %sign3A_986 = arith.subi %sign3A_982, %sign3A_985 : i32
        %sign3A_987 = arith.constant 0 : i32
        %sign3A_988 = arith.cmpi sgt, %jit3A_978, %sign3A_987 : i32
        %sign3A_989 = arith.extui %sign3A_988 : i1 to i32
        %sign3A_990 = arith.constant 0 : i32
        %sign3A_991 = arith.cmpi slt, %jit3A_978, %sign3A_990 : i32
        %sign3A_992 = arith.extui %sign3A_991 : i1 to i32
        %sign3A_993 = arith.subi %sign3A_989, %sign3A_992 : i32
        %ne3A_994 = arith.cmpi ne, %sign3A_986, %sign3A_993 : i32
        %rem3A_995 = arith.remsi %sub3A_977, %jit3A_978 : i32
        %ne3A_996 = arith.constant 0 : i32
        %ne3A_997 = arith.cmpi ne, %rem3A_995, %ne3A_996 : i32
        %and3A_998 = arith.andi %ne3A_994, %ne3A_997 : i1
        %sub3A_999 = arith.constant 1 : i32
        %sub3A_1000 = arith.subi %div3A_979, %sub3A_999 : i32
        %select_n3A_1001 = arith.select %and3A_998, %sub3A_1000, %div3A_979 : i32
        %jit3A_1002 = arith.constant 32 : i32
        %eq3A_1003 = arith.constant 0 : i32
        %eq3A_1004 = arith.cmpi eq, %jit3A_1002, %eq3A_1003 : i32
        %jit3A_1005 = arith.constant 1 : i32
        %select_n3A_1006 = arith.select %eq3A_1004, %jit3A_1005, %jit3A_1002 : i32
        %rem3A_1007 = arith.remsi %sub3A_977, %select_n3A_1006 : i32
        %ne3A_1008 = arith.constant 0 : i32
        %ne3A_1009 = arith.cmpi ne, %rem3A_1007, %ne3A_1008 : i32
        %lt3A_1010 = arith.constant 0 : i32
        %lt3A_1011 = arith.cmpi slt, %rem3A_1007, %lt3A_1010 : i32
        %lt3A_1012 = arith.constant 0 : i32
        %lt3A_1013 = arith.cmpi slt, %select_n3A_1006, %lt3A_1012 : i32
        %ne3A_1014 = arith.xori %lt3A_1011, %lt3A_1013 : i1
        %and3A_1015 = arith.andi %ne3A_1014, %ne3A_1009 : i1
        %add3A_1016 = arith.addi %rem3A_1007, %select_n3A_1006 : i32
        %select_n3A_1017 = arith.select %and3A_1015, %add3A_1016, %rem3A_1007 : i32
        %mul3A_1018 = arith.constant 4 : i32
        %mul3A_1019 = arith.muli %select_n3A_1001, %mul3A_1018 : i32
        %add3A_1020 = arith.constant 0 : i32
        %add3A_1021 = arith.addi %mul3A_1019, %add3A_1020 : i32
        %mul3A_1022 = arith.constant 128 : i32
        %mul3A_1023 = arith.muli %add3A_1021, %mul3A_1022 : i32
        %mul3A_1024 = arith.constant 4 : i32
        %mul3A_1025 = arith.muli %select_n3A_1017, %mul3A_1024 : i32
        %add3A_1026 = arith.addi %mul3A_1023, %mul3A_1025 : i32
        %mul3A_1027 = arith.constant 1024 : i32
        %mul3A_1028 = arith.muli %add3A_1026, %mul3A_1027 : i32
        %dma_wait3A_1029 = arith.constant 0 : i32
        %dma_wait3A_1030 = tpu.memref_slice %arg8[%dma_wait3A_1029] : memref<16384xf32, #tpu.memory_space<vmem>> -> memref<4096xf32, #tpu.memory_space<vmem>>
        %dma_wait3A_1031 = tpu.memref_slice %arg4[%mul3A_1028] : memref<26214400xf32, #tpu.memory_space<hbm>> -> memref<4096xf32, #tpu.memory_space<hbm>>
        %dma_wait3A_1032 = tpu.memref_slice %arg4[%mul3A_1028] : memref<26214400xf32, #tpu.memory_space<hbm>> -> memref<4096xf32, #tpu.memory_space<hbm>>
        %dma_wait3A_1033 = arith.constant 0 : i32
        %dma_wait3A_1034 = tpu.memref_slice %arg8[%dma_wait3A_1033] : memref<16384xf32, #tpu.memory_space<vmem>> -> memref<4096xf32, #tpu.memory_space<vmem>>
        tpu.wait_dma2 semaphore(%arg12 : memref<!tpu.dma_semaphore, #tpu.memory_space<semaphore_mem>>) src(%dma_wait3A_1034 : memref<4096xf32, #tpu.memory_space<vmem>>) dst(%dma_wait3A_1032 : memref<4096xf32, #tpu.memory_space<hbm>>)
        %jit3A_1035 = arith.constant 32 : i32
        %div3A_1036 = arith.divsi %sub3A_977, %jit3A_1035 : i32
        %sign3A_1037 = arith.constant 0 : i32
        %sign3A_1038 = arith.cmpi sgt, %sub3A_977, %sign3A_1037 : i32
        %sign3A_1039 = arith.extui %sign3A_1038 : i1 to i32
        %sign3A_1040 = arith.constant 0 : i32
        %sign3A_1041 = arith.cmpi slt, %sub3A_977, %sign3A_1040 : i32
        %sign3A_1042 = arith.extui %sign3A_1041 : i1 to i32
        %sign3A_1043 = arith.subi %sign3A_1039, %sign3A_1042 : i32
        %sign3A_1044 = arith.constant 0 : i32
        %sign3A_1045 = arith.cmpi sgt, %jit3A_1035, %sign3A_1044 : i32
        %sign3A_1046 = arith.extui %sign3A_1045 : i1 to i32
        %sign3A_1047 = arith.constant 0 : i32
        %sign3A_1048 = arith.cmpi slt, %jit3A_1035, %sign3A_1047 : i32
        %sign3A_1049 = arith.extui %sign3A_1048 : i1 to i32
        %sign3A_1050 = arith.subi %sign3A_1046, %sign3A_1049 : i32
        %ne3A_1051 = arith.cmpi ne, %sign3A_1043, %sign3A_1050 : i32
        %rem3A_1052 = arith.remsi %sub3A_977, %jit3A_1035 : i32
        %ne3A_1053 = arith.constant 0 : i32
        %ne3A_1054 = arith.cmpi ne, %rem3A_1052, %ne3A_1053 : i32
        %and3A_1055 = arith.andi %ne3A_1051, %ne3A_1054 : i1
        %sub3A_1056 = arith.constant 1 : i32
        %sub3A_1057 = arith.subi %div3A_1036, %sub3A_1056 : i32
        %select_n3A_1058 = arith.select %and3A_1055, %sub3A_1057, %div3A_1036 : i32
        %jit3A_1059 = arith.constant 32 : i32
        %eq3A_1060 = arith.constant 0 : i32
        %eq3A_1061 = arith.cmpi eq, %jit3A_1059, %eq3A_1060 : i32
        %jit3A_1062 = arith.constant 1 : i32
        %select_n3A_1063 = arith.select %eq3A_1061, %jit3A_1062, %jit3A_1059 : i32
        %rem3A_1064 = arith.remsi %sub3A_977, %select_n3A_1063 : i32
        %ne3A_1065 = arith.constant 0 : i32
        %ne3A_1066 = arith.cmpi ne, %rem3A_1064, %ne3A_1065 : i32
        %lt3A_1067 = arith.constant 0 : i32
        %lt3A_1068 = arith.cmpi slt, %rem3A_1064, %lt3A_1067 : i32
        %lt3A_1069 = arith.constant 0 : i32
        %lt3A_1070 = arith.cmpi slt, %select_n3A_1063, %lt3A_1069 : i32
        %ne3A_1071 = arith.xori %lt3A_1068, %lt3A_1070 : i1
        %and3A_1072 = arith.andi %ne3A_1071, %ne3A_1066 : i1
        %add3A_1073 = arith.addi %rem3A_1064, %select_n3A_1063 : i32
        %select_n3A_1074 = arith.select %and3A_1072, %add3A_1073, %rem3A_1064 : i32
        %mul3A_1075 = arith.constant 4 : i32
        %mul3A_1076 = arith.muli %select_n3A_1058, %mul3A_1075 : i32
        %add3A_1077 = arith.constant 1 : i32
        %add3A_1078 = arith.addi %mul3A_1076, %add3A_1077 : i32
        %mul3A_1079 = arith.constant 128 : i32
        %mul3A_1080 = arith.muli %add3A_1078, %mul3A_1079 : i32
        %mul3A_1081 = arith.constant 4 : i32
        %mul3A_1082 = arith.muli %select_n3A_1074, %mul3A_1081 : i32
        %add3A_1083 = arith.addi %mul3A_1080, %mul3A_1082 : i32
        %mul3A_1084 = arith.constant 1024 : i32
        %mul3A_1085 = arith.muli %add3A_1083, %mul3A_1084 : i32
        %dma_wait3A_1086 = arith.constant 4096 : i32
        %dma_wait3A_1087 = tpu.memref_slice %arg8[%dma_wait3A_1086] : memref<16384xf32, #tpu.memory_space<vmem>> -> memref<4096xf32, #tpu.memory_space<vmem>>
        %dma_wait3A_1088 = tpu.memref_slice %arg4[%mul3A_1085] : memref<26214400xf32, #tpu.memory_space<hbm>> -> memref<4096xf32, #tpu.memory_space<hbm>>
        %dma_wait3A_1089 = tpu.memref_slice %arg4[%mul3A_1085] : memref<26214400xf32, #tpu.memory_space<hbm>> -> memref<4096xf32, #tpu.memory_space<hbm>>
        %dma_wait3A_1090 = arith.constant 4096 : i32
        %dma_wait3A_1091 = tpu.memref_slice %arg8[%dma_wait3A_1090] : memref<16384xf32, #tpu.memory_space<vmem>> -> memref<4096xf32, #tpu.memory_space<vmem>>
        tpu.wait_dma2 semaphore(%arg12 : memref<!tpu.dma_semaphore, #tpu.memory_space<semaphore_mem>>) src(%dma_wait3A_1091 : memref<4096xf32, #tpu.memory_space<vmem>>) dst(%dma_wait3A_1089 : memref<4096xf32, #tpu.memory_space<hbm>>)
        %jit3A_1092 = arith.constant 32 : i32
        %div3A_1093 = arith.divsi %sub3A_977, %jit3A_1092 : i32
        %sign3A_1094 = arith.constant 0 : i32
        %sign3A_1095 = arith.cmpi sgt, %sub3A_977, %sign3A_1094 : i32
        %sign3A_1096 = arith.extui %sign3A_1095 : i1 to i32
        %sign3A_1097 = arith.constant 0 : i32
        %sign3A_1098 = arith.cmpi slt, %sub3A_977, %sign3A_1097 : i32
        %sign3A_1099 = arith.extui %sign3A_1098 : i1 to i32
        %sign3A_1100 = arith.subi %sign3A_1096, %sign3A_1099 : i32
        %sign3A_1101 = arith.constant 0 : i32
        %sign3A_1102 = arith.cmpi sgt, %jit3A_1092, %sign3A_1101 : i32
        %sign3A_1103 = arith.extui %sign3A_1102 : i1 to i32
        %sign3A_1104 = arith.constant 0 : i32
        %sign3A_1105 = arith.cmpi slt, %jit3A_1092, %sign3A_1104 : i32
        %sign3A_1106 = arith.extui %sign3A_1105 : i1 to i32
        %sign3A_1107 = arith.subi %sign3A_1103, %sign3A_1106 : i32
        %ne3A_1108 = arith.cmpi ne, %sign3A_1100, %sign3A_1107 : i32
        %rem3A_1109 = arith.remsi %sub3A_977, %jit3A_1092 : i32
        %ne3A_1110 = arith.constant 0 : i32
        %ne3A_1111 = arith.cmpi ne, %rem3A_1109, %ne3A_1110 : i32
        %and3A_1112 = arith.andi %ne3A_1108, %ne3A_1111 : i1
        %sub3A_1113 = arith.constant 1 : i32
        %sub3A_1114 = arith.subi %div3A_1093, %sub3A_1113 : i32
        %select_n3A_1115 = arith.select %and3A_1112, %sub3A_1114, %div3A_1093 : i32
        %jit3A_1116 = arith.constant 32 : i32
        %eq3A_1117 = arith.constant 0 : i32
        %eq3A_1118 = arith.cmpi eq, %jit3A_1116, %eq3A_1117 : i32
        %jit3A_1119 = arith.constant 1 : i32
        %select_n3A_1120 = arith.select %eq3A_1118, %jit3A_1119, %jit3A_1116 : i32
        %rem3A_1121 = arith.remsi %sub3A_977, %select_n3A_1120 : i32
        %ne3A_1122 = arith.constant 0 : i32
        %ne3A_1123 = arith.cmpi ne, %rem3A_1121, %ne3A_1122 : i32
        %lt3A_1124 = arith.constant 0 : i32
        %lt3A_1125 = arith.cmpi slt, %rem3A_1121, %lt3A_1124 : i32
        %lt3A_1126 = arith.constant 0 : i32
        %lt3A_1127 = arith.cmpi slt, %select_n3A_1120, %lt3A_1126 : i32
        %ne3A_1128 = arith.xori %lt3A_1125, %lt3A_1127 : i1
        %and3A_1129 = arith.andi %ne3A_1128, %ne3A_1123 : i1
        %add3A_1130 = arith.addi %rem3A_1121, %select_n3A_1120 : i32
        %select_n3A_1131 = arith.select %and3A_1129, %add3A_1130, %rem3A_1121 : i32
        %mul3A_1132 = arith.constant 4 : i32
        %mul3A_1133 = arith.muli %select_n3A_1115, %mul3A_1132 : i32
        %add3A_1134 = arith.constant 2 : i32
        %add3A_1135 = arith.addi %mul3A_1133, %add3A_1134 : i32
        %mul3A_1136 = arith.constant 128 : i32
        %mul3A_1137 = arith.muli %add3A_1135, %mul3A_1136 : i32
        %mul3A_1138 = arith.constant 4 : i32
        %mul3A_1139 = arith.muli %select_n3A_1131, %mul3A_1138 : i32
        %add3A_1140 = arith.addi %mul3A_1137, %mul3A_1139 : i32
        %mul3A_1141 = arith.constant 1024 : i32
        %mul3A_1142 = arith.muli %add3A_1140, %mul3A_1141 : i32
        %dma_wait3A_1143 = arith.constant 8192 : i32
        %dma_wait3A_1144 = tpu.memref_slice %arg8[%dma_wait3A_1143] : memref<16384xf32, #tpu.memory_space<vmem>> -> memref<4096xf32, #tpu.memory_space<vmem>>
        %dma_wait3A_1145 = tpu.memref_slice %arg4[%mul3A_1142] : memref<26214400xf32, #tpu.memory_space<hbm>> -> memref<4096xf32, #tpu.memory_space<hbm>>
        %dma_wait3A_1146 = tpu.memref_slice %arg4[%mul3A_1142] : memref<26214400xf32, #tpu.memory_space<hbm>> -> memref<4096xf32, #tpu.memory_space<hbm>>
        %dma_wait3A_1147 = arith.constant 8192 : i32
        %dma_wait3A_1148 = tpu.memref_slice %arg8[%dma_wait3A_1147] : memref<16384xf32, #tpu.memory_space<vmem>> -> memref<4096xf32, #tpu.memory_space<vmem>>
        tpu.wait_dma2 semaphore(%arg12 : memref<!tpu.dma_semaphore, #tpu.memory_space<semaphore_mem>>) src(%dma_wait3A_1148 : memref<4096xf32, #tpu.memory_space<vmem>>) dst(%dma_wait3A_1146 : memref<4096xf32, #tpu.memory_space<hbm>>)
        %jit3A_1149 = arith.constant 32 : i32
        %div3A_1150 = arith.divsi %sub3A_977, %jit3A_1149 : i32
        %sign3A_1151 = arith.constant 0 : i32
        %sign3A_1152 = arith.cmpi sgt, %sub3A_977, %sign3A_1151 : i32
        %sign3A_1153 = arith.extui %sign3A_1152 : i1 to i32
        %sign3A_1154 = arith.constant 0 : i32
        %sign3A_1155 = arith.cmpi slt, %sub3A_977, %sign3A_1154 : i32
        %sign3A_1156 = arith.extui %sign3A_1155 : i1 to i32
        %sign3A_1157 = arith.subi %sign3A_1153, %sign3A_1156 : i32
        %sign3A_1158 = arith.constant 0 : i32
        %sign3A_1159 = arith.cmpi sgt, %jit3A_1149, %sign3A_1158 : i32
        %sign3A_1160 = arith.extui %sign3A_1159 : i1 to i32
        %sign3A_1161 = arith.constant 0 : i32
        %sign3A_1162 = arith.cmpi slt, %jit3A_1149, %sign3A_1161 : i32
        %sign3A_1163 = arith.extui %sign3A_1162 : i1 to i32
        %sign3A_1164 = arith.subi %sign3A_1160, %sign3A_1163 : i32
        %ne3A_1165 = arith.cmpi ne, %sign3A_1157, %sign3A_1164 : i32
        %rem3A_1166 = arith.remsi %sub3A_977, %jit3A_1149 : i32
        %ne3A_1167 = arith.constant 0 : i32
        %ne3A_1168 = arith.cmpi ne, %rem3A_1166, %ne3A_1167 : i32
        %and3A_1169 = arith.andi %ne3A_1165, %ne3A_1168 : i1
        %sub3A_1170 = arith.constant 1 : i32
        %sub3A_1171 = arith.subi %div3A_1150, %sub3A_1170 : i32
        %select_n3A_1172 = arith.select %and3A_1169, %sub3A_1171, %div3A_1150 : i32
        %jit3A_1173 = arith.constant 32 : i32
        %eq3A_1174 = arith.constant 0 : i32
        %eq3A_1175 = arith.cmpi eq, %jit3A_1173, %eq3A_1174 : i32
        %jit3A_1176 = arith.constant 1 : i32
        %select_n3A_1177 = arith.select %eq3A_1175, %jit3A_1176, %jit3A_1173 : i32
        %rem3A_1178 = arith.remsi %sub3A_977, %select_n3A_1177 : i32
        %ne3A_1179 = arith.constant 0 : i32
        %ne3A_1180 = arith.cmpi ne, %rem3A_1178, %ne3A_1179 : i32
        %lt3A_1181 = arith.constant 0 : i32
        %lt3A_1182 = arith.cmpi slt, %rem3A_1178, %lt3A_1181 : i32
        %lt3A_1183 = arith.constant 0 : i32
        %lt3A_1184 = arith.cmpi slt, %select_n3A_1177, %lt3A_1183 : i32
        %ne3A_1185 = arith.xori %lt3A_1182, %lt3A_1184 : i1
        %and3A_1186 = arith.andi %ne3A_1185, %ne3A_1180 : i1
        %add3A_1187 = arith.addi %rem3A_1178, %select_n3A_1177 : i32
        %select_n3A_1188 = arith.select %and3A_1186, %add3A_1187, %rem3A_1178 : i32
        %mul3A_1189 = arith.constant 4 : i32
        %mul3A_1190 = arith.muli %select_n3A_1172, %mul3A_1189 : i32
        %add3A_1191 = arith.constant 3 : i32
        %add3A_1192 = arith.addi %mul3A_1190, %add3A_1191 : i32
        %mul3A_1193 = arith.constant 128 : i32
        %mul3A_1194 = arith.muli %add3A_1192, %mul3A_1193 : i32
        %mul3A_1195 = arith.constant 4 : i32
        %mul3A_1196 = arith.muli %select_n3A_1188, %mul3A_1195 : i32
        %add3A_1197 = arith.addi %mul3A_1194, %mul3A_1196 : i32
        %mul3A_1198 = arith.constant 1024 : i32
        %mul3A_1199 = arith.muli %add3A_1197, %mul3A_1198 : i32
        %dma_wait3A_1200 = arith.constant 12288 : i32
        %dma_wait3A_1201 = tpu.memref_slice %arg8[%dma_wait3A_1200] : memref<16384xf32, #tpu.memory_space<vmem>> -> memref<4096xf32, #tpu.memory_space<vmem>>
        %dma_wait3A_1202 = tpu.memref_slice %arg4[%mul3A_1199] : memref<26214400xf32, #tpu.memory_space<hbm>> -> memref<4096xf32, #tpu.memory_space<hbm>>
        %dma_wait3A_1203 = tpu.memref_slice %arg4[%mul3A_1199] : memref<26214400xf32, #tpu.memory_space<hbm>> -> memref<4096xf32, #tpu.memory_space<hbm>>
        %dma_wait3A_1204 = arith.constant 12288 : i32
        %dma_wait3A_1205 = tpu.memref_slice %arg8[%dma_wait3A_1204] : memref<16384xf32, #tpu.memory_space<vmem>> -> memref<4096xf32, #tpu.memory_space<vmem>>
        tpu.wait_dma2 semaphore(%arg12 : memref<!tpu.dma_semaphore, #tpu.memory_space<semaphore_mem>>) src(%dma_wait3A_1205 : memref<4096xf32, #tpu.memory_space<vmem>>) dst(%dma_wait3A_1203 : memref<4096xf32, #tpu.memory_space<hbm>>)
      } else {
      }
      %parallel_loop3A = arith.constant 0 : i32
      %parallel_loop3A_492 = arith.constant 32 : i32
      %parallel_loop3A_493 = arith.constant 1 : i32
      scf.for %parallel_loop3A_976 = %parallel_loop3A to %parallel_loop3A_492 step %parallel_loop3A_493  : i32 {
        %parallel_loop3A_977 = arith.constant 16 : i32
        %parallel_loop3A_978 = arith.muli %parallel_loop3A_976, %parallel_loop3A_977 : i32
        %parallel_loop3A_979 = vector.broadcast %parallel_loop3A_978 : i32 to vector<16xi32>
        %parallel_loop3A_980 = arith.addi %iota3A, %parallel_loop3A_979 : vector<16xi32>
        %parallel_loop3A_981 = arith.constant 128 : i32
        %parallel_loop3A_982 = arith.divsi %parallel_loop3A_978, %parallel_loop3A_981 : i32
        %parallel_loop3A_983 = arith.constant 0 : i32
        %parallel_loop3A_984 = arith.cmpi sgt, %parallel_loop3A_978, %parallel_loop3A_983 : i32
        %parallel_loop3A_985 = arith.extui %parallel_loop3A_984 : i1 to i32
        %parallel_loop3A_986 = arith.constant 0 : i32
        %parallel_loop3A_987 = arith.cmpi slt, %parallel_loop3A_978, %parallel_loop3A_986 : i32
        %parallel_loop3A_988 = arith.extui %parallel_loop3A_987 : i1 to i32
        %parallel_loop3A_989 = arith.subi %parallel_loop3A_985, %parallel_loop3A_988 : i32
        %parallel_loop3A_990 = arith.constant 0 : i32
        %parallel_loop3A_991 = arith.cmpi sgt, %parallel_loop3A_981, %parallel_loop3A_990 : i32
        %parallel_loop3A_992 = arith.extui %parallel_loop3A_991 : i1 to i32
        %parallel_loop3A_993 = arith.constant 0 : i32
        %parallel_loop3A_994 = arith.cmpi slt, %parallel_loop3A_981, %parallel_loop3A_993 : i32
        %parallel_loop3A_995 = arith.extui %parallel_loop3A_994 : i1 to i32
        %parallel_loop3A_996 = arith.subi %parallel_loop3A_992, %parallel_loop3A_995 : i32
        %parallel_loop3A_997 = arith.cmpi ne, %parallel_loop3A_989, %parallel_loop3A_996 : i32
        %parallel_loop3A_998 = arith.remsi %parallel_loop3A_978, %parallel_loop3A_981 : i32
        %parallel_loop3A_999 = arith.constant 0 : i32
        %parallel_loop3A_1000 = arith.cmpi ne, %parallel_loop3A_998, %parallel_loop3A_999 : i32
        %parallel_loop3A_1001 = arith.andi %parallel_loop3A_997, %parallel_loop3A_1000 : i1
        %parallel_loop3A_1002 = arith.constant 1 : i32
        %parallel_loop3A_1003 = arith.subi %parallel_loop3A_982, %parallel_loop3A_1002 : i32
        %parallel_loop3A_1004 = arith.select %parallel_loop3A_1001, %parallel_loop3A_1003, %parallel_loop3A_982 : i32
        %parallel_loop3A_1005 = arith.constant 1024 : i32
        %parallel_loop3A_1006 = arith.muli %parallel_loop3A_1004, %parallel_loop3A_1005 : i32
        %parallel_loop3A_1007 = arith.constant 128 : i32
        %parallel_loop3A_1008 = arith.constant 0 : i32
        %parallel_loop3A_1009 = arith.cmpi eq, %parallel_loop3A_1007, %parallel_loop3A_1008 : i32
        %parallel_loop3A_1010 = arith.constant 1 : i32
        %parallel_loop3A_1011 = arith.select %parallel_loop3A_1009, %parallel_loop3A_1010, %parallel_loop3A_1007 : i32
        %parallel_loop3A_1012 = arith.remsi %parallel_loop3A_978, %parallel_loop3A_1011 : i32
        %parallel_loop3A_1013 = arith.constant 0 : i32
        %parallel_loop3A_1014 = arith.cmpi ne, %parallel_loop3A_1012, %parallel_loop3A_1013 : i32
        %parallel_loop3A_1015 = arith.constant 0 : i32
        %parallel_loop3A_1016 = arith.cmpi slt, %parallel_loop3A_1012, %parallel_loop3A_1015 : i32
        %parallel_loop3A_1017 = arith.constant 0 : i32
        %parallel_loop3A_1018 = arith.cmpi slt, %parallel_loop3A_1011, %parallel_loop3A_1017 : i32
        %parallel_loop3A_1019 = arith.xori %parallel_loop3A_1016, %parallel_loop3A_1018 : i1
        %parallel_loop3A_1020 = arith.andi %parallel_loop3A_1019, %parallel_loop3A_1014 : i1
        %parallel_loop3A_1021 = arith.addi %parallel_loop3A_1012, %parallel_loop3A_1011 : i32
        %parallel_loop3A_1022 = arith.select %parallel_loop3A_1020, %parallel_loop3A_1021, %parallel_loop3A_1012 : i32
        %parallel_loop3A_1023 = arith.addi %parallel_loop3A_1006, %parallel_loop3A_1022 : i32
        %parallel_loop3A_1024 = vector.broadcast %parallel_loop3A_1023 : i32 to vector<16xi32>
        %parallel_loop3A_1025 = arith.addi %parallel_loop3A_1024, %iota3A : vector<16xi32>
        %parallel_loop3A_1026 = arith.constant 0 : i32
        %parallel_loop3A_1027 = vector.broadcast %parallel_loop3A_1026 : i32 to vector<16xi32>
        %parallel_loop3A_1028 = arith.addi %iota3A, %parallel_loop3A_1027 : vector<16xi32>
        %parallel_loop3A_1029 = arith.constant 31 : i32
        %parallel_loop3A_1030 = vector.broadcast %parallel_loop3A_1029 : i32 to vector<16xi32>
        %parallel_loop3A_1031 = arith.andi %parallel_loop3A_1028, %parallel_loop3A_1030 : vector<16xi32>
        %parallel_loop3A_1032 = arith.constant 24 : i32
        %parallel_loop3A_1033 = vector.broadcast %parallel_loop3A_1032 : i32 to vector<16xi32>
        %parallel_loop3A_1034 = arith.andi %parallel_loop3A_1031, %parallel_loop3A_1033 : vector<16xi32>
        %parallel_loop3A_1035 = arith.constant 9 : i32
        %parallel_loop3A_1036 = vector.broadcast %parallel_loop3A_1035 : i32 to vector<16xi32>
        %parallel_loop3A_1037 = arith.shli %parallel_loop3A_1034, %parallel_loop3A_1036 : vector<16xi32>
        %parallel_loop3A_1038 = arith.constant 7 : i32
        %parallel_loop3A_1039 = vector.broadcast %parallel_loop3A_1038 : i32 to vector<16xi32>
        %parallel_loop3A_1040 = arith.andi %parallel_loop3A_1031, %parallel_loop3A_1039 : vector<16xi32>
        %parallel_loop3A_1041 = arith.constant 7 : i32
        %parallel_loop3A_1042 = vector.broadcast %parallel_loop3A_1041 : i32 to vector<16xi32>
        %parallel_loop3A_1043 = arith.shli %parallel_loop3A_1040, %parallel_loop3A_1042 : vector<16xi32>
        %parallel_loop3A_1044 = arith.addi %parallel_loop3A_1037, %parallel_loop3A_1043 : vector<16xi32>
        %parallel_loop3A_1045 = tpu.vector_load_idx %arg6[%parallel_loop3A_980, %parallel_loop3A_1031] : memref<512x32xf32, #tpu.memory_space<vmem>>[vector<16xi32>, vector<16xi32>], vector<16xf32>,
        %parallel_loop3A_1046 = arith.addi %parallel_loop3A_1044, %parallel_loop3A_1025 : vector<16xi32>
        tpu.vector_store_idx %arg8[%parallel_loop3A_1046], %parallel_loop3A_1045 : memref<16384xf32, #tpu.memory_space<vmem>>[vector<16xi32>], vector<16xf32>,
        %parallel_loop3A_1047 = arith.constant 1 : i32
        %parallel_loop3A_1048 = vector.broadcast %parallel_loop3A_1047 : i32 to vector<16xi32>
        %parallel_loop3A_1049 = arith.addi %iota3A, %parallel_loop3A_1048 : vector<16xi32>
        %parallel_loop3A_1050 = arith.constant 31 : i32
        %parallel_loop3A_1051 = vector.broadcast %parallel_loop3A_1050 : i32 to vector<16xi32>
        %parallel_loop3A_1052 = arith.andi %parallel_loop3A_1049, %parallel_loop3A_1051 : vector<16xi32>
        %parallel_loop3A_1053 = arith.constant 24 : i32
        %parallel_loop3A_1054 = vector.broadcast %parallel_loop3A_1053 : i32 to vector<16xi32>
        %parallel_loop3A_1055 = arith.andi %parallel_loop3A_1052, %parallel_loop3A_1054 : vector<16xi32>
        %parallel_loop3A_1056 = arith.constant 9 : i32
        %parallel_loop3A_1057 = vector.broadcast %parallel_loop3A_1056 : i32 to vector<16xi32>
        %parallel_loop3A_1058 = arith.shli %parallel_loop3A_1055, %parallel_loop3A_1057 : vector<16xi32>
        %parallel_loop3A_1059 = arith.constant 7 : i32
        %parallel_loop3A_1060 = vector.broadcast %parallel_loop3A_1059 : i32 to vector<16xi32>
        %parallel_loop3A_1061 = arith.andi %parallel_loop3A_1052, %parallel_loop3A_1060 : vector<16xi32>
        %parallel_loop3A_1062 = arith.constant 7 : i32
        %parallel_loop3A_1063 = vector.broadcast %parallel_loop3A_1062 : i32 to vector<16xi32>
        %parallel_loop3A_1064 = arith.shli %parallel_loop3A_1061, %parallel_loop3A_1063 : vector<16xi32>
        %parallel_loop3A_1065 = arith.addi %parallel_loop3A_1058, %parallel_loop3A_1064 : vector<16xi32>
        %parallel_loop3A_1066 = tpu.vector_load_idx %arg6[%parallel_loop3A_980, %parallel_loop3A_1052] : memref<512x32xf32, #tpu.memory_space<vmem>>[vector<16xi32>, vector<16xi32>], vector<16xf32>,
        %parallel_loop3A_1067 = arith.addi %parallel_loop3A_1065, %parallel_loop3A_1025 : vector<16xi32>
        tpu.vector_store_idx %arg8[%parallel_loop3A_1067], %parallel_loop3A_1066 : memref<16384xf32, #tpu.memory_space<vmem>>[vector<16xi32>], vector<16xf32>,
        %parallel_loop3A_1068 = arith.constant 2 : i32
        %parallel_loop3A_1069 = vector.broadcast %parallel_loop3A_1068 : i32 to vector<16xi32>
        %parallel_loop3A_1070 = arith.addi %iota3A, %parallel_loop3A_1069 : vector<16xi32>
        %parallel_loop3A_1071 = arith.constant 31 : i32
        %parallel_loop3A_1072 = vector.broadcast %parallel_loop3A_1071 : i32 to vector<16xi32>
        %parallel_loop3A_1073 = arith.andi %parallel_loop3A_1070, %parallel_loop3A_1072 : vector<16xi32>
        %parallel_loop3A_1074 = arith.constant 24 : i32
        %parallel_loop3A_1075 = vector.broadcast %parallel_loop3A_1074 : i32 to vector<16xi32>
        %parallel_loop3A_1076 = arith.andi %parallel_loop3A_1073, %parallel_loop3A_1075 : vector<16xi32>
        %parallel_loop3A_1077 = arith.constant 9 : i32
        %parallel_loop3A_1078 = vector.broadcast %parallel_loop3A_1077 : i32 to vector<16xi32>
        %parallel_loop3A_1079 = arith.shli %parallel_loop3A_1076, %parallel_loop3A_1078 : vector<16xi32>
        %parallel_loop3A_1080 = arith.constant 7 : i32
        %parallel_loop3A_1081 = vector.broadcast %parallel_loop3A_1080 : i32 to vector<16xi32>
        %parallel_loop3A_1082 = arith.andi %parallel_loop3A_1073, %parallel_loop3A_1081 : vector<16xi32>
        %parallel_loop3A_1083 = arith.constant 7 : i32
        %parallel_loop3A_1084 = vector.broadcast %parallel_loop3A_1083 : i32 to vector<16xi32>
        %parallel_loop3A_1085 = arith.shli %parallel_loop3A_1082, %parallel_loop3A_1084 : vector<16xi32>
        %parallel_loop3A_1086 = arith.addi %parallel_loop3A_1079, %parallel_loop3A_1085 : vector<16xi32>
        %parallel_loop3A_1087 = tpu.vector_load_idx %arg6[%parallel_loop3A_980, %parallel_loop3A_1073] : memref<512x32xf32, #tpu.memory_space<vmem>>[vector<16xi32>, vector<16xi32>], vector<16xf32>,
        %parallel_loop3A_1088 = arith.addi %parallel_loop3A_1086, %parallel_loop3A_1025 : vector<16xi32>
        tpu.vector_store_idx %arg8[%parallel_loop3A_1088], %parallel_loop3A_1087 : memref<16384xf32, #tpu.memory_space<vmem>>[vector<16xi32>], vector<16xf32>,
        %parallel_loop3A_1089 = arith.constant 3 : i32
        %parallel_loop3A_1090 = vector.broadcast %parallel_loop3A_1089 : i32 to vector<16xi32>
        %parallel_loop3A_1091 = arith.addi %iota3A, %parallel_loop3A_1090 : vector<16xi32>
        %parallel_loop3A_1092 = arith.constant 31 : i32
        %parallel_loop3A_1093 = vector.broadcast %parallel_loop3A_1092 : i32 to vector<16xi32>
        %parallel_loop3A_1094 = arith.andi %parallel_loop3A_1091, %parallel_loop3A_1093 : vector<16xi32>
        %parallel_loop3A_1095 = arith.constant 24 : i32
        %parallel_loop3A_1096 = vector.broadcast %parallel_loop3A_1095 : i32 to vector<16xi32>
        %parallel_loop3A_1097 = arith.andi %parallel_loop3A_1094, %parallel_loop3A_1096 : vector<16xi32>
        %parallel_loop3A_1098 = arith.constant 9 : i32
        %parallel_loop3A_1099 = vector.broadcast %parallel_loop3A_1098 : i32 to vector<16xi32>
        %parallel_loop3A_1100 = arith.shli %parallel_loop3A_1097, %parallel_loop3A_1099 : vector<16xi32>
        %parallel_loop3A_1101 = arith.constant 7 : i32
        %parallel_loop3A_1102 = vector.broadcast %parallel_loop3A_1101 : i32 to vector<16xi32>
        %parallel_loop3A_1103 = arith.andi %parallel_loop3A_1094, %parallel_loop3A_1102 : vector<16xi32>
        %parallel_loop3A_1104 = arith.constant 7 : i32
        %parallel_loop3A_1105 = vector.broadcast %parallel_loop3A_1104 : i32 to vector<16xi32>
        %parallel_loop3A_1106 = arith.shli %parallel_loop3A_1103, %parallel_loop3A_1105 : vector<16xi32>
        %parallel_loop3A_1107 = arith.addi %parallel_loop3A_1100, %parallel_loop3A_1106 : vector<16xi32>
        %parallel_loop3A_1108 = tpu.vector_load_idx %arg6[%parallel_loop3A_980, %parallel_loop3A_1094] : memref<512x32xf32, #tpu.memory_space<vmem>>[vector<16xi32>, vector<16xi32>], vector<16xf32>,
        %parallel_loop3A_1109 = arith.addi %parallel_loop3A_1107, %parallel_loop3A_1025 : vector<16xi32>
        tpu.vector_store_idx %arg8[%parallel_loop3A_1109], %parallel_loop3A_1108 : memref<16384xf32, #tpu.memory_space<vmem>>[vector<16xi32>], vector<16xf32>,
        %parallel_loop3A_1110 = arith.constant 4 : i32
        %parallel_loop3A_1111 = vector.broadcast %parallel_loop3A_1110 : i32 to vector<16xi32>
        %parallel_loop3A_1112 = arith.addi %iota3A, %parallel_loop3A_1111 : vector<16xi32>
        %parallel_loop3A_1113 = arith.constant 31 : i32
        %parallel_loop3A_1114 = vector.broadcast %parallel_loop3A_1113 : i32 to vector<16xi32>
        %parallel_loop3A_1115 = arith.andi %parallel_loop3A_1112, %parallel_loop3A_1114 : vector<16xi32>
        %parallel_loop3A_1116 = arith.constant 24 : i32
        %parallel_loop3A_1117 = vector.broadcast %parallel_loop3A_1116 : i32 to vector<16xi32>
        %parallel_loop3A_1118 = arith.andi %parallel_loop3A_1115, %parallel_loop3A_1117 : vector<16xi32>
        %parallel_loop3A_1119 = arith.constant 9 : i32
        %parallel_loop3A_1120 = vector.broadcast %parallel_loop3A_1119 : i32 to vector<16xi32>
        %parallel_loop3A_1121 = arith.shli %parallel_loop3A_1118, %parallel_loop3A_1120 : vector<16xi32>
        %parallel_loop3A_1122 = arith.constant 7 : i32
        %parallel_loop3A_1123 = vector.broadcast %parallel_loop3A_1122 : i32 to vector<16xi32>
        %parallel_loop3A_1124 = arith.andi %parallel_loop3A_1115, %parallel_loop3A_1123 : vector<16xi32>
        %parallel_loop3A_1125 = arith.constant 7 : i32
        %parallel_loop3A_1126 = vector.broadcast %parallel_loop3A_1125 : i32 to vector<16xi32>
        %parallel_loop3A_1127 = arith.shli %parallel_loop3A_1124, %parallel_loop3A_1126 : vector<16xi32>
        %parallel_loop3A_1128 = arith.addi %parallel_loop3A_1121, %parallel_loop3A_1127 : vector<16xi32>
        %parallel_loop3A_1129 = tpu.vector_load_idx %arg6[%parallel_loop3A_980, %parallel_loop3A_1115] : memref<512x32xf32, #tpu.memory_space<vmem>>[vector<16xi32>, vector<16xi32>], vector<16xf32>,
        %parallel_loop3A_1130 = arith.addi %parallel_loop3A_1128, %parallel_loop3A_1025 : vector<16xi32>
        tpu.vector_store_idx %arg8[%parallel_loop3A_1130], %parallel_loop3A_1129 : memref<16384xf32, #tpu.memory_space<vmem>>[vector<16xi32>], vector<16xf32>,
        %parallel_loop3A_1131 = arith.constant 5 : i32
        %parallel_loop3A_1132 = vector.broadcast %parallel_loop3A_1131 : i32 to vector<16xi32>
        %parallel_loop3A_1133 = arith.addi %iota3A, %parallel_loop3A_1132 : vector<16xi32>
        %parallel_loop3A_1134 = arith.constant 31 : i32
        %parallel_loop3A_1135 = vector.broadcast %parallel_loop3A_1134 : i32 to vector<16xi32>
        %parallel_loop3A_1136 = arith.andi %parallel_loop3A_1133, %parallel_loop3A_1135 : vector<16xi32>
        %parallel_loop3A_1137 = arith.constant 24 : i32
        %parallel_loop3A_1138 = vector.broadcast %parallel_loop3A_1137 : i32 to vector<16xi32>
        %parallel_loop3A_1139 = arith.andi %parallel_loop3A_1136, %parallel_loop3A_1138 : vector<16xi32>
        %parallel_loop3A_1140 = arith.constant 9 : i32
        %parallel_loop3A_1141 = vector.broadcast %parallel_loop3A_1140 : i32 to vector<16xi32>
        %parallel_loop3A_1142 = arith.shli %parallel_loop3A_1139, %parallel_loop3A_1141 : vector<16xi32>
        %parallel_loop3A_1143 = arith.constant 7 : i32
        %parallel_loop3A_1144 = vector.broadcast %parallel_loop3A_1143 : i32 to vector<16xi32>
        %parallel_loop3A_1145 = arith.andi %parallel_loop3A_1136, %parallel_loop3A_1144 : vector<16xi32>
        %parallel_loop3A_1146 = arith.constant 7 : i32
        %parallel_loop3A_1147 = vector.broadcast %parallel_loop3A_1146 : i32 to vector<16xi32>
        %parallel_loop3A_1148 = arith.shli %parallel_loop3A_1145, %parallel_loop3A_1147 : vector<16xi32>
        %parallel_loop3A_1149 = arith.addi %parallel_loop3A_1142, %parallel_loop3A_1148 : vector<16xi32>
        %parallel_loop3A_1150 = tpu.vector_load_idx %arg6[%parallel_loop3A_980, %parallel_loop3A_1136] : memref<512x32xf32, #tpu.memory_space<vmem>>[vector<16xi32>, vector<16xi32>], vector<16xf32>,
        %parallel_loop3A_1151 = arith.addi %parallel_loop3A_1149, %parallel_loop3A_1025 : vector<16xi32>
        tpu.vector_store_idx %arg8[%parallel_loop3A_1151], %parallel_loop3A_1150 : memref<16384xf32, #tpu.memory_space<vmem>>[vector<16xi32>], vector<16xf32>,
        %parallel_loop3A_1152 = arith.constant 6 : i32
        %parallel_loop3A_1153 = vector.broadcast %parallel_loop3A_1152 : i32 to vector<16xi32>
        %parallel_loop3A_1154 = arith.addi %iota3A, %parallel_loop3A_1153 : vector<16xi32>
        %parallel_loop3A_1155 = arith.constant 31 : i32
        %parallel_loop3A_1156 = vector.broadcast %parallel_loop3A_1155 : i32 to vector<16xi32>
        %parallel_loop3A_1157 = arith.andi %parallel_loop3A_1154, %parallel_loop3A_1156 : vector<16xi32>
        %parallel_loop3A_1158 = arith.constant 24 : i32
        %parallel_loop3A_1159 = vector.broadcast %parallel_loop3A_1158 : i32 to vector<16xi32>
        %parallel_loop3A_1160 = arith.andi %parallel_loop3A_1157, %parallel_loop3A_1159 : vector<16xi32>
        %parallel_loop3A_1161 = arith.constant 9 : i32
        %parallel_loop3A_1162 = vector.broadcast %parallel_loop3A_1161 : i32 to vector<16xi32>
        %parallel_loop3A_1163 = arith.shli %parallel_loop3A_1160, %parallel_loop3A_1162 : vector<16xi32>
        %parallel_loop3A_1164 = arith.constant 7 : i32
        %parallel_loop3A_1165 = vector.broadcast %parallel_loop3A_1164 : i32 to vector<16xi32>
        %parallel_loop3A_1166 = arith.andi %parallel_loop3A_1157, %parallel_loop3A_1165 : vector<16xi32>
        %parallel_loop3A_1167 = arith.constant 7 : i32
        %parallel_loop3A_1168 = vector.broadcast %parallel_loop3A_1167 : i32 to vector<16xi32>
        %parallel_loop3A_1169 = arith.shli %parallel_loop3A_1166, %parallel_loop3A_1168 : vector<16xi32>
        %parallel_loop3A_1170 = arith.addi %parallel_loop3A_1163, %parallel_loop3A_1169 : vector<16xi32>
        %parallel_loop3A_1171 = tpu.vector_load_idx %arg6[%parallel_loop3A_980, %parallel_loop3A_1157] : memref<512x32xf32, #tpu.memory_space<vmem>>[vector<16xi32>, vector<16xi32>], vector<16xf32>,
        %parallel_loop3A_1172 = arith.addi %parallel_loop3A_1170, %parallel_loop3A_1025 : vector<16xi32>
        tpu.vector_store_idx %arg8[%parallel_loop3A_1172], %parallel_loop3A_1171 : memref<16384xf32, #tpu.memory_space<vmem>>[vector<16xi32>], vector<16xf32>,
        %parallel_loop3A_1173 = arith.constant 7 : i32
        %parallel_loop3A_1174 = vector.broadcast %parallel_loop3A_1173 : i32 to vector<16xi32>
        %parallel_loop3A_1175 = arith.addi %iota3A, %parallel_loop3A_1174 : vector<16xi32>
        %parallel_loop3A_1176 = arith.constant 31 : i32
        %parallel_loop3A_1177 = vector.broadcast %parallel_loop3A_1176 : i32 to vector<16xi32>
        %parallel_loop3A_1178 = arith.andi %parallel_loop3A_1175, %parallel_loop3A_1177 : vector<16xi32>
        %parallel_loop3A_1179 = arith.constant 24 : i32
        %parallel_loop3A_1180 = vector.broadcast %parallel_loop3A_1179 : i32 to vector<16xi32>
        %parallel_loop3A_1181 = arith.andi %parallel_loop3A_1178, %parallel_loop3A_1180 : vector<16xi32>
        %parallel_loop3A_1182 = arith.constant 9 : i32
        %parallel_loop3A_1183 = vector.broadcast %parallel_loop3A_1182 : i32 to vector<16xi32>
        %parallel_loop3A_1184 = arith.shli %parallel_loop3A_1181, %parallel_loop3A_1183 : vector<16xi32>
        %parallel_loop3A_1185 = arith.constant 7 : i32
        %parallel_loop3A_1186 = vector.broadcast %parallel_loop3A_1185 : i32 to vector<16xi32>
        %parallel_loop3A_1187 = arith.andi %parallel_loop3A_1178, %parallel_loop3A_1186 : vector<16xi32>
        %parallel_loop3A_1188 = arith.constant 7 : i32
        %parallel_loop3A_1189 = vector.broadcast %parallel_loop3A_1188 : i32 to vector<16xi32>
        %parallel_loop3A_1190 = arith.shli %parallel_loop3A_1187, %parallel_loop3A_1189 : vector<16xi32>
        %parallel_loop3A_1191 = arith.addi %parallel_loop3A_1184, %parallel_loop3A_1190 : vector<16xi32>
        %parallel_loop3A_1192 = tpu.vector_load_idx %arg6[%parallel_loop3A_980, %parallel_loop3A_1178] : memref<512x32xf32, #tpu.memory_space<vmem>>[vector<16xi32>, vector<16xi32>], vector<16xf32>,
        %parallel_loop3A_1193 = arith.addi %parallel_loop3A_1191, %parallel_loop3A_1025 : vector<16xi32>
        tpu.vector_store_idx %arg8[%parallel_loop3A_1193], %parallel_loop3A_1192 : memref<16384xf32, #tpu.memory_space<vmem>>[vector<16xi32>], vector<16xf32>,
        %parallel_loop3A_1194 = arith.constant 8 : i32
        %parallel_loop3A_1195 = vector.broadcast %parallel_loop3A_1194 : i32 to vector<16xi32>
        %parallel_loop3A_1196 = arith.addi %iota3A, %parallel_loop3A_1195 : vector<16xi32>
        %parallel_loop3A_1197 = arith.constant 31 : i32
        %parallel_loop3A_1198 = vector.broadcast %parallel_loop3A_1197 : i32 to vector<16xi32>
        %parallel_loop3A_1199 = arith.andi %parallel_loop3A_1196, %parallel_loop3A_1198 : vector<16xi32>
        %parallel_loop3A_1200 = arith.constant 24 : i32
        %parallel_loop3A_1201 = vector.broadcast %parallel_loop3A_1200 : i32 to vector<16xi32>
        %parallel_loop3A_1202 = arith.andi %parallel_loop3A_1199, %parallel_loop3A_1201 : vector<16xi32>
        %parallel_loop3A_1203 = arith.constant 9 : i32
        %parallel_loop3A_1204 = vector.broadcast %parallel_loop3A_1203 : i32 to vector<16xi32>
        %parallel_loop3A_1205 = arith.shli %parallel_loop3A_1202, %parallel_loop3A_1204 : vector<16xi32>
        %parallel_loop3A_1206 = arith.constant 7 : i32
        %parallel_loop3A_1207 = vector.broadcast %parallel_loop3A_1206 : i32 to vector<16xi32>
        %parallel_loop3A_1208 = arith.andi %parallel_loop3A_1199, %parallel_loop3A_1207 : vector<16xi32>
        %parallel_loop3A_1209 = arith.constant 7 : i32
        %parallel_loop3A_1210 = vector.broadcast %parallel_loop3A_1209 : i32 to vector<16xi32>
        %parallel_loop3A_1211 = arith.shli %parallel_loop3A_1208, %parallel_loop3A_1210 : vector<16xi32>
        %parallel_loop3A_1212 = arith.addi %parallel_loop3A_1205, %parallel_loop3A_1211 : vector<16xi32>
        %parallel_loop3A_1213 = tpu.vector_load_idx %arg6[%parallel_loop3A_980, %parallel_loop3A_1199] : memref<512x32xf32, #tpu.memory_space<vmem>>[vector<16xi32>, vector<16xi32>], vector<16xf32>,
        %parallel_loop3A_1214 = arith.addi %parallel_loop3A_1212, %parallel_loop3A_1025 : vector<16xi32>
        tpu.vector_store_idx %arg8[%parallel_loop3A_1214], %parallel_loop3A_1213 : memref<16384xf32, #tpu.memory_space<vmem>>[vector<16xi32>], vector<16xf32>,
        %parallel_loop3A_1215 = arith.constant 9 : i32
        %parallel_loop3A_1216 = vector.broadcast %parallel_loop3A_1215 : i32 to vector<16xi32>
        %parallel_loop3A_1217 = arith.addi %iota3A, %parallel_loop3A_1216 : vector<16xi32>
        %parallel_loop3A_1218 = arith.constant 31 : i32
        %parallel_loop3A_1219 = vector.broadcast %parallel_loop3A_1218 : i32 to vector<16xi32>
        %parallel_loop3A_1220 = arith.andi %parallel_loop3A_1217, %parallel_loop3A_1219 : vector<16xi32>
        %parallel_loop3A_1221 = arith.constant 24 : i32
        %parallel_loop3A_1222 = vector.broadcast %parallel_loop3A_1221 : i32 to vector<16xi32>
        %parallel_loop3A_1223 = arith.andi %parallel_loop3A_1220, %parallel_loop3A_1222 : vector<16xi32>
        %parallel_loop3A_1224 = arith.constant 9 : i32
        %parallel_loop3A_1225 = vector.broadcast %parallel_loop3A_1224 : i32 to vector<16xi32>
        %parallel_loop3A_1226 = arith.shli %parallel_loop3A_1223, %parallel_loop3A_1225 : vector<16xi32>
        %parallel_loop3A_1227 = arith.constant 7 : i32
        %parallel_loop3A_1228 = vector.broadcast %parallel_loop3A_1227 : i32 to vector<16xi32>
        %parallel_loop3A_1229 = arith.andi %parallel_loop3A_1220, %parallel_loop3A_1228 : vector<16xi32>
        %parallel_loop3A_1230 = arith.constant 7 : i32
        %parallel_loop3A_1231 = vector.broadcast %parallel_loop3A_1230 : i32 to vector<16xi32>
        %parallel_loop3A_1232 = arith.shli %parallel_loop3A_1229, %parallel_loop3A_1231 : vector<16xi32>
        %parallel_loop3A_1233 = arith.addi %parallel_loop3A_1226, %parallel_loop3A_1232 : vector<16xi32>
        %parallel_loop3A_1234 = tpu.vector_load_idx %arg6[%parallel_loop3A_980, %parallel_loop3A_1220] : memref<512x32xf32, #tpu.memory_space<vmem>>[vector<16xi32>, vector<16xi32>], vector<16xf32>,
        %parallel_loop3A_1235 = arith.addi %parallel_loop3A_1233, %parallel_loop3A_1025 : vector<16xi32>
        tpu.vector_store_idx %arg8[%parallel_loop3A_1235], %parallel_loop3A_1234 : memref<16384xf32, #tpu.memory_space<vmem>>[vector<16xi32>], vector<16xf32>,
        %parallel_loop3A_1236 = arith.constant 10 : i32
        %parallel_loop3A_1237 = vector.broadcast %parallel_loop3A_1236 : i32 to vector<16xi32>
        %parallel_loop3A_1238 = arith.addi %iota3A, %parallel_loop3A_1237 : vector<16xi32>
        %parallel_loop3A_1239 = arith.constant 31 : i32
        %parallel_loop3A_1240 = vector.broadcast %parallel_loop3A_1239 : i32 to vector<16xi32>
        %parallel_loop3A_1241 = arith.andi %parallel_loop3A_1238, %parallel_loop3A_1240 : vector<16xi32>
        %parallel_loop3A_1242 = arith.constant 24 : i32
        %parallel_loop3A_1243 = vector.broadcast %parallel_loop3A_1242 : i32 to vector<16xi32>
        %parallel_loop3A_1244 = arith.andi %parallel_loop3A_1241, %parallel_loop3A_1243 : vector<16xi32>
        %parallel_loop3A_1245 = arith.constant 9 : i32
        %parallel_loop3A_1246 = vector.broadcast %parallel_loop3A_1245 : i32 to vector<16xi32>
        %parallel_loop3A_1247 = arith.shli %parallel_loop3A_1244, %parallel_loop3A_1246 : vector<16xi32>
        %parallel_loop3A_1248 = arith.constant 7 : i32
        %parallel_loop3A_1249 = vector.broadcast %parallel_loop3A_1248 : i32 to vector<16xi32>
        %parallel_loop3A_1250 = arith.andi %parallel_loop3A_1241, %parallel_loop3A_1249 : vector<16xi32>
        %parallel_loop3A_1251 = arith.constant 7 : i32
        %parallel_loop3A_1252 = vector.broadcast %parallel_loop3A_1251 : i32 to vector<16xi32>
        %parallel_loop3A_1253 = arith.shli %parallel_loop3A_1250, %parallel_loop3A_1252 : vector<16xi32>
        %parallel_loop3A_1254 = arith.addi %parallel_loop3A_1247, %parallel_loop3A_1253 : vector<16xi32>
        %parallel_loop3A_1255 = tpu.vector_load_idx %arg6[%parallel_loop3A_980, %parallel_loop3A_1241] : memref<512x32xf32, #tpu.memory_space<vmem>>[vector<16xi32>, vector<16xi32>], vector<16xf32>,
        %parallel_loop3A_1256 = arith.addi %parallel_loop3A_1254, %parallel_loop3A_1025 : vector<16xi32>
        tpu.vector_store_idx %arg8[%parallel_loop3A_1256], %parallel_loop3A_1255 : memref<16384xf32, #tpu.memory_space<vmem>>[vector<16xi32>], vector<16xf32>,
        %parallel_loop3A_1257 = arith.constant 11 : i32
        %parallel_loop3A_1258 = vector.broadcast %parallel_loop3A_1257 : i32 to vector<16xi32>
        %parallel_loop3A_1259 = arith.addi %iota3A, %parallel_loop3A_1258 : vector<16xi32>
        %parallel_loop3A_1260 = arith.constant 31 : i32
        %parallel_loop3A_1261 = vector.broadcast %parallel_loop3A_1260 : i32 to vector<16xi32>
        %parallel_loop3A_1262 = arith.andi %parallel_loop3A_1259, %parallel_loop3A_1261 : vector<16xi32>
        %parallel_loop3A_1263 = arith.constant 24 : i32
        %parallel_loop3A_1264 = vector.broadcast %parallel_loop3A_1263 : i32 to vector<16xi32>
        %parallel_loop3A_1265 = arith.andi %parallel_loop3A_1262, %parallel_loop3A_1264 : vector<16xi32>
        %parallel_loop3A_1266 = arith.constant 9 : i32
        %parallel_loop3A_1267 = vector.broadcast %parallel_loop3A_1266 : i32 to vector<16xi32>
        %parallel_loop3A_1268 = arith.shli %parallel_loop3A_1265, %parallel_loop3A_1267 : vector<16xi32>
        %parallel_loop3A_1269 = arith.constant 7 : i32
        %parallel_loop3A_1270 = vector.broadcast %parallel_loop3A_1269 : i32 to vector<16xi32>
        %parallel_loop3A_1271 = arith.andi %parallel_loop3A_1262, %parallel_loop3A_1270 : vector<16xi32>
        %parallel_loop3A_1272 = arith.constant 7 : i32
        %parallel_loop3A_1273 = vector.broadcast %parallel_loop3A_1272 : i32 to vector<16xi32>
        %parallel_loop3A_1274 = arith.shli %parallel_loop3A_1271, %parallel_loop3A_1273 : vector<16xi32>
        %parallel_loop3A_1275 = arith.addi %parallel_loop3A_1268, %parallel_loop3A_1274 : vector<16xi32>
        %parallel_loop3A_1276 = tpu.vector_load_idx %arg6[%parallel_loop3A_980, %parallel_loop3A_1262] : memref<512x32xf32, #tpu.memory_space<vmem>>[vector<16xi32>, vector<16xi32>], vector<16xf32>,
        %parallel_loop3A_1277 = arith.addi %parallel_loop3A_1275, %parallel_loop3A_1025 : vector<16xi32>
        tpu.vector_store_idx %arg8[%parallel_loop3A_1277], %parallel_loop3A_1276 : memref<16384xf32, #tpu.memory_space<vmem>>[vector<16xi32>], vector<16xf32>,
        %parallel_loop3A_1278 = arith.constant 12 : i32
        %parallel_loop3A_1279 = vector.broadcast %parallel_loop3A_1278 : i32 to vector<16xi32>
        %parallel_loop3A_1280 = arith.addi %iota3A, %parallel_loop3A_1279 : vector<16xi32>
        %parallel_loop3A_1281 = arith.constant 31 : i32
        %parallel_loop3A_1282 = vector.broadcast %parallel_loop3A_1281 : i32 to vector<16xi32>
        %parallel_loop3A_1283 = arith.andi %parallel_loop3A_1280, %parallel_loop3A_1282 : vector<16xi32>
        %parallel_loop3A_1284 = arith.constant 24 : i32
        %parallel_loop3A_1285 = vector.broadcast %parallel_loop3A_1284 : i32 to vector<16xi32>
        %parallel_loop3A_1286 = arith.andi %parallel_loop3A_1283, %parallel_loop3A_1285 : vector<16xi32>
        %parallel_loop3A_1287 = arith.constant 9 : i32
        %parallel_loop3A_1288 = vector.broadcast %parallel_loop3A_1287 : i32 to vector<16xi32>
        %parallel_loop3A_1289 = arith.shli %parallel_loop3A_1286, %parallel_loop3A_1288 : vector<16xi32>
        %parallel_loop3A_1290 = arith.constant 7 : i32
        %parallel_loop3A_1291 = vector.broadcast %parallel_loop3A_1290 : i32 to vector<16xi32>
        %parallel_loop3A_1292 = arith.andi %parallel_loop3A_1283, %parallel_loop3A_1291 : vector<16xi32>
        %parallel_loop3A_1293 = arith.constant 7 : i32
        %parallel_loop3A_1294 = vector.broadcast %parallel_loop3A_1293 : i32 to vector<16xi32>
        %parallel_loop3A_1295 = arith.shli %parallel_loop3A_1292, %parallel_loop3A_1294 : vector<16xi32>
        %parallel_loop3A_1296 = arith.addi %parallel_loop3A_1289, %parallel_loop3A_1295 : vector<16xi32>
        %parallel_loop3A_1297 = tpu.vector_load_idx %arg6[%parallel_loop3A_980, %parallel_loop3A_1283] : memref<512x32xf32, #tpu.memory_space<vmem>>[vector<16xi32>, vector<16xi32>], vector<16xf32>,
        %parallel_loop3A_1298 = arith.addi %parallel_loop3A_1296, %parallel_loop3A_1025 : vector<16xi32>
        tpu.vector_store_idx %arg8[%parallel_loop3A_1298], %parallel_loop3A_1297 : memref<16384xf32, #tpu.memory_space<vmem>>[vector<16xi32>], vector<16xf32>,
        %parallel_loop3A_1299 = arith.constant 13 : i32
        %parallel_loop3A_1300 = vector.broadcast %parallel_loop3A_1299 : i32 to vector<16xi32>
        %parallel_loop3A_1301 = arith.addi %iota3A, %parallel_loop3A_1300 : vector<16xi32>
        %parallel_loop3A_1302 = arith.constant 31 : i32
        %parallel_loop3A_1303 = vector.broadcast %parallel_loop3A_1302 : i32 to vector<16xi32>
        %parallel_loop3A_1304 = arith.andi %parallel_loop3A_1301, %parallel_loop3A_1303 : vector<16xi32>
        %parallel_loop3A_1305 = arith.constant 24 : i32
        %parallel_loop3A_1306 = vector.broadcast %parallel_loop3A_1305 : i32 to vector<16xi32>
        %parallel_loop3A_1307 = arith.andi %parallel_loop3A_1304, %parallel_loop3A_1306 : vector<16xi32>
        %parallel_loop3A_1308 = arith.constant 9 : i32
        %parallel_loop3A_1309 = vector.broadcast %parallel_loop3A_1308 : i32 to vector<16xi32>
        %parallel_loop3A_1310 = arith.shli %parallel_loop3A_1307, %parallel_loop3A_1309 : vector<16xi32>
        %parallel_loop3A_1311 = arith.constant 7 : i32
        %parallel_loop3A_1312 = vector.broadcast %parallel_loop3A_1311 : i32 to vector<16xi32>
        %parallel_loop3A_1313 = arith.andi %parallel_loop3A_1304, %parallel_loop3A_1312 : vector<16xi32>
        %parallel_loop3A_1314 = arith.constant 7 : i32
        %parallel_loop3A_1315 = vector.broadcast %parallel_loop3A_1314 : i32 to vector<16xi32>
        %parallel_loop3A_1316 = arith.shli %parallel_loop3A_1313, %parallel_loop3A_1315 : vector<16xi32>
        %parallel_loop3A_1317 = arith.addi %parallel_loop3A_1310, %parallel_loop3A_1316 : vector<16xi32>
        %parallel_loop3A_1318 = tpu.vector_load_idx %arg6[%parallel_loop3A_980, %parallel_loop3A_1304] : memref<512x32xf32, #tpu.memory_space<vmem>>[vector<16xi32>, vector<16xi32>], vector<16xf32>,
        %parallel_loop3A_1319 = arith.addi %parallel_loop3A_1317, %parallel_loop3A_1025 : vector<16xi32>
        tpu.vector_store_idx %arg8[%parallel_loop3A_1319], %parallel_loop3A_1318 : memref<16384xf32, #tpu.memory_space<vmem>>[vector<16xi32>], vector<16xf32>,
        %parallel_loop3A_1320 = arith.constant 14 : i32
        %parallel_loop3A_1321 = vector.broadcast %parallel_loop3A_1320 : i32 to vector<16xi32>
        %parallel_loop3A_1322 = arith.addi %iota3A, %parallel_loop3A_1321 : vector<16xi32>
        %parallel_loop3A_1323 = arith.constant 31 : i32
        %parallel_loop3A_1324 = vector.broadcast %parallel_loop3A_1323 : i32 to vector<16xi32>
        %parallel_loop3A_1325 = arith.andi %parallel_loop3A_1322, %parallel_loop3A_1324 : vector<16xi32>
        %parallel_loop3A_1326 = arith.constant 24 : i32
        %parallel_loop3A_1327 = vector.broadcast %parallel_loop3A_1326 : i32 to vector<16xi32>
        %parallel_loop3A_1328 = arith.andi %parallel_loop3A_1325, %parallel_loop3A_1327 : vector<16xi32>
        %parallel_loop3A_1329 = arith.constant 9 : i32
        %parallel_loop3A_1330 = vector.broadcast %parallel_loop3A_1329 : i32 to vector<16xi32>
        %parallel_loop3A_1331 = arith.shli %parallel_loop3A_1328, %parallel_loop3A_1330 : vector<16xi32>
        %parallel_loop3A_1332 = arith.constant 7 : i32
        %parallel_loop3A_1333 = vector.broadcast %parallel_loop3A_1332 : i32 to vector<16xi32>
        %parallel_loop3A_1334 = arith.andi %parallel_loop3A_1325, %parallel_loop3A_1333 : vector<16xi32>
        %parallel_loop3A_1335 = arith.constant 7 : i32
        %parallel_loop3A_1336 = vector.broadcast %parallel_loop3A_1335 : i32 to vector<16xi32>
        %parallel_loop3A_1337 = arith.shli %parallel_loop3A_1334, %parallel_loop3A_1336 : vector<16xi32>
        %parallel_loop3A_1338 = arith.addi %parallel_loop3A_1331, %parallel_loop3A_1337 : vector<16xi32>
        %parallel_loop3A_1339 = tpu.vector_load_idx %arg6[%parallel_loop3A_980, %parallel_loop3A_1325] : memref<512x32xf32, #tpu.memory_space<vmem>>[vector<16xi32>, vector<16xi32>], vector<16xf32>,
        %parallel_loop3A_1340 = arith.addi %parallel_loop3A_1338, %parallel_loop3A_1025 : vector<16xi32>
        tpu.vector_store_idx %arg8[%parallel_loop3A_1340], %parallel_loop3A_1339 : memref<16384xf32, #tpu.memory_space<vmem>>[vector<16xi32>], vector<16xf32>,
        %parallel_loop3A_1341 = arith.constant 15 : i32
        %parallel_loop3A_1342 = vector.broadcast %parallel_loop3A_1341 : i32 to vector<16xi32>
        %parallel_loop3A_1343 = arith.addi %iota3A, %parallel_loop3A_1342 : vector<16xi32>
        %parallel_loop3A_1344 = arith.constant 31 : i32
        %parallel_loop3A_1345 = vector.broadcast %parallel_loop3A_1344 : i32 to vector<16xi32>
        %parallel_loop3A_1346 = arith.andi %parallel_loop3A_1343, %parallel_loop3A_1345 : vector<16xi32>
        %parallel_loop3A_1347 = arith.constant 24 : i32
        %parallel_loop3A_1348 = vector.broadcast %parallel_loop3A_1347 : i32 to vector<16xi32>
        %parallel_loop3A_1349 = arith.andi %parallel_loop3A_1346, %parallel_loop3A_1348 : vector<16xi32>
        %parallel_loop3A_1350 = arith.constant 9 : i32
        %parallel_loop3A_1351 = vector.broadcast %parallel_loop3A_1350 : i32 to vector<16xi32>
        %parallel_loop3A_1352 = arith.shli %parallel_loop3A_1349, %parallel_loop3A_1351 : vector<16xi32>
        %parallel_loop3A_1353 = arith.constant 7 : i32
        %parallel_loop3A_1354 = vector.broadcast %parallel_loop3A_1353 : i32 to vector<16xi32>
        %parallel_loop3A_1355 = arith.andi %parallel_loop3A_1346, %parallel_loop3A_1354 : vector<16xi32>
        %parallel_loop3A_1356 = arith.constant 7 : i32
        %parallel_loop3A_1357 = vector.broadcast %parallel_loop3A_1356 : i32 to vector<16xi32>
        %parallel_loop3A_1358 = arith.shli %parallel_loop3A_1355, %parallel_loop3A_1357 : vector<16xi32>
        %parallel_loop3A_1359 = arith.addi %parallel_loop3A_1352, %parallel_loop3A_1358 : vector<16xi32>
        %parallel_loop3A_1360 = tpu.vector_load_idx %arg6[%parallel_loop3A_980, %parallel_loop3A_1346] : memref<512x32xf32, #tpu.memory_space<vmem>>[vector<16xi32>, vector<16xi32>], vector<16xf32>,
        %parallel_loop3A_1361 = arith.addi %parallel_loop3A_1359, %parallel_loop3A_1025 : vector<16xi32>
        tpu.vector_store_idx %arg8[%parallel_loop3A_1361], %parallel_loop3A_1360 : memref<16384xf32, #tpu.memory_space<vmem>>[vector<16xi32>], vector<16xf32>,
        %parallel_loop3A_1362 = arith.constant 16 : i32
        %parallel_loop3A_1363 = vector.broadcast %parallel_loop3A_1362 : i32 to vector<16xi32>
        %parallel_loop3A_1364 = arith.addi %iota3A, %parallel_loop3A_1363 : vector<16xi32>
        %parallel_loop3A_1365 = arith.constant 31 : i32
        %parallel_loop3A_1366 = vector.broadcast %parallel_loop3A_1365 : i32 to vector<16xi32>
        %parallel_loop3A_1367 = arith.andi %parallel_loop3A_1364, %parallel_loop3A_1366 : vector<16xi32>
        %parallel_loop3A_1368 = arith.constant 24 : i32
        %parallel_loop3A_1369 = vector.broadcast %parallel_loop3A_1368 : i32 to vector<16xi32>
        %parallel_loop3A_1370 = arith.andi %parallel_loop3A_1367, %parallel_loop3A_1369 : vector<16xi32>
        %parallel_loop3A_1371 = arith.constant 9 : i32
        %parallel_loop3A_1372 = vector.broadcast %parallel_loop3A_1371 : i32 to vector<16xi32>
        %parallel_loop3A_1373 = arith.shli %parallel_loop3A_1370, %parallel_loop3A_1372 : vector<16xi32>
        %parallel_loop3A_1374 = arith.constant 7 : i32
        %parallel_loop3A_1375 = vector.broadcast %parallel_loop3A_1374 : i32 to vector<16xi32>
        %parallel_loop3A_1376 = arith.andi %parallel_loop3A_1367, %parallel_loop3A_1375 : vector<16xi32>
        %parallel_loop3A_1377 = arith.constant 7 : i32
        %parallel_loop3A_1378 = vector.broadcast %parallel_loop3A_1377 : i32 to vector<16xi32>
        %parallel_loop3A_1379 = arith.shli %parallel_loop3A_1376, %parallel_loop3A_1378 : vector<16xi32>
        %parallel_loop3A_1380 = arith.addi %parallel_loop3A_1373, %parallel_loop3A_1379 : vector<16xi32>
        %parallel_loop3A_1381 = tpu.vector_load_idx %arg6[%parallel_loop3A_980, %parallel_loop3A_1367] : memref<512x32xf32, #tpu.memory_space<vmem>>[vector<16xi32>, vector<16xi32>], vector<16xf32>,
        %parallel_loop3A_1382 = arith.addi %parallel_loop3A_1380, %parallel_loop3A_1025 : vector<16xi32>
        tpu.vector_store_idx %arg8[%parallel_loop3A_1382], %parallel_loop3A_1381 : memref<16384xf32, #tpu.memory_space<vmem>>[vector<16xi32>], vector<16xf32>,
        %parallel_loop3A_1383 = arith.constant 17 : i32
        %parallel_loop3A_1384 = vector.broadcast %parallel_loop3A_1383 : i32 to vector<16xi32>
        %parallel_loop3A_1385 = arith.addi %iota3A, %parallel_loop3A_1384 : vector<16xi32>
        %parallel_loop3A_1386 = arith.constant 31 : i32
        %parallel_loop3A_1387 = vector.broadcast %parallel_loop3A_1386 : i32 to vector<16xi32>
        %parallel_loop3A_1388 = arith.andi %parallel_loop3A_1385, %parallel_loop3A_1387 : vector<16xi32>
        %parallel_loop3A_1389 = arith.constant 24 : i32
        %parallel_loop3A_1390 = vector.broadcast %parallel_loop3A_1389 : i32 to vector<16xi32>
        %parallel_loop3A_1391 = arith.andi %parallel_loop3A_1388, %parallel_loop3A_1390 : vector<16xi32>
        %parallel_loop3A_1392 = arith.constant 9 : i32
        %parallel_loop3A_1393 = vector.broadcast %parallel_loop3A_1392 : i32 to vector<16xi32>
        %parallel_loop3A_1394 = arith.shli %parallel_loop3A_1391, %parallel_loop3A_1393 : vector<16xi32>
        %parallel_loop3A_1395 = arith.constant 7 : i32
        %parallel_loop3A_1396 = vector.broadcast %parallel_loop3A_1395 : i32 to vector<16xi32>
        %parallel_loop3A_1397 = arith.andi %parallel_loop3A_1388, %parallel_loop3A_1396 : vector<16xi32>
        %parallel_loop3A_1398 = arith.constant 7 : i32
        %parallel_loop3A_1399 = vector.broadcast %parallel_loop3A_1398 : i32 to vector<16xi32>
        %parallel_loop3A_1400 = arith.shli %parallel_loop3A_1397, %parallel_loop3A_1399 : vector<16xi32>
        %parallel_loop3A_1401 = arith.addi %parallel_loop3A_1394, %parallel_loop3A_1400 : vector<16xi32>
        %parallel_loop3A_1402 = tpu.vector_load_idx %arg6[%parallel_loop3A_980, %parallel_loop3A_1388] : memref<512x32xf32, #tpu.memory_space<vmem>>[vector<16xi32>, vector<16xi32>], vector<16xf32>,
        %parallel_loop3A_1403 = arith.addi %parallel_loop3A_1401, %parallel_loop3A_1025 : vector<16xi32>
        tpu.vector_store_idx %arg8[%parallel_loop3A_1403], %parallel_loop3A_1402 : memref<16384xf32, #tpu.memory_space<vmem>>[vector<16xi32>], vector<16xf32>,
        %parallel_loop3A_1404 = arith.constant 18 : i32
        %parallel_loop3A_1405 = vector.broadcast %parallel_loop3A_1404 : i32 to vector<16xi32>
        %parallel_loop3A_1406 = arith.addi %iota3A, %parallel_loop3A_1405 : vector<16xi32>
        %parallel_loop3A_1407 = arith.constant 31 : i32
        %parallel_loop3A_1408 = vector.broadcast %parallel_loop3A_1407 : i32 to vector<16xi32>
        %parallel_loop3A_1409 = arith.andi %parallel_loop3A_1406, %parallel_loop3A_1408 : vector<16xi32>
        %parallel_loop3A_1410 = arith.constant 24 : i32
        %parallel_loop3A_1411 = vector.broadcast %parallel_loop3A_1410 : i32 to vector<16xi32>
        %parallel_loop3A_1412 = arith.andi %parallel_loop3A_1409, %parallel_loop3A_1411 : vector<16xi32>
        %parallel_loop3A_1413 = arith.constant 9 : i32
        %parallel_loop3A_1414 = vector.broadcast %parallel_loop3A_1413 : i32 to vector<16xi32>
        %parallel_loop3A_1415 = arith.shli %parallel_loop3A_1412, %parallel_loop3A_1414 : vector<16xi32>
        %parallel_loop3A_1416 = arith.constant 7 : i32
        %parallel_loop3A_1417 = vector.broadcast %parallel_loop3A_1416 : i32 to vector<16xi32>
        %parallel_loop3A_1418 = arith.andi %parallel_loop3A_1409, %parallel_loop3A_1417 : vector<16xi32>
        %parallel_loop3A_1419 = arith.constant 7 : i32
        %parallel_loop3A_1420 = vector.broadcast %parallel_loop3A_1419 : i32 to vector<16xi32>
        %parallel_loop3A_1421 = arith.shli %parallel_loop3A_1418, %parallel_loop3A_1420 : vector<16xi32>
        %parallel_loop3A_1422 = arith.addi %parallel_loop3A_1415, %parallel_loop3A_1421 : vector<16xi32>
        %parallel_loop3A_1423 = tpu.vector_load_idx %arg6[%parallel_loop3A_980, %parallel_loop3A_1409] : memref<512x32xf32, #tpu.memory_space<vmem>>[vector<16xi32>, vector<16xi32>], vector<16xf32>,
        %parallel_loop3A_1424 = arith.addi %parallel_loop3A_1422, %parallel_loop3A_1025 : vector<16xi32>
        tpu.vector_store_idx %arg8[%parallel_loop3A_1424], %parallel_loop3A_1423 : memref<16384xf32, #tpu.memory_space<vmem>>[vector<16xi32>], vector<16xf32>,
        %parallel_loop3A_1425 = arith.constant 19 : i32
        %parallel_loop3A_1426 = vector.broadcast %parallel_loop3A_1425 : i32 to vector<16xi32>
        %parallel_loop3A_1427 = arith.addi %iota3A, %parallel_loop3A_1426 : vector<16xi32>
        %parallel_loop3A_1428 = arith.constant 31 : i32
        %parallel_loop3A_1429 = vector.broadcast %parallel_loop3A_1428 : i32 to vector<16xi32>
        %parallel_loop3A_1430 = arith.andi %parallel_loop3A_1427, %parallel_loop3A_1429 : vector<16xi32>
        %parallel_loop3A_1431 = arith.constant 24 : i32
        %parallel_loop3A_1432 = vector.broadcast %parallel_loop3A_1431 : i32 to vector<16xi32>
        %parallel_loop3A_1433 = arith.andi %parallel_loop3A_1430, %parallel_loop3A_1432 : vector<16xi32>
        %parallel_loop3A_1434 = arith.constant 9 : i32
        %parallel_loop3A_1435 = vector.broadcast %parallel_loop3A_1434 : i32 to vector<16xi32>
        %parallel_loop3A_1436 = arith.shli %parallel_loop3A_1433, %parallel_loop3A_1435 : vector<16xi32>
        %parallel_loop3A_1437 = arith.constant 7 : i32
        %parallel_loop3A_1438 = vector.broadcast %parallel_loop3A_1437 : i32 to vector<16xi32>
        %parallel_loop3A_1439 = arith.andi %parallel_loop3A_1430, %parallel_loop3A_1438 : vector<16xi32>
        %parallel_loop3A_1440 = arith.constant 7 : i32
        %parallel_loop3A_1441 = vector.broadcast %parallel_loop3A_1440 : i32 to vector<16xi32>
        %parallel_loop3A_1442 = arith.shli %parallel_loop3A_1439, %parallel_loop3A_1441 : vector<16xi32>
        %parallel_loop3A_1443 = arith.addi %parallel_loop3A_1436, %parallel_loop3A_1442 : vector<16xi32>
        %parallel_loop3A_1444 = tpu.vector_load_idx %arg6[%parallel_loop3A_980, %parallel_loop3A_1430] : memref<512x32xf32, #tpu.memory_space<vmem>>[vector<16xi32>, vector<16xi32>], vector<16xf32>,
        %parallel_loop3A_1445 = arith.addi %parallel_loop3A_1443, %parallel_loop3A_1025 : vector<16xi32>
        tpu.vector_store_idx %arg8[%parallel_loop3A_1445], %parallel_loop3A_1444 : memref<16384xf32, #tpu.memory_space<vmem>>[vector<16xi32>], vector<16xf32>,
        %parallel_loop3A_1446 = arith.constant 20 : i32
        %parallel_loop3A_1447 = vector.broadcast %parallel_loop3A_1446 : i32 to vector<16xi32>
        %parallel_loop3A_1448 = arith.addi %iota3A, %parallel_loop3A_1447 : vector<16xi32>
        %parallel_loop3A_1449 = arith.constant 31 : i32
        %parallel_loop3A_1450 = vector.broadcast %parallel_loop3A_1449 : i32 to vector<16xi32>
        %parallel_loop3A_1451 = arith.andi %parallel_loop3A_1448, %parallel_loop3A_1450 : vector<16xi32>
        %parallel_loop3A_1452 = arith.constant 24 : i32
        %parallel_loop3A_1453 = vector.broadcast %parallel_loop3A_1452 : i32 to vector<16xi32>
        %parallel_loop3A_1454 = arith.andi %parallel_loop3A_1451, %parallel_loop3A_1453 : vector<16xi32>
        %parallel_loop3A_1455 = arith.constant 9 : i32
        %parallel_loop3A_1456 = vector.broadcast %parallel_loop3A_1455 : i32 to vector<16xi32>
        %parallel_loop3A_1457 = arith.shli %parallel_loop3A_1454, %parallel_loop3A_1456 : vector<16xi32>
        %parallel_loop3A_1458 = arith.constant 7 : i32
        %parallel_loop3A_1459 = vector.broadcast %parallel_loop3A_1458 : i32 to vector<16xi32>
        %parallel_loop3A_1460 = arith.andi %parallel_loop3A_1451, %parallel_loop3A_1459 : vector<16xi32>
        %parallel_loop3A_1461 = arith.constant 7 : i32
        %parallel_loop3A_1462 = vector.broadcast %parallel_loop3A_1461 : i32 to vector<16xi32>
        %parallel_loop3A_1463 = arith.shli %parallel_loop3A_1460, %parallel_loop3A_1462 : vector<16xi32>
        %parallel_loop3A_1464 = arith.addi %parallel_loop3A_1457, %parallel_loop3A_1463 : vector<16xi32>
        %parallel_loop3A_1465 = tpu.vector_load_idx %arg6[%parallel_loop3A_980, %parallel_loop3A_1451] : memref<512x32xf32, #tpu.memory_space<vmem>>[vector<16xi32>, vector<16xi32>], vector<16xf32>,
        %parallel_loop3A_1466 = arith.addi %parallel_loop3A_1464, %parallel_loop3A_1025 : vector<16xi32>
        tpu.vector_store_idx %arg8[%parallel_loop3A_1466], %parallel_loop3A_1465 : memref<16384xf32, #tpu.memory_space<vmem>>[vector<16xi32>], vector<16xf32>,
        %parallel_loop3A_1467 = arith.constant 21 : i32
        %parallel_loop3A_1468 = vector.broadcast %parallel_loop3A_1467 : i32 to vector<16xi32>
        %parallel_loop3A_1469 = arith.addi %iota3A, %parallel_loop3A_1468 : vector<16xi32>
        %parallel_loop3A_1470 = arith.constant 31 : i32
        %parallel_loop3A_1471 = vector.broadcast %parallel_loop3A_1470 : i32 to vector<16xi32>
        %parallel_loop3A_1472 = arith.andi %parallel_loop3A_1469, %parallel_loop3A_1471 : vector<16xi32>
        %parallel_loop3A_1473 = arith.constant 24 : i32
        %parallel_loop3A_1474 = vector.broadcast %parallel_loop3A_1473 : i32 to vector<16xi32>
        %parallel_loop3A_1475 = arith.andi %parallel_loop3A_1472, %parallel_loop3A_1474 : vector<16xi32>
        %parallel_loop3A_1476 = arith.constant 9 : i32
        %parallel_loop3A_1477 = vector.broadcast %parallel_loop3A_1476 : i32 to vector<16xi32>
        %parallel_loop3A_1478 = arith.shli %parallel_loop3A_1475, %parallel_loop3A_1477 : vector<16xi32>
        %parallel_loop3A_1479 = arith.constant 7 : i32
        %parallel_loop3A_1480 = vector.broadcast %parallel_loop3A_1479 : i32 to vector<16xi32>
        %parallel_loop3A_1481 = arith.andi %parallel_loop3A_1472, %parallel_loop3A_1480 : vector<16xi32>
        %parallel_loop3A_1482 = arith.constant 7 : i32
        %parallel_loop3A_1483 = vector.broadcast %parallel_loop3A_1482 : i32 to vector<16xi32>
        %parallel_loop3A_1484 = arith.shli %parallel_loop3A_1481, %parallel_loop3A_1483 : vector<16xi32>
        %parallel_loop3A_1485 = arith.addi %parallel_loop3A_1478, %parallel_loop3A_1484 : vector<16xi32>
        %parallel_loop3A_1486 = tpu.vector_load_idx %arg6[%parallel_loop3A_980, %parallel_loop3A_1472] : memref<512x32xf32, #tpu.memory_space<vmem>>[vector<16xi32>, vector<16xi32>], vector<16xf32>,
        %parallel_loop3A_1487 = arith.addi %parallel_loop3A_1485, %parallel_loop3A_1025 : vector<16xi32>
        tpu.vector_store_idx %arg8[%parallel_loop3A_1487], %parallel_loop3A_1486 : memref<16384xf32, #tpu.memory_space<vmem>>[vector<16xi32>], vector<16xf32>,
        %parallel_loop3A_1488 = arith.constant 22 : i32
        %parallel_loop3A_1489 = vector.broadcast %parallel_loop3A_1488 : i32 to vector<16xi32>
        %parallel_loop3A_1490 = arith.addi %iota3A, %parallel_loop3A_1489 : vector<16xi32>
        %parallel_loop3A_1491 = arith.constant 31 : i32
        %parallel_loop3A_1492 = vector.broadcast %parallel_loop3A_1491 : i32 to vector<16xi32>
        %parallel_loop3A_1493 = arith.andi %parallel_loop3A_1490, %parallel_loop3A_1492 : vector<16xi32>
        %parallel_loop3A_1494 = arith.constant 24 : i32
        %parallel_loop3A_1495 = vector.broadcast %parallel_loop3A_1494 : i32 to vector<16xi32>
        %parallel_loop3A_1496 = arith.andi %parallel_loop3A_1493, %parallel_loop3A_1495 : vector<16xi32>
        %parallel_loop3A_1497 = arith.constant 9 : i32
        %parallel_loop3A_1498 = vector.broadcast %parallel_loop3A_1497 : i32 to vector<16xi32>
        %parallel_loop3A_1499 = arith.shli %parallel_loop3A_1496, %parallel_loop3A_1498 : vector<16xi32>
        %parallel_loop3A_1500 = arith.constant 7 : i32
        %parallel_loop3A_1501 = vector.broadcast %parallel_loop3A_1500 : i32 to vector<16xi32>
        %parallel_loop3A_1502 = arith.andi %parallel_loop3A_1493, %parallel_loop3A_1501 : vector<16xi32>
        %parallel_loop3A_1503 = arith.constant 7 : i32
        %parallel_loop3A_1504 = vector.broadcast %parallel_loop3A_1503 : i32 to vector<16xi32>
        %parallel_loop3A_1505 = arith.shli %parallel_loop3A_1502, %parallel_loop3A_1504 : vector<16xi32>
        %parallel_loop3A_1506 = arith.addi %parallel_loop3A_1499, %parallel_loop3A_1505 : vector<16xi32>
        %parallel_loop3A_1507 = tpu.vector_load_idx %arg6[%parallel_loop3A_980, %parallel_loop3A_1493] : memref<512x32xf32, #tpu.memory_space<vmem>>[vector<16xi32>, vector<16xi32>], vector<16xf32>,
        %parallel_loop3A_1508 = arith.addi %parallel_loop3A_1506, %parallel_loop3A_1025 : vector<16xi32>
        tpu.vector_store_idx %arg8[%parallel_loop3A_1508], %parallel_loop3A_1507 : memref<16384xf32, #tpu.memory_space<vmem>>[vector<16xi32>], vector<16xf32>,
        %parallel_loop3A_1509 = arith.constant 23 : i32
        %parallel_loop3A_1510 = vector.broadcast %parallel_loop3A_1509 : i32 to vector<16xi32>
        %parallel_loop3A_1511 = arith.addi %iota3A, %parallel_loop3A_1510 : vector<16xi32>
        %parallel_loop3A_1512 = arith.constant 31 : i32
        %parallel_loop3A_1513 = vector.broadcast %parallel_loop3A_1512 : i32 to vector<16xi32>
        %parallel_loop3A_1514 = arith.andi %parallel_loop3A_1511, %parallel_loop3A_1513 : vector<16xi32>
        %parallel_loop3A_1515 = arith.constant 24 : i32
        %parallel_loop3A_1516 = vector.broadcast %parallel_loop3A_1515 : i32 to vector<16xi32>
        %parallel_loop3A_1517 = arith.andi %parallel_loop3A_1514, %parallel_loop3A_1516 : vector<16xi32>
        %parallel_loop3A_1518 = arith.constant 9 : i32
        %parallel_loop3A_1519 = vector.broadcast %parallel_loop3A_1518 : i32 to vector<16xi32>
        %parallel_loop3A_1520 = arith.shli %parallel_loop3A_1517, %parallel_loop3A_1519 : vector<16xi32>
        %parallel_loop3A_1521 = arith.constant 7 : i32
        %parallel_loop3A_1522 = vector.broadcast %parallel_loop3A_1521 : i32 to vector<16xi32>
        %parallel_loop3A_1523 = arith.andi %parallel_loop3A_1514, %parallel_loop3A_1522 : vector<16xi32>
        %parallel_loop3A_1524 = arith.constant 7 : i32
        %parallel_loop3A_1525 = vector.broadcast %parallel_loop3A_1524 : i32 to vector<16xi32>
        %parallel_loop3A_1526 = arith.shli %parallel_loop3A_1523, %parallel_loop3A_1525 : vector<16xi32>
        %parallel_loop3A_1527 = arith.addi %parallel_loop3A_1520, %parallel_loop3A_1526 : vector<16xi32>
        %parallel_loop3A_1528 = tpu.vector_load_idx %arg6[%parallel_loop3A_980, %parallel_loop3A_1514] : memref<512x32xf32, #tpu.memory_space<vmem>>[vector<16xi32>, vector<16xi32>], vector<16xf32>,
        %parallel_loop3A_1529 = arith.addi %parallel_loop3A_1527, %parallel_loop3A_1025 : vector<16xi32>
        tpu.vector_store_idx %arg8[%parallel_loop3A_1529], %parallel_loop3A_1528 : memref<16384xf32, #tpu.memory_space<vmem>>[vector<16xi32>], vector<16xf32>,
        %parallel_loop3A_1530 = arith.constant 24 : i32
        %parallel_loop3A_1531 = vector.broadcast %parallel_loop3A_1530 : i32 to vector<16xi32>
        %parallel_loop3A_1532 = arith.addi %iota3A, %parallel_loop3A_1531 : vector<16xi32>
        %parallel_loop3A_1533 = arith.constant 31 : i32
        %parallel_loop3A_1534 = vector.broadcast %parallel_loop3A_1533 : i32 to vector<16xi32>
        %parallel_loop3A_1535 = arith.andi %parallel_loop3A_1532, %parallel_loop3A_1534 : vector<16xi32>
        %parallel_loop3A_1536 = arith.constant 24 : i32
        %parallel_loop3A_1537 = vector.broadcast %parallel_loop3A_1536 : i32 to vector<16xi32>
        %parallel_loop3A_1538 = arith.andi %parallel_loop3A_1535, %parallel_loop3A_1537 : vector<16xi32>
        %parallel_loop3A_1539 = arith.constant 9 : i32
        %parallel_loop3A_1540 = vector.broadcast %parallel_loop3A_1539 : i32 to vector<16xi32>
        %parallel_loop3A_1541 = arith.shli %parallel_loop3A_1538, %parallel_loop3A_1540 : vector<16xi32>
        %parallel_loop3A_1542 = arith.constant 7 : i32
        %parallel_loop3A_1543 = vector.broadcast %parallel_loop3A_1542 : i32 to vector<16xi32>
        %parallel_loop3A_1544 = arith.andi %parallel_loop3A_1535, %parallel_loop3A_1543 : vector<16xi32>
        %parallel_loop3A_1545 = arith.constant 7 : i32
        %parallel_loop3A_1546 = vector.broadcast %parallel_loop3A_1545 : i32 to vector<16xi32>
        %parallel_loop3A_1547 = arith.shli %parallel_loop3A_1544, %parallel_loop3A_1546 : vector<16xi32>
        %parallel_loop3A_1548 = arith.addi %parallel_loop3A_1541, %parallel_loop3A_1547 : vector<16xi32>
        %parallel_loop3A_1549 = tpu.vector_load_idx %arg6[%parallel_loop3A_980, %parallel_loop3A_1535] : memref<512x32xf32, #tpu.memory_space<vmem>>[vector<16xi32>, vector<16xi32>], vector<16xf32>,
        %parallel_loop3A_1550 = arith.addi %parallel_loop3A_1548, %parallel_loop3A_1025 : vector<16xi32>
        tpu.vector_store_idx %arg8[%parallel_loop3A_1550], %parallel_loop3A_1549 : memref<16384xf32, #tpu.memory_space<vmem>>[vector<16xi32>], vector<16xf32>,
        %parallel_loop3A_1551 = arith.constant 25 : i32
        %parallel_loop3A_1552 = vector.broadcast %parallel_loop3A_1551 : i32 to vector<16xi32>
        %parallel_loop3A_1553 = arith.addi %iota3A, %parallel_loop3A_1552 : vector<16xi32>
        %parallel_loop3A_1554 = arith.constant 31 : i32
        %parallel_loop3A_1555 = vector.broadcast %parallel_loop3A_1554 : i32 to vector<16xi32>
        %parallel_loop3A_1556 = arith.andi %parallel_loop3A_1553, %parallel_loop3A_1555 : vector<16xi32>
        %parallel_loop3A_1557 = arith.constant 24 : i32
        %parallel_loop3A_1558 = vector.broadcast %parallel_loop3A_1557 : i32 to vector<16xi32>
        %parallel_loop3A_1559 = arith.andi %parallel_loop3A_1556, %parallel_loop3A_1558 : vector<16xi32>
        %parallel_loop3A_1560 = arith.constant 9 : i32
        %parallel_loop3A_1561 = vector.broadcast %parallel_loop3A_1560 : i32 to vector<16xi32>
        %parallel_loop3A_1562 = arith.shli %parallel_loop3A_1559, %parallel_loop3A_1561 : vector<16xi32>
        %parallel_loop3A_1563 = arith.constant 7 : i32
        %parallel_loop3A_1564 = vector.broadcast %parallel_loop3A_1563 : i32 to vector<16xi32>
        %parallel_loop3A_1565 = arith.andi %parallel_loop3A_1556, %parallel_loop3A_1564 : vector<16xi32>
        %parallel_loop3A_1566 = arith.constant 7 : i32
        %parallel_loop3A_1567 = vector.broadcast %parallel_loop3A_1566 : i32 to vector<16xi32>
        %parallel_loop3A_1568 = arith.shli %parallel_loop3A_1565, %parallel_loop3A_1567 : vector<16xi32>
        %parallel_loop3A_1569 = arith.addi %parallel_loop3A_1562, %parallel_loop3A_1568 : vector<16xi32>
        %parallel_loop3A_1570 = tpu.vector_load_idx %arg6[%parallel_loop3A_980, %parallel_loop3A_1556] : memref<512x32xf32, #tpu.memory_space<vmem>>[vector<16xi32>, vector<16xi32>], vector<16xf32>,
        %parallel_loop3A_1571 = arith.addi %parallel_loop3A_1569, %parallel_loop3A_1025 : vector<16xi32>
        tpu.vector_store_idx %arg8[%parallel_loop3A_1571], %parallel_loop3A_1570 : memref<16384xf32, #tpu.memory_space<vmem>>[vector<16xi32>], vector<16xf32>,
        %parallel_loop3A_1572 = arith.constant 26 : i32
        %parallel_loop3A_1573 = vector.broadcast %parallel_loop3A_1572 : i32 to vector<16xi32>
        %parallel_loop3A_1574 = arith.addi %iota3A, %parallel_loop3A_1573 : vector<16xi32>
        %parallel_loop3A_1575 = arith.constant 31 : i32
        %parallel_loop3A_1576 = vector.broadcast %parallel_loop3A_1575 : i32 to vector<16xi32>
        %parallel_loop3A_1577 = arith.andi %parallel_loop3A_1574, %parallel_loop3A_1576 : vector<16xi32>
        %parallel_loop3A_1578 = arith.constant 24 : i32
        %parallel_loop3A_1579 = vector.broadcast %parallel_loop3A_1578 : i32 to vector<16xi32>
        %parallel_loop3A_1580 = arith.andi %parallel_loop3A_1577, %parallel_loop3A_1579 : vector<16xi32>
        %parallel_loop3A_1581 = arith.constant 9 : i32
        %parallel_loop3A_1582 = vector.broadcast %parallel_loop3A_1581 : i32 to vector<16xi32>
        %parallel_loop3A_1583 = arith.shli %parallel_loop3A_1580, %parallel_loop3A_1582 : vector<16xi32>
        %parallel_loop3A_1584 = arith.constant 7 : i32
        %parallel_loop3A_1585 = vector.broadcast %parallel_loop3A_1584 : i32 to vector<16xi32>
        %parallel_loop3A_1586 = arith.andi %parallel_loop3A_1577, %parallel_loop3A_1585 : vector<16xi32>
        %parallel_loop3A_1587 = arith.constant 7 : i32
        %parallel_loop3A_1588 = vector.broadcast %parallel_loop3A_1587 : i32 to vector<16xi32>
        %parallel_loop3A_1589 = arith.shli %parallel_loop3A_1586, %parallel_loop3A_1588 : vector<16xi32>
        %parallel_loop3A_1590 = arith.addi %parallel_loop3A_1583, %parallel_loop3A_1589 : vector<16xi32>
        %parallel_loop3A_1591 = tpu.vector_load_idx %arg6[%parallel_loop3A_980, %parallel_loop3A_1577] : memref<512x32xf32, #tpu.memory_space<vmem>>[vector<16xi32>, vector<16xi32>], vector<16xf32>,
        %parallel_loop3A_1592 = arith.addi %parallel_loop3A_1590, %parallel_loop3A_1025 : vector<16xi32>
        tpu.vector_store_idx %arg8[%parallel_loop3A_1592], %parallel_loop3A_1591 : memref<16384xf32, #tpu.memory_space<vmem>>[vector<16xi32>], vector<16xf32>,
        %parallel_loop3A_1593 = arith.constant 27 : i32
        %parallel_loop3A_1594 = vector.broadcast %parallel_loop3A_1593 : i32 to vector<16xi32>
        %parallel_loop3A_1595 = arith.addi %iota3A, %parallel_loop3A_1594 : vector<16xi32>
        %parallel_loop3A_1596 = arith.constant 31 : i32
        %parallel_loop3A_1597 = vector.broadcast %parallel_loop3A_1596 : i32 to vector<16xi32>
        %parallel_loop3A_1598 = arith.andi %parallel_loop3A_1595, %parallel_loop3A_1597 : vector<16xi32>
        %parallel_loop3A_1599 = arith.constant 24 : i32
        %parallel_loop3A_1600 = vector.broadcast %parallel_loop3A_1599 : i32 to vector<16xi32>
        %parallel_loop3A_1601 = arith.andi %parallel_loop3A_1598, %parallel_loop3A_1600 : vector<16xi32>
        %parallel_loop3A_1602 = arith.constant 9 : i32
        %parallel_loop3A_1603 = vector.broadcast %parallel_loop3A_1602 : i32 to vector<16xi32>
        %parallel_loop3A_1604 = arith.shli %parallel_loop3A_1601, %parallel_loop3A_1603 : vector<16xi32>
        %parallel_loop3A_1605 = arith.constant 7 : i32
        %parallel_loop3A_1606 = vector.broadcast %parallel_loop3A_1605 : i32 to vector<16xi32>
        %parallel_loop3A_1607 = arith.andi %parallel_loop3A_1598, %parallel_loop3A_1606 : vector<16xi32>
        %parallel_loop3A_1608 = arith.constant 7 : i32
        %parallel_loop3A_1609 = vector.broadcast %parallel_loop3A_1608 : i32 to vector<16xi32>
        %parallel_loop3A_1610 = arith.shli %parallel_loop3A_1607, %parallel_loop3A_1609 : vector<16xi32>
        %parallel_loop3A_1611 = arith.addi %parallel_loop3A_1604, %parallel_loop3A_1610 : vector<16xi32>
        %parallel_loop3A_1612 = tpu.vector_load_idx %arg6[%parallel_loop3A_980, %parallel_loop3A_1598] : memref<512x32xf32, #tpu.memory_space<vmem>>[vector<16xi32>, vector<16xi32>], vector<16xf32>,
        %parallel_loop3A_1613 = arith.addi %parallel_loop3A_1611, %parallel_loop3A_1025 : vector<16xi32>
        tpu.vector_store_idx %arg8[%parallel_loop3A_1613], %parallel_loop3A_1612 : memref<16384xf32, #tpu.memory_space<vmem>>[vector<16xi32>], vector<16xf32>,
        %parallel_loop3A_1614 = arith.constant 28 : i32
        %parallel_loop3A_1615 = vector.broadcast %parallel_loop3A_1614 : i32 to vector<16xi32>
        %parallel_loop3A_1616 = arith.addi %iota3A, %parallel_loop3A_1615 : vector<16xi32>
        %parallel_loop3A_1617 = arith.constant 31 : i32
        %parallel_loop3A_1618 = vector.broadcast %parallel_loop3A_1617 : i32 to vector<16xi32>
        %parallel_loop3A_1619 = arith.andi %parallel_loop3A_1616, %parallel_loop3A_1618 : vector<16xi32>
        %parallel_loop3A_1620 = arith.constant 24 : i32
        %parallel_loop3A_1621 = vector.broadcast %parallel_loop3A_1620 : i32 to vector<16xi32>
        %parallel_loop3A_1622 = arith.andi %parallel_loop3A_1619, %parallel_loop3A_1621 : vector<16xi32>
        %parallel_loop3A_1623 = arith.constant 9 : i32
        %parallel_loop3A_1624 = vector.broadcast %parallel_loop3A_1623 : i32 to vector<16xi32>
        %parallel_loop3A_1625 = arith.shli %parallel_loop3A_1622, %parallel_loop3A_1624 : vector<16xi32>
        %parallel_loop3A_1626 = arith.constant 7 : i32
        %parallel_loop3A_1627 = vector.broadcast %parallel_loop3A_1626 : i32 to vector<16xi32>
        %parallel_loop3A_1628 = arith.andi %parallel_loop3A_1619, %parallel_loop3A_1627 : vector<16xi32>
        %parallel_loop3A_1629 = arith.constant 7 : i32
        %parallel_loop3A_1630 = vector.broadcast %parallel_loop3A_1629 : i32 to vector<16xi32>
        %parallel_loop3A_1631 = arith.shli %parallel_loop3A_1628, %parallel_loop3A_1630 : vector<16xi32>
        %parallel_loop3A_1632 = arith.addi %parallel_loop3A_1625, %parallel_loop3A_1631 : vector<16xi32>
        %parallel_loop3A_1633 = tpu.vector_load_idx %arg6[%parallel_loop3A_980, %parallel_loop3A_1619] : memref<512x32xf32, #tpu.memory_space<vmem>>[vector<16xi32>, vector<16xi32>], vector<16xf32>,
        %parallel_loop3A_1634 = arith.addi %parallel_loop3A_1632, %parallel_loop3A_1025 : vector<16xi32>
        tpu.vector_store_idx %arg8[%parallel_loop3A_1634], %parallel_loop3A_1633 : memref<16384xf32, #tpu.memory_space<vmem>>[vector<16xi32>], vector<16xf32>,
        %parallel_loop3A_1635 = arith.constant 29 : i32
        %parallel_loop3A_1636 = vector.broadcast %parallel_loop3A_1635 : i32 to vector<16xi32>
        %parallel_loop3A_1637 = arith.addi %iota3A, %parallel_loop3A_1636 : vector<16xi32>
        %parallel_loop3A_1638 = arith.constant 31 : i32
        %parallel_loop3A_1639 = vector.broadcast %parallel_loop3A_1638 : i32 to vector<16xi32>
        %parallel_loop3A_1640 = arith.andi %parallel_loop3A_1637, %parallel_loop3A_1639 : vector<16xi32>
        %parallel_loop3A_1641 = arith.constant 24 : i32
        %parallel_loop3A_1642 = vector.broadcast %parallel_loop3A_1641 : i32 to vector<16xi32>
        %parallel_loop3A_1643 = arith.andi %parallel_loop3A_1640, %parallel_loop3A_1642 : vector<16xi32>
        %parallel_loop3A_1644 = arith.constant 9 : i32
        %parallel_loop3A_1645 = vector.broadcast %parallel_loop3A_1644 : i32 to vector<16xi32>
        %parallel_loop3A_1646 = arith.shli %parallel_loop3A_1643, %parallel_loop3A_1645 : vector<16xi32>
        %parallel_loop3A_1647 = arith.constant 7 : i32
        %parallel_loop3A_1648 = vector.broadcast %parallel_loop3A_1647 : i32 to vector<16xi32>
        %parallel_loop3A_1649 = arith.andi %parallel_loop3A_1640, %parallel_loop3A_1648 : vector<16xi32>
        %parallel_loop3A_1650 = arith.constant 7 : i32
        %parallel_loop3A_1651 = vector.broadcast %parallel_loop3A_1650 : i32 to vector<16xi32>
        %parallel_loop3A_1652 = arith.shli %parallel_loop3A_1649, %parallel_loop3A_1651 : vector<16xi32>
        %parallel_loop3A_1653 = arith.addi %parallel_loop3A_1646, %parallel_loop3A_1652 : vector<16xi32>
        %parallel_loop3A_1654 = tpu.vector_load_idx %arg6[%parallel_loop3A_980, %parallel_loop3A_1640] : memref<512x32xf32, #tpu.memory_space<vmem>>[vector<16xi32>, vector<16xi32>], vector<16xf32>,
        %parallel_loop3A_1655 = arith.addi %parallel_loop3A_1653, %parallel_loop3A_1025 : vector<16xi32>
        tpu.vector_store_idx %arg8[%parallel_loop3A_1655], %parallel_loop3A_1654 : memref<16384xf32, #tpu.memory_space<vmem>>[vector<16xi32>], vector<16xf32>,
        %parallel_loop3A_1656 = arith.constant 30 : i32
        %parallel_loop3A_1657 = vector.broadcast %parallel_loop3A_1656 : i32 to vector<16xi32>
        %parallel_loop3A_1658 = arith.addi %iota3A, %parallel_loop3A_1657 : vector<16xi32>
        %parallel_loop3A_1659 = arith.constant 31 : i32
        %parallel_loop3A_1660 = vector.broadcast %parallel_loop3A_1659 : i32 to vector<16xi32>
        %parallel_loop3A_1661 = arith.andi %parallel_loop3A_1658, %parallel_loop3A_1660 : vector<16xi32>
        %parallel_loop3A_1662 = arith.constant 24 : i32
        %parallel_loop3A_1663 = vector.broadcast %parallel_loop3A_1662 : i32 to vector<16xi32>
        %parallel_loop3A_1664 = arith.andi %parallel_loop3A_1661, %parallel_loop3A_1663 : vector<16xi32>
        %parallel_loop3A_1665 = arith.constant 9 : i32
        %parallel_loop3A_1666 = vector.broadcast %parallel_loop3A_1665 : i32 to vector<16xi32>
        %parallel_loop3A_1667 = arith.shli %parallel_loop3A_1664, %parallel_loop3A_1666 : vector<16xi32>
        %parallel_loop3A_1668 = arith.constant 7 : i32
        %parallel_loop3A_1669 = vector.broadcast %parallel_loop3A_1668 : i32 to vector<16xi32>
        %parallel_loop3A_1670 = arith.andi %parallel_loop3A_1661, %parallel_loop3A_1669 : vector<16xi32>
        %parallel_loop3A_1671 = arith.constant 7 : i32
        %parallel_loop3A_1672 = vector.broadcast %parallel_loop3A_1671 : i32 to vector<16xi32>
        %parallel_loop3A_1673 = arith.shli %parallel_loop3A_1670, %parallel_loop3A_1672 : vector<16xi32>
        %parallel_loop3A_1674 = arith.addi %parallel_loop3A_1667, %parallel_loop3A_1673 : vector<16xi32>
        %parallel_loop3A_1675 = tpu.vector_load_idx %arg6[%parallel_loop3A_980, %parallel_loop3A_1661] : memref<512x32xf32, #tpu.memory_space<vmem>>[vector<16xi32>, vector<16xi32>], vector<16xf32>,
        %parallel_loop3A_1676 = arith.addi %parallel_loop3A_1674, %parallel_loop3A_1025 : vector<16xi32>
        tpu.vector_store_idx %arg8[%parallel_loop3A_1676], %parallel_loop3A_1675 : memref<16384xf32, #tpu.memory_space<vmem>>[vector<16xi32>], vector<16xf32>,
        %parallel_loop3A_1677 = arith.constant 31 : i32
        %parallel_loop3A_1678 = vector.broadcast %parallel_loop3A_1677 : i32 to vector<16xi32>
        %parallel_loop3A_1679 = arith.addi %iota3A, %parallel_loop3A_1678 : vector<16xi32>
        %parallel_loop3A_1680 = arith.constant 31 : i32
        %parallel_loop3A_1681 = vector.broadcast %parallel_loop3A_1680 : i32 to vector<16xi32>
        %parallel_loop3A_1682 = arith.andi %parallel_loop3A_1679, %parallel_loop3A_1681 : vector<16xi32>
        %parallel_loop3A_1683 = arith.constant 24 : i32
        %parallel_loop3A_1684 = vector.broadcast %parallel_loop3A_1683 : i32 to vector<16xi32>
        %parallel_loop3A_1685 = arith.andi %parallel_loop3A_1682, %parallel_loop3A_1684 : vector<16xi32>
        %parallel_loop3A_1686 = arith.constant 9 : i32
        %parallel_loop3A_1687 = vector.broadcast %parallel_loop3A_1686 : i32 to vector<16xi32>
        %parallel_loop3A_1688 = arith.shli %parallel_loop3A_1685, %parallel_loop3A_1687 : vector<16xi32>
        %parallel_loop3A_1689 = arith.constant 7 : i32
        %parallel_loop3A_1690 = vector.broadcast %parallel_loop3A_1689 : i32 to vector<16xi32>
        %parallel_loop3A_1691 = arith.andi %parallel_loop3A_1682, %parallel_loop3A_1690 : vector<16xi32>
        %parallel_loop3A_1692 = arith.constant 7 : i32
        %parallel_loop3A_1693 = vector.broadcast %parallel_loop3A_1692 : i32 to vector<16xi32>
        %parallel_loop3A_1694 = arith.shli %parallel_loop3A_1691, %parallel_loop3A_1693 : vector<16xi32>
        %parallel_loop3A_1695 = arith.addi %parallel_loop3A_1688, %parallel_loop3A_1694 : vector<16xi32>
        %parallel_loop3A_1696 = tpu.vector_load_idx %arg6[%parallel_loop3A_980, %parallel_loop3A_1682] : memref<512x32xf32, #tpu.memory_space<vmem>>[vector<16xi32>, vector<16xi32>], vector<16xf32>,
        %parallel_loop3A_1697 = arith.addi %parallel_loop3A_1695, %parallel_loop3A_1025 : vector<16xi32>
        tpu.vector_store_idx %arg8[%parallel_loop3A_1697], %parallel_loop3A_1696 : memref<16384xf32, #tpu.memory_space<vmem>>[vector<16xi32>], vector<16xf32>,
      } {sc.loop_unroll_factor = 8 : i64, sc.parallel_access}
      %jit3A_494 = arith.constant 32 : i32
      %div3A_495 = arith.divsi %add3A_476, %jit3A_494 : i32
      %sign3A_496 = arith.constant 0 : i32
      %sign3A_497 = arith.cmpi sgt, %add3A_476, %sign3A_496 : i32
      %sign3A_498 = arith.extui %sign3A_497 : i1 to i32
      %sign3A_499 = arith.constant 0 : i32
      %sign3A_500 = arith.cmpi slt, %add3A_476, %sign3A_499 : i32
      %sign3A_501 = arith.extui %sign3A_500 : i1 to i32
      %sign3A_502 = arith.subi %sign3A_498, %sign3A_501 : i32
      %sign3A_503 = arith.constant 0 : i32
      %sign3A_504 = arith.cmpi sgt, %jit3A_494, %sign3A_503 : i32
      %sign3A_505 = arith.extui %sign3A_504 : i1 to i32
      %sign3A_506 = arith.constant 0 : i32
      %sign3A_507 = arith.cmpi slt, %jit3A_494, %sign3A_506 : i32
      %sign3A_508 = arith.extui %sign3A_507 : i1 to i32
      %sign3A_509 = arith.subi %sign3A_505, %sign3A_508 : i32
      %ne3A_510 = arith.cmpi ne, %sign3A_502, %sign3A_509 : i32
      %rem3A_511 = arith.remsi %add3A_476, %jit3A_494 : i32
      %ne3A_512 = arith.constant 0 : i32
      %ne3A_513 = arith.cmpi ne, %rem3A_511, %ne3A_512 : i32
      %and3A_514 = arith.andi %ne3A_510, %ne3A_513 : i1
      %sub3A_515 = arith.constant 1 : i32
      %sub3A_516 = arith.subi %div3A_495, %sub3A_515 : i32
      %select_n3A_517 = arith.select %and3A_514, %sub3A_516, %div3A_495 : i32
      %jit3A_518 = arith.constant 32 : i32
      %eq3A_519 = arith.constant 0 : i32
      %eq3A_520 = arith.cmpi eq, %jit3A_518, %eq3A_519 : i32
      %jit3A_521 = arith.constant 1 : i32
      %select_n3A_522 = arith.select %eq3A_520, %jit3A_521, %jit3A_518 : i32
      %rem3A_523 = arith.remsi %add3A_476, %select_n3A_522 : i32
      %ne3A_524 = arith.constant 0 : i32
      %ne3A_525 = arith.cmpi ne, %rem3A_523, %ne3A_524 : i32
      %lt3A_526 = arith.constant 0 : i32
      %lt3A_527 = arith.cmpi slt, %rem3A_523, %lt3A_526 : i32
      %lt3A_528 = arith.constant 0 : i32
      %lt3A_529 = arith.cmpi slt, %select_n3A_522, %lt3A_528 : i32
      %ne3A_530 = arith.xori %lt3A_527, %lt3A_529 : i1
      %and3A_531 = arith.andi %ne3A_530, %ne3A_525 : i1
      %add3A_532 = arith.addi %rem3A_523, %select_n3A_522 : i32
      %select_n3A_533 = arith.select %and3A_531, %add3A_532, %rem3A_523 : i32
      %mul3A_534 = arith.constant 4 : i32
      %mul3A_535 = arith.muli %select_n3A_517, %mul3A_534 : i32
      %add3A_536 = arith.constant 0 : i32
      %add3A_537 = arith.addi %mul3A_535, %add3A_536 : i32
      %mul3A_538 = arith.constant 128 : i32
      %mul3A_539 = arith.muli %add3A_537, %mul3A_538 : i32
      %mul3A_540 = arith.constant 4 : i32
      %mul3A_541 = arith.muli %select_n3A_533, %mul3A_540 : i32
      %add3A_542 = arith.addi %mul3A_539, %mul3A_541 : i32
      %mul3A_543 = arith.constant 1024 : i32
      %mul3A_544 = arith.muli %add3A_542, %mul3A_543 : i32
      %dma_start3A_545 = arith.constant 0 : i32
      %dma_start3A_546 = tpu.memref_slice %arg8[%dma_start3A_545] : memref<16384xf32, #tpu.memory_space<vmem>> -> memref<4096xf32, #tpu.memory_space<vmem>>
      %dma_start3A_547 = tpu.memref_slice %arg4[%mul3A_544] : memref<26214400xf32, #tpu.memory_space<hbm>> -> memref<4096xf32, #tpu.memory_space<hbm>>
      %dma_start3A_548 = tpu.memref_slice %arg4[%mul3A_544] : memref<26214400xf32, #tpu.memory_space<hbm>> -> memref<4096xf32, #tpu.memory_space<hbm>>
      %dma_start3A_549 = arith.constant 0 : i32
      %dma_start3A_550 = tpu.memref_slice %arg8[%dma_start3A_549] : memref<16384xf32, #tpu.memory_space<vmem>> -> memref<4096xf32, #tpu.memory_space<vmem>>
      tpu.enqueue_dma source(%dma_start3A_550 : memref<4096xf32, #tpu.memory_space<vmem>>) target(%dma_start3A_548 : memref<4096xf32, #tpu.memory_space<hbm>>) target_semaphore(%arg12 : memref<!tpu.dma_semaphore, #tpu.memory_space<semaphore_mem>>)
      %jit3A_551 = arith.constant 32 : i32
      %div3A_552 = arith.divsi %add3A_476, %jit3A_551 : i32
      %sign3A_553 = arith.constant 0 : i32
      %sign3A_554 = arith.cmpi sgt, %add3A_476, %sign3A_553 : i32
      %sign3A_555 = arith.extui %sign3A_554 : i1 to i32
      %sign3A_556 = arith.constant 0 : i32
      %sign3A_557 = arith.cmpi slt, %add3A_476, %sign3A_556 : i32
      %sign3A_558 = arith.extui %sign3A_557 : i1 to i32
      %sign3A_559 = arith.subi %sign3A_555, %sign3A_558 : i32
      %sign3A_560 = arith.constant 0 : i32
      %sign3A_561 = arith.cmpi sgt, %jit3A_551, %sign3A_560 : i32
      %sign3A_562 = arith.extui %sign3A_561 : i1 to i32
      %sign3A_563 = arith.constant 0 : i32
      %sign3A_564 = arith.cmpi slt, %jit3A_551, %sign3A_563 : i32
      %sign3A_565 = arith.extui %sign3A_564 : i1 to i32
      %sign3A_566 = arith.subi %sign3A_562, %sign3A_565 : i32
      %ne3A_567 = arith.cmpi ne, %sign3A_559, %sign3A_566 : i32
      %rem3A_568 = arith.remsi %add3A_476, %jit3A_551 : i32
      %ne3A_569 = arith.constant 0 : i32
      %ne3A_570 = arith.cmpi ne, %rem3A_568, %ne3A_569 : i32
      %and3A_571 = arith.andi %ne3A_567, %ne3A_570 : i1
      %sub3A_572 = arith.constant 1 : i32
      %sub3A_573 = arith.subi %div3A_552, %sub3A_572 : i32
      %select_n3A_574 = arith.select %and3A_571, %sub3A_573, %div3A_552 : i32
      %jit3A_575 = arith.constant 32 : i32
      %eq3A_576 = arith.constant 0 : i32
      %eq3A_577 = arith.cmpi eq, %jit3A_575, %eq3A_576 : i32
      %jit3A_578 = arith.constant 1 : i32
      %select_n3A_579 = arith.select %eq3A_577, %jit3A_578, %jit3A_575 : i32
      %rem3A_580 = arith.remsi %add3A_476, %select_n3A_579 : i32
      %ne3A_581 = arith.constant 0 : i32
      %ne3A_582 = arith.cmpi ne, %rem3A_580, %ne3A_581 : i32
      %lt3A_583 = arith.constant 0 : i32
      %lt3A_584 = arith.cmpi slt, %rem3A_580, %lt3A_583 : i32
      %lt3A_585 = arith.constant 0 : i32
      %lt3A_586 = arith.cmpi slt, %select_n3A_579, %lt3A_585 : i32
      %ne3A_587 = arith.xori %lt3A_584, %lt3A_586 : i1
      %and3A_588 = arith.andi %ne3A_587, %ne3A_582 : i1
      %add3A_589 = arith.addi %rem3A_580, %select_n3A_579 : i32
      %select_n3A_590 = arith.select %and3A_588, %add3A_589, %rem3A_580 : i32
      %mul3A_591 = arith.constant 4 : i32
      %mul3A_592 = arith.muli %select_n3A_574, %mul3A_591 : i32
      %add3A_593 = arith.constant 1 : i32
      %add3A_594 = arith.addi %mul3A_592, %add3A_593 : i32
      %mul3A_595 = arith.constant 128 : i32
      %mul3A_596 = arith.muli %add3A_594, %mul3A_595 : i32
      %mul3A_597 = arith.constant 4 : i32
      %mul3A_598 = arith.muli %select_n3A_590, %mul3A_597 : i32
      %add3A_599 = arith.addi %mul3A_596, %mul3A_598 : i32
      %mul3A_600 = arith.constant 1024 : i32
      %mul3A_601 = arith.muli %add3A_599, %mul3A_600 : i32
      %dma_start3A_602 = arith.constant 4096 : i32
      %dma_start3A_603 = tpu.memref_slice %arg8[%dma_start3A_602] : memref<16384xf32, #tpu.memory_space<vmem>> -> memref<4096xf32, #tpu.memory_space<vmem>>
      %dma_start3A_604 = tpu.memref_slice %arg4[%mul3A_601] : memref<26214400xf32, #tpu.memory_space<hbm>> -> memref<4096xf32, #tpu.memory_space<hbm>>
      %dma_start3A_605 = tpu.memref_slice %arg4[%mul3A_601] : memref<26214400xf32, #tpu.memory_space<hbm>> -> memref<4096xf32, #tpu.memory_space<hbm>>
      %dma_start3A_606 = arith.constant 4096 : i32
      %dma_start3A_607 = tpu.memref_slice %arg8[%dma_start3A_606] : memref<16384xf32, #tpu.memory_space<vmem>> -> memref<4096xf32, #tpu.memory_space<vmem>>
      tpu.enqueue_dma source(%dma_start3A_607 : memref<4096xf32, #tpu.memory_space<vmem>>) target(%dma_start3A_605 : memref<4096xf32, #tpu.memory_space<hbm>>) target_semaphore(%arg12 : memref<!tpu.dma_semaphore, #tpu.memory_space<semaphore_mem>>)
      %jit3A_608 = arith.constant 32 : i32
      %div3A_609 = arith.divsi %add3A_476, %jit3A_608 : i32
      %sign3A_610 = arith.constant 0 : i32
      %sign3A_611 = arith.cmpi sgt, %add3A_476, %sign3A_610 : i32
      %sign3A_612 = arith.extui %sign3A_611 : i1 to i32
      %sign3A_613 = arith.constant 0 : i32
      %sign3A_614 = arith.cmpi slt, %add3A_476, %sign3A_613 : i32
      %sign3A_615 = arith.extui %sign3A_614 : i1 to i32
      %sign3A_616 = arith.subi %sign3A_612, %sign3A_615 : i32
      %sign3A_617 = arith.constant 0 : i32
      %sign3A_618 = arith.cmpi sgt, %jit3A_608, %sign3A_617 : i32
      %sign3A_619 = arith.extui %sign3A_618 : i1 to i32
      %sign3A_620 = arith.constant 0 : i32
      %sign3A_621 = arith.cmpi slt, %jit3A_608, %sign3A_620 : i32
      %sign3A_622 = arith.extui %sign3A_621 : i1 to i32
      %sign3A_623 = arith.subi %sign3A_619, %sign3A_622 : i32
      %ne3A_624 = arith.cmpi ne, %sign3A_616, %sign3A_623 : i32
      %rem3A_625 = arith.remsi %add3A_476, %jit3A_608 : i32
      %ne3A_626 = arith.constant 0 : i32
      %ne3A_627 = arith.cmpi ne, %rem3A_625, %ne3A_626 : i32
      %and3A_628 = arith.andi %ne3A_624, %ne3A_627 : i1
      %sub3A_629 = arith.constant 1 : i32
      %sub3A_630 = arith.subi %div3A_609, %sub3A_629 : i32
      %select_n3A_631 = arith.select %and3A_628, %sub3A_630, %div3A_609 : i32
      %jit3A_632 = arith.constant 32 : i32
      %eq3A_633 = arith.constant 0 : i32
      %eq3A_634 = arith.cmpi eq, %jit3A_632, %eq3A_633 : i32
      %jit3A_635 = arith.constant 1 : i32
      %select_n3A_636 = arith.select %eq3A_634, %jit3A_635, %jit3A_632 : i32
      %rem3A_637 = arith.remsi %add3A_476, %select_n3A_636 : i32
      %ne3A_638 = arith.constant 0 : i32
      %ne3A_639 = arith.cmpi ne, %rem3A_637, %ne3A_638 : i32
      %lt3A_640 = arith.constant 0 : i32
      %lt3A_641 = arith.cmpi slt, %rem3A_637, %lt3A_640 : i32
      %lt3A_642 = arith.constant 0 : i32
      %lt3A_643 = arith.cmpi slt, %select_n3A_636, %lt3A_642 : i32
      %ne3A_644 = arith.xori %lt3A_641, %lt3A_643 : i1
      %and3A_645 = arith.andi %ne3A_644, %ne3A_639 : i1
      %add3A_646 = arith.addi %rem3A_637, %select_n3A_636 : i32
      %select_n3A_647 = arith.select %and3A_645, %add3A_646, %rem3A_637 : i32
      %mul3A_648 = arith.constant 4 : i32
      %mul3A_649 = arith.muli %select_n3A_631, %mul3A_648 : i32
      %add3A_650 = arith.constant 2 : i32
      %add3A_651 = arith.addi %mul3A_649, %add3A_650 : i32
      %mul3A_652 = arith.constant 128 : i32
      %mul3A_653 = arith.muli %add3A_651, %mul3A_652 : i32
      %mul3A_654 = arith.constant 4 : i32
      %mul3A_655 = arith.muli %select_n3A_647, %mul3A_654 : i32
      %add3A_656 = arith.addi %mul3A_653, %mul3A_655 : i32
      %mul3A_657 = arith.constant 1024 : i32
      %mul3A_658 = arith.muli %add3A_656, %mul3A_657 : i32
      %dma_start3A_659 = arith.constant 8192 : i32
      %dma_start3A_660 = tpu.memref_slice %arg8[%dma_start3A_659] : memref<16384xf32, #tpu.memory_space<vmem>> -> memref<4096xf32, #tpu.memory_space<vmem>>
      %dma_start3A_661 = tpu.memref_slice %arg4[%mul3A_658] : memref<26214400xf32, #tpu.memory_space<hbm>> -> memref<4096xf32, #tpu.memory_space<hbm>>
      %dma_start3A_662 = tpu.memref_slice %arg4[%mul3A_658] : memref<26214400xf32, #tpu.memory_space<hbm>> -> memref<4096xf32, #tpu.memory_space<hbm>>
      %dma_start3A_663 = arith.constant 8192 : i32
      %dma_start3A_664 = tpu.memref_slice %arg8[%dma_start3A_663] : memref<16384xf32, #tpu.memory_space<vmem>> -> memref<4096xf32, #tpu.memory_space<vmem>>
      tpu.enqueue_dma source(%dma_start3A_664 : memref<4096xf32, #tpu.memory_space<vmem>>) target(%dma_start3A_662 : memref<4096xf32, #tpu.memory_space<hbm>>) target_semaphore(%arg12 : memref<!tpu.dma_semaphore, #tpu.memory_space<semaphore_mem>>)
      %jit3A_665 = arith.constant 32 : i32
      %div3A_666 = arith.divsi %add3A_476, %jit3A_665 : i32
      %sign3A_667 = arith.constant 0 : i32
      %sign3A_668 = arith.cmpi sgt, %add3A_476, %sign3A_667 : i32
      %sign3A_669 = arith.extui %sign3A_668 : i1 to i32
      %sign3A_670 = arith.constant 0 : i32
      %sign3A_671 = arith.cmpi slt, %add3A_476, %sign3A_670 : i32
      %sign3A_672 = arith.extui %sign3A_671 : i1 to i32
      %sign3A_673 = arith.subi %sign3A_669, %sign3A_672 : i32
      %sign3A_674 = arith.constant 0 : i32
      %sign3A_675 = arith.cmpi sgt, %jit3A_665, %sign3A_674 : i32
      %sign3A_676 = arith.extui %sign3A_675 : i1 to i32
      %sign3A_677 = arith.constant 0 : i32
      %sign3A_678 = arith.cmpi slt, %jit3A_665, %sign3A_677 : i32
      %sign3A_679 = arith.extui %sign3A_678 : i1 to i32
      %sign3A_680 = arith.subi %sign3A_676, %sign3A_679 : i32
      %ne3A_681 = arith.cmpi ne, %sign3A_673, %sign3A_680 : i32
      %rem3A_682 = arith.remsi %add3A_476, %jit3A_665 : i32
      %ne3A_683 = arith.constant 0 : i32
      %ne3A_684 = arith.cmpi ne, %rem3A_682, %ne3A_683 : i32
      %and3A_685 = arith.andi %ne3A_681, %ne3A_684 : i1
      %sub3A_686 = arith.constant 1 : i32
      %sub3A_687 = arith.subi %div3A_666, %sub3A_686 : i32
      %select_n3A_688 = arith.select %and3A_685, %sub3A_687, %div3A_666 : i32
      %jit3A_689 = arith.constant 32 : i32
      %eq3A_690 = arith.constant 0 : i32
      %eq3A_691 = arith.cmpi eq, %jit3A_689, %eq3A_690 : i32
      %jit3A_692 = arith.constant 1 : i32
      %select_n3A_693 = arith.select %eq3A_691, %jit3A_692, %jit3A_689 : i32
      %rem3A_694 = arith.remsi %add3A_476, %select_n3A_693 : i32
      %ne3A_695 = arith.constant 0 : i32
      %ne3A_696 = arith.cmpi ne, %rem3A_694, %ne3A_695 : i32
      %lt3A_697 = arith.constant 0 : i32
      %lt3A_698 = arith.cmpi slt, %rem3A_694, %lt3A_697 : i32
      %lt3A_699 = arith.constant 0 : i32
      %lt3A_700 = arith.cmpi slt, %select_n3A_693, %lt3A_699 : i32
      %ne3A_701 = arith.xori %lt3A_698, %lt3A_700 : i1
      %and3A_702 = arith.andi %ne3A_701, %ne3A_696 : i1
      %add3A_703 = arith.addi %rem3A_694, %select_n3A_693 : i32
      %select_n3A_704 = arith.select %and3A_702, %add3A_703, %rem3A_694 : i32
      %mul3A_705 = arith.constant 4 : i32
      %mul3A_706 = arith.muli %select_n3A_688, %mul3A_705 : i32
      %add3A_707 = arith.constant 3 : i32
      %add3A_708 = arith.addi %mul3A_706, %add3A_707 : i32
      %mul3A_709 = arith.constant 128 : i32
      %mul3A_710 = arith.muli %add3A_708, %mul3A_709 : i32
      %mul3A_711 = arith.constant 4 : i32
      %mul3A_712 = arith.muli %select_n3A_704, %mul3A_711 : i32
      %add3A_713 = arith.addi %mul3A_710, %mul3A_712 : i32
      %mul3A_714 = arith.constant 1024 : i32
      %mul3A_715 = arith.muli %add3A_713, %mul3A_714 : i32
      %dma_start3A_716 = arith.constant 12288 : i32
      %dma_start3A_717 = tpu.memref_slice %arg8[%dma_start3A_716] : memref<16384xf32, #tpu.memory_space<vmem>> -> memref<4096xf32, #tpu.memory_space<vmem>>
      %dma_start3A_718 = tpu.memref_slice %arg4[%mul3A_715] : memref<26214400xf32, #tpu.memory_space<hbm>> -> memref<4096xf32, #tpu.memory_space<hbm>>
      %dma_start3A_719 = tpu.memref_slice %arg4[%mul3A_715] : memref<26214400xf32, #tpu.memory_space<hbm>> -> memref<4096xf32, #tpu.memory_space<hbm>>
      %dma_start3A_720 = arith.constant 12288 : i32
      %dma_start3A_721 = tpu.memref_slice %arg8[%dma_start3A_720] : memref<16384xf32, #tpu.memory_space<vmem>> -> memref<4096xf32, #tpu.memory_space<vmem>>
      tpu.enqueue_dma source(%dma_start3A_721 : memref<4096xf32, #tpu.memory_space<vmem>>) target(%dma_start3A_719 : memref<4096xf32, #tpu.memory_space<hbm>>) target_semaphore(%arg12 : memref<!tpu.dma_semaphore, #tpu.memory_space<semaphore_mem>>)
      %mul3A_722 = arith.constant 2 : i32
      %mul3A_723 = arith.muli %mul3A_722, %scan3A_471 : i32
      %add3A_724 = arith.constant 1 : i32
      %add3A_725 = arith.addi %mul3A_723, %add3A_724 : i32
      %add3A_726 = arith.addi %mul3A_2, %add3A_725 : i32
      %add3A_727 = arith.constant 1 : i32
      %add3A_728 = arith.addi %add3A_725, %add3A_727 : i32
      %lt3A_729 = arith.constant 50 : i32
      %lt3A_730 = arith.cmpi slt, %add3A_728, %lt3A_729 : i32
      %convert_element_type3A_731 = arith.extui %lt3A_730 : i1 to i32
      %cond3A_732 = arith.constant 0 : i32
      %cond3A_733 = arith.cmpi ne, %convert_element_type3A_731, %cond3A_732 : i32
      scf.if %cond3A_733 {
        %add3A_976 = arith.constant 1 : i32
        %add3A_977 = arith.addi %add3A_725, %add3A_976 : i32
        %mul3A_978 = arith.constant 512 : i32
        %mul3A_979 = arith.muli %add3A_977, %mul3A_978 : i32
        %dma_start3A_980 = tpu.memref_slice %arg5[%mul3A_979] : memref<25600xi32, #tpu.memory_space<vmem>> -> memref<512xi32, #tpu.memory_space<vmem>>
        %dma_start3A_981 = arith.constant 0 : i32
        %dma_start3A_982 = arith.constant 0 : i32
        %dma_start3A_983 = tpu.memref_slice %arg3[%dma_start3A_981, %dma_start3A_982] : memref<1000001x32xf32, #tpu.memory_space<hbm>> -> memref<1000001x32xf32, #tpu.memory_space<hbm>>
        tpu.enqueue_indirect_dma source(%dma_start3A_983 : memref<1000001x32xf32, #tpu.memory_space<hbm>>) target(%arg6 : memref<512x32xf32, #tpu.memory_space<vmem>>) offsets(%dma_start3A_980 : memref<512xi32, #tpu.memory_space<vmem>>) semaphore(%arg10 : memref<!tpu.dma_semaphore, #tpu.memory_space<semaphore_mem>>)
      } else {
      }
      %mul3A_734 = arith.constant 512 : i32
      %mul3A_735 = arith.muli %add3A_725, %mul3A_734 : i32
      %dma_wait3A_736 = tpu.memref_slice %arg5[%mul3A_735] : memref<25600xi32, #tpu.memory_space<vmem>> -> memref<512xi32, #tpu.memory_space<vmem>>
      %dma_wait3A_737 = arith.constant 0 : i32
      %dma_wait3A_738 = arith.constant 0 : i32
      %dma_wait3A_739 = tpu.memref_slice %arg3[%dma_wait3A_737, %dma_wait3A_738] : memref<1000001x32xf32, #tpu.memory_space<hbm>> -> memref<1000001x32xf32, #tpu.memory_space<hbm>>
      tpu.wait_indirect_dma semaphore(%arg11 : memref<!tpu.dma_semaphore, #tpu.memory_space<semaphore_mem>>) src(%dma_wait3A_739 : memref<1000001x32xf32, #tpu.memory_space<hbm>>) dst(%arg7 : memref<512x32xf32, #tpu.memory_space<vmem>>)
      %ge3A_740 = arith.constant 2 : i32
      %ge3A_741 = arith.cmpi sge, %add3A_725, %ge3A_740 : i32
      %convert_element_type3A_742 = arith.extui %ge3A_741 : i1 to i32
      %cond3A_743 = arith.constant 0 : i32
      %cond3A_744 = arith.cmpi ne, %convert_element_type3A_742, %cond3A_743 : i32
      scf.if %cond3A_744 {
        %sub3A_976 = arith.constant 2 : i32
        %sub3A_977 = arith.subi %add3A_726, %sub3A_976 : i32
        %jit3A_978 = arith.constant 32 : i32
        %div3A_979 = arith.divsi %sub3A_977, %jit3A_978 : i32
        %sign3A_980 = arith.constant 0 : i32
        %sign3A_981 = arith.cmpi sgt, %sub3A_977, %sign3A_980 : i32
        %sign3A_982 = arith.extui %sign3A_981 : i1 to i32
        %sign3A_983 = arith.constant 0 : i32
        %sign3A_984 = arith.cmpi slt, %sub3A_977, %sign3A_983 : i32
        %sign3A_985 = arith.extui %sign3A_984 : i1 to i32
        %sign3A_986 = arith.subi %sign3A_982, %sign3A_985 : i32
        %sign3A_987 = arith.constant 0 : i32
        %sign3A_988 = arith.cmpi sgt, %jit3A_978, %sign3A_987 : i32
        %sign3A_989 = arith.extui %sign3A_988 : i1 to i32
        %sign3A_990 = arith.constant 0 : i32
        %sign3A_991 = arith.cmpi slt, %jit3A_978, %sign3A_990 : i32
        %sign3A_992 = arith.extui %sign3A_991 : i1 to i32
        %sign3A_993 = arith.subi %sign3A_989, %sign3A_992 : i32
        %ne3A_994 = arith.cmpi ne, %sign3A_986, %sign3A_993 : i32
        %rem3A_995 = arith.remsi %sub3A_977, %jit3A_978 : i32
        %ne3A_996 = arith.constant 0 : i32
        %ne3A_997 = arith.cmpi ne, %rem3A_995, %ne3A_996 : i32
        %and3A_998 = arith.andi %ne3A_994, %ne3A_997 : i1
        %sub3A_999 = arith.constant 1 : i32
        %sub3A_1000 = arith.subi %div3A_979, %sub3A_999 : i32
        %select_n3A_1001 = arith.select %and3A_998, %sub3A_1000, %div3A_979 : i32
        %jit3A_1002 = arith.constant 32 : i32
        %eq3A_1003 = arith.constant 0 : i32
        %eq3A_1004 = arith.cmpi eq, %jit3A_1002, %eq3A_1003 : i32
        %jit3A_1005 = arith.constant 1 : i32
        %select_n3A_1006 = arith.select %eq3A_1004, %jit3A_1005, %jit3A_1002 : i32
        %rem3A_1007 = arith.remsi %sub3A_977, %select_n3A_1006 : i32
        %ne3A_1008 = arith.constant 0 : i32
        %ne3A_1009 = arith.cmpi ne, %rem3A_1007, %ne3A_1008 : i32
        %lt3A_1010 = arith.constant 0 : i32
        %lt3A_1011 = arith.cmpi slt, %rem3A_1007, %lt3A_1010 : i32
        %lt3A_1012 = arith.constant 0 : i32
        %lt3A_1013 = arith.cmpi slt, %select_n3A_1006, %lt3A_1012 : i32
        %ne3A_1014 = arith.xori %lt3A_1011, %lt3A_1013 : i1
        %and3A_1015 = arith.andi %ne3A_1014, %ne3A_1009 : i1
        %add3A_1016 = arith.addi %rem3A_1007, %select_n3A_1006 : i32
        %select_n3A_1017 = arith.select %and3A_1015, %add3A_1016, %rem3A_1007 : i32
        %mul3A_1018 = arith.constant 4 : i32
        %mul3A_1019 = arith.muli %select_n3A_1001, %mul3A_1018 : i32
        %add3A_1020 = arith.constant 0 : i32
        %add3A_1021 = arith.addi %mul3A_1019, %add3A_1020 : i32
        %mul3A_1022 = arith.constant 128 : i32
        %mul3A_1023 = arith.muli %add3A_1021, %mul3A_1022 : i32
        %mul3A_1024 = arith.constant 4 : i32
        %mul3A_1025 = arith.muli %select_n3A_1017, %mul3A_1024 : i32
        %add3A_1026 = arith.addi %mul3A_1023, %mul3A_1025 : i32
        %mul3A_1027 = arith.constant 1024 : i32
        %mul3A_1028 = arith.muli %add3A_1026, %mul3A_1027 : i32
        %dma_wait3A_1029 = arith.constant 0 : i32
        %dma_wait3A_1030 = tpu.memref_slice %arg9[%dma_wait3A_1029] : memref<16384xf32, #tpu.memory_space<vmem>> -> memref<4096xf32, #tpu.memory_space<vmem>>
        %dma_wait3A_1031 = tpu.memref_slice %arg4[%mul3A_1028] : memref<26214400xf32, #tpu.memory_space<hbm>> -> memref<4096xf32, #tpu.memory_space<hbm>>
        %dma_wait3A_1032 = tpu.memref_slice %arg4[%mul3A_1028] : memref<26214400xf32, #tpu.memory_space<hbm>> -> memref<4096xf32, #tpu.memory_space<hbm>>
        %dma_wait3A_1033 = arith.constant 0 : i32
        %dma_wait3A_1034 = tpu.memref_slice %arg9[%dma_wait3A_1033] : memref<16384xf32, #tpu.memory_space<vmem>> -> memref<4096xf32, #tpu.memory_space<vmem>>
        tpu.wait_dma2 semaphore(%arg13 : memref<!tpu.dma_semaphore, #tpu.memory_space<semaphore_mem>>) src(%dma_wait3A_1034 : memref<4096xf32, #tpu.memory_space<vmem>>) dst(%dma_wait3A_1032 : memref<4096xf32, #tpu.memory_space<hbm>>)
        %jit3A_1035 = arith.constant 32 : i32
        %div3A_1036 = arith.divsi %sub3A_977, %jit3A_1035 : i32
        %sign3A_1037 = arith.constant 0 : i32
        %sign3A_1038 = arith.cmpi sgt, %sub3A_977, %sign3A_1037 : i32
        %sign3A_1039 = arith.extui %sign3A_1038 : i1 to i32
        %sign3A_1040 = arith.constant 0 : i32
        %sign3A_1041 = arith.cmpi slt, %sub3A_977, %sign3A_1040 : i32
        %sign3A_1042 = arith.extui %sign3A_1041 : i1 to i32
        %sign3A_1043 = arith.subi %sign3A_1039, %sign3A_1042 : i32
        %sign3A_1044 = arith.constant 0 : i32
        %sign3A_1045 = arith.cmpi sgt, %jit3A_1035, %sign3A_1044 : i32
        %sign3A_1046 = arith.extui %sign3A_1045 : i1 to i32
        %sign3A_1047 = arith.constant 0 : i32
        %sign3A_1048 = arith.cmpi slt, %jit3A_1035, %sign3A_1047 : i32
        %sign3A_1049 = arith.extui %sign3A_1048 : i1 to i32
        %sign3A_1050 = arith.subi %sign3A_1046, %sign3A_1049 : i32
        %ne3A_1051 = arith.cmpi ne, %sign3A_1043, %sign3A_1050 : i32
        %rem3A_1052 = arith.remsi %sub3A_977, %jit3A_1035 : i32
        %ne3A_1053 = arith.constant 0 : i32
        %ne3A_1054 = arith.cmpi ne, %rem3A_1052, %ne3A_1053 : i32
        %and3A_1055 = arith.andi %ne3A_1051, %ne3A_1054 : i1
        %sub3A_1056 = arith.constant 1 : i32
        %sub3A_1057 = arith.subi %div3A_1036, %sub3A_1056 : i32
        %select_n3A_1058 = arith.select %and3A_1055, %sub3A_1057, %div3A_1036 : i32
        %jit3A_1059 = arith.constant 32 : i32
        %eq3A_1060 = arith.constant 0 : i32
        %eq3A_1061 = arith.cmpi eq, %jit3A_1059, %eq3A_1060 : i32
        %jit3A_1062 = arith.constant 1 : i32
        %select_n3A_1063 = arith.select %eq3A_1061, %jit3A_1062, %jit3A_1059 : i32
        %rem3A_1064 = arith.remsi %sub3A_977, %select_n3A_1063 : i32
        %ne3A_1065 = arith.constant 0 : i32
        %ne3A_1066 = arith.cmpi ne, %rem3A_1064, %ne3A_1065 : i32
        %lt3A_1067 = arith.constant 0 : i32
        %lt3A_1068 = arith.cmpi slt, %rem3A_1064, %lt3A_1067 : i32
        %lt3A_1069 = arith.constant 0 : i32
        %lt3A_1070 = arith.cmpi slt, %select_n3A_1063, %lt3A_1069 : i32
        %ne3A_1071 = arith.xori %lt3A_1068, %lt3A_1070 : i1
        %and3A_1072 = arith.andi %ne3A_1071, %ne3A_1066 : i1
        %add3A_1073 = arith.addi %rem3A_1064, %select_n3A_1063 : i32
        %select_n3A_1074 = arith.select %and3A_1072, %add3A_1073, %rem3A_1064 : i32
        %mul3A_1075 = arith.constant 4 : i32
        %mul3A_1076 = arith.muli %select_n3A_1058, %mul3A_1075 : i32
        %add3A_1077 = arith.constant 1 : i32
        %add3A_1078 = arith.addi %mul3A_1076, %add3A_1077 : i32
        %mul3A_1079 = arith.constant 128 : i32
        %mul3A_1080 = arith.muli %add3A_1078, %mul3A_1079 : i32
        %mul3A_1081 = arith.constant 4 : i32
        %mul3A_1082 = arith.muli %select_n3A_1074, %mul3A_1081 : i32
        %add3A_1083 = arith.addi %mul3A_1080, %mul3A_1082 : i32
        %mul3A_1084 = arith.constant 1024 : i32
        %mul3A_1085 = arith.muli %add3A_1083, %mul3A_1084 : i32
        %dma_wait3A_1086 = arith.constant 4096 : i32
        %dma_wait3A_1087 = tpu.memref_slice %arg9[%dma_wait3A_1086] : memref<16384xf32, #tpu.memory_space<vmem>> -> memref<4096xf32, #tpu.memory_space<vmem>>
        %dma_wait3A_1088 = tpu.memref_slice %arg4[%mul3A_1085] : memref<26214400xf32, #tpu.memory_space<hbm>> -> memref<4096xf32, #tpu.memory_space<hbm>>
        %dma_wait3A_1089 = tpu.memref_slice %arg4[%mul3A_1085] : memref<26214400xf32, #tpu.memory_space<hbm>> -> memref<4096xf32, #tpu.memory_space<hbm>>
        %dma_wait3A_1090 = arith.constant 4096 : i32
        %dma_wait3A_1091 = tpu.memref_slice %arg9[%dma_wait3A_1090] : memref<16384xf32, #tpu.memory_space<vmem>> -> memref<4096xf32, #tpu.memory_space<vmem>>
        tpu.wait_dma2 semaphore(%arg13 : memref<!tpu.dma_semaphore, #tpu.memory_space<semaphore_mem>>) src(%dma_wait3A_1091 : memref<4096xf32, #tpu.memory_space<vmem>>) dst(%dma_wait3A_1089 : memref<4096xf32, #tpu.memory_space<hbm>>)
        %jit3A_1092 = arith.constant 32 : i32
        %div3A_1093 = arith.divsi %sub3A_977, %jit3A_1092 : i32
        %sign3A_1094 = arith.constant 0 : i32
        %sign3A_1095 = arith.cmpi sgt, %sub3A_977, %sign3A_1094 : i32
        %sign3A_1096 = arith.extui %sign3A_1095 : i1 to i32
        %sign3A_1097 = arith.constant 0 : i32
        %sign3A_1098 = arith.cmpi slt, %sub3A_977, %sign3A_1097 : i32
        %sign3A_1099 = arith.extui %sign3A_1098 : i1 to i32
        %sign3A_1100 = arith.subi %sign3A_1096, %sign3A_1099 : i32
        %sign3A_1101 = arith.constant 0 : i32
        %sign3A_1102 = arith.cmpi sgt, %jit3A_1092, %sign3A_1101 : i32
        %sign3A_1103 = arith.extui %sign3A_1102 : i1 to i32
        %sign3A_1104 = arith.constant 0 : i32
        %sign3A_1105 = arith.cmpi slt, %jit3A_1092, %sign3A_1104 : i32
        %sign3A_1106 = arith.extui %sign3A_1105 : i1 to i32
        %sign3A_1107 = arith.subi %sign3A_1103, %sign3A_1106 : i32
        %ne3A_1108 = arith.cmpi ne, %sign3A_1100, %sign3A_1107 : i32
        %rem3A_1109 = arith.remsi %sub3A_977, %jit3A_1092 : i32
        %ne3A_1110 = arith.constant 0 : i32
        %ne3A_1111 = arith.cmpi ne, %rem3A_1109, %ne3A_1110 : i32
        %and3A_1112 = arith.andi %ne3A_1108, %ne3A_1111 : i1
        %sub3A_1113 = arith.constant 1 : i32
        %sub3A_1114 = arith.subi %div3A_1093, %sub3A_1113 : i32
        %select_n3A_1115 = arith.select %and3A_1112, %sub3A_1114, %div3A_1093 : i32
        %jit3A_1116 = arith.constant 32 : i32
        %eq3A_1117 = arith.constant 0 : i32
        %eq3A_1118 = arith.cmpi eq, %jit3A_1116, %eq3A_1117 : i32
        %jit3A_1119 = arith.constant 1 : i32
        %select_n3A_1120 = arith.select %eq3A_1118, %jit3A_1119, %jit3A_1116 : i32
        %rem3A_1121 = arith.remsi %sub3A_977, %select_n3A_1120 : i32
        %ne3A_1122 = arith.constant 0 : i32
        %ne3A_1123 = arith.cmpi ne, %rem3A_1121, %ne3A_1122 : i32
        %lt3A_1124 = arith.constant 0 : i32
        %lt3A_1125 = arith.cmpi slt, %rem3A_1121, %lt3A_1124 : i32
        %lt3A_1126 = arith.constant 0 : i32
        %lt3A_1127 = arith.cmpi slt, %select_n3A_1120, %lt3A_1126 : i32
        %ne3A_1128 = arith.xori %lt3A_1125, %lt3A_1127 : i1
        %and3A_1129 = arith.andi %ne3A_1128, %ne3A_1123 : i1
        %add3A_1130 = arith.addi %rem3A_1121, %select_n3A_1120 : i32
        %select_n3A_1131 = arith.select %and3A_1129, %add3A_1130, %rem3A_1121 : i32
        %mul3A_1132 = arith.constant 4 : i32
        %mul3A_1133 = arith.muli %select_n3A_1115, %mul3A_1132 : i32
        %add3A_1134 = arith.constant 2 : i32
        %add3A_1135 = arith.addi %mul3A_1133, %add3A_1134 : i32
        %mul3A_1136 = arith.constant 128 : i32
        %mul3A_1137 = arith.muli %add3A_1135, %mul3A_1136 : i32
        %mul3A_1138 = arith.constant 4 : i32
        %mul3A_1139 = arith.muli %select_n3A_1131, %mul3A_1138 : i32
        %add3A_1140 = arith.addi %mul3A_1137, %mul3A_1139 : i32
        %mul3A_1141 = arith.constant 1024 : i32
        %mul3A_1142 = arith.muli %add3A_1140, %mul3A_1141 : i32
        %dma_wait3A_1143 = arith.constant 8192 : i32
        %dma_wait3A_1144 = tpu.memref_slice %arg9[%dma_wait3A_1143] : memref<16384xf32, #tpu.memory_space<vmem>> -> memref<4096xf32, #tpu.memory_space<vmem>>
        %dma_wait3A_1145 = tpu.memref_slice %arg4[%mul3A_1142] : memref<26214400xf32, #tpu.memory_space<hbm>> -> memref<4096xf32, #tpu.memory_space<hbm>>
        %dma_wait3A_1146 = tpu.memref_slice %arg4[%mul3A_1142] : memref<26214400xf32, #tpu.memory_space<hbm>> -> memref<4096xf32, #tpu.memory_space<hbm>>
        %dma_wait3A_1147 = arith.constant 8192 : i32
        %dma_wait3A_1148 = tpu.memref_slice %arg9[%dma_wait3A_1147] : memref<16384xf32, #tpu.memory_space<vmem>> -> memref<4096xf32, #tpu.memory_space<vmem>>
        tpu.wait_dma2 semaphore(%arg13 : memref<!tpu.dma_semaphore, #tpu.memory_space<semaphore_mem>>) src(%dma_wait3A_1148 : memref<4096xf32, #tpu.memory_space<vmem>>) dst(%dma_wait3A_1146 : memref<4096xf32, #tpu.memory_space<hbm>>)
        %jit3A_1149 = arith.constant 32 : i32
        %div3A_1150 = arith.divsi %sub3A_977, %jit3A_1149 : i32
        %sign3A_1151 = arith.constant 0 : i32
        %sign3A_1152 = arith.cmpi sgt, %sub3A_977, %sign3A_1151 : i32
        %sign3A_1153 = arith.extui %sign3A_1152 : i1 to i32
        %sign3A_1154 = arith.constant 0 : i32
        %sign3A_1155 = arith.cmpi slt, %sub3A_977, %sign3A_1154 : i32
        %sign3A_1156 = arith.extui %sign3A_1155 : i1 to i32
        %sign3A_1157 = arith.subi %sign3A_1153, %sign3A_1156 : i32
        %sign3A_1158 = arith.constant 0 : i32
        %sign3A_1159 = arith.cmpi sgt, %jit3A_1149, %sign3A_1158 : i32
        %sign3A_1160 = arith.extui %sign3A_1159 : i1 to i32
        %sign3A_1161 = arith.constant 0 : i32
        %sign3A_1162 = arith.cmpi slt, %jit3A_1149, %sign3A_1161 : i32
        %sign3A_1163 = arith.extui %sign3A_1162 : i1 to i32
        %sign3A_1164 = arith.subi %sign3A_1160, %sign3A_1163 : i32
        %ne3A_1165 = arith.cmpi ne, %sign3A_1157, %sign3A_1164 : i32
        %rem3A_1166 = arith.remsi %sub3A_977, %jit3A_1149 : i32
        %ne3A_1167 = arith.constant 0 : i32
        %ne3A_1168 = arith.cmpi ne, %rem3A_1166, %ne3A_1167 : i32
        %and3A_1169 = arith.andi %ne3A_1165, %ne3A_1168 : i1
        %sub3A_1170 = arith.constant 1 : i32
        %sub3A_1171 = arith.subi %div3A_1150, %sub3A_1170 : i32
        %select_n3A_1172 = arith.select %and3A_1169, %sub3A_1171, %div3A_1150 : i32
        %jit3A_1173 = arith.constant 32 : i32
        %eq3A_1174 = arith.constant 0 : i32
        %eq3A_1175 = arith.cmpi eq, %jit3A_1173, %eq3A_1174 : i32
        %jit3A_1176 = arith.constant 1 : i32
        %select_n3A_1177 = arith.select %eq3A_1175, %jit3A_1176, %jit3A_1173 : i32
        %rem3A_1178 = arith.remsi %sub3A_977, %select_n3A_1177 : i32
        %ne3A_1179 = arith.constant 0 : i32
        %ne3A_1180 = arith.cmpi ne, %rem3A_1178, %ne3A_1179 : i32
        %lt3A_1181 = arith.constant 0 : i32
        %lt3A_1182 = arith.cmpi slt, %rem3A_1178, %lt3A_1181 : i32
        %lt3A_1183 = arith.constant 0 : i32
        %lt3A_1184 = arith.cmpi slt, %select_n3A_1177, %lt3A_1183 : i32
        %ne3A_1185 = arith.xori %lt3A_1182, %lt3A_1184 : i1
        %and3A_1186 = arith.andi %ne3A_1185, %ne3A_1180 : i1
        %add3A_1187 = arith.addi %rem3A_1178, %select_n3A_1177 : i32
        %select_n3A_1188 = arith.select %and3A_1186, %add3A_1187, %rem3A_1178 : i32
        %mul3A_1189 = arith.constant 4 : i32
        %mul3A_1190 = arith.muli %select_n3A_1172, %mul3A_1189 : i32
        %add3A_1191 = arith.constant 3 : i32
        %add3A_1192 = arith.addi %mul3A_1190, %add3A_1191 : i32
        %mul3A_1193 = arith.constant 128 : i32
        %mul3A_1194 = arith.muli %add3A_1192, %mul3A_1193 : i32
        %mul3A_1195 = arith.constant 4 : i32
        %mul3A_1196 = arith.muli %select_n3A_1188, %mul3A_1195 : i32
        %add3A_1197 = arith.addi %mul3A_1194, %mul3A_1196 : i32
        %mul3A_1198 = arith.constant 1024 : i32
        %mul3A_1199 = arith.muli %add3A_1197, %mul3A_1198 : i32
        %dma_wait3A_1200 = arith.constant 12288 : i32
        %dma_wait3A_1201 = tpu.memref_slice %arg9[%dma_wait3A_1200] : memref<16384xf32, #tpu.memory_space<vmem>> -> memref<4096xf32, #tpu.memory_space<vmem>>
        %dma_wait3A_1202 = tpu.memref_slice %arg4[%mul3A_1199] : memref<26214400xf32, #tpu.memory_space<hbm>> -> memref<4096xf32, #tpu.memory_space<hbm>>
        %dma_wait3A_1203 = tpu.memref_slice %arg4[%mul3A_1199] : memref<26214400xf32, #tpu.memory_space<hbm>> -> memref<4096xf32, #tpu.memory_space<hbm>>
        %dma_wait3A_1204 = arith.constant 12288 : i32
        %dma_wait3A_1205 = tpu.memref_slice %arg9[%dma_wait3A_1204] : memref<16384xf32, #tpu.memory_space<vmem>> -> memref<4096xf32, #tpu.memory_space<vmem>>
        tpu.wait_dma2 semaphore(%arg13 : memref<!tpu.dma_semaphore, #tpu.memory_space<semaphore_mem>>) src(%dma_wait3A_1205 : memref<4096xf32, #tpu.memory_space<vmem>>) dst(%dma_wait3A_1203 : memref<4096xf32, #tpu.memory_space<hbm>>)
      } else {
      }
      %parallel_loop3A_745 = arith.constant 0 : i32
      %parallel_loop3A_746 = arith.constant 32 : i32
      %parallel_loop3A_747 = arith.constant 1 : i32
      scf.for %parallel_loop3A_976 = %parallel_loop3A_745 to %parallel_loop3A_746 step %parallel_loop3A_747  : i32 {
        %parallel_loop3A_977 = arith.constant 16 : i32
        %parallel_loop3A_978 = arith.muli %parallel_loop3A_976, %parallel_loop3A_977 : i32
        %parallel_loop3A_979 = vector.broadcast %parallel_loop3A_978 : i32 to vector<16xi32>
        %parallel_loop3A_980 = arith.addi %iota3A, %parallel_loop3A_979 : vector<16xi32>
        %parallel_loop3A_981 = arith.constant 128 : i32
        %parallel_loop3A_982 = arith.divsi %parallel_loop3A_978, %parallel_loop3A_981 : i32
        %parallel_loop3A_983 = arith.constant 0 : i32
        %parallel_loop3A_984 = arith.cmpi sgt, %parallel_loop3A_978, %parallel_loop3A_983 : i32
        %parallel_loop3A_985 = arith.extui %parallel_loop3A_984 : i1 to i32
        %parallel_loop3A_986 = arith.constant 0 : i32
        %parallel_loop3A_987 = arith.cmpi slt, %parallel_loop3A_978, %parallel_loop3A_986 : i32
        %parallel_loop3A_988 = arith.extui %parallel_loop3A_987 : i1 to i32
        %parallel_loop3A_989 = arith.subi %parallel_loop3A_985, %parallel_loop3A_988 : i32
        %parallel_loop3A_990 = arith.constant 0 : i32
        %parallel_loop3A_991 = arith.cmpi sgt, %parallel_loop3A_981, %parallel_loop3A_990 : i32
        %parallel_loop3A_992 = arith.extui %parallel_loop3A_991 : i1 to i32
        %parallel_loop3A_993 = arith.constant 0 : i32
        %parallel_loop3A_994 = arith.cmpi slt, %parallel_loop3A_981, %parallel_loop3A_993 : i32
        %parallel_loop3A_995 = arith.extui %parallel_loop3A_994 : i1 to i32
        %parallel_loop3A_996 = arith.subi %parallel_loop3A_992, %parallel_loop3A_995 : i32
        %parallel_loop3A_997 = arith.cmpi ne, %parallel_loop3A_989, %parallel_loop3A_996 : i32
        %parallel_loop3A_998 = arith.remsi %parallel_loop3A_978, %parallel_loop3A_981 : i32
        %parallel_loop3A_999 = arith.constant 0 : i32
        %parallel_loop3A_1000 = arith.cmpi ne, %parallel_loop3A_998, %parallel_loop3A_999 : i32
        %parallel_loop3A_1001 = arith.andi %parallel_loop3A_997, %parallel_loop3A_1000 : i1
        %parallel_loop3A_1002 = arith.constant 1 : i32
        %parallel_loop3A_1003 = arith.subi %parallel_loop3A_982, %parallel_loop3A_1002 : i32
        %parallel_loop3A_1004 = arith.select %parallel_loop3A_1001, %parallel_loop3A_1003, %parallel_loop3A_982 : i32
        %parallel_loop3A_1005 = arith.constant 1024 : i32
        %parallel_loop3A_1006 = arith.muli %parallel_loop3A_1004, %parallel_loop3A_1005 : i32
        %parallel_loop3A_1007 = arith.constant 128 : i32
        %parallel_loop3A_1008 = arith.constant 0 : i32
        %parallel_loop3A_1009 = arith.cmpi eq, %parallel_loop3A_1007, %parallel_loop3A_1008 : i32
        %parallel_loop3A_1010 = arith.constant 1 : i32
        %parallel_loop3A_1011 = arith.select %parallel_loop3A_1009, %parallel_loop3A_1010, %parallel_loop3A_1007 : i32
        %parallel_loop3A_1012 = arith.remsi %parallel_loop3A_978, %parallel_loop3A_1011 : i32
        %parallel_loop3A_1013 = arith.constant 0 : i32
        %parallel_loop3A_1014 = arith.cmpi ne, %parallel_loop3A_1012, %parallel_loop3A_1013 : i32
        %parallel_loop3A_1015 = arith.constant 0 : i32
        %parallel_loop3A_1016 = arith.cmpi slt, %parallel_loop3A_1012, %parallel_loop3A_1015 : i32
        %parallel_loop3A_1017 = arith.constant 0 : i32
        %parallel_loop3A_1018 = arith.cmpi slt, %parallel_loop3A_1011, %parallel_loop3A_1017 : i32
        %parallel_loop3A_1019 = arith.xori %parallel_loop3A_1016, %parallel_loop3A_1018 : i1
        %parallel_loop3A_1020 = arith.andi %parallel_loop3A_1019, %parallel_loop3A_1014 : i1
        %parallel_loop3A_1021 = arith.addi %parallel_loop3A_1012, %parallel_loop3A_1011 : i32
        %parallel_loop3A_1022 = arith.select %parallel_loop3A_1020, %parallel_loop3A_1021, %parallel_loop3A_1012 : i32
        %parallel_loop3A_1023 = arith.addi %parallel_loop3A_1006, %parallel_loop3A_1022 : i32
        %parallel_loop3A_1024 = vector.broadcast %parallel_loop3A_1023 : i32 to vector<16xi32>
        %parallel_loop3A_1025 = arith.addi %parallel_loop3A_1024, %iota3A : vector<16xi32>
        %parallel_loop3A_1026 = arith.constant 0 : i32
        %parallel_loop3A_1027 = vector.broadcast %parallel_loop3A_1026 : i32 to vector<16xi32>
        %parallel_loop3A_1028 = arith.addi %iota3A, %parallel_loop3A_1027 : vector<16xi32>
        %parallel_loop3A_1029 = arith.constant 31 : i32
        %parallel_loop3A_1030 = vector.broadcast %parallel_loop3A_1029 : i32 to vector<16xi32>
        %parallel_loop3A_1031 = arith.andi %parallel_loop3A_1028, %parallel_loop3A_1030 : vector<16xi32>
        %parallel_loop3A_1032 = arith.constant 24 : i32
        %parallel_loop3A_1033 = vector.broadcast %parallel_loop3A_1032 : i32 to vector<16xi32>
        %parallel_loop3A_1034 = arith.andi %parallel_loop3A_1031, %parallel_loop3A_1033 : vector<16xi32>
        %parallel_loop3A_1035 = arith.constant 9 : i32
        %parallel_loop3A_1036 = vector.broadcast %parallel_loop3A_1035 : i32 to vector<16xi32>
        %parallel_loop3A_1037 = arith.shli %parallel_loop3A_1034, %parallel_loop3A_1036 : vector<16xi32>
        %parallel_loop3A_1038 = arith.constant 7 : i32
        %parallel_loop3A_1039 = vector.broadcast %parallel_loop3A_1038 : i32 to vector<16xi32>
        %parallel_loop3A_1040 = arith.andi %parallel_loop3A_1031, %parallel_loop3A_1039 : vector<16xi32>
        %parallel_loop3A_1041 = arith.constant 7 : i32
        %parallel_loop3A_1042 = vector.broadcast %parallel_loop3A_1041 : i32 to vector<16xi32>
        %parallel_loop3A_1043 = arith.shli %parallel_loop3A_1040, %parallel_loop3A_1042 : vector<16xi32>
        %parallel_loop3A_1044 = arith.addi %parallel_loop3A_1037, %parallel_loop3A_1043 : vector<16xi32>
        %parallel_loop3A_1045 = tpu.vector_load_idx %arg7[%parallel_loop3A_980, %parallel_loop3A_1031] : memref<512x32xf32, #tpu.memory_space<vmem>>[vector<16xi32>, vector<16xi32>], vector<16xf32>,
        %parallel_loop3A_1046 = arith.addi %parallel_loop3A_1044, %parallel_loop3A_1025 : vector<16xi32>
        tpu.vector_store_idx %arg9[%parallel_loop3A_1046], %parallel_loop3A_1045 : memref<16384xf32, #tpu.memory_space<vmem>>[vector<16xi32>], vector<16xf32>,
        %parallel_loop3A_1047 = arith.constant 1 : i32
        %parallel_loop3A_1048 = vector.broadcast %parallel_loop3A_1047 : i32 to vector<16xi32>
        %parallel_loop3A_1049 = arith.addi %iota3A, %parallel_loop3A_1048 : vector<16xi32>
        %parallel_loop3A_1050 = arith.constant 31 : i32
        %parallel_loop3A_1051 = vector.broadcast %parallel_loop3A_1050 : i32 to vector<16xi32>
        %parallel_loop3A_1052 = arith.andi %parallel_loop3A_1049, %parallel_loop3A_1051 : vector<16xi32>
        %parallel_loop3A_1053 = arith.constant 24 : i32
        %parallel_loop3A_1054 = vector.broadcast %parallel_loop3A_1053 : i32 to vector<16xi32>
        %parallel_loop3A_1055 = arith.andi %parallel_loop3A_1052, %parallel_loop3A_1054 : vector<16xi32>
        %parallel_loop3A_1056 = arith.constant 9 : i32
        %parallel_loop3A_1057 = vector.broadcast %parallel_loop3A_1056 : i32 to vector<16xi32>
        %parallel_loop3A_1058 = arith.shli %parallel_loop3A_1055, %parallel_loop3A_1057 : vector<16xi32>
        %parallel_loop3A_1059 = arith.constant 7 : i32
        %parallel_loop3A_1060 = vector.broadcast %parallel_loop3A_1059 : i32 to vector<16xi32>
        %parallel_loop3A_1061 = arith.andi %parallel_loop3A_1052, %parallel_loop3A_1060 : vector<16xi32>
        %parallel_loop3A_1062 = arith.constant 7 : i32
        %parallel_loop3A_1063 = vector.broadcast %parallel_loop3A_1062 : i32 to vector<16xi32>
        %parallel_loop3A_1064 = arith.shli %parallel_loop3A_1061, %parallel_loop3A_1063 : vector<16xi32>
        %parallel_loop3A_1065 = arith.addi %parallel_loop3A_1058, %parallel_loop3A_1064 : vector<16xi32>
        %parallel_loop3A_1066 = tpu.vector_load_idx %arg7[%parallel_loop3A_980, %parallel_loop3A_1052] : memref<512x32xf32, #tpu.memory_space<vmem>>[vector<16xi32>, vector<16xi32>], vector<16xf32>,
        %parallel_loop3A_1067 = arith.addi %parallel_loop3A_1065, %parallel_loop3A_1025 : vector<16xi32>
        tpu.vector_store_idx %arg9[%parallel_loop3A_1067], %parallel_loop3A_1066 : memref<16384xf32, #tpu.memory_space<vmem>>[vector<16xi32>], vector<16xf32>,
        %parallel_loop3A_1068 = arith.constant 2 : i32
        %parallel_loop3A_1069 = vector.broadcast %parallel_loop3A_1068 : i32 to vector<16xi32>
        %parallel_loop3A_1070 = arith.addi %iota3A, %parallel_loop3A_1069 : vector<16xi32>
        %parallel_loop3A_1071 = arith.constant 31 : i32
        %parallel_loop3A_1072 = vector.broadcast %parallel_loop3A_1071 : i32 to vector<16xi32>
        %parallel_loop3A_1073 = arith.andi %parallel_loop3A_1070, %parallel_loop3A_1072 : vector<16xi32>
        %parallel_loop3A_1074 = arith.constant 24 : i32
        %parallel_loop3A_1075 = vector.broadcast %parallel_loop3A_1074 : i32 to vector<16xi32>
        %parallel_loop3A_1076 = arith.andi %parallel_loop3A_1073, %parallel_loop3A_1075 : vector<16xi32>
        %parallel_loop3A_1077 = arith.constant 9 : i32
        %parallel_loop3A_1078 = vector.broadcast %parallel_loop3A_1077 : i32 to vector<16xi32>
        %parallel_loop3A_1079 = arith.shli %parallel_loop3A_1076, %parallel_loop3A_1078 : vector<16xi32>
        %parallel_loop3A_1080 = arith.constant 7 : i32
        %parallel_loop3A_1081 = vector.broadcast %parallel_loop3A_1080 : i32 to vector<16xi32>
        %parallel_loop3A_1082 = arith.andi %parallel_loop3A_1073, %parallel_loop3A_1081 : vector<16xi32>
        %parallel_loop3A_1083 = arith.constant 7 : i32
        %parallel_loop3A_1084 = vector.broadcast %parallel_loop3A_1083 : i32 to vector<16xi32>
        %parallel_loop3A_1085 = arith.shli %parallel_loop3A_1082, %parallel_loop3A_1084 : vector<16xi32>
        %parallel_loop3A_1086 = arith.addi %parallel_loop3A_1079, %parallel_loop3A_1085 : vector<16xi32>
        %parallel_loop3A_1087 = tpu.vector_load_idx %arg7[%parallel_loop3A_980, %parallel_loop3A_1073] : memref<512x32xf32, #tpu.memory_space<vmem>>[vector<16xi32>, vector<16xi32>], vector<16xf32>,
        %parallel_loop3A_1088 = arith.addi %parallel_loop3A_1086, %parallel_loop3A_1025 : vector<16xi32>
        tpu.vector_store_idx %arg9[%parallel_loop3A_1088], %parallel_loop3A_1087 : memref<16384xf32, #tpu.memory_space<vmem>>[vector<16xi32>], vector<16xf32>,
        %parallel_loop3A_1089 = arith.constant 3 : i32
        %parallel_loop3A_1090 = vector.broadcast %parallel_loop3A_1089 : i32 to vector<16xi32>
        %parallel_loop3A_1091 = arith.addi %iota3A, %parallel_loop3A_1090 : vector<16xi32>
        %parallel_loop3A_1092 = arith.constant 31 : i32
        %parallel_loop3A_1093 = vector.broadcast %parallel_loop3A_1092 : i32 to vector<16xi32>
        %parallel_loop3A_1094 = arith.andi %parallel_loop3A_1091, %parallel_loop3A_1093 : vector<16xi32>
        %parallel_loop3A_1095 = arith.constant 24 : i32
        %parallel_loop3A_1096 = vector.broadcast %parallel_loop3A_1095 : i32 to vector<16xi32>
        %parallel_loop3A_1097 = arith.andi %parallel_loop3A_1094, %parallel_loop3A_1096 : vector<16xi32>
        %parallel_loop3A_1098 = arith.constant 9 : i32
        %parallel_loop3A_1099 = vector.broadcast %parallel_loop3A_1098 : i32 to vector<16xi32>
        %parallel_loop3A_1100 = arith.shli %parallel_loop3A_1097, %parallel_loop3A_1099 : vector<16xi32>
        %parallel_loop3A_1101 = arith.constant 7 : i32
        %parallel_loop3A_1102 = vector.broadcast %parallel_loop3A_1101 : i32 to vector<16xi32>
        %parallel_loop3A_1103 = arith.andi %parallel_loop3A_1094, %parallel_loop3A_1102 : vector<16xi32>
        %parallel_loop3A_1104 = arith.constant 7 : i32
        %parallel_loop3A_1105 = vector.broadcast %parallel_loop3A_1104 : i32 to vector<16xi32>
        %parallel_loop3A_1106 = arith.shli %parallel_loop3A_1103, %parallel_loop3A_1105 : vector<16xi32>
        %parallel_loop3A_1107 = arith.addi %parallel_loop3A_1100, %parallel_loop3A_1106 : vector<16xi32>
        %parallel_loop3A_1108 = tpu.vector_load_idx %arg7[%parallel_loop3A_980, %parallel_loop3A_1094] : memref<512x32xf32, #tpu.memory_space<vmem>>[vector<16xi32>, vector<16xi32>], vector<16xf32>,
        %parallel_loop3A_1109 = arith.addi %parallel_loop3A_1107, %parallel_loop3A_1025 : vector<16xi32>
        tpu.vector_store_idx %arg9[%parallel_loop3A_1109], %parallel_loop3A_1108 : memref<16384xf32, #tpu.memory_space<vmem>>[vector<16xi32>], vector<16xf32>,
        %parallel_loop3A_1110 = arith.constant 4 : i32
        %parallel_loop3A_1111 = vector.broadcast %parallel_loop3A_1110 : i32 to vector<16xi32>
        %parallel_loop3A_1112 = arith.addi %iota3A, %parallel_loop3A_1111 : vector<16xi32>
        %parallel_loop3A_1113 = arith.constant 31 : i32
        %parallel_loop3A_1114 = vector.broadcast %parallel_loop3A_1113 : i32 to vector<16xi32>
        %parallel_loop3A_1115 = arith.andi %parallel_loop3A_1112, %parallel_loop3A_1114 : vector<16xi32>
        %parallel_loop3A_1116 = arith.constant 24 : i32
        %parallel_loop3A_1117 = vector.broadcast %parallel_loop3A_1116 : i32 to vector<16xi32>
        %parallel_loop3A_1118 = arith.andi %parallel_loop3A_1115, %parallel_loop3A_1117 : vector<16xi32>
        %parallel_loop3A_1119 = arith.constant 9 : i32
        %parallel_loop3A_1120 = vector.broadcast %parallel_loop3A_1119 : i32 to vector<16xi32>
        %parallel_loop3A_1121 = arith.shli %parallel_loop3A_1118, %parallel_loop3A_1120 : vector<16xi32>
        %parallel_loop3A_1122 = arith.constant 7 : i32
        %parallel_loop3A_1123 = vector.broadcast %parallel_loop3A_1122 : i32 to vector<16xi32>
        %parallel_loop3A_1124 = arith.andi %parallel_loop3A_1115, %parallel_loop3A_1123 : vector<16xi32>
        %parallel_loop3A_1125 = arith.constant 7 : i32
        %parallel_loop3A_1126 = vector.broadcast %parallel_loop3A_1125 : i32 to vector<16xi32>
        %parallel_loop3A_1127 = arith.shli %parallel_loop3A_1124, %parallel_loop3A_1126 : vector<16xi32>
        %parallel_loop3A_1128 = arith.addi %parallel_loop3A_1121, %parallel_loop3A_1127 : vector<16xi32>
        %parallel_loop3A_1129 = tpu.vector_load_idx %arg7[%parallel_loop3A_980, %parallel_loop3A_1115] : memref<512x32xf32, #tpu.memory_space<vmem>>[vector<16xi32>, vector<16xi32>], vector<16xf32>,
        %parallel_loop3A_1130 = arith.addi %parallel_loop3A_1128, %parallel_loop3A_1025 : vector<16xi32>
        tpu.vector_store_idx %arg9[%parallel_loop3A_1130], %parallel_loop3A_1129 : memref<16384xf32, #tpu.memory_space<vmem>>[vector<16xi32>], vector<16xf32>,
        %parallel_loop3A_1131 = arith.constant 5 : i32
        %parallel_loop3A_1132 = vector.broadcast %parallel_loop3A_1131 : i32 to vector<16xi32>
        %parallel_loop3A_1133 = arith.addi %iota3A, %parallel_loop3A_1132 : vector<16xi32>
        %parallel_loop3A_1134 = arith.constant 31 : i32
        %parallel_loop3A_1135 = vector.broadcast %parallel_loop3A_1134 : i32 to vector<16xi32>
        %parallel_loop3A_1136 = arith.andi %parallel_loop3A_1133, %parallel_loop3A_1135 : vector<16xi32>
        %parallel_loop3A_1137 = arith.constant 24 : i32
        %parallel_loop3A_1138 = vector.broadcast %parallel_loop3A_1137 : i32 to vector<16xi32>
        %parallel_loop3A_1139 = arith.andi %parallel_loop3A_1136, %parallel_loop3A_1138 : vector<16xi32>
        %parallel_loop3A_1140 = arith.constant 9 : i32
        %parallel_loop3A_1141 = vector.broadcast %parallel_loop3A_1140 : i32 to vector<16xi32>
        %parallel_loop3A_1142 = arith.shli %parallel_loop3A_1139, %parallel_loop3A_1141 : vector<16xi32>
        %parallel_loop3A_1143 = arith.constant 7 : i32
        %parallel_loop3A_1144 = vector.broadcast %parallel_loop3A_1143 : i32 to vector<16xi32>
        %parallel_loop3A_1145 = arith.andi %parallel_loop3A_1136, %parallel_loop3A_1144 : vector<16xi32>
        %parallel_loop3A_1146 = arith.constant 7 : i32
        %parallel_loop3A_1147 = vector.broadcast %parallel_loop3A_1146 : i32 to vector<16xi32>
        %parallel_loop3A_1148 = arith.shli %parallel_loop3A_1145, %parallel_loop3A_1147 : vector<16xi32>
        %parallel_loop3A_1149 = arith.addi %parallel_loop3A_1142, %parallel_loop3A_1148 : vector<16xi32>
        %parallel_loop3A_1150 = tpu.vector_load_idx %arg7[%parallel_loop3A_980, %parallel_loop3A_1136] : memref<512x32xf32, #tpu.memory_space<vmem>>[vector<16xi32>, vector<16xi32>], vector<16xf32>,
        %parallel_loop3A_1151 = arith.addi %parallel_loop3A_1149, %parallel_loop3A_1025 : vector<16xi32>
        tpu.vector_store_idx %arg9[%parallel_loop3A_1151], %parallel_loop3A_1150 : memref<16384xf32, #tpu.memory_space<vmem>>[vector<16xi32>], vector<16xf32>,
        %parallel_loop3A_1152 = arith.constant 6 : i32
        %parallel_loop3A_1153 = vector.broadcast %parallel_loop3A_1152 : i32 to vector<16xi32>
        %parallel_loop3A_1154 = arith.addi %iota3A, %parallel_loop3A_1153 : vector<16xi32>
        %parallel_loop3A_1155 = arith.constant 31 : i32
        %parallel_loop3A_1156 = vector.broadcast %parallel_loop3A_1155 : i32 to vector<16xi32>
        %parallel_loop3A_1157 = arith.andi %parallel_loop3A_1154, %parallel_loop3A_1156 : vector<16xi32>
        %parallel_loop3A_1158 = arith.constant 24 : i32
        %parallel_loop3A_1159 = vector.broadcast %parallel_loop3A_1158 : i32 to vector<16xi32>
        %parallel_loop3A_1160 = arith.andi %parallel_loop3A_1157, %parallel_loop3A_1159 : vector<16xi32>
        %parallel_loop3A_1161 = arith.constant 9 : i32
        %parallel_loop3A_1162 = vector.broadcast %parallel_loop3A_1161 : i32 to vector<16xi32>
        %parallel_loop3A_1163 = arith.shli %parallel_loop3A_1160, %parallel_loop3A_1162 : vector<16xi32>
        %parallel_loop3A_1164 = arith.constant 7 : i32
        %parallel_loop3A_1165 = vector.broadcast %parallel_loop3A_1164 : i32 to vector<16xi32>
        %parallel_loop3A_1166 = arith.andi %parallel_loop3A_1157, %parallel_loop3A_1165 : vector<16xi32>
        %parallel_loop3A_1167 = arith.constant 7 : i32
        %parallel_loop3A_1168 = vector.broadcast %parallel_loop3A_1167 : i32 to vector<16xi32>
        %parallel_loop3A_1169 = arith.shli %parallel_loop3A_1166, %parallel_loop3A_1168 : vector<16xi32>
        %parallel_loop3A_1170 = arith.addi %parallel_loop3A_1163, %parallel_loop3A_1169 : vector<16xi32>
        %parallel_loop3A_1171 = tpu.vector_load_idx %arg7[%parallel_loop3A_980, %parallel_loop3A_1157] : memref<512x32xf32, #tpu.memory_space<vmem>>[vector<16xi32>, vector<16xi32>], vector<16xf32>,
        %parallel_loop3A_1172 = arith.addi %parallel_loop3A_1170, %parallel_loop3A_1025 : vector<16xi32>
        tpu.vector_store_idx %arg9[%parallel_loop3A_1172], %parallel_loop3A_1171 : memref<16384xf32, #tpu.memory_space<vmem>>[vector<16xi32>], vector<16xf32>,
        %parallel_loop3A_1173 = arith.constant 7 : i32
        %parallel_loop3A_1174 = vector.broadcast %parallel_loop3A_1173 : i32 to vector<16xi32>
        %parallel_loop3A_1175 = arith.addi %iota3A, %parallel_loop3A_1174 : vector<16xi32>
        %parallel_loop3A_1176 = arith.constant 31 : i32
        %parallel_loop3A_1177 = vector.broadcast %parallel_loop3A_1176 : i32 to vector<16xi32>
        %parallel_loop3A_1178 = arith.andi %parallel_loop3A_1175, %parallel_loop3A_1177 : vector<16xi32>
        %parallel_loop3A_1179 = arith.constant 24 : i32
        %parallel_loop3A_1180 = vector.broadcast %parallel_loop3A_1179 : i32 to vector<16xi32>
        %parallel_loop3A_1181 = arith.andi %parallel_loop3A_1178, %parallel_loop3A_1180 : vector<16xi32>
        %parallel_loop3A_1182 = arith.constant 9 : i32
        %parallel_loop3A_1183 = vector.broadcast %parallel_loop3A_1182 : i32 to vector<16xi32>
        %parallel_loop3A_1184 = arith.shli %parallel_loop3A_1181, %parallel_loop3A_1183 : vector<16xi32>
        %parallel_loop3A_1185 = arith.constant 7 : i32
        %parallel_loop3A_1186 = vector.broadcast %parallel_loop3A_1185 : i32 to vector<16xi32>
        %parallel_loop3A_1187 = arith.andi %parallel_loop3A_1178, %parallel_loop3A_1186 : vector<16xi32>
        %parallel_loop3A_1188 = arith.constant 7 : i32
        %parallel_loop3A_1189 = vector.broadcast %parallel_loop3A_1188 : i32 to vector<16xi32>
        %parallel_loop3A_1190 = arith.shli %parallel_loop3A_1187, %parallel_loop3A_1189 : vector<16xi32>
        %parallel_loop3A_1191 = arith.addi %parallel_loop3A_1184, %parallel_loop3A_1190 : vector<16xi32>
        %parallel_loop3A_1192 = tpu.vector_load_idx %arg7[%parallel_loop3A_980, %parallel_loop3A_1178] : memref<512x32xf32, #tpu.memory_space<vmem>>[vector<16xi32>, vector<16xi32>], vector<16xf32>,
        %parallel_loop3A_1193 = arith.addi %parallel_loop3A_1191, %parallel_loop3A_1025 : vector<16xi32>
        tpu.vector_store_idx %arg9[%parallel_loop3A_1193], %parallel_loop3A_1192 : memref<16384xf32, #tpu.memory_space<vmem>>[vector<16xi32>], vector<16xf32>,
        %parallel_loop3A_1194 = arith.constant 8 : i32
        %parallel_loop3A_1195 = vector.broadcast %parallel_loop3A_1194 : i32 to vector<16xi32>
        %parallel_loop3A_1196 = arith.addi %iota3A, %parallel_loop3A_1195 : vector<16xi32>
        %parallel_loop3A_1197 = arith.constant 31 : i32
        %parallel_loop3A_1198 = vector.broadcast %parallel_loop3A_1197 : i32 to vector<16xi32>
        %parallel_loop3A_1199 = arith.andi %parallel_loop3A_1196, %parallel_loop3A_1198 : vector<16xi32>
        %parallel_loop3A_1200 = arith.constant 24 : i32
        %parallel_loop3A_1201 = vector.broadcast %parallel_loop3A_1200 : i32 to vector<16xi32>
        %parallel_loop3A_1202 = arith.andi %parallel_loop3A_1199, %parallel_loop3A_1201 : vector<16xi32>
        %parallel_loop3A_1203 = arith.constant 9 : i32
        %parallel_loop3A_1204 = vector.broadcast %parallel_loop3A_1203 : i32 to vector<16xi32>
        %parallel_loop3A_1205 = arith.shli %parallel_loop3A_1202, %parallel_loop3A_1204 : vector<16xi32>
        %parallel_loop3A_1206 = arith.constant 7 : i32
        %parallel_loop3A_1207 = vector.broadcast %parallel_loop3A_1206 : i32 to vector<16xi32>
        %parallel_loop3A_1208 = arith.andi %parallel_loop3A_1199, %parallel_loop3A_1207 : vector<16xi32>
        %parallel_loop3A_1209 = arith.constant 7 : i32
        %parallel_loop3A_1210 = vector.broadcast %parallel_loop3A_1209 : i32 to vector<16xi32>
        %parallel_loop3A_1211 = arith.shli %parallel_loop3A_1208, %parallel_loop3A_1210 : vector<16xi32>
        %parallel_loop3A_1212 = arith.addi %parallel_loop3A_1205, %parallel_loop3A_1211 : vector<16xi32>
        %parallel_loop3A_1213 = tpu.vector_load_idx %arg7[%parallel_loop3A_980, %parallel_loop3A_1199] : memref<512x32xf32, #tpu.memory_space<vmem>>[vector<16xi32>, vector<16xi32>], vector<16xf32>,
        %parallel_loop3A_1214 = arith.addi %parallel_loop3A_1212, %parallel_loop3A_1025 : vector<16xi32>
        tpu.vector_store_idx %arg9[%parallel_loop3A_1214], %parallel_loop3A_1213 : memref<16384xf32, #tpu.memory_space<vmem>>[vector<16xi32>], vector<16xf32>,
        %parallel_loop3A_1215 = arith.constant 9 : i32
        %parallel_loop3A_1216 = vector.broadcast %parallel_loop3A_1215 : i32 to vector<16xi32>
        %parallel_loop3A_1217 = arith.addi %iota3A, %parallel_loop3A_1216 : vector<16xi32>
        %parallel_loop3A_1218 = arith.constant 31 : i32
        %parallel_loop3A_1219 = vector.broadcast %parallel_loop3A_1218 : i32 to vector<16xi32>
        %parallel_loop3A_1220 = arith.andi %parallel_loop3A_1217, %parallel_loop3A_1219 : vector<16xi32>
        %parallel_loop3A_1221 = arith.constant 24 : i32
        %parallel_loop3A_1222 = vector.broadcast %parallel_loop3A_1221 : i32 to vector<16xi32>
        %parallel_loop3A_1223 = arith.andi %parallel_loop3A_1220, %parallel_loop3A_1222 : vector<16xi32>
        %parallel_loop3A_1224 = arith.constant 9 : i32
        %parallel_loop3A_1225 = vector.broadcast %parallel_loop3A_1224 : i32 to vector<16xi32>
        %parallel_loop3A_1226 = arith.shli %parallel_loop3A_1223, %parallel_loop3A_1225 : vector<16xi32>
        %parallel_loop3A_1227 = arith.constant 7 : i32
        %parallel_loop3A_1228 = vector.broadcast %parallel_loop3A_1227 : i32 to vector<16xi32>
        %parallel_loop3A_1229 = arith.andi %parallel_loop3A_1220, %parallel_loop3A_1228 : vector<16xi32>
        %parallel_loop3A_1230 = arith.constant 7 : i32
        %parallel_loop3A_1231 = vector.broadcast %parallel_loop3A_1230 : i32 to vector<16xi32>
        %parallel_loop3A_1232 = arith.shli %parallel_loop3A_1229, %parallel_loop3A_1231 : vector<16xi32>
        %parallel_loop3A_1233 = arith.addi %parallel_loop3A_1226, %parallel_loop3A_1232 : vector<16xi32>
        %parallel_loop3A_1234 = tpu.vector_load_idx %arg7[%parallel_loop3A_980, %parallel_loop3A_1220] : memref<512x32xf32, #tpu.memory_space<vmem>>[vector<16xi32>, vector<16xi32>], vector<16xf32>,
        %parallel_loop3A_1235 = arith.addi %parallel_loop3A_1233, %parallel_loop3A_1025 : vector<16xi32>
        tpu.vector_store_idx %arg9[%parallel_loop3A_1235], %parallel_loop3A_1234 : memref<16384xf32, #tpu.memory_space<vmem>>[vector<16xi32>], vector<16xf32>,
        %parallel_loop3A_1236 = arith.constant 10 : i32
        %parallel_loop3A_1237 = vector.broadcast %parallel_loop3A_1236 : i32 to vector<16xi32>
        %parallel_loop3A_1238 = arith.addi %iota3A, %parallel_loop3A_1237 : vector<16xi32>
        %parallel_loop3A_1239 = arith.constant 31 : i32
        %parallel_loop3A_1240 = vector.broadcast %parallel_loop3A_1239 : i32 to vector<16xi32>
        %parallel_loop3A_1241 = arith.andi %parallel_loop3A_1238, %parallel_loop3A_1240 : vector<16xi32>
        %parallel_loop3A_1242 = arith.constant 24 : i32
        %parallel_loop3A_1243 = vector.broadcast %parallel_loop3A_1242 : i32 to vector<16xi32>
        %parallel_loop3A_1244 = arith.andi %parallel_loop3A_1241, %parallel_loop3A_1243 : vector<16xi32>
        %parallel_loop3A_1245 = arith.constant 9 : i32
        %parallel_loop3A_1246 = vector.broadcast %parallel_loop3A_1245 : i32 to vector<16xi32>
        %parallel_loop3A_1247 = arith.shli %parallel_loop3A_1244, %parallel_loop3A_1246 : vector<16xi32>
        %parallel_loop3A_1248 = arith.constant 7 : i32
        %parallel_loop3A_1249 = vector.broadcast %parallel_loop3A_1248 : i32 to vector<16xi32>
        %parallel_loop3A_1250 = arith.andi %parallel_loop3A_1241, %parallel_loop3A_1249 : vector<16xi32>
        %parallel_loop3A_1251 = arith.constant 7 : i32
        %parallel_loop3A_1252 = vector.broadcast %parallel_loop3A_1251 : i32 to vector<16xi32>
        %parallel_loop3A_1253 = arith.shli %parallel_loop3A_1250, %parallel_loop3A_1252 : vector<16xi32>
        %parallel_loop3A_1254 = arith.addi %parallel_loop3A_1247, %parallel_loop3A_1253 : vector<16xi32>
        %parallel_loop3A_1255 = tpu.vector_load_idx %arg7[%parallel_loop3A_980, %parallel_loop3A_1241] : memref<512x32xf32, #tpu.memory_space<vmem>>[vector<16xi32>, vector<16xi32>], vector<16xf32>,
        %parallel_loop3A_1256 = arith.addi %parallel_loop3A_1254, %parallel_loop3A_1025 : vector<16xi32>
        tpu.vector_store_idx %arg9[%parallel_loop3A_1256], %parallel_loop3A_1255 : memref<16384xf32, #tpu.memory_space<vmem>>[vector<16xi32>], vector<16xf32>,
        %parallel_loop3A_1257 = arith.constant 11 : i32
        %parallel_loop3A_1258 = vector.broadcast %parallel_loop3A_1257 : i32 to vector<16xi32>
        %parallel_loop3A_1259 = arith.addi %iota3A, %parallel_loop3A_1258 : vector<16xi32>
        %parallel_loop3A_1260 = arith.constant 31 : i32
        %parallel_loop3A_1261 = vector.broadcast %parallel_loop3A_1260 : i32 to vector<16xi32>
        %parallel_loop3A_1262 = arith.andi %parallel_loop3A_1259, %parallel_loop3A_1261 : vector<16xi32>
        %parallel_loop3A_1263 = arith.constant 24 : i32
        %parallel_loop3A_1264 = vector.broadcast %parallel_loop3A_1263 : i32 to vector<16xi32>
        %parallel_loop3A_1265 = arith.andi %parallel_loop3A_1262, %parallel_loop3A_1264 : vector<16xi32>
        %parallel_loop3A_1266 = arith.constant 9 : i32
        %parallel_loop3A_1267 = vector.broadcast %parallel_loop3A_1266 : i32 to vector<16xi32>
        %parallel_loop3A_1268 = arith.shli %parallel_loop3A_1265, %parallel_loop3A_1267 : vector<16xi32>
        %parallel_loop3A_1269 = arith.constant 7 : i32
        %parallel_loop3A_1270 = vector.broadcast %parallel_loop3A_1269 : i32 to vector<16xi32>
        %parallel_loop3A_1271 = arith.andi %parallel_loop3A_1262, %parallel_loop3A_1270 : vector<16xi32>
        %parallel_loop3A_1272 = arith.constant 7 : i32
        %parallel_loop3A_1273 = vector.broadcast %parallel_loop3A_1272 : i32 to vector<16xi32>
        %parallel_loop3A_1274 = arith.shli %parallel_loop3A_1271, %parallel_loop3A_1273 : vector<16xi32>
        %parallel_loop3A_1275 = arith.addi %parallel_loop3A_1268, %parallel_loop3A_1274 : vector<16xi32>
        %parallel_loop3A_1276 = tpu.vector_load_idx %arg7[%parallel_loop3A_980, %parallel_loop3A_1262] : memref<512x32xf32, #tpu.memory_space<vmem>>[vector<16xi32>, vector<16xi32>], vector<16xf32>,
        %parallel_loop3A_1277 = arith.addi %parallel_loop3A_1275, %parallel_loop3A_1025 : vector<16xi32>
        tpu.vector_store_idx %arg9[%parallel_loop3A_1277], %parallel_loop3A_1276 : memref<16384xf32, #tpu.memory_space<vmem>>[vector<16xi32>], vector<16xf32>,
        %parallel_loop3A_1278 = arith.constant 12 : i32
        %parallel_loop3A_1279 = vector.broadcast %parallel_loop3A_1278 : i32 to vector<16xi32>
        %parallel_loop3A_1280 = arith.addi %iota3A, %parallel_loop3A_1279 : vector<16xi32>
        %parallel_loop3A_1281 = arith.constant 31 : i32
        %parallel_loop3A_1282 = vector.broadcast %parallel_loop3A_1281 : i32 to vector<16xi32>
        %parallel_loop3A_1283 = arith.andi %parallel_loop3A_1280, %parallel_loop3A_1282 : vector<16xi32>
        %parallel_loop3A_1284 = arith.constant 24 : i32
        %parallel_loop3A_1285 = vector.broadcast %parallel_loop3A_1284 : i32 to vector<16xi32>
        %parallel_loop3A_1286 = arith.andi %parallel_loop3A_1283, %parallel_loop3A_1285 : vector<16xi32>
        %parallel_loop3A_1287 = arith.constant 9 : i32
        %parallel_loop3A_1288 = vector.broadcast %parallel_loop3A_1287 : i32 to vector<16xi32>
        %parallel_loop3A_1289 = arith.shli %parallel_loop3A_1286, %parallel_loop3A_1288 : vector<16xi32>
        %parallel_loop3A_1290 = arith.constant 7 : i32
        %parallel_loop3A_1291 = vector.broadcast %parallel_loop3A_1290 : i32 to vector<16xi32>
        %parallel_loop3A_1292 = arith.andi %parallel_loop3A_1283, %parallel_loop3A_1291 : vector<16xi32>
        %parallel_loop3A_1293 = arith.constant 7 : i32
        %parallel_loop3A_1294 = vector.broadcast %parallel_loop3A_1293 : i32 to vector<16xi32>
        %parallel_loop3A_1295 = arith.shli %parallel_loop3A_1292, %parallel_loop3A_1294 : vector<16xi32>
        %parallel_loop3A_1296 = arith.addi %parallel_loop3A_1289, %parallel_loop3A_1295 : vector<16xi32>
        %parallel_loop3A_1297 = tpu.vector_load_idx %arg7[%parallel_loop3A_980, %parallel_loop3A_1283] : memref<512x32xf32, #tpu.memory_space<vmem>>[vector<16xi32>, vector<16xi32>], vector<16xf32>,
        %parallel_loop3A_1298 = arith.addi %parallel_loop3A_1296, %parallel_loop3A_1025 : vector<16xi32>
        tpu.vector_store_idx %arg9[%parallel_loop3A_1298], %parallel_loop3A_1297 : memref<16384xf32, #tpu.memory_space<vmem>>[vector<16xi32>], vector<16xf32>,
        %parallel_loop3A_1299 = arith.constant 13 : i32
        %parallel_loop3A_1300 = vector.broadcast %parallel_loop3A_1299 : i32 to vector<16xi32>
        %parallel_loop3A_1301 = arith.addi %iota3A, %parallel_loop3A_1300 : vector<16xi32>
        %parallel_loop3A_1302 = arith.constant 31 : i32
        %parallel_loop3A_1303 = vector.broadcast %parallel_loop3A_1302 : i32 to vector<16xi32>
        %parallel_loop3A_1304 = arith.andi %parallel_loop3A_1301, %parallel_loop3A_1303 : vector<16xi32>
        %parallel_loop3A_1305 = arith.constant 24 : i32
        %parallel_loop3A_1306 = vector.broadcast %parallel_loop3A_1305 : i32 to vector<16xi32>
        %parallel_loop3A_1307 = arith.andi %parallel_loop3A_1304, %parallel_loop3A_1306 : vector<16xi32>
        %parallel_loop3A_1308 = arith.constant 9 : i32
        %parallel_loop3A_1309 = vector.broadcast %parallel_loop3A_1308 : i32 to vector<16xi32>
        %parallel_loop3A_1310 = arith.shli %parallel_loop3A_1307, %parallel_loop3A_1309 : vector<16xi32>
        %parallel_loop3A_1311 = arith.constant 7 : i32
        %parallel_loop3A_1312 = vector.broadcast %parallel_loop3A_1311 : i32 to vector<16xi32>
        %parallel_loop3A_1313 = arith.andi %parallel_loop3A_1304, %parallel_loop3A_1312 : vector<16xi32>
        %parallel_loop3A_1314 = arith.constant 7 : i32
        %parallel_loop3A_1315 = vector.broadcast %parallel_loop3A_1314 : i32 to vector<16xi32>
        %parallel_loop3A_1316 = arith.shli %parallel_loop3A_1313, %parallel_loop3A_1315 : vector<16xi32>
        %parallel_loop3A_1317 = arith.addi %parallel_loop3A_1310, %parallel_loop3A_1316 : vector<16xi32>
        %parallel_loop3A_1318 = tpu.vector_load_idx %arg7[%parallel_loop3A_980, %parallel_loop3A_1304] : memref<512x32xf32, #tpu.memory_space<vmem>>[vector<16xi32>, vector<16xi32>], vector<16xf32>,
        %parallel_loop3A_1319 = arith.addi %parallel_loop3A_1317, %parallel_loop3A_1025 : vector<16xi32>
        tpu.vector_store_idx %arg9[%parallel_loop3A_1319], %parallel_loop3A_1318 : memref<16384xf32, #tpu.memory_space<vmem>>[vector<16xi32>], vector<16xf32>,
        %parallel_loop3A_1320 = arith.constant 14 : i32
        %parallel_loop3A_1321 = vector.broadcast %parallel_loop3A_1320 : i32 to vector<16xi32>
        %parallel_loop3A_1322 = arith.addi %iota3A, %parallel_loop3A_1321 : vector<16xi32>
        %parallel_loop3A_1323 = arith.constant 31 : i32
        %parallel_loop3A_1324 = vector.broadcast %parallel_loop3A_1323 : i32 to vector<16xi32>
        %parallel_loop3A_1325 = arith.andi %parallel_loop3A_1322, %parallel_loop3A_1324 : vector<16xi32>
        %parallel_loop3A_1326 = arith.constant 24 : i32
        %parallel_loop3A_1327 = vector.broadcast %parallel_loop3A_1326 : i32 to vector<16xi32>
        %parallel_loop3A_1328 = arith.andi %parallel_loop3A_1325, %parallel_loop3A_1327 : vector<16xi32>
        %parallel_loop3A_1329 = arith.constant 9 : i32
        %parallel_loop3A_1330 = vector.broadcast %parallel_loop3A_1329 : i32 to vector<16xi32>
        %parallel_loop3A_1331 = arith.shli %parallel_loop3A_1328, %parallel_loop3A_1330 : vector<16xi32>
        %parallel_loop3A_1332 = arith.constant 7 : i32
        %parallel_loop3A_1333 = vector.broadcast %parallel_loop3A_1332 : i32 to vector<16xi32>
        %parallel_loop3A_1334 = arith.andi %parallel_loop3A_1325, %parallel_loop3A_1333 : vector<16xi32>
        %parallel_loop3A_1335 = arith.constant 7 : i32
        %parallel_loop3A_1336 = vector.broadcast %parallel_loop3A_1335 : i32 to vector<16xi32>
        %parallel_loop3A_1337 = arith.shli %parallel_loop3A_1334, %parallel_loop3A_1336 : vector<16xi32>
        %parallel_loop3A_1338 = arith.addi %parallel_loop3A_1331, %parallel_loop3A_1337 : vector<16xi32>
        %parallel_loop3A_1339 = tpu.vector_load_idx %arg7[%parallel_loop3A_980, %parallel_loop3A_1325] : memref<512x32xf32, #tpu.memory_space<vmem>>[vector<16xi32>, vector<16xi32>], vector<16xf32>,
        %parallel_loop3A_1340 = arith.addi %parallel_loop3A_1338, %parallel_loop3A_1025 : vector<16xi32>
        tpu.vector_store_idx %arg9[%parallel_loop3A_1340], %parallel_loop3A_1339 : memref<16384xf32, #tpu.memory_space<vmem>>[vector<16xi32>], vector<16xf32>,
        %parallel_loop3A_1341 = arith.constant 15 : i32
        %parallel_loop3A_1342 = vector.broadcast %parallel_loop3A_1341 : i32 to vector<16xi32>
        %parallel_loop3A_1343 = arith.addi %iota3A, %parallel_loop3A_1342 : vector<16xi32>
        %parallel_loop3A_1344 = arith.constant 31 : i32
        %parallel_loop3A_1345 = vector.broadcast %parallel_loop3A_1344 : i32 to vector<16xi32>
        %parallel_loop3A_1346 = arith.andi %parallel_loop3A_1343, %parallel_loop3A_1345 : vector<16xi32>
        %parallel_loop3A_1347 = arith.constant 24 : i32
        %parallel_loop3A_1348 = vector.broadcast %parallel_loop3A_1347 : i32 to vector<16xi32>
        %parallel_loop3A_1349 = arith.andi %parallel_loop3A_1346, %parallel_loop3A_1348 : vector<16xi32>
        %parallel_loop3A_1350 = arith.constant 9 : i32
        %parallel_loop3A_1351 = vector.broadcast %parallel_loop3A_1350 : i32 to vector<16xi32>
        %parallel_loop3A_1352 = arith.shli %parallel_loop3A_1349, %parallel_loop3A_1351 : vector<16xi32>
        %parallel_loop3A_1353 = arith.constant 7 : i32
        %parallel_loop3A_1354 = vector.broadcast %parallel_loop3A_1353 : i32 to vector<16xi32>
        %parallel_loop3A_1355 = arith.andi %parallel_loop3A_1346, %parallel_loop3A_1354 : vector<16xi32>
        %parallel_loop3A_1356 = arith.constant 7 : i32
        %parallel_loop3A_1357 = vector.broadcast %parallel_loop3A_1356 : i32 to vector<16xi32>
        %parallel_loop3A_1358 = arith.shli %parallel_loop3A_1355, %parallel_loop3A_1357 : vector<16xi32>
        %parallel_loop3A_1359 = arith.addi %parallel_loop3A_1352, %parallel_loop3A_1358 : vector<16xi32>
        %parallel_loop3A_1360 = tpu.vector_load_idx %arg7[%parallel_loop3A_980, %parallel_loop3A_1346] : memref<512x32xf32, #tpu.memory_space<vmem>>[vector<16xi32>, vector<16xi32>], vector<16xf32>,
        %parallel_loop3A_1361 = arith.addi %parallel_loop3A_1359, %parallel_loop3A_1025 : vector<16xi32>
        tpu.vector_store_idx %arg9[%parallel_loop3A_1361], %parallel_loop3A_1360 : memref<16384xf32, #tpu.memory_space<vmem>>[vector<16xi32>], vector<16xf32>,
        %parallel_loop3A_1362 = arith.constant 16 : i32
        %parallel_loop3A_1363 = vector.broadcast %parallel_loop3A_1362 : i32 to vector<16xi32>
        %parallel_loop3A_1364 = arith.addi %iota3A, %parallel_loop3A_1363 : vector<16xi32>
        %parallel_loop3A_1365 = arith.constant 31 : i32
        %parallel_loop3A_1366 = vector.broadcast %parallel_loop3A_1365 : i32 to vector<16xi32>
        %parallel_loop3A_1367 = arith.andi %parallel_loop3A_1364, %parallel_loop3A_1366 : vector<16xi32>
        %parallel_loop3A_1368 = arith.constant 24 : i32
        %parallel_loop3A_1369 = vector.broadcast %parallel_loop3A_1368 : i32 to vector<16xi32>
        %parallel_loop3A_1370 = arith.andi %parallel_loop3A_1367, %parallel_loop3A_1369 : vector<16xi32>
        %parallel_loop3A_1371 = arith.constant 9 : i32
        %parallel_loop3A_1372 = vector.broadcast %parallel_loop3A_1371 : i32 to vector<16xi32>
        %parallel_loop3A_1373 = arith.shli %parallel_loop3A_1370, %parallel_loop3A_1372 : vector<16xi32>
        %parallel_loop3A_1374 = arith.constant 7 : i32
        %parallel_loop3A_1375 = vector.broadcast %parallel_loop3A_1374 : i32 to vector<16xi32>
        %parallel_loop3A_1376 = arith.andi %parallel_loop3A_1367, %parallel_loop3A_1375 : vector<16xi32>
        %parallel_loop3A_1377 = arith.constant 7 : i32
        %parallel_loop3A_1378 = vector.broadcast %parallel_loop3A_1377 : i32 to vector<16xi32>
        %parallel_loop3A_1379 = arith.shli %parallel_loop3A_1376, %parallel_loop3A_1378 : vector<16xi32>
        %parallel_loop3A_1380 = arith.addi %parallel_loop3A_1373, %parallel_loop3A_1379 : vector<16xi32>
        %parallel_loop3A_1381 = tpu.vector_load_idx %arg7[%parallel_loop3A_980, %parallel_loop3A_1367] : memref<512x32xf32, #tpu.memory_space<vmem>>[vector<16xi32>, vector<16xi32>], vector<16xf32>,
        %parallel_loop3A_1382 = arith.addi %parallel_loop3A_1380, %parallel_loop3A_1025 : vector<16xi32>
        tpu.vector_store_idx %arg9[%parallel_loop3A_1382], %parallel_loop3A_1381 : memref<16384xf32, #tpu.memory_space<vmem>>[vector<16xi32>], vector<16xf32>,
        %parallel_loop3A_1383 = arith.constant 17 : i32
        %parallel_loop3A_1384 = vector.broadcast %parallel_loop3A_1383 : i32 to vector<16xi32>
        %parallel_loop3A_1385 = arith.addi %iota3A, %parallel_loop3A_1384 : vector<16xi32>
        %parallel_loop3A_1386 = arith.constant 31 : i32
        %parallel_loop3A_1387 = vector.broadcast %parallel_loop3A_1386 : i32 to vector<16xi32>
        %parallel_loop3A_1388 = arith.andi %parallel_loop3A_1385, %parallel_loop3A_1387 : vector<16xi32>
        %parallel_loop3A_1389 = arith.constant 24 : i32
        %parallel_loop3A_1390 = vector.broadcast %parallel_loop3A_1389 : i32 to vector<16xi32>
        %parallel_loop3A_1391 = arith.andi %parallel_loop3A_1388, %parallel_loop3A_1390 : vector<16xi32>
        %parallel_loop3A_1392 = arith.constant 9 : i32
        %parallel_loop3A_1393 = vector.broadcast %parallel_loop3A_1392 : i32 to vector<16xi32>
        %parallel_loop3A_1394 = arith.shli %parallel_loop3A_1391, %parallel_loop3A_1393 : vector<16xi32>
        %parallel_loop3A_1395 = arith.constant 7 : i32
        %parallel_loop3A_1396 = vector.broadcast %parallel_loop3A_1395 : i32 to vector<16xi32>
        %parallel_loop3A_1397 = arith.andi %parallel_loop3A_1388, %parallel_loop3A_1396 : vector<16xi32>
        %parallel_loop3A_1398 = arith.constant 7 : i32
        %parallel_loop3A_1399 = vector.broadcast %parallel_loop3A_1398 : i32 to vector<16xi32>
        %parallel_loop3A_1400 = arith.shli %parallel_loop3A_1397, %parallel_loop3A_1399 : vector<16xi32>
        %parallel_loop3A_1401 = arith.addi %parallel_loop3A_1394, %parallel_loop3A_1400 : vector<16xi32>
        %parallel_loop3A_1402 = tpu.vector_load_idx %arg7[%parallel_loop3A_980, %parallel_loop3A_1388] : memref<512x32xf32, #tpu.memory_space<vmem>>[vector<16xi32>, vector<16xi32>], vector<16xf32>,
        %parallel_loop3A_1403 = arith.addi %parallel_loop3A_1401, %parallel_loop3A_1025 : vector<16xi32>
        tpu.vector_store_idx %arg9[%parallel_loop3A_1403], %parallel_loop3A_1402 : memref<16384xf32, #tpu.memory_space<vmem>>[vector<16xi32>], vector<16xf32>,
        %parallel_loop3A_1404 = arith.constant 18 : i32
        %parallel_loop3A_1405 = vector.broadcast %parallel_loop3A_1404 : i32 to vector<16xi32>
        %parallel_loop3A_1406 = arith.addi %iota3A, %parallel_loop3A_1405 : vector<16xi32>
        %parallel_loop3A_1407 = arith.constant 31 : i32
        %parallel_loop3A_1408 = vector.broadcast %parallel_loop3A_1407 : i32 to vector<16xi32>
        %parallel_loop3A_1409 = arith.andi %parallel_loop3A_1406, %parallel_loop3A_1408 : vector<16xi32>
        %parallel_loop3A_1410 = arith.constant 24 : i32
        %parallel_loop3A_1411 = vector.broadcast %parallel_loop3A_1410 : i32 to vector<16xi32>
        %parallel_loop3A_1412 = arith.andi %parallel_loop3A_1409, %parallel_loop3A_1411 : vector<16xi32>
        %parallel_loop3A_1413 = arith.constant 9 : i32
        %parallel_loop3A_1414 = vector.broadcast %parallel_loop3A_1413 : i32 to vector<16xi32>
        %parallel_loop3A_1415 = arith.shli %parallel_loop3A_1412, %parallel_loop3A_1414 : vector<16xi32>
        %parallel_loop3A_1416 = arith.constant 7 : i32
        %parallel_loop3A_1417 = vector.broadcast %parallel_loop3A_1416 : i32 to vector<16xi32>
        %parallel_loop3A_1418 = arith.andi %parallel_loop3A_1409, %parallel_loop3A_1417 : vector<16xi32>
        %parallel_loop3A_1419 = arith.constant 7 : i32
        %parallel_loop3A_1420 = vector.broadcast %parallel_loop3A_1419 : i32 to vector<16xi32>
        %parallel_loop3A_1421 = arith.shli %parallel_loop3A_1418, %parallel_loop3A_1420 : vector<16xi32>
        %parallel_loop3A_1422 = arith.addi %parallel_loop3A_1415, %parallel_loop3A_1421 : vector<16xi32>
        %parallel_loop3A_1423 = tpu.vector_load_idx %arg7[%parallel_loop3A_980, %parallel_loop3A_1409] : memref<512x32xf32, #tpu.memory_space<vmem>>[vector<16xi32>, vector<16xi32>], vector<16xf32>,
        %parallel_loop3A_1424 = arith.addi %parallel_loop3A_1422, %parallel_loop3A_1025 : vector<16xi32>
        tpu.vector_store_idx %arg9[%parallel_loop3A_1424], %parallel_loop3A_1423 : memref<16384xf32, #tpu.memory_space<vmem>>[vector<16xi32>], vector<16xf32>,
        %parallel_loop3A_1425 = arith.constant 19 : i32
        %parallel_loop3A_1426 = vector.broadcast %parallel_loop3A_1425 : i32 to vector<16xi32>
        %parallel_loop3A_1427 = arith.addi %iota3A, %parallel_loop3A_1426 : vector<16xi32>
        %parallel_loop3A_1428 = arith.constant 31 : i32
        %parallel_loop3A_1429 = vector.broadcast %parallel_loop3A_1428 : i32 to vector<16xi32>
        %parallel_loop3A_1430 = arith.andi %parallel_loop3A_1427, %parallel_loop3A_1429 : vector<16xi32>
        %parallel_loop3A_1431 = arith.constant 24 : i32
        %parallel_loop3A_1432 = vector.broadcast %parallel_loop3A_1431 : i32 to vector<16xi32>
        %parallel_loop3A_1433 = arith.andi %parallel_loop3A_1430, %parallel_loop3A_1432 : vector<16xi32>
        %parallel_loop3A_1434 = arith.constant 9 : i32
        %parallel_loop3A_1435 = vector.broadcast %parallel_loop3A_1434 : i32 to vector<16xi32>
        %parallel_loop3A_1436 = arith.shli %parallel_loop3A_1433, %parallel_loop3A_1435 : vector<16xi32>
        %parallel_loop3A_1437 = arith.constant 7 : i32
        %parallel_loop3A_1438 = vector.broadcast %parallel_loop3A_1437 : i32 to vector<16xi32>
        %parallel_loop3A_1439 = arith.andi %parallel_loop3A_1430, %parallel_loop3A_1438 : vector<16xi32>
        %parallel_loop3A_1440 = arith.constant 7 : i32
        %parallel_loop3A_1441 = vector.broadcast %parallel_loop3A_1440 : i32 to vector<16xi32>
        %parallel_loop3A_1442 = arith.shli %parallel_loop3A_1439, %parallel_loop3A_1441 : vector<16xi32>
        %parallel_loop3A_1443 = arith.addi %parallel_loop3A_1436, %parallel_loop3A_1442 : vector<16xi32>
        %parallel_loop3A_1444 = tpu.vector_load_idx %arg7[%parallel_loop3A_980, %parallel_loop3A_1430] : memref<512x32xf32, #tpu.memory_space<vmem>>[vector<16xi32>, vector<16xi32>], vector<16xf32>,
        %parallel_loop3A_1445 = arith.addi %parallel_loop3A_1443, %parallel_loop3A_1025 : vector<16xi32>
        tpu.vector_store_idx %arg9[%parallel_loop3A_1445], %parallel_loop3A_1444 : memref<16384xf32, #tpu.memory_space<vmem>>[vector<16xi32>], vector<16xf32>,
        %parallel_loop3A_1446 = arith.constant 20 : i32
        %parallel_loop3A_1447 = vector.broadcast %parallel_loop3A_1446 : i32 to vector<16xi32>
        %parallel_loop3A_1448 = arith.addi %iota3A, %parallel_loop3A_1447 : vector<16xi32>
        %parallel_loop3A_1449 = arith.constant 31 : i32
        %parallel_loop3A_1450 = vector.broadcast %parallel_loop3A_1449 : i32 to vector<16xi32>
        %parallel_loop3A_1451 = arith.andi %parallel_loop3A_1448, %parallel_loop3A_1450 : vector<16xi32>
        %parallel_loop3A_1452 = arith.constant 24 : i32
        %parallel_loop3A_1453 = vector.broadcast %parallel_loop3A_1452 : i32 to vector<16xi32>
        %parallel_loop3A_1454 = arith.andi %parallel_loop3A_1451, %parallel_loop3A_1453 : vector<16xi32>
        %parallel_loop3A_1455 = arith.constant 9 : i32
        %parallel_loop3A_1456 = vector.broadcast %parallel_loop3A_1455 : i32 to vector<16xi32>
        %parallel_loop3A_1457 = arith.shli %parallel_loop3A_1454, %parallel_loop3A_1456 : vector<16xi32>
        %parallel_loop3A_1458 = arith.constant 7 : i32
        %parallel_loop3A_1459 = vector.broadcast %parallel_loop3A_1458 : i32 to vector<16xi32>
        %parallel_loop3A_1460 = arith.andi %parallel_loop3A_1451, %parallel_loop3A_1459 : vector<16xi32>
        %parallel_loop3A_1461 = arith.constant 7 : i32
        %parallel_loop3A_1462 = vector.broadcast %parallel_loop3A_1461 : i32 to vector<16xi32>
        %parallel_loop3A_1463 = arith.shli %parallel_loop3A_1460, %parallel_loop3A_1462 : vector<16xi32>
        %parallel_loop3A_1464 = arith.addi %parallel_loop3A_1457, %parallel_loop3A_1463 : vector<16xi32>
        %parallel_loop3A_1465 = tpu.vector_load_idx %arg7[%parallel_loop3A_980, %parallel_loop3A_1451] : memref<512x32xf32, #tpu.memory_space<vmem>>[vector<16xi32>, vector<16xi32>], vector<16xf32>,
        %parallel_loop3A_1466 = arith.addi %parallel_loop3A_1464, %parallel_loop3A_1025 : vector<16xi32>
        tpu.vector_store_idx %arg9[%parallel_loop3A_1466], %parallel_loop3A_1465 : memref<16384xf32, #tpu.memory_space<vmem>>[vector<16xi32>], vector<16xf32>,
        %parallel_loop3A_1467 = arith.constant 21 : i32
        %parallel_loop3A_1468 = vector.broadcast %parallel_loop3A_1467 : i32 to vector<16xi32>
        %parallel_loop3A_1469 = arith.addi %iota3A, %parallel_loop3A_1468 : vector<16xi32>
        %parallel_loop3A_1470 = arith.constant 31 : i32
        %parallel_loop3A_1471 = vector.broadcast %parallel_loop3A_1470 : i32 to vector<16xi32>
        %parallel_loop3A_1472 = arith.andi %parallel_loop3A_1469, %parallel_loop3A_1471 : vector<16xi32>
        %parallel_loop3A_1473 = arith.constant 24 : i32
        %parallel_loop3A_1474 = vector.broadcast %parallel_loop3A_1473 : i32 to vector<16xi32>
        %parallel_loop3A_1475 = arith.andi %parallel_loop3A_1472, %parallel_loop3A_1474 : vector<16xi32>
        %parallel_loop3A_1476 = arith.constant 9 : i32
        %parallel_loop3A_1477 = vector.broadcast %parallel_loop3A_1476 : i32 to vector<16xi32>
        %parallel_loop3A_1478 = arith.shli %parallel_loop3A_1475, %parallel_loop3A_1477 : vector<16xi32>
        %parallel_loop3A_1479 = arith.constant 7 : i32
        %parallel_loop3A_1480 = vector.broadcast %parallel_loop3A_1479 : i32 to vector<16xi32>
        %parallel_loop3A_1481 = arith.andi %parallel_loop3A_1472, %parallel_loop3A_1480 : vector<16xi32>
        %parallel_loop3A_1482 = arith.constant 7 : i32
        %parallel_loop3A_1483 = vector.broadcast %parallel_loop3A_1482 : i32 to vector<16xi32>
        %parallel_loop3A_1484 = arith.shli %parallel_loop3A_1481, %parallel_loop3A_1483 : vector<16xi32>
        %parallel_loop3A_1485 = arith.addi %parallel_loop3A_1478, %parallel_loop3A_1484 : vector<16xi32>
        %parallel_loop3A_1486 = tpu.vector_load_idx %arg7[%parallel_loop3A_980, %parallel_loop3A_1472] : memref<512x32xf32, #tpu.memory_space<vmem>>[vector<16xi32>, vector<16xi32>], vector<16xf32>,
        %parallel_loop3A_1487 = arith.addi %parallel_loop3A_1485, %parallel_loop3A_1025 : vector<16xi32>
        tpu.vector_store_idx %arg9[%parallel_loop3A_1487], %parallel_loop3A_1486 : memref<16384xf32, #tpu.memory_space<vmem>>[vector<16xi32>], vector<16xf32>,
        %parallel_loop3A_1488 = arith.constant 22 : i32
        %parallel_loop3A_1489 = vector.broadcast %parallel_loop3A_1488 : i32 to vector<16xi32>
        %parallel_loop3A_1490 = arith.addi %iota3A, %parallel_loop3A_1489 : vector<16xi32>
        %parallel_loop3A_1491 = arith.constant 31 : i32
        %parallel_loop3A_1492 = vector.broadcast %parallel_loop3A_1491 : i32 to vector<16xi32>
        %parallel_loop3A_1493 = arith.andi %parallel_loop3A_1490, %parallel_loop3A_1492 : vector<16xi32>
        %parallel_loop3A_1494 = arith.constant 24 : i32
        %parallel_loop3A_1495 = vector.broadcast %parallel_loop3A_1494 : i32 to vector<16xi32>
        %parallel_loop3A_1496 = arith.andi %parallel_loop3A_1493, %parallel_loop3A_1495 : vector<16xi32>
        %parallel_loop3A_1497 = arith.constant 9 : i32
        %parallel_loop3A_1498 = vector.broadcast %parallel_loop3A_1497 : i32 to vector<16xi32>
        %parallel_loop3A_1499 = arith.shli %parallel_loop3A_1496, %parallel_loop3A_1498 : vector<16xi32>
        %parallel_loop3A_1500 = arith.constant 7 : i32
        %parallel_loop3A_1501 = vector.broadcast %parallel_loop3A_1500 : i32 to vector<16xi32>
        %parallel_loop3A_1502 = arith.andi %parallel_loop3A_1493, %parallel_loop3A_1501 : vector<16xi32>
        %parallel_loop3A_1503 = arith.constant 7 : i32
        %parallel_loop3A_1504 = vector.broadcast %parallel_loop3A_1503 : i32 to vector<16xi32>
        %parallel_loop3A_1505 = arith.shli %parallel_loop3A_1502, %parallel_loop3A_1504 : vector<16xi32>
        %parallel_loop3A_1506 = arith.addi %parallel_loop3A_1499, %parallel_loop3A_1505 : vector<16xi32>
        %parallel_loop3A_1507 = tpu.vector_load_idx %arg7[%parallel_loop3A_980, %parallel_loop3A_1493] : memref<512x32xf32, #tpu.memory_space<vmem>>[vector<16xi32>, vector<16xi32>], vector<16xf32>,
        %parallel_loop3A_1508 = arith.addi %parallel_loop3A_1506, %parallel_loop3A_1025 : vector<16xi32>
        tpu.vector_store_idx %arg9[%parallel_loop3A_1508], %parallel_loop3A_1507 : memref<16384xf32, #tpu.memory_space<vmem>>[vector<16xi32>], vector<16xf32>,
        %parallel_loop3A_1509 = arith.constant 23 : i32
        %parallel_loop3A_1510 = vector.broadcast %parallel_loop3A_1509 : i32 to vector<16xi32>
        %parallel_loop3A_1511 = arith.addi %iota3A, %parallel_loop3A_1510 : vector<16xi32>
        %parallel_loop3A_1512 = arith.constant 31 : i32
        %parallel_loop3A_1513 = vector.broadcast %parallel_loop3A_1512 : i32 to vector<16xi32>
        %parallel_loop3A_1514 = arith.andi %parallel_loop3A_1511, %parallel_loop3A_1513 : vector<16xi32>
        %parallel_loop3A_1515 = arith.constant 24 : i32
        %parallel_loop3A_1516 = vector.broadcast %parallel_loop3A_1515 : i32 to vector<16xi32>
        %parallel_loop3A_1517 = arith.andi %parallel_loop3A_1514, %parallel_loop3A_1516 : vector<16xi32>
        %parallel_loop3A_1518 = arith.constant 9 : i32
        %parallel_loop3A_1519 = vector.broadcast %parallel_loop3A_1518 : i32 to vector<16xi32>
        %parallel_loop3A_1520 = arith.shli %parallel_loop3A_1517, %parallel_loop3A_1519 : vector<16xi32>
        %parallel_loop3A_1521 = arith.constant 7 : i32
        %parallel_loop3A_1522 = vector.broadcast %parallel_loop3A_1521 : i32 to vector<16xi32>
        %parallel_loop3A_1523 = arith.andi %parallel_loop3A_1514, %parallel_loop3A_1522 : vector<16xi32>
        %parallel_loop3A_1524 = arith.constant 7 : i32
        %parallel_loop3A_1525 = vector.broadcast %parallel_loop3A_1524 : i32 to vector<16xi32>
        %parallel_loop3A_1526 = arith.shli %parallel_loop3A_1523, %parallel_loop3A_1525 : vector<16xi32>
        %parallel_loop3A_1527 = arith.addi %parallel_loop3A_1520, %parallel_loop3A_1526 : vector<16xi32>
        %parallel_loop3A_1528 = tpu.vector_load_idx %arg7[%parallel_loop3A_980, %parallel_loop3A_1514] : memref<512x32xf32, #tpu.memory_space<vmem>>[vector<16xi32>, vector<16xi32>], vector<16xf32>,
        %parallel_loop3A_1529 = arith.addi %parallel_loop3A_1527, %parallel_loop3A_1025 : vector<16xi32>
        tpu.vector_store_idx %arg9[%parallel_loop3A_1529], %parallel_loop3A_1528 : memref<16384xf32, #tpu.memory_space<vmem>>[vector<16xi32>], vector<16xf32>,
        %parallel_loop3A_1530 = arith.constant 24 : i32
        %parallel_loop3A_1531 = vector.broadcast %parallel_loop3A_1530 : i32 to vector<16xi32>
        %parallel_loop3A_1532 = arith.addi %iota3A, %parallel_loop3A_1531 : vector<16xi32>
        %parallel_loop3A_1533 = arith.constant 31 : i32
        %parallel_loop3A_1534 = vector.broadcast %parallel_loop3A_1533 : i32 to vector<16xi32>
        %parallel_loop3A_1535 = arith.andi %parallel_loop3A_1532, %parallel_loop3A_1534 : vector<16xi32>
        %parallel_loop3A_1536 = arith.constant 24 : i32
        %parallel_loop3A_1537 = vector.broadcast %parallel_loop3A_1536 : i32 to vector<16xi32>
        %parallel_loop3A_1538 = arith.andi %parallel_loop3A_1535, %parallel_loop3A_1537 : vector<16xi32>
        %parallel_loop3A_1539 = arith.constant 9 : i32
        %parallel_loop3A_1540 = vector.broadcast %parallel_loop3A_1539 : i32 to vector<16xi32>
        %parallel_loop3A_1541 = arith.shli %parallel_loop3A_1538, %parallel_loop3A_1540 : vector<16xi32>
        %parallel_loop3A_1542 = arith.constant 7 : i32
        %parallel_loop3A_1543 = vector.broadcast %parallel_loop3A_1542 : i32 to vector<16xi32>
        %parallel_loop3A_1544 = arith.andi %parallel_loop3A_1535, %parallel_loop3A_1543 : vector<16xi32>
        %parallel_loop3A_1545 = arith.constant 7 : i32
        %parallel_loop3A_1546 = vector.broadcast %parallel_loop3A_1545 : i32 to vector<16xi32>
        %parallel_loop3A_1547 = arith.shli %parallel_loop3A_1544, %parallel_loop3A_1546 : vector<16xi32>
        %parallel_loop3A_1548 = arith.addi %parallel_loop3A_1541, %parallel_loop3A_1547 : vector<16xi32>
        %parallel_loop3A_1549 = tpu.vector_load_idx %arg7[%parallel_loop3A_980, %parallel_loop3A_1535] : memref<512x32xf32, #tpu.memory_space<vmem>>[vector<16xi32>, vector<16xi32>], vector<16xf32>,
        %parallel_loop3A_1550 = arith.addi %parallel_loop3A_1548, %parallel_loop3A_1025 : vector<16xi32>
        tpu.vector_store_idx %arg9[%parallel_loop3A_1550], %parallel_loop3A_1549 : memref<16384xf32, #tpu.memory_space<vmem>>[vector<16xi32>], vector<16xf32>,
        %parallel_loop3A_1551 = arith.constant 25 : i32
        %parallel_loop3A_1552 = vector.broadcast %parallel_loop3A_1551 : i32 to vector<16xi32>
        %parallel_loop3A_1553 = arith.addi %iota3A, %parallel_loop3A_1552 : vector<16xi32>
        %parallel_loop3A_1554 = arith.constant 31 : i32
        %parallel_loop3A_1555 = vector.broadcast %parallel_loop3A_1554 : i32 to vector<16xi32>
        %parallel_loop3A_1556 = arith.andi %parallel_loop3A_1553, %parallel_loop3A_1555 : vector<16xi32>
        %parallel_loop3A_1557 = arith.constant 24 : i32
        %parallel_loop3A_1558 = vector.broadcast %parallel_loop3A_1557 : i32 to vector<16xi32>
        %parallel_loop3A_1559 = arith.andi %parallel_loop3A_1556, %parallel_loop3A_1558 : vector<16xi32>
        %parallel_loop3A_1560 = arith.constant 9 : i32
        %parallel_loop3A_1561 = vector.broadcast %parallel_loop3A_1560 : i32 to vector<16xi32>
        %parallel_loop3A_1562 = arith.shli %parallel_loop3A_1559, %parallel_loop3A_1561 : vector<16xi32>
        %parallel_loop3A_1563 = arith.constant 7 : i32
        %parallel_loop3A_1564 = vector.broadcast %parallel_loop3A_1563 : i32 to vector<16xi32>
        %parallel_loop3A_1565 = arith.andi %parallel_loop3A_1556, %parallel_loop3A_1564 : vector<16xi32>
        %parallel_loop3A_1566 = arith.constant 7 : i32
        %parallel_loop3A_1567 = vector.broadcast %parallel_loop3A_1566 : i32 to vector<16xi32>
        %parallel_loop3A_1568 = arith.shli %parallel_loop3A_1565, %parallel_loop3A_1567 : vector<16xi32>
        %parallel_loop3A_1569 = arith.addi %parallel_loop3A_1562, %parallel_loop3A_1568 : vector<16xi32>
        %parallel_loop3A_1570 = tpu.vector_load_idx %arg7[%parallel_loop3A_980, %parallel_loop3A_1556] : memref<512x32xf32, #tpu.memory_space<vmem>>[vector<16xi32>, vector<16xi32>], vector<16xf32>,
        %parallel_loop3A_1571 = arith.addi %parallel_loop3A_1569, %parallel_loop3A_1025 : vector<16xi32>
        tpu.vector_store_idx %arg9[%parallel_loop3A_1571], %parallel_loop3A_1570 : memref<16384xf32, #tpu.memory_space<vmem>>[vector<16xi32>], vector<16xf32>,
        %parallel_loop3A_1572 = arith.constant 26 : i32
        %parallel_loop3A_1573 = vector.broadcast %parallel_loop3A_1572 : i32 to vector<16xi32>
        %parallel_loop3A_1574 = arith.addi %iota3A, %parallel_loop3A_1573 : vector<16xi32>
        %parallel_loop3A_1575 = arith.constant 31 : i32
        %parallel_loop3A_1576 = vector.broadcast %parallel_loop3A_1575 : i32 to vector<16xi32>
        %parallel_loop3A_1577 = arith.andi %parallel_loop3A_1574, %parallel_loop3A_1576 : vector<16xi32>
        %parallel_loop3A_1578 = arith.constant 24 : i32
        %parallel_loop3A_1579 = vector.broadcast %parallel_loop3A_1578 : i32 to vector<16xi32>
        %parallel_loop3A_1580 = arith.andi %parallel_loop3A_1577, %parallel_loop3A_1579 : vector<16xi32>
        %parallel_loop3A_1581 = arith.constant 9 : i32
        %parallel_loop3A_1582 = vector.broadcast %parallel_loop3A_1581 : i32 to vector<16xi32>
        %parallel_loop3A_1583 = arith.shli %parallel_loop3A_1580, %parallel_loop3A_1582 : vector<16xi32>
        %parallel_loop3A_1584 = arith.constant 7 : i32
        %parallel_loop3A_1585 = vector.broadcast %parallel_loop3A_1584 : i32 to vector<16xi32>
        %parallel_loop3A_1586 = arith.andi %parallel_loop3A_1577, %parallel_loop3A_1585 : vector<16xi32>
        %parallel_loop3A_1587 = arith.constant 7 : i32
        %parallel_loop3A_1588 = vector.broadcast %parallel_loop3A_1587 : i32 to vector<16xi32>
        %parallel_loop3A_1589 = arith.shli %parallel_loop3A_1586, %parallel_loop3A_1588 : vector<16xi32>
        %parallel_loop3A_1590 = arith.addi %parallel_loop3A_1583, %parallel_loop3A_1589 : vector<16xi32>
        %parallel_loop3A_1591 = tpu.vector_load_idx %arg7[%parallel_loop3A_980, %parallel_loop3A_1577] : memref<512x32xf32, #tpu.memory_space<vmem>>[vector<16xi32>, vector<16xi32>], vector<16xf32>,
        %parallel_loop3A_1592 = arith.addi %parallel_loop3A_1590, %parallel_loop3A_1025 : vector<16xi32>
        tpu.vector_store_idx %arg9[%parallel_loop3A_1592], %parallel_loop3A_1591 : memref<16384xf32, #tpu.memory_space<vmem>>[vector<16xi32>], vector<16xf32>,
        %parallel_loop3A_1593 = arith.constant 27 : i32
        %parallel_loop3A_1594 = vector.broadcast %parallel_loop3A_1593 : i32 to vector<16xi32>
        %parallel_loop3A_1595 = arith.addi %iota3A, %parallel_loop3A_1594 : vector<16xi32>
        %parallel_loop3A_1596 = arith.constant 31 : i32
        %parallel_loop3A_1597 = vector.broadcast %parallel_loop3A_1596 : i32 to vector<16xi32>
        %parallel_loop3A_1598 = arith.andi %parallel_loop3A_1595, %parallel_loop3A_1597 : vector<16xi32>
        %parallel_loop3A_1599 = arith.constant 24 : i32
        %parallel_loop3A_1600 = vector.broadcast %parallel_loop3A_1599 : i32 to vector<16xi32>
        %parallel_loop3A_1601 = arith.andi %parallel_loop3A_1598, %parallel_loop3A_1600 : vector<16xi32>
        %parallel_loop3A_1602 = arith.constant 9 : i32
        %parallel_loop3A_1603 = vector.broadcast %parallel_loop3A_1602 : i32 to vector<16xi32>
        %parallel_loop3A_1604 = arith.shli %parallel_loop3A_1601, %parallel_loop3A_1603 : vector<16xi32>
        %parallel_loop3A_1605 = arith.constant 7 : i32
        %parallel_loop3A_1606 = vector.broadcast %parallel_loop3A_1605 : i32 to vector<16xi32>
        %parallel_loop3A_1607 = arith.andi %parallel_loop3A_1598, %parallel_loop3A_1606 : vector<16xi32>
        %parallel_loop3A_1608 = arith.constant 7 : i32
        %parallel_loop3A_1609 = vector.broadcast %parallel_loop3A_1608 : i32 to vector<16xi32>
        %parallel_loop3A_1610 = arith.shli %parallel_loop3A_1607, %parallel_loop3A_1609 : vector<16xi32>
        %parallel_loop3A_1611 = arith.addi %parallel_loop3A_1604, %parallel_loop3A_1610 : vector<16xi32>
        %parallel_loop3A_1612 = tpu.vector_load_idx %arg7[%parallel_loop3A_980, %parallel_loop3A_1598] : memref<512x32xf32, #tpu.memory_space<vmem>>[vector<16xi32>, vector<16xi32>], vector<16xf32>,
        %parallel_loop3A_1613 = arith.addi %parallel_loop3A_1611, %parallel_loop3A_1025 : vector<16xi32>
        tpu.vector_store_idx %arg9[%parallel_loop3A_1613], %parallel_loop3A_1612 : memref<16384xf32, #tpu.memory_space<vmem>>[vector<16xi32>], vector<16xf32>,
        %parallel_loop3A_1614 = arith.constant 28 : i32
        %parallel_loop3A_1615 = vector.broadcast %parallel_loop3A_1614 : i32 to vector<16xi32>
        %parallel_loop3A_1616 = arith.addi %iota3A, %parallel_loop3A_1615 : vector<16xi32>
        %parallel_loop3A_1617 = arith.constant 31 : i32
        %parallel_loop3A_1618 = vector.broadcast %parallel_loop3A_1617 : i32 to vector<16xi32>
        %parallel_loop3A_1619 = arith.andi %parallel_loop3A_1616, %parallel_loop3A_1618 : vector<16xi32>
        %parallel_loop3A_1620 = arith.constant 24 : i32
        %parallel_loop3A_1621 = vector.broadcast %parallel_loop3A_1620 : i32 to vector<16xi32>
        %parallel_loop3A_1622 = arith.andi %parallel_loop3A_1619, %parallel_loop3A_1621 : vector<16xi32>
        %parallel_loop3A_1623 = arith.constant 9 : i32
        %parallel_loop3A_1624 = vector.broadcast %parallel_loop3A_1623 : i32 to vector<16xi32>
        %parallel_loop3A_1625 = arith.shli %parallel_loop3A_1622, %parallel_loop3A_1624 : vector<16xi32>
        %parallel_loop3A_1626 = arith.constant 7 : i32
        %parallel_loop3A_1627 = vector.broadcast %parallel_loop3A_1626 : i32 to vector<16xi32>
        %parallel_loop3A_1628 = arith.andi %parallel_loop3A_1619, %parallel_loop3A_1627 : vector<16xi32>
        %parallel_loop3A_1629 = arith.constant 7 : i32
        %parallel_loop3A_1630 = vector.broadcast %parallel_loop3A_1629 : i32 to vector<16xi32>
        %parallel_loop3A_1631 = arith.shli %parallel_loop3A_1628, %parallel_loop3A_1630 : vector<16xi32>
        %parallel_loop3A_1632 = arith.addi %parallel_loop3A_1625, %parallel_loop3A_1631 : vector<16xi32>
        %parallel_loop3A_1633 = tpu.vector_load_idx %arg7[%parallel_loop3A_980, %parallel_loop3A_1619] : memref<512x32xf32, #tpu.memory_space<vmem>>[vector<16xi32>, vector<16xi32>], vector<16xf32>,
        %parallel_loop3A_1634 = arith.addi %parallel_loop3A_1632, %parallel_loop3A_1025 : vector<16xi32>
        tpu.vector_store_idx %arg9[%parallel_loop3A_1634], %parallel_loop3A_1633 : memref<16384xf32, #tpu.memory_space<vmem>>[vector<16xi32>], vector<16xf32>,
        %parallel_loop3A_1635 = arith.constant 29 : i32
        %parallel_loop3A_1636 = vector.broadcast %parallel_loop3A_1635 : i32 to vector<16xi32>
        %parallel_loop3A_1637 = arith.addi %iota3A, %parallel_loop3A_1636 : vector<16xi32>
        %parallel_loop3A_1638 = arith.constant 31 : i32
        %parallel_loop3A_1639 = vector.broadcast %parallel_loop3A_1638 : i32 to vector<16xi32>
        %parallel_loop3A_1640 = arith.andi %parallel_loop3A_1637, %parallel_loop3A_1639 : vector<16xi32>
        %parallel_loop3A_1641 = arith.constant 24 : i32
        %parallel_loop3A_1642 = vector.broadcast %parallel_loop3A_1641 : i32 to vector<16xi32>
        %parallel_loop3A_1643 = arith.andi %parallel_loop3A_1640, %parallel_loop3A_1642 : vector<16xi32>
        %parallel_loop3A_1644 = arith.constant 9 : i32
        %parallel_loop3A_1645 = vector.broadcast %parallel_loop3A_1644 : i32 to vector<16xi32>
        %parallel_loop3A_1646 = arith.shli %parallel_loop3A_1643, %parallel_loop3A_1645 : vector<16xi32>
        %parallel_loop3A_1647 = arith.constant 7 : i32
        %parallel_loop3A_1648 = vector.broadcast %parallel_loop3A_1647 : i32 to vector<16xi32>
        %parallel_loop3A_1649 = arith.andi %parallel_loop3A_1640, %parallel_loop3A_1648 : vector<16xi32>
        %parallel_loop3A_1650 = arith.constant 7 : i32
        %parallel_loop3A_1651 = vector.broadcast %parallel_loop3A_1650 : i32 to vector<16xi32>
        %parallel_loop3A_1652 = arith.shli %parallel_loop3A_1649, %parallel_loop3A_1651 : vector<16xi32>
        %parallel_loop3A_1653 = arith.addi %parallel_loop3A_1646, %parallel_loop3A_1652 : vector<16xi32>
        %parallel_loop3A_1654 = tpu.vector_load_idx %arg7[%parallel_loop3A_980, %parallel_loop3A_1640] : memref<512x32xf32, #tpu.memory_space<vmem>>[vector<16xi32>, vector<16xi32>], vector<16xf32>,
        %parallel_loop3A_1655 = arith.addi %parallel_loop3A_1653, %parallel_loop3A_1025 : vector<16xi32>
        tpu.vector_store_idx %arg9[%parallel_loop3A_1655], %parallel_loop3A_1654 : memref<16384xf32, #tpu.memory_space<vmem>>[vector<16xi32>], vector<16xf32>,
        %parallel_loop3A_1656 = arith.constant 30 : i32
        %parallel_loop3A_1657 = vector.broadcast %parallel_loop3A_1656 : i32 to vector<16xi32>
        %parallel_loop3A_1658 = arith.addi %iota3A, %parallel_loop3A_1657 : vector<16xi32>
        %parallel_loop3A_1659 = arith.constant 31 : i32
        %parallel_loop3A_1660 = vector.broadcast %parallel_loop3A_1659 : i32 to vector<16xi32>
        %parallel_loop3A_1661 = arith.andi %parallel_loop3A_1658, %parallel_loop3A_1660 : vector<16xi32>
        %parallel_loop3A_1662 = arith.constant 24 : i32
        %parallel_loop3A_1663 = vector.broadcast %parallel_loop3A_1662 : i32 to vector<16xi32>
        %parallel_loop3A_1664 = arith.andi %parallel_loop3A_1661, %parallel_loop3A_1663 : vector<16xi32>
        %parallel_loop3A_1665 = arith.constant 9 : i32
        %parallel_loop3A_1666 = vector.broadcast %parallel_loop3A_1665 : i32 to vector<16xi32>
        %parallel_loop3A_1667 = arith.shli %parallel_loop3A_1664, %parallel_loop3A_1666 : vector<16xi32>
        %parallel_loop3A_1668 = arith.constant 7 : i32
        %parallel_loop3A_1669 = vector.broadcast %parallel_loop3A_1668 : i32 to vector<16xi32>
        %parallel_loop3A_1670 = arith.andi %parallel_loop3A_1661, %parallel_loop3A_1669 : vector<16xi32>
        %parallel_loop3A_1671 = arith.constant 7 : i32
        %parallel_loop3A_1672 = vector.broadcast %parallel_loop3A_1671 : i32 to vector<16xi32>
        %parallel_loop3A_1673 = arith.shli %parallel_loop3A_1670, %parallel_loop3A_1672 : vector<16xi32>
        %parallel_loop3A_1674 = arith.addi %parallel_loop3A_1667, %parallel_loop3A_1673 : vector<16xi32>
        %parallel_loop3A_1675 = tpu.vector_load_idx %arg7[%parallel_loop3A_980, %parallel_loop3A_1661] : memref<512x32xf32, #tpu.memory_space<vmem>>[vector<16xi32>, vector<16xi32>], vector<16xf32>,
        %parallel_loop3A_1676 = arith.addi %parallel_loop3A_1674, %parallel_loop3A_1025 : vector<16xi32>
        tpu.vector_store_idx %arg9[%parallel_loop3A_1676], %parallel_loop3A_1675 : memref<16384xf32, #tpu.memory_space<vmem>>[vector<16xi32>], vector<16xf32>,
        %parallel_loop3A_1677 = arith.constant 31 : i32
        %parallel_loop3A_1678 = vector.broadcast %parallel_loop3A_1677 : i32 to vector<16xi32>
        %parallel_loop3A_1679 = arith.addi %iota3A, %parallel_loop3A_1678 : vector<16xi32>
        %parallel_loop3A_1680 = arith.constant 31 : i32
        %parallel_loop3A_1681 = vector.broadcast %parallel_loop3A_1680 : i32 to vector<16xi32>
        %parallel_loop3A_1682 = arith.andi %parallel_loop3A_1679, %parallel_loop3A_1681 : vector<16xi32>
        %parallel_loop3A_1683 = arith.constant 24 : i32
        %parallel_loop3A_1684 = vector.broadcast %parallel_loop3A_1683 : i32 to vector<16xi32>
        %parallel_loop3A_1685 = arith.andi %parallel_loop3A_1682, %parallel_loop3A_1684 : vector<16xi32>
        %parallel_loop3A_1686 = arith.constant 9 : i32
        %parallel_loop3A_1687 = vector.broadcast %parallel_loop3A_1686 : i32 to vector<16xi32>
        %parallel_loop3A_1688 = arith.shli %parallel_loop3A_1685, %parallel_loop3A_1687 : vector<16xi32>
        %parallel_loop3A_1689 = arith.constant 7 : i32
        %parallel_loop3A_1690 = vector.broadcast %parallel_loop3A_1689 : i32 to vector<16xi32>
        %parallel_loop3A_1691 = arith.andi %parallel_loop3A_1682, %parallel_loop3A_1690 : vector<16xi32>
        %parallel_loop3A_1692 = arith.constant 7 : i32
        %parallel_loop3A_1693 = vector.broadcast %parallel_loop3A_1692 : i32 to vector<16xi32>
        %parallel_loop3A_1694 = arith.shli %parallel_loop3A_1691, %parallel_loop3A_1693 : vector<16xi32>
        %parallel_loop3A_1695 = arith.addi %parallel_loop3A_1688, %parallel_loop3A_1694 : vector<16xi32>
        %parallel_loop3A_1696 = tpu.vector_load_idx %arg7[%parallel_loop3A_980, %parallel_loop3A_1682] : memref<512x32xf32, #tpu.memory_space<vmem>>[vector<16xi32>, vector<16xi32>], vector<16xf32>,
        %parallel_loop3A_1697 = arith.addi %parallel_loop3A_1695, %parallel_loop3A_1025 : vector<16xi32>
        tpu.vector_store_idx %arg9[%parallel_loop3A_1697], %parallel_loop3A_1696 : memref<16384xf32, #tpu.memory_space<vmem>>[vector<16xi32>], vector<16xf32>,
      } {sc.loop_unroll_factor = 8 : i64, sc.parallel_access}
      %jit3A_748 = arith.constant 32 : i32
      %div3A_749 = arith.divsi %add3A_726, %jit3A_748 : i32
      %sign3A_750 = arith.constant 0 : i32
      %sign3A_751 = arith.cmpi sgt, %add3A_726, %sign3A_750 : i32
      %sign3A_752 = arith.extui %sign3A_751 : i1 to i32
      %sign3A_753 = arith.constant 0 : i32
      %sign3A_754 = arith.cmpi slt, %add3A_726, %sign3A_753 : i32
      %sign3A_755 = arith.extui %sign3A_754 : i1 to i32
      %sign3A_756 = arith.subi %sign3A_752, %sign3A_755 : i32
      %sign3A_757 = arith.constant 0 : i32
      %sign3A_758 = arith.cmpi sgt, %jit3A_748, %sign3A_757 : i32
      %sign3A_759 = arith.extui %sign3A_758 : i1 to i32
      %sign3A_760 = arith.constant 0 : i32
      %sign3A_761 = arith.cmpi slt, %jit3A_748, %sign3A_760 : i32
      %sign3A_762 = arith.extui %sign3A_761 : i1 to i32
      %sign3A_763 = arith.subi %sign3A_759, %sign3A_762 : i32
      %ne3A_764 = arith.cmpi ne, %sign3A_756, %sign3A_763 : i32
      %rem3A_765 = arith.remsi %add3A_726, %jit3A_748 : i32
      %ne3A_766 = arith.constant 0 : i32
      %ne3A_767 = arith.cmpi ne, %rem3A_765, %ne3A_766 : i32
      %and3A_768 = arith.andi %ne3A_764, %ne3A_767 : i1
      %sub3A_769 = arith.constant 1 : i32
      %sub3A_770 = arith.subi %div3A_749, %sub3A_769 : i32
      %select_n3A_771 = arith.select %and3A_768, %sub3A_770, %div3A_749 : i32
      %jit3A_772 = arith.constant 32 : i32
      %eq3A_773 = arith.constant 0 : i32
      %eq3A_774 = arith.cmpi eq, %jit3A_772, %eq3A_773 : i32
      %jit3A_775 = arith.constant 1 : i32
      %select_n3A_776 = arith.select %eq3A_774, %jit3A_775, %jit3A_772 : i32
      %rem3A_777 = arith.remsi %add3A_726, %select_n3A_776 : i32
      %ne3A_778 = arith.constant 0 : i32
      %ne3A_779 = arith.cmpi ne, %rem3A_777, %ne3A_778 : i32
      %lt3A_780 = arith.constant 0 : i32
      %lt3A_781 = arith.cmpi slt, %rem3A_777, %lt3A_780 : i32
      %lt3A_782 = arith.constant 0 : i32
      %lt3A_783 = arith.cmpi slt, %select_n3A_776, %lt3A_782 : i32
      %ne3A_784 = arith.xori %lt3A_781, %lt3A_783 : i1
      %and3A_785 = arith.andi %ne3A_784, %ne3A_779 : i1
      %add3A_786 = arith.addi %rem3A_777, %select_n3A_776 : i32
      %select_n3A_787 = arith.select %and3A_785, %add3A_786, %rem3A_777 : i32
      %mul3A_788 = arith.constant 4 : i32
      %mul3A_789 = arith.muli %select_n3A_771, %mul3A_788 : i32
      %add3A_790 = arith.constant 0 : i32
      %add3A_791 = arith.addi %mul3A_789, %add3A_790 : i32
      %mul3A_792 = arith.constant 128 : i32
      %mul3A_793 = arith.muli %add3A_791, %mul3A_792 : i32
      %mul3A_794 = arith.constant 4 : i32
      %mul3A_795 = arith.muli %select_n3A_787, %mul3A_794 : i32
      %add3A_796 = arith.addi %mul3A_793, %mul3A_795 : i32
      %mul3A_797 = arith.constant 1024 : i32
      %mul3A_798 = arith.muli %add3A_796, %mul3A_797 : i32
      %dma_start3A_799 = arith.constant 0 : i32
      %dma_start3A_800 = tpu.memref_slice %arg9[%dma_start3A_799] : memref<16384xf32, #tpu.memory_space<vmem>> -> memref<4096xf32, #tpu.memory_space<vmem>>
      %dma_start3A_801 = tpu.memref_slice %arg4[%mul3A_798] : memref<26214400xf32, #tpu.memory_space<hbm>> -> memref<4096xf32, #tpu.memory_space<hbm>>
      %dma_start3A_802 = tpu.memref_slice %arg4[%mul3A_798] : memref<26214400xf32, #tpu.memory_space<hbm>> -> memref<4096xf32, #tpu.memory_space<hbm>>
      %dma_start3A_803 = arith.constant 0 : i32
      %dma_start3A_804 = tpu.memref_slice %arg9[%dma_start3A_803] : memref<16384xf32, #tpu.memory_space<vmem>> -> memref<4096xf32, #tpu.memory_space<vmem>>
      tpu.enqueue_dma source(%dma_start3A_804 : memref<4096xf32, #tpu.memory_space<vmem>>) target(%dma_start3A_802 : memref<4096xf32, #tpu.memory_space<hbm>>) target_semaphore(%arg13 : memref<!tpu.dma_semaphore, #tpu.memory_space<semaphore_mem>>)
      %jit3A_805 = arith.constant 32 : i32
      %div3A_806 = arith.divsi %add3A_726, %jit3A_805 : i32
      %sign3A_807 = arith.constant 0 : i32
      %sign3A_808 = arith.cmpi sgt, %add3A_726, %sign3A_807 : i32
      %sign3A_809 = arith.extui %sign3A_808 : i1 to i32
      %sign3A_810 = arith.constant 0 : i32
      %sign3A_811 = arith.cmpi slt, %add3A_726, %sign3A_810 : i32
      %sign3A_812 = arith.extui %sign3A_811 : i1 to i32
      %sign3A_813 = arith.subi %sign3A_809, %sign3A_812 : i32
      %sign3A_814 = arith.constant 0 : i32
      %sign3A_815 = arith.cmpi sgt, %jit3A_805, %sign3A_814 : i32
      %sign3A_816 = arith.extui %sign3A_815 : i1 to i32
      %sign3A_817 = arith.constant 0 : i32
      %sign3A_818 = arith.cmpi slt, %jit3A_805, %sign3A_817 : i32
      %sign3A_819 = arith.extui %sign3A_818 : i1 to i32
      %sign3A_820 = arith.subi %sign3A_816, %sign3A_819 : i32
      %ne3A_821 = arith.cmpi ne, %sign3A_813, %sign3A_820 : i32
      %rem3A_822 = arith.remsi %add3A_726, %jit3A_805 : i32
      %ne3A_823 = arith.constant 0 : i32
      %ne3A_824 = arith.cmpi ne, %rem3A_822, %ne3A_823 : i32
      %and3A_825 = arith.andi %ne3A_821, %ne3A_824 : i1
      %sub3A_826 = arith.constant 1 : i32
      %sub3A_827 = arith.subi %div3A_806, %sub3A_826 : i32
      %select_n3A_828 = arith.select %and3A_825, %sub3A_827, %div3A_806 : i32
      %jit3A_829 = arith.constant 32 : i32
      %eq3A_830 = arith.constant 0 : i32
      %eq3A_831 = arith.cmpi eq, %jit3A_829, %eq3A_830 : i32
      %jit3A_832 = arith.constant 1 : i32
      %select_n3A_833 = arith.select %eq3A_831, %jit3A_832, %jit3A_829 : i32
      %rem3A_834 = arith.remsi %add3A_726, %select_n3A_833 : i32
      %ne3A_835 = arith.constant 0 : i32
      %ne3A_836 = arith.cmpi ne, %rem3A_834, %ne3A_835 : i32
      %lt3A_837 = arith.constant 0 : i32
      %lt3A_838 = arith.cmpi slt, %rem3A_834, %lt3A_837 : i32
      %lt3A_839 = arith.constant 0 : i32
      %lt3A_840 = arith.cmpi slt, %select_n3A_833, %lt3A_839 : i32
      %ne3A_841 = arith.xori %lt3A_838, %lt3A_840 : i1
      %and3A_842 = arith.andi %ne3A_841, %ne3A_836 : i1
      %add3A_843 = arith.addi %rem3A_834, %select_n3A_833 : i32
      %select_n3A_844 = arith.select %and3A_842, %add3A_843, %rem3A_834 : i32
      %mul3A_845 = arith.constant 4 : i32
      %mul3A_846 = arith.muli %select_n3A_828, %mul3A_845 : i32
      %add3A_847 = arith.constant 1 : i32
      %add3A_848 = arith.addi %mul3A_846, %add3A_847 : i32
      %mul3A_849 = arith.constant 128 : i32
      %mul3A_850 = arith.muli %add3A_848, %mul3A_849 : i32
      %mul3A_851 = arith.constant 4 : i32
      %mul3A_852 = arith.muli %select_n3A_844, %mul3A_851 : i32
      %add3A_853 = arith.addi %mul3A_850, %mul3A_852 : i32
      %mul3A_854 = arith.constant 1024 : i32
      %mul3A_855 = arith.muli %add3A_853, %mul3A_854 : i32
      %dma_start3A_856 = arith.constant 4096 : i32
      %dma_start3A_857 = tpu.memref_slice %arg9[%dma_start3A_856] : memref<16384xf32, #tpu.memory_space<vmem>> -> memref<4096xf32, #tpu.memory_space<vmem>>
      %dma_start3A_858 = tpu.memref_slice %arg4[%mul3A_855] : memref<26214400xf32, #tpu.memory_space<hbm>> -> memref<4096xf32, #tpu.memory_space<hbm>>
      %dma_start3A_859 = tpu.memref_slice %arg4[%mul3A_855] : memref<26214400xf32, #tpu.memory_space<hbm>> -> memref<4096xf32, #tpu.memory_space<hbm>>
      %dma_start3A_860 = arith.constant 4096 : i32
      %dma_start3A_861 = tpu.memref_slice %arg9[%dma_start3A_860] : memref<16384xf32, #tpu.memory_space<vmem>> -> memref<4096xf32, #tpu.memory_space<vmem>>
      tpu.enqueue_dma source(%dma_start3A_861 : memref<4096xf32, #tpu.memory_space<vmem>>) target(%dma_start3A_859 : memref<4096xf32, #tpu.memory_space<hbm>>) target_semaphore(%arg13 : memref<!tpu.dma_semaphore, #tpu.memory_space<semaphore_mem>>)
      %jit3A_862 = arith.constant 32 : i32
      %div3A_863 = arith.divsi %add3A_726, %jit3A_862 : i32
      %sign3A_864 = arith.constant 0 : i32
      %sign3A_865 = arith.cmpi sgt, %add3A_726, %sign3A_864 : i32
      %sign3A_866 = arith.extui %sign3A_865 : i1 to i32
      %sign3A_867 = arith.constant 0 : i32
      %sign3A_868 = arith.cmpi slt, %add3A_726, %sign3A_867 : i32
      %sign3A_869 = arith.extui %sign3A_868 : i1 to i32
      %sign3A_870 = arith.subi %sign3A_866, %sign3A_869 : i32
      %sign3A_871 = arith.constant 0 : i32
      %sign3A_872 = arith.cmpi sgt, %jit3A_862, %sign3A_871 : i32
      %sign3A_873 = arith.extui %sign3A_872 : i1 to i32
      %sign3A_874 = arith.constant 0 : i32
      %sign3A_875 = arith.cmpi slt, %jit3A_862, %sign3A_874 : i32
      %sign3A_876 = arith.extui %sign3A_875 : i1 to i32
      %sign3A_877 = arith.subi %sign3A_873, %sign3A_876 : i32
      %ne3A_878 = arith.cmpi ne, %sign3A_870, %sign3A_877 : i32
      %rem3A_879 = arith.remsi %add3A_726, %jit3A_862 : i32
      %ne3A_880 = arith.constant 0 : i32
      %ne3A_881 = arith.cmpi ne, %rem3A_879, %ne3A_880 : i32
      %and3A_882 = arith.andi %ne3A_878, %ne3A_881 : i1
      %sub3A_883 = arith.constant 1 : i32
      %sub3A_884 = arith.subi %div3A_863, %sub3A_883 : i32
      %select_n3A_885 = arith.select %and3A_882, %sub3A_884, %div3A_863 : i32
      %jit3A_886 = arith.constant 32 : i32
      %eq3A_887 = arith.constant 0 : i32
      %eq3A_888 = arith.cmpi eq, %jit3A_886, %eq3A_887 : i32
      %jit3A_889 = arith.constant 1 : i32
      %select_n3A_890 = arith.select %eq3A_888, %jit3A_889, %jit3A_886 : i32
      %rem3A_891 = arith.remsi %add3A_726, %select_n3A_890 : i32
      %ne3A_892 = arith.constant 0 : i32
      %ne3A_893 = arith.cmpi ne, %rem3A_891, %ne3A_892 : i32
      %lt3A_894 = arith.constant 0 : i32
      %lt3A_895 = arith.cmpi slt, %rem3A_891, %lt3A_894 : i32
      %lt3A_896 = arith.constant 0 : i32
      %lt3A_897 = arith.cmpi slt, %select_n3A_890, %lt3A_896 : i32
      %ne3A_898 = arith.xori %lt3A_895, %lt3A_897 : i1
      %and3A_899 = arith.andi %ne3A_898, %ne3A_893 : i1
      %add3A_900 = arith.addi %rem3A_891, %select_n3A_890 : i32
      %select_n3A_901 = arith.select %and3A_899, %add3A_900, %rem3A_891 : i32
      %mul3A_902 = arith.constant 4 : i32
      %mul3A_903 = arith.muli %select_n3A_885, %mul3A_902 : i32
      %add3A_904 = arith.constant 2 : i32
      %add3A_905 = arith.addi %mul3A_903, %add3A_904 : i32
      %mul3A_906 = arith.constant 128 : i32
      %mul3A_907 = arith.muli %add3A_905, %mul3A_906 : i32
      %mul3A_908 = arith.constant 4 : i32
      %mul3A_909 = arith.muli %select_n3A_901, %mul3A_908 : i32
      %add3A_910 = arith.addi %mul3A_907, %mul3A_909 : i32
      %mul3A_911 = arith.constant 1024 : i32
      %mul3A_912 = arith.muli %add3A_910, %mul3A_911 : i32
      %dma_start3A_913 = arith.constant 8192 : i32
      %dma_start3A_914 = tpu.memref_slice %arg9[%dma_start3A_913] : memref<16384xf32, #tpu.memory_space<vmem>> -> memref<4096xf32, #tpu.memory_space<vmem>>
      %dma_start3A_915 = tpu.memref_slice %arg4[%mul3A_912] : memref<26214400xf32, #tpu.memory_space<hbm>> -> memref<4096xf32, #tpu.memory_space<hbm>>
      %dma_start3A_916 = tpu.memref_slice %arg4[%mul3A_912] : memref<26214400xf32, #tpu.memory_space<hbm>> -> memref<4096xf32, #tpu.memory_space<hbm>>
      %dma_start3A_917 = arith.constant 8192 : i32
      %dma_start3A_918 = tpu.memref_slice %arg9[%dma_start3A_917] : memref<16384xf32, #tpu.memory_space<vmem>> -> memref<4096xf32, #tpu.memory_space<vmem>>
      tpu.enqueue_dma source(%dma_start3A_918 : memref<4096xf32, #tpu.memory_space<vmem>>) target(%dma_start3A_916 : memref<4096xf32, #tpu.memory_space<hbm>>) target_semaphore(%arg13 : memref<!tpu.dma_semaphore, #tpu.memory_space<semaphore_mem>>)
      %jit3A_919 = arith.constant 32 : i32
      %div3A_920 = arith.divsi %add3A_726, %jit3A_919 : i32
      %sign3A_921 = arith.constant 0 : i32
      %sign3A_922 = arith.cmpi sgt, %add3A_726, %sign3A_921 : i32
      %sign3A_923 = arith.extui %sign3A_922 : i1 to i32
      %sign3A_924 = arith.constant 0 : i32
      %sign3A_925 = arith.cmpi slt, %add3A_726, %sign3A_924 : i32
      %sign3A_926 = arith.extui %sign3A_925 : i1 to i32
      %sign3A_927 = arith.subi %sign3A_923, %sign3A_926 : i32
      %sign3A_928 = arith.constant 0 : i32
      %sign3A_929 = arith.cmpi sgt, %jit3A_919, %sign3A_928 : i32
      %sign3A_930 = arith.extui %sign3A_929 : i1 to i32
      %sign3A_931 = arith.constant 0 : i32
      %sign3A_932 = arith.cmpi slt, %jit3A_919, %sign3A_931 : i32
      %sign3A_933 = arith.extui %sign3A_932 : i1 to i32
      %sign3A_934 = arith.subi %sign3A_930, %sign3A_933 : i32
      %ne3A_935 = arith.cmpi ne, %sign3A_927, %sign3A_934 : i32
      %rem3A_936 = arith.remsi %add3A_726, %jit3A_919 : i32
      %ne3A_937 = arith.constant 0 : i32
      %ne3A_938 = arith.cmpi ne, %rem3A_936, %ne3A_937 : i32
      %and3A_939 = arith.andi %ne3A_935, %ne3A_938 : i1
      %sub3A_940 = arith.constant 1 : i32
      %sub3A_941 = arith.subi %div3A_920, %sub3A_940 : i32
      %select_n3A_942 = arith.select %and3A_939, %sub3A_941, %div3A_920 : i32
      %jit3A_943 = arith.constant 32 : i32
      %eq3A_944 = arith.constant 0 : i32
      %eq3A_945 = arith.cmpi eq, %jit3A_943, %eq3A_944 : i32
      %jit3A_946 = arith.constant 1 : i32
      %select_n3A_947 = arith.select %eq3A_945, %jit3A_946, %jit3A_943 : i32
      %rem3A_948 = arith.remsi %add3A_726, %select_n3A_947 : i32
      %ne3A_949 = arith.constant 0 : i32
      %ne3A_950 = arith.cmpi ne, %rem3A_948, %ne3A_949 : i32
      %lt3A_951 = arith.constant 0 : i32
      %lt3A_952 = arith.cmpi slt, %rem3A_948, %lt3A_951 : i32
      %lt3A_953 = arith.constant 0 : i32
      %lt3A_954 = arith.cmpi slt, %select_n3A_947, %lt3A_953 : i32
      %ne3A_955 = arith.xori %lt3A_952, %lt3A_954 : i1
      %and3A_956 = arith.andi %ne3A_955, %ne3A_950 : i1
      %add3A_957 = arith.addi %rem3A_948, %select_n3A_947 : i32
      %select_n3A_958 = arith.select %and3A_956, %add3A_957, %rem3A_948 : i32
      %mul3A_959 = arith.constant 4 : i32
      %mul3A_960 = arith.muli %select_n3A_942, %mul3A_959 : i32
      %add3A_961 = arith.constant 3 : i32
      %add3A_962 = arith.addi %mul3A_960, %add3A_961 : i32
      %mul3A_963 = arith.constant 128 : i32
      %mul3A_964 = arith.muli %add3A_962, %mul3A_963 : i32
      %mul3A_965 = arith.constant 4 : i32
      %mul3A_966 = arith.muli %select_n3A_958, %mul3A_965 : i32
      %add3A_967 = arith.addi %mul3A_964, %mul3A_966 : i32
      %mul3A_968 = arith.constant 1024 : i32
      %mul3A_969 = arith.muli %add3A_967, %mul3A_968 : i32
      %dma_start3A_970 = arith.constant 12288 : i32
      %dma_start3A_971 = tpu.memref_slice %arg9[%dma_start3A_970] : memref<16384xf32, #tpu.memory_space<vmem>> -> memref<4096xf32, #tpu.memory_space<vmem>>
      %dma_start3A_972 = tpu.memref_slice %arg4[%mul3A_969] : memref<26214400xf32, #tpu.memory_space<hbm>> -> memref<4096xf32, #tpu.memory_space<hbm>>
      %dma_start3A_973 = tpu.memref_slice %arg4[%mul3A_969] : memref<26214400xf32, #tpu.memory_space<hbm>> -> memref<4096xf32, #tpu.memory_space<hbm>>
      %dma_start3A_974 = arith.constant 12288 : i32
      %dma_start3A_975 = tpu.memref_slice %arg9[%dma_start3A_974] : memref<16384xf32, #tpu.memory_space<vmem>> -> memref<4096xf32, #tpu.memory_space<vmem>>
      tpu.enqueue_dma source(%dma_start3A_975 : memref<4096xf32, #tpu.memory_space<vmem>>) target(%dma_start3A_973 : memref<4096xf32, #tpu.memory_space<hbm>>) target_semaphore(%arg13 : memref<!tpu.dma_semaphore, #tpu.memory_space<semaphore_mem>>)
    }
    %scan3A_13 = arith.constant 25 : i32
    %add3A_14 = arith.constant 50 : i32
    %add3A_15 = arith.addi %mul3A_2, %add3A_14 : i32
    %sub3A = arith.constant 2 : i32
    %sub3A_16 = arith.subi %add3A_15, %sub3A : i32
    %add3A_17 = arith.constant 0 : i32
    %add3A_18 = arith.addi %sub3A_16, %add3A_17 : i32
    %jit3A = arith.constant 32 : i32
    %div3A = arith.divsi %add3A_18, %jit3A : i32
    %sign3A = arith.constant 0 : i32
    %sign3A_19 = arith.cmpi sgt, %add3A_18, %sign3A : i32
    %sign3A_20 = arith.extui %sign3A_19 : i1 to i32
    %sign3A_21 = arith.constant 0 : i32
    %sign3A_22 = arith.cmpi slt, %add3A_18, %sign3A_21 : i32
    %sign3A_23 = arith.extui %sign3A_22 : i1 to i32
    %sign3A_24 = arith.subi %sign3A_20, %sign3A_23 : i32
    %sign3A_25 = arith.constant 0 : i32
    %sign3A_26 = arith.cmpi sgt, %jit3A, %sign3A_25 : i32
    %sign3A_27 = arith.extui %sign3A_26 : i1 to i32
    %sign3A_28 = arith.constant 0 : i32
    %sign3A_29 = arith.cmpi slt, %jit3A, %sign3A_28 : i32
    %sign3A_30 = arith.extui %sign3A_29 : i1 to i32
    %sign3A_31 = arith.subi %sign3A_27, %sign3A_30 : i32
    %ne3A = arith.cmpi ne, %sign3A_24, %sign3A_31 : i32
    %rem3A = arith.remsi %add3A_18, %jit3A : i32
    %ne3A_32 = arith.constant 0 : i32
    %ne3A_33 = arith.cmpi ne, %rem3A, %ne3A_32 : i32
    %and3A = arith.andi %ne3A, %ne3A_33 : i1
    %sub3A_34 = arith.constant 1 : i32
    %sub3A_35 = arith.subi %div3A, %sub3A_34 : i32
    %select_n3A = arith.select %and3A, %sub3A_35, %div3A : i32
    %jit3A_36 = arith.constant 32 : i32
    %eq3A = arith.constant 0 : i32
    %eq3A_37 = arith.cmpi eq, %jit3A_36, %eq3A : i32
    %jit3A_38 = arith.constant 1 : i32
    %select_n3A_39 = arith.select %eq3A_37, %jit3A_38, %jit3A_36 : i32
    %rem3A_40 = arith.remsi %add3A_18, %select_n3A_39 : i32
    %ne3A_41 = arith.constant 0 : i32
    %ne3A_42 = arith.cmpi ne, %rem3A_40, %ne3A_41 : i32
    %lt3A = arith.constant 0 : i32
    %lt3A_43 = arith.cmpi slt, %rem3A_40, %lt3A : i32
    %lt3A_44 = arith.constant 0 : i32
    %lt3A_45 = arith.cmpi slt, %select_n3A_39, %lt3A_44 : i32
    %ne3A_46 = arith.xori %lt3A_43, %lt3A_45 : i1
    %and3A_47 = arith.andi %ne3A_46, %ne3A_42 : i1
    %add3A_48 = arith.addi %rem3A_40, %select_n3A_39 : i32
    %select_n3A_49 = arith.select %and3A_47, %add3A_48, %rem3A_40 : i32
    %mul3A_50 = arith.constant 4 : i32
    %mul3A_51 = arith.muli %select_n3A, %mul3A_50 : i32
    %add3A_52 = arith.constant 0 : i32
    %add3A_53 = arith.addi %mul3A_51, %add3A_52 : i32
    %mul3A_54 = arith.constant 128 : i32
    %mul3A_55 = arith.muli %add3A_53, %mul3A_54 : i32
    %mul3A_56 = arith.constant 4 : i32
    %mul3A_57 = arith.muli %select_n3A_49, %mul3A_56 : i32
    %add3A_58 = arith.addi %mul3A_55, %mul3A_57 : i32
    %mul3A_59 = arith.constant 1024 : i32
    %mul3A_60 = arith.muli %add3A_58, %mul3A_59 : i32
    %dma_wait3A = arith.constant 0 : i32
    %dma_wait3A_61 = tpu.memref_slice %arg8[%dma_wait3A] : memref<16384xf32, #tpu.memory_space<vmem>> -> memref<4096xf32, #tpu.memory_space<vmem>>
    %dma_wait3A_62 = tpu.memref_slice %arg4[%mul3A_60] : memref<26214400xf32, #tpu.memory_space<hbm>> -> memref<4096xf32, #tpu.memory_space<hbm>>
    %dma_wait3A_63 = tpu.memref_slice %arg4[%mul3A_60] : memref<26214400xf32, #tpu.memory_space<hbm>> -> memref<4096xf32, #tpu.memory_space<hbm>>
    %dma_wait3A_64 = arith.constant 0 : i32
    %dma_wait3A_65 = tpu.memref_slice %arg8[%dma_wait3A_64] : memref<16384xf32, #tpu.memory_space<vmem>> -> memref<4096xf32, #tpu.memory_space<vmem>>
    tpu.wait_dma2 semaphore(%arg12 : memref<!tpu.dma_semaphore, #tpu.memory_space<semaphore_mem>>) src(%dma_wait3A_65 : memref<4096xf32, #tpu.memory_space<vmem>>) dst(%dma_wait3A_63 : memref<4096xf32, #tpu.memory_space<hbm>>)
    %jit3A_66 = arith.constant 32 : i32
    %div3A_67 = arith.divsi %add3A_18, %jit3A_66 : i32
    %sign3A_68 = arith.constant 0 : i32
    %sign3A_69 = arith.cmpi sgt, %add3A_18, %sign3A_68 : i32
    %sign3A_70 = arith.extui %sign3A_69 : i1 to i32
    %sign3A_71 = arith.constant 0 : i32
    %sign3A_72 = arith.cmpi slt, %add3A_18, %sign3A_71 : i32
    %sign3A_73 = arith.extui %sign3A_72 : i1 to i32
    %sign3A_74 = arith.subi %sign3A_70, %sign3A_73 : i32
    %sign3A_75 = arith.constant 0 : i32
    %sign3A_76 = arith.cmpi sgt, %jit3A_66, %sign3A_75 : i32
    %sign3A_77 = arith.extui %sign3A_76 : i1 to i32
    %sign3A_78 = arith.constant 0 : i32
    %sign3A_79 = arith.cmpi slt, %jit3A_66, %sign3A_78 : i32
    %sign3A_80 = arith.extui %sign3A_79 : i1 to i32
    %sign3A_81 = arith.subi %sign3A_77, %sign3A_80 : i32
    %ne3A_82 = arith.cmpi ne, %sign3A_74, %sign3A_81 : i32
    %rem3A_83 = arith.remsi %add3A_18, %jit3A_66 : i32
    %ne3A_84 = arith.constant 0 : i32
    %ne3A_85 = arith.cmpi ne, %rem3A_83, %ne3A_84 : i32
    %and3A_86 = arith.andi %ne3A_82, %ne3A_85 : i1
    %sub3A_87 = arith.constant 1 : i32
    %sub3A_88 = arith.subi %div3A_67, %sub3A_87 : i32
    %select_n3A_89 = arith.select %and3A_86, %sub3A_88, %div3A_67 : i32
    %jit3A_90 = arith.constant 32 : i32
    %eq3A_91 = arith.constant 0 : i32
    %eq3A_92 = arith.cmpi eq, %jit3A_90, %eq3A_91 : i32
    %jit3A_93 = arith.constant 1 : i32
    %select_n3A_94 = arith.select %eq3A_92, %jit3A_93, %jit3A_90 : i32
    %rem3A_95 = arith.remsi %add3A_18, %select_n3A_94 : i32
    %ne3A_96 = arith.constant 0 : i32
    %ne3A_97 = arith.cmpi ne, %rem3A_95, %ne3A_96 : i32
    %lt3A_98 = arith.constant 0 : i32
    %lt3A_99 = arith.cmpi slt, %rem3A_95, %lt3A_98 : i32
    %lt3A_100 = arith.constant 0 : i32
    %lt3A_101 = arith.cmpi slt, %select_n3A_94, %lt3A_100 : i32
    %ne3A_102 = arith.xori %lt3A_99, %lt3A_101 : i1
    %and3A_103 = arith.andi %ne3A_102, %ne3A_97 : i1
    %add3A_104 = arith.addi %rem3A_95, %select_n3A_94 : i32
    %select_n3A_105 = arith.select %and3A_103, %add3A_104, %rem3A_95 : i32
    %mul3A_106 = arith.constant 4 : i32
    %mul3A_107 = arith.muli %select_n3A_89, %mul3A_106 : i32
    %add3A_108 = arith.constant 1 : i32
    %add3A_109 = arith.addi %mul3A_107, %add3A_108 : i32
    %mul3A_110 = arith.constant 128 : i32
    %mul3A_111 = arith.muli %add3A_109, %mul3A_110 : i32
    %mul3A_112 = arith.constant 4 : i32
    %mul3A_113 = arith.muli %select_n3A_105, %mul3A_112 : i32
    %add3A_114 = arith.addi %mul3A_111, %mul3A_113 : i32
    %mul3A_115 = arith.constant 1024 : i32
    %mul3A_116 = arith.muli %add3A_114, %mul3A_115 : i32
    %dma_wait3A_117 = arith.constant 4096 : i32
    %dma_wait3A_118 = tpu.memref_slice %arg8[%dma_wait3A_117] : memref<16384xf32, #tpu.memory_space<vmem>> -> memref<4096xf32, #tpu.memory_space<vmem>>
    %dma_wait3A_119 = tpu.memref_slice %arg4[%mul3A_116] : memref<26214400xf32, #tpu.memory_space<hbm>> -> memref<4096xf32, #tpu.memory_space<hbm>>
    %dma_wait3A_120 = tpu.memref_slice %arg4[%mul3A_116] : memref<26214400xf32, #tpu.memory_space<hbm>> -> memref<4096xf32, #tpu.memory_space<hbm>>
    %dma_wait3A_121 = arith.constant 4096 : i32
    %dma_wait3A_122 = tpu.memref_slice %arg8[%dma_wait3A_121] : memref<16384xf32, #tpu.memory_space<vmem>> -> memref<4096xf32, #tpu.memory_space<vmem>>
    tpu.wait_dma2 semaphore(%arg12 : memref<!tpu.dma_semaphore, #tpu.memory_space<semaphore_mem>>) src(%dma_wait3A_122 : memref<4096xf32, #tpu.memory_space<vmem>>) dst(%dma_wait3A_120 : memref<4096xf32, #tpu.memory_space<hbm>>)
    %jit3A_123 = arith.constant 32 : i32
    %div3A_124 = arith.divsi %add3A_18, %jit3A_123 : i32
    %sign3A_125 = arith.constant 0 : i32
    %sign3A_126 = arith.cmpi sgt, %add3A_18, %sign3A_125 : i32
    %sign3A_127 = arith.extui %sign3A_126 : i1 to i32
    %sign3A_128 = arith.constant 0 : i32
    %sign3A_129 = arith.cmpi slt, %add3A_18, %sign3A_128 : i32
    %sign3A_130 = arith.extui %sign3A_129 : i1 to i32
    %sign3A_131 = arith.subi %sign3A_127, %sign3A_130 : i32
    %sign3A_132 = arith.constant 0 : i32
    %sign3A_133 = arith.cmpi sgt, %jit3A_123, %sign3A_132 : i32
    %sign3A_134 = arith.extui %sign3A_133 : i1 to i32
    %sign3A_135 = arith.constant 0 : i32
    %sign3A_136 = arith.cmpi slt, %jit3A_123, %sign3A_135 : i32
    %sign3A_137 = arith.extui %sign3A_136 : i1 to i32
    %sign3A_138 = arith.subi %sign3A_134, %sign3A_137 : i32
    %ne3A_139 = arith.cmpi ne, %sign3A_131, %sign3A_138 : i32
    %rem3A_140 = arith.remsi %add3A_18, %jit3A_123 : i32
    %ne3A_141 = arith.constant 0 : i32
    %ne3A_142 = arith.cmpi ne, %rem3A_140, %ne3A_141 : i32
    %and3A_143 = arith.andi %ne3A_139, %ne3A_142 : i1
    %sub3A_144 = arith.constant 1 : i32
    %sub3A_145 = arith.subi %div3A_124, %sub3A_144 : i32
    %select_n3A_146 = arith.select %and3A_143, %sub3A_145, %div3A_124 : i32
    %jit3A_147 = arith.constant 32 : i32
    %eq3A_148 = arith.constant 0 : i32
    %eq3A_149 = arith.cmpi eq, %jit3A_147, %eq3A_148 : i32
    %jit3A_150 = arith.constant 1 : i32
    %select_n3A_151 = arith.select %eq3A_149, %jit3A_150, %jit3A_147 : i32
    %rem3A_152 = arith.remsi %add3A_18, %select_n3A_151 : i32
    %ne3A_153 = arith.constant 0 : i32
    %ne3A_154 = arith.cmpi ne, %rem3A_152, %ne3A_153 : i32
    %lt3A_155 = arith.constant 0 : i32
    %lt3A_156 = arith.cmpi slt, %rem3A_152, %lt3A_155 : i32
    %lt3A_157 = arith.constant 0 : i32
    %lt3A_158 = arith.cmpi slt, %select_n3A_151, %lt3A_157 : i32
    %ne3A_159 = arith.xori %lt3A_156, %lt3A_158 : i1
    %and3A_160 = arith.andi %ne3A_159, %ne3A_154 : i1
    %add3A_161 = arith.addi %rem3A_152, %select_n3A_151 : i32
    %select_n3A_162 = arith.select %and3A_160, %add3A_161, %rem3A_152 : i32
    %mul3A_163 = arith.constant 4 : i32
    %mul3A_164 = arith.muli %select_n3A_146, %mul3A_163 : i32
    %add3A_165 = arith.constant 2 : i32
    %add3A_166 = arith.addi %mul3A_164, %add3A_165 : i32
    %mul3A_167 = arith.constant 128 : i32
    %mul3A_168 = arith.muli %add3A_166, %mul3A_167 : i32
    %mul3A_169 = arith.constant 4 : i32
    %mul3A_170 = arith.muli %select_n3A_162, %mul3A_169 : i32
    %add3A_171 = arith.addi %mul3A_168, %mul3A_170 : i32
    %mul3A_172 = arith.constant 1024 : i32
    %mul3A_173 = arith.muli %add3A_171, %mul3A_172 : i32
    %dma_wait3A_174 = arith.constant 8192 : i32
    %dma_wait3A_175 = tpu.memref_slice %arg8[%dma_wait3A_174] : memref<16384xf32, #tpu.memory_space<vmem>> -> memref<4096xf32, #tpu.memory_space<vmem>>
    %dma_wait3A_176 = tpu.memref_slice %arg4[%mul3A_173] : memref<26214400xf32, #tpu.memory_space<hbm>> -> memref<4096xf32, #tpu.memory_space<hbm>>
    %dma_wait3A_177 = tpu.memref_slice %arg4[%mul3A_173] : memref<26214400xf32, #tpu.memory_space<hbm>> -> memref<4096xf32, #tpu.memory_space<hbm>>
    %dma_wait3A_178 = arith.constant 8192 : i32
    %dma_wait3A_179 = tpu.memref_slice %arg8[%dma_wait3A_178] : memref<16384xf32, #tpu.memory_space<vmem>> -> memref<4096xf32, #tpu.memory_space<vmem>>
    tpu.wait_dma2 semaphore(%arg12 : memref<!tpu.dma_semaphore, #tpu.memory_space<semaphore_mem>>) src(%dma_wait3A_179 : memref<4096xf32, #tpu.memory_space<vmem>>) dst(%dma_wait3A_177 : memref<4096xf32, #tpu.memory_space<hbm>>)
    %jit3A_180 = arith.constant 32 : i32
    %div3A_181 = arith.divsi %add3A_18, %jit3A_180 : i32
    %sign3A_182 = arith.constant 0 : i32
    %sign3A_183 = arith.cmpi sgt, %add3A_18, %sign3A_182 : i32
    %sign3A_184 = arith.extui %sign3A_183 : i1 to i32
    %sign3A_185 = arith.constant 0 : i32
    %sign3A_186 = arith.cmpi slt, %add3A_18, %sign3A_185 : i32
    %sign3A_187 = arith.extui %sign3A_186 : i1 to i32
    %sign3A_188 = arith.subi %sign3A_184, %sign3A_187 : i32
    %sign3A_189 = arith.constant 0 : i32
    %sign3A_190 = arith.cmpi sgt, %jit3A_180, %sign3A_189 : i32
    %sign3A_191 = arith.extui %sign3A_190 : i1 to i32
    %sign3A_192 = arith.constant 0 : i32
    %sign3A_193 = arith.cmpi slt, %jit3A_180, %sign3A_192 : i32
    %sign3A_194 = arith.extui %sign3A_193 : i1 to i32
    %sign3A_195 = arith.subi %sign3A_191, %sign3A_194 : i32
    %ne3A_196 = arith.cmpi ne, %sign3A_188, %sign3A_195 : i32
    %rem3A_197 = arith.remsi %add3A_18, %jit3A_180 : i32
    %ne3A_198 = arith.constant 0 : i32
    %ne3A_199 = arith.cmpi ne, %rem3A_197, %ne3A_198 : i32
    %and3A_200 = arith.andi %ne3A_196, %ne3A_199 : i1
    %sub3A_201 = arith.constant 1 : i32
    %sub3A_202 = arith.subi %div3A_181, %sub3A_201 : i32
    %select_n3A_203 = arith.select %and3A_200, %sub3A_202, %div3A_181 : i32
    %jit3A_204 = arith.constant 32 : i32
    %eq3A_205 = arith.constant 0 : i32
    %eq3A_206 = arith.cmpi eq, %jit3A_204, %eq3A_205 : i32
    %jit3A_207 = arith.constant 1 : i32
    %select_n3A_208 = arith.select %eq3A_206, %jit3A_207, %jit3A_204 : i32
    %rem3A_209 = arith.remsi %add3A_18, %select_n3A_208 : i32
    %ne3A_210 = arith.constant 0 : i32
    %ne3A_211 = arith.cmpi ne, %rem3A_209, %ne3A_210 : i32
    %lt3A_212 = arith.constant 0 : i32
    %lt3A_213 = arith.cmpi slt, %rem3A_209, %lt3A_212 : i32
    %lt3A_214 = arith.constant 0 : i32
    %lt3A_215 = arith.cmpi slt, %select_n3A_208, %lt3A_214 : i32
    %ne3A_216 = arith.xori %lt3A_213, %lt3A_215 : i1
    %and3A_217 = arith.andi %ne3A_216, %ne3A_211 : i1
    %add3A_218 = arith.addi %rem3A_209, %select_n3A_208 : i32
    %select_n3A_219 = arith.select %and3A_217, %add3A_218, %rem3A_209 : i32
    %mul3A_220 = arith.constant 4 : i32
    %mul3A_221 = arith.muli %select_n3A_203, %mul3A_220 : i32
    %add3A_222 = arith.constant 3 : i32
    %add3A_223 = arith.addi %mul3A_221, %add3A_222 : i32
    %mul3A_224 = arith.constant 128 : i32
    %mul3A_225 = arith.muli %add3A_223, %mul3A_224 : i32
    %mul3A_226 = arith.constant 4 : i32
    %mul3A_227 = arith.muli %select_n3A_219, %mul3A_226 : i32
    %add3A_228 = arith.addi %mul3A_225, %mul3A_227 : i32
    %mul3A_229 = arith.constant 1024 : i32
    %mul3A_230 = arith.muli %add3A_228, %mul3A_229 : i32
    %dma_wait3A_231 = arith.constant 12288 : i32
    %dma_wait3A_232 = tpu.memref_slice %arg8[%dma_wait3A_231] : memref<16384xf32, #tpu.memory_space<vmem>> -> memref<4096xf32, #tpu.memory_space<vmem>>
    %dma_wait3A_233 = tpu.memref_slice %arg4[%mul3A_230] : memref<26214400xf32, #tpu.memory_space<hbm>> -> memref<4096xf32, #tpu.memory_space<hbm>>
    %dma_wait3A_234 = tpu.memref_slice %arg4[%mul3A_230] : memref<26214400xf32, #tpu.memory_space<hbm>> -> memref<4096xf32, #tpu.memory_space<hbm>>
    %dma_wait3A_235 = arith.constant 12288 : i32
    %dma_wait3A_236 = tpu.memref_slice %arg8[%dma_wait3A_235] : memref<16384xf32, #tpu.memory_space<vmem>> -> memref<4096xf32, #tpu.memory_space<vmem>>
    tpu.wait_dma2 semaphore(%arg12 : memref<!tpu.dma_semaphore, #tpu.memory_space<semaphore_mem>>) src(%dma_wait3A_236 : memref<4096xf32, #tpu.memory_space<vmem>>) dst(%dma_wait3A_234 : memref<4096xf32, #tpu.memory_space<hbm>>)
    %add3A_237 = arith.constant 50 : i32
    %add3A_238 = arith.addi %mul3A_2, %add3A_237 : i32
    %sub3A_239 = arith.constant 2 : i32
    %sub3A_240 = arith.subi %add3A_238, %sub3A_239 : i32
    %add3A_241 = arith.constant 1 : i32
    %add3A_242 = arith.addi %sub3A_240, %add3A_241 : i32
    %jit3A_243 = arith.constant 32 : i32
    %div3A_244 = arith.divsi %add3A_242, %jit3A_243 : i32
    %sign3A_245 = arith.constant 0 : i32
    %sign3A_246 = arith.cmpi sgt, %add3A_242, %sign3A_245 : i32
    %sign3A_247 = arith.extui %sign3A_246 : i1 to i32
    %sign3A_248 = arith.constant 0 : i32
    %sign3A_249 = arith.cmpi slt, %add3A_242, %sign3A_248 : i32
    %sign3A_250 = arith.extui %sign3A_249 : i1 to i32
    %sign3A_251 = arith.subi %sign3A_247, %sign3A_250 : i32
    %sign3A_252 = arith.constant 0 : i32
    %sign3A_253 = arith.cmpi sgt, %jit3A_243, %sign3A_252 : i32
    %sign3A_254 = arith.extui %sign3A_253 : i1 to i32
    %sign3A_255 = arith.constant 0 : i32
    %sign3A_256 = arith.cmpi slt, %jit3A_243, %sign3A_255 : i32
    %sign3A_257 = arith.extui %sign3A_256 : i1 to i32
    %sign3A_258 = arith.subi %sign3A_254, %sign3A_257 : i32
    %ne3A_259 = arith.cmpi ne, %sign3A_251, %sign3A_258 : i32
    %rem3A_260 = arith.remsi %add3A_242, %jit3A_243 : i32
    %ne3A_261 = arith.constant 0 : i32
    %ne3A_262 = arith.cmpi ne, %rem3A_260, %ne3A_261 : i32
    %and3A_263 = arith.andi %ne3A_259, %ne3A_262 : i1
    %sub3A_264 = arith.constant 1 : i32
    %sub3A_265 = arith.subi %div3A_244, %sub3A_264 : i32
    %select_n3A_266 = arith.select %and3A_263, %sub3A_265, %div3A_244 : i32
    %jit3A_267 = arith.constant 32 : i32
    %eq3A_268 = arith.constant 0 : i32
    %eq3A_269 = arith.cmpi eq, %jit3A_267, %eq3A_268 : i32
    %jit3A_270 = arith.constant 1 : i32
    %select_n3A_271 = arith.select %eq3A_269, %jit3A_270, %jit3A_267 : i32
    %rem3A_272 = arith.remsi %add3A_242, %select_n3A_271 : i32
    %ne3A_273 = arith.constant 0 : i32
    %ne3A_274 = arith.cmpi ne, %rem3A_272, %ne3A_273 : i32
    %lt3A_275 = arith.constant 0 : i32
    %lt3A_276 = arith.cmpi slt, %rem3A_272, %lt3A_275 : i32
    %lt3A_277 = arith.constant 0 : i32
    %lt3A_278 = arith.cmpi slt, %select_n3A_271, %lt3A_277 : i32
    %ne3A_279 = arith.xori %lt3A_276, %lt3A_278 : i1
    %and3A_280 = arith.andi %ne3A_279, %ne3A_274 : i1
    %add3A_281 = arith.addi %rem3A_272, %select_n3A_271 : i32
    %select_n3A_282 = arith.select %and3A_280, %add3A_281, %rem3A_272 : i32
    %mul3A_283 = arith.constant 4 : i32
    %mul3A_284 = arith.muli %select_n3A_266, %mul3A_283 : i32
    %add3A_285 = arith.constant 0 : i32
    %add3A_286 = arith.addi %mul3A_284, %add3A_285 : i32
    %mul3A_287 = arith.constant 128 : i32
    %mul3A_288 = arith.muli %add3A_286, %mul3A_287 : i32
    %mul3A_289 = arith.constant 4 : i32
    %mul3A_290 = arith.muli %select_n3A_282, %mul3A_289 : i32
    %add3A_291 = arith.addi %mul3A_288, %mul3A_290 : i32
    %mul3A_292 = arith.constant 1024 : i32
    %mul3A_293 = arith.muli %add3A_291, %mul3A_292 : i32
    %dma_wait3A_294 = arith.constant 0 : i32
    %dma_wait3A_295 = tpu.memref_slice %arg9[%dma_wait3A_294] : memref<16384xf32, #tpu.memory_space<vmem>> -> memref<4096xf32, #tpu.memory_space<vmem>>
    %dma_wait3A_296 = tpu.memref_slice %arg4[%mul3A_293] : memref<26214400xf32, #tpu.memory_space<hbm>> -> memref<4096xf32, #tpu.memory_space<hbm>>
    %dma_wait3A_297 = tpu.memref_slice %arg4[%mul3A_293] : memref<26214400xf32, #tpu.memory_space<hbm>> -> memref<4096xf32, #tpu.memory_space<hbm>>
    %dma_wait3A_298 = arith.constant 0 : i32
    %dma_wait3A_299 = tpu.memref_slice %arg9[%dma_wait3A_298] : memref<16384xf32, #tpu.memory_space<vmem>> -> memref<4096xf32, #tpu.memory_space<vmem>>
    tpu.wait_dma2 semaphore(%arg13 : memref<!tpu.dma_semaphore, #tpu.memory_space<semaphore_mem>>) src(%dma_wait3A_299 : memref<4096xf32, #tpu.memory_space<vmem>>) dst(%dma_wait3A_297 : memref<4096xf32, #tpu.memory_space<hbm>>)
    %jit3A_300 = arith.constant 32 : i32
    %div3A_301 = arith.divsi %add3A_242, %jit3A_300 : i32
    %sign3A_302 = arith.constant 0 : i32
    %sign3A_303 = arith.cmpi sgt, %add3A_242, %sign3A_302 : i32
    %sign3A_304 = arith.extui %sign3A_303 : i1 to i32
    %sign3A_305 = arith.constant 0 : i32
    %sign3A_306 = arith.cmpi slt, %add3A_242, %sign3A_305 : i32
    %sign3A_307 = arith.extui %sign3A_306 : i1 to i32
    %sign3A_308 = arith.subi %sign3A_304, %sign3A_307 : i32
    %sign3A_309 = arith.constant 0 : i32
    %sign3A_310 = arith.cmpi sgt, %jit3A_300, %sign3A_309 : i32
    %sign3A_311 = arith.extui %sign3A_310 : i1 to i32
    %sign3A_312 = arith.constant 0 : i32
    %sign3A_313 = arith.cmpi slt, %jit3A_300, %sign3A_312 : i32
    %sign3A_314 = arith.extui %sign3A_313 : i1 to i32
    %sign3A_315 = arith.subi %sign3A_311, %sign3A_314 : i32
    %ne3A_316 = arith.cmpi ne, %sign3A_308, %sign3A_315 : i32
    %rem3A_317 = arith.remsi %add3A_242, %jit3A_300 : i32
    %ne3A_318 = arith.constant 0 : i32
    %ne3A_319 = arith.cmpi ne, %rem3A_317, %ne3A_318 : i32
    %and3A_320 = arith.andi %ne3A_316, %ne3A_319 : i1
    %sub3A_321 = arith.constant 1 : i32
    %sub3A_322 = arith.subi %div3A_301, %sub3A_321 : i32
    %select_n3A_323 = arith.select %and3A_320, %sub3A_322, %div3A_301 : i32
    %jit3A_324 = arith.constant 32 : i32
    %eq3A_325 = arith.constant 0 : i32
    %eq3A_326 = arith.cmpi eq, %jit3A_324, %eq3A_325 : i32
    %jit3A_327 = arith.constant 1 : i32
    %select_n3A_328 = arith.select %eq3A_326, %jit3A_327, %jit3A_324 : i32
    %rem3A_329 = arith.remsi %add3A_242, %select_n3A_328 : i32
    %ne3A_330 = arith.constant 0 : i32
    %ne3A_331 = arith.cmpi ne, %rem3A_329, %ne3A_330 : i32
    %lt3A_332 = arith.constant 0 : i32
    %lt3A_333 = arith.cmpi slt, %rem3A_329, %lt3A_332 : i32
    %lt3A_334 = arith.constant 0 : i32
    %lt3A_335 = arith.cmpi slt, %select_n3A_328, %lt3A_334 : i32
    %ne3A_336 = arith.xori %lt3A_333, %lt3A_335 : i1
    %and3A_337 = arith.andi %ne3A_336, %ne3A_331 : i1
    %add3A_338 = arith.addi %rem3A_329, %select_n3A_328 : i32
    %select_n3A_339 = arith.select %and3A_337, %add3A_338, %rem3A_329 : i32
    %mul3A_340 = arith.constant 4 : i32
    %mul3A_341 = arith.muli %select_n3A_323, %mul3A_340 : i32
    %add3A_342 = arith.constant 1 : i32
    %add3A_343 = arith.addi %mul3A_341, %add3A_342 : i32
    %mul3A_344 = arith.constant 128 : i32
    %mul3A_345 = arith.muli %add3A_343, %mul3A_344 : i32
    %mul3A_346 = arith.constant 4 : i32
    %mul3A_347 = arith.muli %select_n3A_339, %mul3A_346 : i32
    %add3A_348 = arith.addi %mul3A_345, %mul3A_347 : i32
    %mul3A_349 = arith.constant 1024 : i32
    %mul3A_350 = arith.muli %add3A_348, %mul3A_349 : i32
    %dma_wait3A_351 = arith.constant 4096 : i32
    %dma_wait3A_352 = tpu.memref_slice %arg9[%dma_wait3A_351] : memref<16384xf32, #tpu.memory_space<vmem>> -> memref<4096xf32, #tpu.memory_space<vmem>>
    %dma_wait3A_353 = tpu.memref_slice %arg4[%mul3A_350] : memref<26214400xf32, #tpu.memory_space<hbm>> -> memref<4096xf32, #tpu.memory_space<hbm>>
    %dma_wait3A_354 = tpu.memref_slice %arg4[%mul3A_350] : memref<26214400xf32, #tpu.memory_space<hbm>> -> memref<4096xf32, #tpu.memory_space<hbm>>
    %dma_wait3A_355 = arith.constant 4096 : i32
    %dma_wait3A_356 = tpu.memref_slice %arg9[%dma_wait3A_355] : memref<16384xf32, #tpu.memory_space<vmem>> -> memref<4096xf32, #tpu.memory_space<vmem>>
    tpu.wait_dma2 semaphore(%arg13 : memref<!tpu.dma_semaphore, #tpu.memory_space<semaphore_mem>>) src(%dma_wait3A_356 : memref<4096xf32, #tpu.memory_space<vmem>>) dst(%dma_wait3A_354 : memref<4096xf32, #tpu.memory_space<hbm>>)
    %jit3A_357 = arith.constant 32 : i32
    %div3A_358 = arith.divsi %add3A_242, %jit3A_357 : i32
    %sign3A_359 = arith.constant 0 : i32
    %sign3A_360 = arith.cmpi sgt, %add3A_242, %sign3A_359 : i32
    %sign3A_361 = arith.extui %sign3A_360 : i1 to i32
    %sign3A_362 = arith.constant 0 : i32
    %sign3A_363 = arith.cmpi slt, %add3A_242, %sign3A_362 : i32
    %sign3A_364 = arith.extui %sign3A_363 : i1 to i32
    %sign3A_365 = arith.subi %sign3A_361, %sign3A_364 : i32
    %sign3A_366 = arith.constant 0 : i32
    %sign3A_367 = arith.cmpi sgt, %jit3A_357, %sign3A_366 : i32
    %sign3A_368 = arith.extui %sign3A_367 : i1 to i32
    %sign3A_369 = arith.constant 0 : i32
    %sign3A_370 = arith.cmpi slt, %jit3A_357, %sign3A_369 : i32
    %sign3A_371 = arith.extui %sign3A_370 : i1 to i32
    %sign3A_372 = arith.subi %sign3A_368, %sign3A_371 : i32
    %ne3A_373 = arith.cmpi ne, %sign3A_365, %sign3A_372 : i32
    %rem3A_374 = arith.remsi %add3A_242, %jit3A_357 : i32
    %ne3A_375 = arith.constant 0 : i32
    %ne3A_376 = arith.cmpi ne, %rem3A_374, %ne3A_375 : i32
    %and3A_377 = arith.andi %ne3A_373, %ne3A_376 : i1
    %sub3A_378 = arith.constant 1 : i32
    %sub3A_379 = arith.subi %div3A_358, %sub3A_378 : i32
    %select_n3A_380 = arith.select %and3A_377, %sub3A_379, %div3A_358 : i32
    %jit3A_381 = arith.constant 32 : i32
    %eq3A_382 = arith.constant 0 : i32
    %eq3A_383 = arith.cmpi eq, %jit3A_381, %eq3A_382 : i32
    %jit3A_384 = arith.constant 1 : i32
    %select_n3A_385 = arith.select %eq3A_383, %jit3A_384, %jit3A_381 : i32
    %rem3A_386 = arith.remsi %add3A_242, %select_n3A_385 : i32
    %ne3A_387 = arith.constant 0 : i32
    %ne3A_388 = arith.cmpi ne, %rem3A_386, %ne3A_387 : i32
    %lt3A_389 = arith.constant 0 : i32
    %lt3A_390 = arith.cmpi slt, %rem3A_386, %lt3A_389 : i32
    %lt3A_391 = arith.constant 0 : i32
    %lt3A_392 = arith.cmpi slt, %select_n3A_385, %lt3A_391 : i32
    %ne3A_393 = arith.xori %lt3A_390, %lt3A_392 : i1
    %and3A_394 = arith.andi %ne3A_393, %ne3A_388 : i1
    %add3A_395 = arith.addi %rem3A_386, %select_n3A_385 : i32
    %select_n3A_396 = arith.select %and3A_394, %add3A_395, %rem3A_386 : i32
    %mul3A_397 = arith.constant 4 : i32
    %mul3A_398 = arith.muli %select_n3A_380, %mul3A_397 : i32
    %add3A_399 = arith.constant 2 : i32
    %add3A_400 = arith.addi %mul3A_398, %add3A_399 : i32
    %mul3A_401 = arith.constant 128 : i32
    %mul3A_402 = arith.muli %add3A_400, %mul3A_401 : i32
    %mul3A_403 = arith.constant 4 : i32
    %mul3A_404 = arith.muli %select_n3A_396, %mul3A_403 : i32
    %add3A_405 = arith.addi %mul3A_402, %mul3A_404 : i32
    %mul3A_406 = arith.constant 1024 : i32
    %mul3A_407 = arith.muli %add3A_405, %mul3A_406 : i32
    %dma_wait3A_408 = arith.constant 8192 : i32
    %dma_wait3A_409 = tpu.memref_slice %arg9[%dma_wait3A_408] : memref<16384xf32, #tpu.memory_space<vmem>> -> memref<4096xf32, #tpu.memory_space<vmem>>
    %dma_wait3A_410 = tpu.memref_slice %arg4[%mul3A_407] : memref<26214400xf32, #tpu.memory_space<hbm>> -> memref<4096xf32, #tpu.memory_space<hbm>>
    %dma_wait3A_411 = tpu.memref_slice %arg4[%mul3A_407] : memref<26214400xf32, #tpu.memory_space<hbm>> -> memref<4096xf32, #tpu.memory_space<hbm>>
    %dma_wait3A_412 = arith.constant 8192 : i32
    %dma_wait3A_413 = tpu.memref_slice %arg9[%dma_wait3A_412] : memref<16384xf32, #tpu.memory_space<vmem>> -> memref<4096xf32, #tpu.memory_space<vmem>>
    tpu.wait_dma2 semaphore(%arg13 : memref<!tpu.dma_semaphore, #tpu.memory_space<semaphore_mem>>) src(%dma_wait3A_413 : memref<4096xf32, #tpu.memory_space<vmem>>) dst(%dma_wait3A_411 : memref<4096xf32, #tpu.memory_space<hbm>>)
    %jit3A_414 = arith.constant 32 : i32
    %div3A_415 = arith.divsi %add3A_242, %jit3A_414 : i32
    %sign3A_416 = arith.constant 0 : i32
    %sign3A_417 = arith.cmpi sgt, %add3A_242, %sign3A_416 : i32
    %sign3A_418 = arith.extui %sign3A_417 : i1 to i32
    %sign3A_419 = arith.constant 0 : i32
    %sign3A_420 = arith.cmpi slt, %add3A_242, %sign3A_419 : i32
    %sign3A_421 = arith.extui %sign3A_420 : i1 to i32
    %sign3A_422 = arith.subi %sign3A_418, %sign3A_421 : i32
    %sign3A_423 = arith.constant 0 : i32
    %sign3A_424 = arith.cmpi sgt, %jit3A_414, %sign3A_423 : i32
    %sign3A_425 = arith.extui %sign3A_424 : i1 to i32
    %sign3A_426 = arith.constant 0 : i32
    %sign3A_427 = arith.cmpi slt, %jit3A_414, %sign3A_426 : i32
    %sign3A_428 = arith.extui %sign3A_427 : i1 to i32
    %sign3A_429 = arith.subi %sign3A_425, %sign3A_428 : i32
    %ne3A_430 = arith.cmpi ne, %sign3A_422, %sign3A_429 : i32
    %rem3A_431 = arith.remsi %add3A_242, %jit3A_414 : i32
    %ne3A_432 = arith.constant 0 : i32
    %ne3A_433 = arith.cmpi ne, %rem3A_431, %ne3A_432 : i32
    %and3A_434 = arith.andi %ne3A_430, %ne3A_433 : i1
    %sub3A_435 = arith.constant 1 : i32
    %sub3A_436 = arith.subi %div3A_415, %sub3A_435 : i32
    %select_n3A_437 = arith.select %and3A_434, %sub3A_436, %div3A_415 : i32
    %jit3A_438 = arith.constant 32 : i32
    %eq3A_439 = arith.constant 0 : i32
    %eq3A_440 = arith.cmpi eq, %jit3A_438, %eq3A_439 : i32
    %jit3A_441 = arith.constant 1 : i32
    %select_n3A_442 = arith.select %eq3A_440, %jit3A_441, %jit3A_438 : i32
    %rem3A_443 = arith.remsi %add3A_242, %select_n3A_442 : i32
    %ne3A_444 = arith.constant 0 : i32
    %ne3A_445 = arith.cmpi ne, %rem3A_443, %ne3A_444 : i32
    %lt3A_446 = arith.constant 0 : i32
    %lt3A_447 = arith.cmpi slt, %rem3A_443, %lt3A_446 : i32
    %lt3A_448 = arith.constant 0 : i32
    %lt3A_449 = arith.cmpi slt, %select_n3A_442, %lt3A_448 : i32
    %ne3A_450 = arith.xori %lt3A_447, %lt3A_449 : i1
    %and3A_451 = arith.andi %ne3A_450, %ne3A_445 : i1
    %add3A_452 = arith.addi %rem3A_443, %select_n3A_442 : i32
    %select_n3A_453 = arith.select %and3A_451, %add3A_452, %rem3A_443 : i32
    %mul3A_454 = arith.constant 4 : i32
    %mul3A_455 = arith.muli %select_n3A_437, %mul3A_454 : i32
    %add3A_456 = arith.constant 3 : i32
    %add3A_457 = arith.addi %mul3A_455, %add3A_456 : i32
    %mul3A_458 = arith.constant 128 : i32
    %mul3A_459 = arith.muli %add3A_457, %mul3A_458 : i32
    %mul3A_460 = arith.constant 4 : i32
    %mul3A_461 = arith.muli %select_n3A_453, %mul3A_460 : i32
    %add3A_462 = arith.addi %mul3A_459, %mul3A_461 : i32
    %mul3A_463 = arith.constant 1024 : i32
    %mul3A_464 = arith.muli %add3A_462, %mul3A_463 : i32
    %dma_wait3A_465 = arith.constant 12288 : i32
    %dma_wait3A_466 = tpu.memref_slice %arg9[%dma_wait3A_465] : memref<16384xf32, #tpu.memory_space<vmem>> -> memref<4096xf32, #tpu.memory_space<vmem>>
    %dma_wait3A_467 = tpu.memref_slice %arg4[%mul3A_464] : memref<26214400xf32, #tpu.memory_space<hbm>> -> memref<4096xf32, #tpu.memory_space<hbm>>
    %dma_wait3A_468 = tpu.memref_slice %arg4[%mul3A_464] : memref<26214400xf32, #tpu.memory_space<hbm>> -> memref<4096xf32, #tpu.memory_space<hbm>>
    %dma_wait3A_469 = arith.constant 12288 : i32
    %dma_wait3A_470 = tpu.memref_slice %arg9[%dma_wait3A_469] : memref<16384xf32, #tpu.memory_space<vmem>> -> memref<4096xf32, #tpu.memory_space<vmem>>
    tpu.wait_dma2 semaphore(%arg13 : memref<!tpu.dma_semaphore, #tpu.memory_space<semaphore_mem>>) src(%dma_wait3A_470 : memref<4096xf32, #tpu.memory_space<vmem>>) dst(%dma_wait3A_468 : memref<4096xf32, #tpu.memory_space<hbm>>)
    return
  }
}

</mosaic_0001>

<sc_bundles>
// kernel: _gather_sc.3.cloned.1.call-start
scs
__scs_entry_jumppad:
0x0: {  	(pc) =	sbr.rel $0x88, $3  }
0x1: {  	(tag) =	ssettag $0x0;
	lr =	simm.s32 $0x1  }
0x2: {  	[smem:$0x3F9F] =	sst lr;
	_ =	strace $0xD0000000  }
0x3: {  	_ = 	snop  }
0x4: {  	_ = 	snop  }
0x5: {  	_ = 	snop  }
0x6: {  	_ = 	snop  }
0x7: {  	_ = 	snop  }
__scs_overlays_trampoline_lowered:
0x8: {  	[smem:$0x3FAE] =	sst s0  }
0x9: {  	[smem:$0x3FAF] =	sst s1  }
0xa: {  	[smem:$0x3FB0] =	sst s2  }
0xb: {  	[smem:$0x3FB1] =	sst s3  }
0xc: {  	[smem:$0x3FB2] =	sst s4  }
0xd: {  	[smem:$0x3FB3] =	sst s5  }
0xe: {  	[smem:$0x3FB4] =	sst s6  }
0xf: {  	[smem:$0x3FB5] =	sst s7  }
0x10: {  	[smem:$0x3FB6] =	sst s8  }
0x11: {  	[smem:$0x3FB7] =	sst s9;
	s0 =	simm.s32 @!p0 $0x0  }
0x12: {  	s1 =	sld [smem:$0x3F9D];
	s0 =	simm.s32 @p0 $0x1  }
0x13: {  	[smem:$0x3FB8] =	sst s0;
	s0 =	simm.s32 @!p1 $0x0  }
0x14: {  	s2 =	sld [smem:$0x3F9C];
	s0 =	simm.s32 @p1 $0x1  }
0x15: {  	[smem:$0x3FB9] =	sst s0;
	s0 =	simm.s32 @!p2 $0x0  }
0x16: {  	s3 =	sld [smem:$0x3FDB];
	s0 =	simm.s32 @p2 $0x1  }
0x17: {  	s4 =	simm.s32 $0x1BF5;
	[smem:$0x3FBB] =	sst s0  }
0x18: {  	s0 =	sld [smem:$0x3F9E];
	_ =	swait.ge [sflag:s4], $0x0  }
0x19: {  	s7 =	sld [smem:$0x3F9F]  }
0x1a: {  	s8 =	sadd.s32 $0xFFFFE003, lr  }
0x1b: {  	s9 =	sadd.s32 $0xFFFFFEF7, lr;
	s5 =	simm.s32 $0xFFFFFFFF;
	p2 =	slt.u32 s8, $0xFFFFF086  }
0x1c: {  	p1 =	slt.u32 s9, $0xF7A;
	s5 =	simm.s32 @!p2 $0x0  }
0x1d: {  	s5 =	simm.s32 @p1 $0x1;
	p0 =	seq.s32 s7, s2  }
0x1e: {  	s7 =	smul.u32 @!p0 $0xF7A, s2;
	p2 =	seq.s32 @!p0 s5, $0x0  }
0x1f: {  	s9 =	smul.u32 $0xF7A, s1;
	s8 =	simm.s32 @!p0 $0x1BF5;
	p2 =	por !p2, p0  }
0x20: {  	[sflag:s8] =	ssyncset.s32 @!p0 $0xFFFFF086;
	s6 =	sadd.s32 @!p0 s3, s7;
	s7 =	simm.s32 @!p0 $0x108  }
0x21: {  	s3 =	sadd.s32 s3, s9;
	s6 =	sadd.s32 @!p0 $0x88, s6;
	s7 =	simm.s32 @p2 $0x1082  }
0x22: {  	[simem:s7], [sflag:s8] =	dma.local @!p0 [hbm:s6], $0xF7A  }
0x23: {  	s9 =	sor.u32 $0xD0000000, s2;
	s6 =	simm.s32 $0x108;
	_ =	swait.ge @!p0 [sflag:s8], $0x0  }
0x24: {  	s3 =	sadd.s32 $0x88, s3;
	s6 =	simm.s32 @!p1 $0x1082;
	[sflag:s4] =	ssyncset.s32 $0xFFFFF086  }
0x25: {  	[simem:s6], [sflag:s4] =	dma.local [hbm:s3], $0xF7A  }
0x26: {  	[smem:$0x3F9F] =	sst s1;
	(tag) =	ssettag s2;
	_ =	strace s9  }
0x27: {  	s1 =	sld [smem:$0x3FAF]  }
0x28: {  	s2 =	sld [smem:$0x3FB0]  }
0x29: {  	s4 =	sld [smem:$0x3FB2]  }
0x2a: {  	p0 =	seq.s32 s5, $0x0;
	s5 =	sld [smem:$0x3FB3]  }
0x2b: {  	s6 =	sld [smem:$0x3FB4]  }
0x2c: {  	s7 =	sld [smem:$0x3FB5]  }
0x2d: {  	s3 =	simm.s32 $0x108;
	s8 =	sld [smem:$0x3FB6]  }
0x2e: {  	s3 =	simm.s32 @!p0 $0x1082;
	s9 =	sld [smem:$0x3FB7]  }
0x2f: {  	lr =	sadd.s32 s0, s3;
	s0 =	sld [smem:$0x3FAE]  }
0x30: {  	s3 =	sld [smem:$0x3FB1]  }
0x31: {  	[smem:$0x3FBA] =	sst s10  }
0x32: {  	s10 =	sld [smem:$0x3FB8];
	_ =	sdelay $0x3  }
0x33: {  	p0 =	seq.s32 s10, $0x1;
	s10 =	sld [smem:$0x3FBA];
	_ =	sdelay $0x3  }
0x34: {  	[smem:$0x3FBA] =	sst s10  }
0x35: {  	s10 =	sld [smem:$0x3FB9];
	_ =	sdelay $0x3  }
0x36: {  	p1 =	seq.s32 s10, $0x1;
	s10 =	sld [smem:$0x3FBA];
	_ =	sdelay $0x3  }
0x37: {  	[smem:$0x3FBA] =	sst s10  }
0x38: {  	s10 =	sld [smem:$0x3FBB]  }
0x39: {  	_ = 	snop;
	(pc) =	sbr.ind lr, $3  }
0x3a: {  	_ = 	snop  }
0x3b: {  	_ = 	snop  }
0x3c: {  	p2 =	seq.s32 s10, $0x1;
	s10 =	sld [smem:$0x3FBA]  }
0x3d: {  	_ =	shalt  }
0x3e: {  	_ =	shalt  }
0x3f: {  	_ =	shalt  }
0x40: {  	_ =	shalt  }
0x41: {  	_ =	shalt  }
0x42: {  	_ =	shalt  }
0x43: {  	_ =	shalt  }
0x44: {  	_ =	shalt  }
0x45: {  	_ =	shalt  }
0x46: {  	_ =	shalt  }
0x47: {  	_ =	shalt  }
0x48: {  	_ =	shalt  }
0x49: {  	_ =	shalt  }
0x4a: {  	_ =	shalt  }
0x4b: {  	_ =	shalt  }
0x4c: {  	_ =	shalt  }
0x4d: {  	_ =	shalt  }
0x4e: {  	_ =	shalt  }
0x4f: {  	_ =	shalt  }
0x50: {  	_ =	shalt  }
0x51: {  	_ =	shalt  }
0x52: {  	_ =	shalt  }
0x53: {  	_ =	shalt  }
0x54: {  	_ =	shalt  }
0x55: {  	_ =	shalt  }
0x56: {  	_ =	shalt  }
0x57: {  	_ =	shalt  }
0x58: {  	_ =	shalt  }
0x59: {  	_ =	shalt  }
0x5a: {  	_ =	shalt  }
0x5b: {  	_ =	shalt  }
0x5c: {  	_ =	shalt  }
0x5d: {  	_ =	shalt  }
0x5e: {  	_ =	shalt  }
0x5f: {  	_ =	shalt  }
0x60: {  	_ =	shalt  }
0x61: {  	_ =	shalt  }
0x62: {  	_ =	shalt  }
0x63: {  	_ =	shalt  }
0x64: {  	_ =	shalt  }
0x65: {  	_ =	shalt  }
0x66: {  	_ =	shalt  }
0x67: {  	_ =	shalt  }
0x68: {  	_ =	shalt  }
0x69: {  	_ =	shalt  }
0x6a: {  	_ =	shalt  }
0x6b: {  	_ =	shalt  }
0x6c: {  	_ =	shalt  }
0x6d: {  	_ =	shalt  }
0x6e: {  	_ =	shalt  }
0x6f: {  	_ =	shalt  }
0x70: {  	_ =	shalt  }
0x71: {  	_ =	shalt  }
0x72: {  	_ =	shalt  }
0x73: {  	_ =	shalt  }
0x74: {  	_ =	shalt  }
0x75: {  	_ =	shalt  }
0x76: {  	_ =	shalt  }
0x77: {  	_ =	shalt  }
0x78: {  	_ =	shalt  }
0x79: {  	_ =	shalt  }
0x7a: {  	_ =	shalt  }
0x7b: {  	_ =	shalt  }
0x7c: {  	_ =	shalt  }
0x7d: {  	_ =	shalt  }
0x7e: {  	_ =	shalt  }
0x7f: {  	_ =	shalt  }
0x80: {  	_ =	shalt  }
0x81: {  	_ =	shalt  }
0x82: {  	_ =	shalt  }
0x83: {  	_ =	shalt  }
0x84: {  	_ =	shalt  }
0x85: {  	_ =	shalt  }
0x86: {  	_ =	shalt  }
0x87: {  	_ =	shalt  }
.Lfunc_end0:
.L_simem_size_0:
called_computation_lowered:
.L_overlay_start_0:
0x88: {  	s2 =	sld [smem:$0x3FD9]  }
0x89: {  	s3 =	sld [smem:$0x3FFE];
	_ =	sdelay $0x1  }
0x8a: {  	s1 =	srdreg.scid  }
0x8b: {  	s0 =	sand.u32 $0x1, s1  }
0x8c: {  	s17 =	sshll.u32 s0, $0xA;
	s2 =	sadd.s32 s3, s2  }
0x8d: {  	s2 =	sadd.s32 s2, s17  }
0x8e: {  	[smem:$0x3FC6] =	sst s2  }
0x8f: {  	_ = 	snop  }
0x90: {  	s2 =	sld [smem:$0x3FC9]  }
0x91: {  	s18 =	sld [smem:$0x3FD0];
	(tm) =	ssettm $0x1  }
0x92: {  	s4 =	sld [smem:$0x3FFB];
	_ =	sdelay $0x3  }
0x93: {  	_ =	strace s4  }
0x94: {  	s4 =	sld [smem:$0x3FFC];
	_ =	sdelay $0x3  }
0x95: {  	_ =	strace s4  }
0x96: {  	s4 =	sld [smem:$0x3FFD];
	_ =	sdelay $0x3  }
0x97: {  	_ =	strace s4  }
0x98: {  	_ =	strace $0x8FFFFFFF  }
0x99: {  	s19 =	sld [smem:$0x3FDB];
	_ =	sdelay $0x1  }
0x9a: {  	s5 =	simm.s32 $_scs_section_size  }
0x9b: {  	s6 =	simm.s32 $_size__tile_overlayer_lowered;
	s7 =	simm.s32 $_tile_overlayer_lowered  }
0x9c: {  	s22 =	simm.s32 $0x1BFF;
	s21 =	sshll.u32 s7, $0x1;
	s4 =	sadd.s32 s5, s19  }
0x9d: {  	s8 =	simm.s32 $0x0;
	s20 =	sshll.u32 s6, $0x1;
	s6 =	sadd.s32 s21, s4  }
0x9e: {  	[timem:s8], [sflag:s22] =	dma.local [hbm:s6], s20  }
0x9f: {  	_ =	swait.ge [sflag:s22], s20  }
0xa0: {  	s5 =	ssub.s32 $0x0, s20;
	[sflag:s22] =	ssyncset.done $0x0  }
0xa1: {  	[sflag:s22] =	ssyncadd.s32 s5;
	_ =	sdelay $0x1  }
0xa2: {  	s23 =	simm.s32 $0x1B8B  }
0xa3: {  	_ =	swait.ge [sflag:s23], $0x1  }
0xa4: {  	[sflag:s23] =	ssyncset.done $0x0  }
0xa5: {  	s25 =	simm.s32 $0x1B8E;
	s24 =	sld [smem:$0x3FFE];
	[sflag:s23] =	ssyncadd.s32 $0xFFFFFFFF  }
0xa6: {  	s26 =	simm.s32 $execute0_lowered;
	[smem:$0x3FD2] =	sst s25  }
0xa7: {  	s6 =	sshll.u32 s26, $0x1;
	_ =	strace $0x80000046;
	[dreg:$0x1] =	wrdreg $0xFFFFFFFF  }
0xa8: {  	s28 =	simm.s32 $_size_execute0_lowered;
	s4 =	sadd.s32 s4, s6;
	[dreg:$0x0] =	wrdreg $0x0  }
0xa9: {  	s6 =	sshll.u32 s28, $0x1;
	[dreg:$0x2] =	wrdreg s4  }
0xaa: {  	[dreg:$0x3] =	wrdreg s6  }
0xab: {  	[dreg:$0x4] =	wrdreg $0xC0  }
0xac: {  	_ =	task [dreg:s8], $0x5FFFF  }
0xad: {  	[dreg:$0x1] =	wrdreg $0xFFFFFFFF  }
0xae: {  	[dreg:$0x0] =	wrdreg $0x60  }
0xaf: {  	[dreg:$0x2] =	wrdreg s2  }
0xb0: {  	[dreg:$0x3] =	wrdreg s24  }
0xb1: {  	[dreg:$0x4] =	wrdreg s18  }
0xb2: {  	[dreg:$0x5] =	wrdreg $0x9  }
0xb3: {  	_ =	task.clear_ibuf [dreg:s8], $0x6FFFF;
	_ =	strace $0x90000046  }
0xb4: {  	s29 =	simm.s32 $0x9;
	_ =	strace $0x80000048  }
0xb5: {  	_ =	swait.ge [sflag:s29], $0x1  }
0xb6: {  	[sflag:s29] =	ssyncadd.s32 $0xFFFFFFFF  }
0xb7: {  	_ =	strace $0x90000048  }
0xb8: {  	_ =	sfence  }
0xb9: {  	s30 =	sld [smem:$0x0];
	_ =	sdelay $0x2  }
0xba: {  	s31 =	sshll.u32 s1, $0xD;
	s1 =	sshrl.u32 s1, $0x2  }
0xbb: {  	s3 =	sand.u32 $0x4000, s31;
	s1 =	sadd.s32 s1, s30  }
0xbc: {  	s0 =	sor.u32 s3, s0;
	s1 =	sshll.u32 s1, $0x11  }
0xbd: {  	s0 =	sor.u32 s1, s0  }
0xbe: {  	s0 =	sadd.s32 $0x8F2B, s0  }
0xbf: {  	[sflag:s0] =	ssyncadd.remote.s32 $0x1  }
0xc0: {  	_ =	sfence.sel $0xFFFF  }
0xc1: {  	[dreg:$0x0] =	wrdreg $0xFFFFFFFF;
	(pc) =	sbr.abs _section_cstart, $3  }
0xc2: {  	[dreg:$0x1] =	wrdreg $0xFFFFFFFF  }
0xc3: {  	_ =	task.clear_ibuf [dreg:s8], $0x2FFFF;
	_ =	strace $0x9FFFFFFF  }
0xc4: {  	(tm) =	ssettm $0x7FFFFFFF  }
0xc5: {  	_ =	shalt  }
tec
execute0_lowered:
.L_overlay_start_1:
0x0: {  	(tag) =	ssettag $0x1  }
0x1: {  	v0 =	vimm.s32 $0x14131211;
	v1 =	vimm.s32 $0x18171615;
	vm0 =	vcmask $0x1F10  }
0x2: {  	v40 =	vimm.s32 $0x1C1B1A19;
	v2 =	vimm.s32 $0x1F1E1D;
	v3 =	vimm.s32 $0x15141312  }
0x3: {  	v42 =	vimm.s32 $0x19181716;
	v43 =	vimm.s32 $0x1D1C1B1A;
	v4 =	vimm.s32 $0x1001F1E  }
0x4: {  	v12 =	vimm.s32 $0x138F;
	v5 =	vimm.s32 $0x1A191817;
	v13 =	vimm.s32 $0x1E1D1C1B  }
0x5: {  	v15 =	vimm.s32 $0x3020100;
	v16 =	vimm.s32 $0x1F1E1D1C;
	v18 =	vimm.s32 $0x1B1A1918  }
0x6: {  	v19 =	vimm.s32 $0x4030201;
	vm11 =	vcmask $0x2F10;
	vm12 =	vcmask $0x3F30  }
0x7: {  	vm13 =	vcmask $0x300;
	v21 =	vimm.s32 $0x328F;
	v22 =	vimm.s32 $0x330F  }
0x8: {  	v23 =	vimm.s32 $0x338F;
	v24 =	vimm.s32 $0xF;
	v25 =	vimm.s32 $0x8F  }
0x9: {  	v26 =	vimm.s32 $0x10F;
	v27 =	vimm.s32 $0x18F;
	v28 =	vimm.s32 $0x20F  }
0xa: {  	v29 =	vimm.s32 $0x28F;
	v30 =	vimm.s32 $0x30F;
	v31 =	vimm.s32 $0x38F  }
0xb: {  	v32 =	vimm.s32 $0x100F;
	v33 =	vimm.s32 $0x108F;
	v34 =	vimm.s32 $0x110F  }
0xc: {  	v35 =	vimm.s32 $0x118F;
	v36 =	vimm.s32 $0x120F;
	v37 =	vimm.s32 $0x128F  }
0xd: {  	v38 =	vimm.s32 $0x130F;
	vm14 =	vcmask $0x704;
	vm15 =	vcmask $0xB08  }
0xe: {  	vm4 =	vcmask $0xF0C;
	vm5 =	vcmask $0x1310;
	vm6 =	vcmask $0x1714  }
0xf: {  	vm7 =	vcmask $0x1B18;
	vm8 =	vcmask $0x1F1C;
	vm9 =	vcmask $0x2320  }
0x10: {  	vm10 =	vcmask $0x2724;
	v56 =	vimm.s32 $0x98765432;
	v0 =	vunpack.c.0.s8.s32 v0  }
0x11: {  	v6 =	vunpack.c.0.s8.s32 v1;
	v7 =	vunpack.c.0.s8.s32 v40;
	v8 =	vunpack.c.0.s8.s32 v2  }
0x12: {  	v41 =	vunpack.c.0.s8.s32 v3;
	v9 =	vunpack.c.0.s8.s32 v42;
	v10 =	vunpack.c.0.s8.s32 v43  }
0x13: {  	v11 =	vunpack.c.0.s8.s32 v4;
	v4 =	vimm.s32 $0x16151413;
	v14 =	vunpack.c.0.s8.s32 v5  }
0x14: {  	v13 =	vunpack.c.0.s8.s32 v13;
	v5 =	vimm.s32 $0x201001F;
	v15 =	vunpack.c.0.s8.s32 v15  }
0x15: {  	v16 =	vunpack.c.0.s8.s32 v16;
	v18 =	vunpack.c.0.s8.s32 v18;
	v19 =	vunpack.c.0.s8.s32 v19  }
0x16: {  	v21 =	vsel vm13, $0x1300, v21;
	v22 =	vsel vm13, $0x1380, v22;
	v23 =	vsel vm13, $0x2000, v23  }
0x17: {  	v24 =	vsel vm13, $0x2080, v24;
	v25 =	vsel vm13, $0x2100, v25;
	v26 =	vsel vm13, $0x2180, v26  }
0x18: {  	v27 =	vsel vm13, $0x2200, v27;
	v28 =	vsel vm13, $0x2280, v28;
	v29 =	vsel vm13, $0x2300, v29  }
0x19: {  	v30 =	vsel vm13, $0x2380, v30;
	v31 =	vsel vm13, $0x3000, v31;
	v32 =	vsel vm13, $0x3080, v32  }
0x1a: {  	v33 =	vsel vm13, $0x3100, v33;
	v34 =	vsel vm13, $0x3180, v34;
	v35 =	vsel vm13, $0x3200, v35  }
0x1b: {  	v36 =	vsel vm13, $0x3280, v36;
	v37 =	vsel vm13, $0x3300, v37;
	v38 =	vsel vm13, $0x3380, v38  }
0x1c: {  	v4 =	vunpack.c.0.s8.s32 v4;
	v17 =	vunpack.c.0.s8.s32 v5;
	v5 =	vimm.s32 $0x17161514  }
0x1d: {  	v21 =	vsel vm14, $0x1381, v21;
	v22 =	vsel vm14, $0x2001, v22;
	v23 =	vsel vm14, $0x2081, v23  }
0x1e: {  	v24 =	vsel vm14, $0x2101, v24;
	v25 =	vsel vm14, $0x2181, v25;
	v26 =	vsel vm14, $0x2201, v26  }
0x1f: {  	v27 =	vsel vm14, $0x2281, v27;
	v28 =	vsel vm14, $0x2301, v28;
	v29 =	vsel vm14, $0x2381, v29  }
0x20: {  	v30 =	vsel vm14, $0x3001, v30;
	v31 =	vsel vm14, $0x3081, v31;
	v32 =	vsel vm14, $0x3101, v32  }
0x21: {  	v33 =	vsel vm14, $0x3181, v33;
	v34 =	vsel vm14, $0x3201, v34;
	v35 =	vsel vm14, $0x3281, v35  }
0x22: {  	v36 =	vsel vm14, $0x3301, v36;
	v37 =	vsel vm14, $0x3381, v37;
	v38 =	vsel vm14, $0x1, v38  }
0x23: {  	v44 =	vsel vm0, v6, v0;
	v45 =	vsel vm0, v8, v7;
	v46 =	vsel vm0, v9, v41  }
0x24: {  	v47 =	vsel vm0, v11, v10;
	v20 =	vunpack.c.0.s8.s32 v5;
	v48 =	vsel vm0, v15, v16  }
0x25: {  	v49 =	vsel vm0, v19, v8;
	v15 =	vimm.s32 $0x5040302;
	v19 =	vimm.s32 $0x6050403  }
0x26: {  	v55 =	vsel vm0, v7, v6;
	v51 =	vsel vm0, v10, v9;
	v9 =	vimm.s32 $0x43218765  }
0x27: {  	v53 =	vsel vm0, v13, v14;
	v10 =	vimm.s32 $0x54329876;
	v21 =	vsel vm15, $0x2002, v21  }
0x28: {  	v22 =	vsel vm15, $0x2082, v22;
	v23 =	vsel vm15, $0x2102, v23;
	v24 =	vsel vm15, $0x2182, v24  }
0x29: {  	v25 =	vsel vm15, $0x2202, v25;
	v26 =	vsel vm15, $0x2282, v26;
	v27 =	vsel vm15, $0x2302, v27  }
0x2a: {  	v28 =	vsel vm15, $0x2382, v28;
	v29 =	vsel vm15, $0x3002, v29;
	v30 =	vsel vm15, $0x3082, v30  }
0x2b: {  	v31 =	vsel vm15, $0x3102, v31;
	v32 =	vsel vm15, $0x3182, v32;
	v33 =	vsel vm15, $0x3202, v33  }
0x2c: {  	v34 =	vsel vm15, $0x3282, v34;
	v35 =	vsel vm15, $0x3302, v35;
	v36 =	vsel vm15, $0x3382, v36  }
0x2d: {  	v37 =	vsel vm15, $0x2, v37;
	v38 =	vsel vm15, $0x82, v38;
	v5 =	vsel vm0, v14, v4  }
0x2e: {  	v4 =	vsel vm0, v17, v13;
	v15 =	vunpack.c.0.s8.s32 v15;
	v6 =	vunpack.c.0.s8.s32 v19  }
0x2f: {  	v9 =	vunpack.c.l.s4.s8 v9;
	v10 =	vunpack.c.l.s4.s8 v10;
	v13 =	vimm.s32 $0xB0A0908  }
0x30: {  	v14 =	vimm.s32 $0x6543A987;
	v19 =	vimm.s32 $0x318F;
	v21 =	vsel vm4, $0x2083, v21  }
0x31: {  	v22 =	vsel vm4, $0x2103, v22;
	v23 =	vsel vm4, $0x2183, v23;
	v24 =	vsel vm4, $0x2203, v24  }
0x32: {  	v25 =	vsel vm4, $0x2283, v25;
	v26 =	vsel vm4, $0x2303, v26;
	v27 =	vsel vm4, $0x2383, v27  }
0x33: {  	v28 =	vsel vm4, $0x3003, v28;
	v29 =	vsel vm4, $0x3083, v29;
	v30 =	vsel vm4, $0x3103, v30  }
0x34: {  	v31 =	vsel vm4, $0x3183, v31;
	v32 =	vsel vm4, $0x3203, v32;
	v33 =	vsel vm4, $0x3283, v33  }
0x35: {  	v34 =	vsel vm4, $0x3303, v34;
	v35 =	vsel vm4, $0x3383, v35;
	v36 =	vsel vm4, $0x3, v36  }
0x36: {  	v37 =	vsel vm4, $0x83, v37;
	v38 =	vsel vm4, $0x103, v38;
	v3 =	vcombine.low v44, v45  }
0x37: {  	v0 =	vcombine.low v46, v47;
	v54 =	vsel vm0, v18, v20;
	v20 =	vimm.s32 $0x32107654  }
0x38: {  	v14 =	vunpack.c.l.s4.s8 v14;
	v13 =	vunpack.c.0.s8.s32 v13;
	v19 =	vsel vm13, $0x1200, v19  }
0x39: {  	v21 =	vsel vm5, $0x2104, v21;
	v22 =	vsel vm5, $0x2184, v22;
	v23 =	vsel vm5, $0x2204, v23  }
0x3a: {  	v24 =	vsel vm5, $0x2284, v24;
	v25 =	vsel vm5, $0x2304, v25;
	v26 =	vsel vm5, $0x2384, v26  }
0x3b: {  	v27 =	vsel vm5, $0x3004, v27;
	v28 =	vsel vm5, $0x3084, v28;
	v29 =	vsel vm5, $0x3104, v29  }
0x3c: {  	v30 =	vsel vm5, $0x3184, v30;
	v31 =	vsel vm5, $0x3204, v31;
	v32 =	vsel vm5, $0x3284, v32  }
0x3d: {  	v33 =	vsel vm5, $0x3304, v33;
	v34 =	vsel vm5, $0x3384, v34;
	v35 =	vsel vm5, $0x4, v35  }
0x3e: {  	v36 =	vsel vm5, $0x84, v36;
	v37 =	vsel vm5, $0x104, v37;
	v38 =	vsel vm5, $0x184, v38  }
0x3f: {  	v60 =	vcombine.low v5, v4;
	v7 =	vunpack.c.l.s4.s8 v20;
	v50 =	vsel vm0, v15, v11  }
0x40: {  	v52 =	vsel vm0, v6, v17;
	v6 =	vsel vm0, v16, v18;
	v9 =	vunpack.c.0.s8.s32 v9  }
0x41: {  	v10 =	vunpack.c.0.s8.s32 v10;
	v15 =	vimm.s32 $0xE0D0C0B;
	v18 =	vimm.s32 $0x310F  }
0x42: {  	v20 =	vimm.s32 $0x320F;
	v19 =	vsel vm14, $0x1281, v19;
	v21 =	vsel vm6, $0x2185, v21  }
0x43: {  	v22 =	vsel vm6, $0x2205, v22;
	v23 =	vsel vm6, $0x2285, v23;
	v24 =	vsel vm6, $0x2305, v24  }
0x44: {  	v25 =	vsel vm6, $0x2385, v25;
	v26 =	vsel vm6, $0x3005, v26;
	v27 =	vsel vm6, $0x3085, v27  }
0x45: {  	v28 =	vsel vm6, $0x3105, v28;
	v29 =	vsel vm6, $0x3185, v29;
	v30 =	vsel vm6, $0x3205, v30  }
0x46: {  	v31 =	vsel vm6, $0x3285, v31;
	v32 =	vsel vm6, $0x3305, v32;
	v33 =	vsel vm6, $0x3385, v33  }
0x47: {  	v34 =	vsel vm6, $0x5, v34;
	v35 =	vsel vm6, $0x85, v35;
	v36 =	vsel vm6, $0x105, v36  }
0x48: {  	v37 =	vsel vm6, $0x185, v37;
	v38 =	vsel vm6, $0x205, v38;
	v14 =	vunpack.c.0.s8.s32 v14  }
0x49: {  	v15 =	vunpack.c.0.s8.s32 v15;
	v18 =	vsel vm13, $0x1180, v18;
	v20 =	vsel vm13, $0x1280, v20  }
0x4a: {  	v19 =	vsel vm15, $0x1302, v19;
	v21 =	vsel vm7, $0x2206, v21;
	v22 =	vsel vm7, $0x2286, v22  }
0x4b: {  	v23 =	vsel vm7, $0x2306, v23;
	v24 =	vsel vm7, $0x2386, v24;
	v25 =	vsel vm7, $0x3006, v25  }
0x4c: {  	v26 =	vsel vm7, $0x3086, v26;
	v27 =	vsel vm7, $0x3106, v27;
	v28 =	vsel vm7, $0x3186, v28  }
0x4d: {  	v29 =	vsel vm7, $0x3206, v29;
	v30 =	vsel vm7, $0x3286, v30;
	v31 =	vsel vm7, $0x3306, v31  }
0x4e: {  	v32 =	vsel vm7, $0x3386, v32;
	v33 =	vsel vm7, $0x6, v33;
	v34 =	vsel vm7, $0x86, v34  }
0x4f: {  	v35 =	vsel vm7, $0x106, v35;
	v36 =	vsel vm7, $0x186, v36;
	v37 =	vsel vm7, $0x206, v37  }
0x50: {  	v38 =	vsel vm7, $0x286, v38;
	v7 =	vunpack.c.0.s8.s32 v7;
	v9 =	vand.u32 $0xF, v9  }
0x51: {  	v10 =	vand.u32 $0xF, v10;
	v18 =	vsel vm14, $0x1201, v18;
	v20 =	vsel vm14, $0x1301, v20  }
0x52: {  	v19 =	vsel vm4, $0x1383, v19;
	v21 =	vsel vm8, $0x2287, v21;
	v22 =	vsel vm8, $0x2307, v22  }
0x53: {  	v23 =	vsel vm8, $0x2387, v23;
	v24 =	vsel vm8, $0x3007, v24;
	v25 =	vsel vm8, $0x3087, v25  }
0x54: {  	v26 =	vsel vm8, $0x3107, v26;
	v27 =	vsel vm8, $0x3187, v27;
	v28 =	vsel vm8, $0x3207, v28  }
0x55: {  	v29 =	vsel vm8, $0x3287, v29;
	v30 =	vsel vm8, $0x3307, v30;
	v31 =	vsel vm8, $0x3387, v31  }
0x56: {  	v32 =	vsel vm8, $0x7, v32;
	v33 =	vsel vm8, $0x87, v33;
	v34 =	vsel vm8, $0x107, v34  }
0x57: {  	v35 =	vsel vm8, $0x187, v35;
	v36 =	vsel vm8, $0x207, v36;
	v37 =	vsel vm8, $0x287, v37  }
0x58: {  	v38 =	vsel vm8, $0x307, v38;
	v8 =	vsel vm11, v9, v8;
	v9 =	vimm.s32 $0xC0B0A09  }
0x59: {  	v10 =	vsel vm11, v10, v11;
	v11 =	vimm.s32 $0xD0C0B0A;
	v14 =	vand.u32 $0xF, v14  }
0x5a: {  	v18 =	vsel vm15, $0x1282, v18;
	v20 =	vsel vm15, $0x1382, v20;
	v19 =	vsel vm5, $0x2004, v19  }
0x5b: {  	v21 =	vsel vm9, $0x2308, v21;
	v22 =	vsel vm9, $0x2388, v22;
	v23 =	vsel vm9, $0x3008, v23  }
0x5c: {  	v24 =	vsel vm9, $0x3088, v24;
	v25 =	vsel vm9, $0x3108, v25;
	v26 =	vsel vm9, $0x3188, v26  }
0x5d: {  	v27 =	vsel vm9, $0x3208, v27;
	v28 =	vsel vm9, $0x3288, v28;
	v29 =	vsel vm9, $0x3308, v29  }
0x5e: {  	v30 =	vsel vm9, $0x3388, v30;
	v31 =	vsel vm9, $0x8, v31;
	v32 =	vsel vm9, $0x88, v32  }
0x5f: {  	v33 =	vsel vm9, $0x108, v33;
	v34 =	vsel vm9, $0x188, v34;
	v35 =	vsel vm9, $0x208, v35  }
0x60: {  	v36 =	vsel vm9, $0x288, v36;
	v37 =	vsel vm9, $0x308, v37;
	v38 =	vsel vm9, $0x388, v38  }
0x61: {  	v7 =	vand.u32 $0xF, v7;
	v9 =	vunpack.c.0.s8.s32 v9;
	v11 =	vunpack.c.0.s8.s32 v11  }
0x62: {  	v14 =	vsel vm11, v14, v17;
	v17 =	vimm.s32 $0x308F;
	v18 =	vsel vm4, $0x1303, v18  }
0x63: {  	v20 =	vsel vm4, $0x2003, v20;
	v19 =	vsel vm6, $0x2085, v19;
	v21 =	vsel vm10, $0x2389, v21  }
0x64: {  	v22 =	vsel vm10, $0x3009, v22;
	v23 =	vsel vm10, $0x3089, v23;
	v24 =	vsel vm10, $0x3109, v24  }
0x65: {  	v25 =	vsel vm10, $0x3189, v25;
	v26 =	vsel vm10, $0x3209, v26;
	v27 =	vsel vm10, $0x3289, v27  }
0x66: {  	v28 =	vsel vm10, $0x3309, v28;
	v29 =	vsel vm10, $0x3389, v29;
	v30 =	vsel vm10, $0x9, v30  }
0x67: {  	v31 =	vsel vm10, $0x89, v31;
	v32 =	vsel vm10, $0x109, v32;
	v33 =	vsel vm10, $0x189, v33  }
0x68: {  	v34 =	vsel vm10, $0x209, v34;
	v35 =	vsel vm10, $0x289, v35;
	v36 =	vsel vm10, $0x309, v36  }
0x69: {  	v37 =	vsel vm10, $0x389, v37;
	v38 =	vsel vm10, $0x1009, v38;
	v7 =	vsel vm11, v7, v16  }
0x6a: {  	v39 =	vsel vm12, v15, v14;
	v14 =	vimm.s32 $0x230F;
	v15 =	vimm.s32 $0x238F  }
0x6b: {  	v16 =	vimm.s32 $0x300F;
	v17 =	vsel vm13, $0x1100, v17;
	v18 =	vsel vm5, $0x1384, v18  }
0x6c: {  	v20 =	vsel vm5, $0x2084, v20;
	v19 =	vsel vm7, $0x2106, v19;
	vm11 =	vcmask $0x2B28  }
0x6d: {  	v7 =	vsel vm12, v13, v7;
	v13 =	vimm.s32 $0x228F;
	v14 =	vsel vm13, $0x380, v14  }
0x6e: {  	v15 =	vsel vm13, $0x1000, v15;
	v16 =	vsel vm13, $0x1080, v16;
	v17 =	vsel vm14, $0x1181, v17  }
0x6f: {  	v18 =	vsel vm6, $0x2005, v18;
	v20 =	vsel vm6, $0x2105, v20;
	v19 =	vsel vm8, $0x2187, v19  }
0x70: {  	v21 =	vsel vm11, $0x300A, v21;
	v22 =	vsel vm11, $0x308A, v22;
	v23 =	vsel vm11, $0x310A, v23  }
0x71: {  	v24 =	vsel vm11, $0x318A, v24;
	v25 =	vsel vm11, $0x320A, v25;
	v26 =	vsel vm11, $0x328A, v26  }
0x72: {  	v27 =	vsel vm11, $0x330A, v27;
	v28 =	vsel vm11, $0x338A, v28;
	v29 =	vsel vm11, $0xA, v29  }
0x73: {  	v30 =	vsel vm11, $0x8A, v30;
	v31 =	vsel vm11, $0x10A, v31;
	v32 =	vsel vm11, $0x18A, v32  }
0x74: {  	v33 =	vsel vm11, $0x20A, v33;
	v34 =	vsel vm11, $0x28A, v34;
	v35 =	vsel vm11, $0x30A, v35  }
0x75: {  	v36 =	vsel vm11, $0x38A, v36;
	v37 =	vsel vm11, $0x100A, v37;
	v38 =	vsel vm11, $0x108A, v38  }
0x76: {  	[tilespmem:$0x1FC00] =	vst v7;
	v7 =	vsel vm12, v9, v8;
	v8 =	vsel vm13, $0x0, v12;
	v9 =	vimm.s32 $0x208F  }
0x77: {  	v12 =	vimm.s32 $0x220F;
	v13 =	vsel vm13, $0x300, v13;
	v14 =	vsel vm14, $0x1001, v14  }
0x78: {  	v15 =	vsel vm14, $0x1081, v15;
	v16 =	vsel vm14, $0x1101, v16;
	v17 =	vsel vm15, $0x1202, v17  }
0x79: {  	v18 =	vsel vm7, $0x2086, v18;
	v20 =	vsel vm7, $0x2186, v20;
	v19 =	vsel vm9, $0x2208, v19  }
0x7a: {  	[tilespmem:$0x1FC10] =	vst v7;
	v7 =	vsel vm12, v11, v10;
	v9 =	vsel vm13, $0x100, v9;
	v10 =	vimm.s32 $0x210F  }
0x7b: {  	v11 =	vimm.s32 $0x218F;
	v12 =	vsel vm13, $0x280, v12;
	v8 =	vsel vm14, $0x81, v8  }
0x7c: {  	v13 =	vsel vm14, $0x381, v13;
	v14 =	vsel vm15, $0x1082, v14;
	v15 =	vsel vm15, $0x1102, v15  }
0x7d: {  	v16 =	vsel vm15, $0x1182, v16;
	v17 =	vsel vm4, $0x1283, v17;
	v18 =	vsel vm8, $0x2107, v18  }
0x7e: {  	v20 =	vsel vm8, $0x2207, v20;
	v19 =	vsel vm10, $0x2289, v19;
	vm12 =	vcmask $0x2F2C  }
0x7f: {  	[tilespmem:$0x1FC20] =	vst v7;
	v7 =	vimm.s32 $0x200F;
	v10 =	vsel vm13, $0x180, v10;
	v11 =	vsel vm13, $0x200, v11  }
0x80: {  	v9 =	vsel vm14, $0x181, v9;
	v12 =	vsel vm14, $0x301, v12;
	v8 =	vsel vm15, $0x102, v8  }
0x81: {  	v13 =	vsel vm15, $0x1002, v13;
	v14 =	vsel vm4, $0x1103, v14;
	v15 =	vsel vm4, $0x1183, v15  }
0x82: {  	v16 =	vsel vm4, $0x1203, v16;
	v17 =	vsel vm5, $0x1304, v17;
	v18 =	vsel vm9, $0x2188, v18  }
0x83: {  	v20 =	vsel vm9, $0x2288, v20;
	v19 =	vsel vm11, $0x230A, v19;
	v21 =	vsel vm12, $0x308B, v21  }
0x84: {  	v22 =	vsel vm12, $0x310B, v22;
	v23 =	vsel vm12, $0x318B, v23;
	v24 =	vsel vm12, $0x320B, v24  }
0x85: {  	v25 =	vsel vm12, $0x328B, v25;
	v26 =	vsel vm12, $0x330B, v26;
	v27 =	vsel vm12, $0x338B, v27  }
0x86: {  	v28 =	vsel vm12, $0xB, v28;
	v29 =	vsel vm12, $0x8B, v29;
	v30 =	vsel vm12, $0x10B, v30  }
0x87: {  	v31 =	vsel vm12, $0x18B, v31;
	v32 =	vsel vm12, $0x20B, v32;
	v33 =	vsel vm12, $0x28B, v33  }
0x88: {  	v34 =	vsel vm12, $0x30B, v34;
	v35 =	vsel vm12, $0x38B, v35;
	v36 =	vsel vm12, $0x100B, v36  }
0x89: {  	v37 =	vsel vm12, $0x108B, v37;
	v38 =	vsel vm12, $0x110B, v38;
	v7 =	vsel vm13, $0x80, v7  }
0x8a: {  	v10 =	vsel vm14, $0x201, v10;
	v11 =	vsel vm14, $0x281, v11;
	v9 =	vsel vm15, $0x202, v9  }
0x8b: {  	v12 =	vsel vm15, $0x382, v12;
	v8 =	vsel vm4, $0x183, v8;
	v13 =	vsel vm4, $0x1083, v13  }
0x8c: {  	v14 =	vsel vm5, $0x1184, v14;
	v15 =	vsel vm5, $0x1204, v15;
	v16 =	vsel vm5, $0x1284, v16  }
0x8d: {  	v17 =	vsel vm6, $0x1385, v17;
	v18 =	vsel vm10, $0x2209, v18;
	v20 =	vsel vm10, $0x2309, v20  }
0x8e: {  	v19 =	vsel vm12, $0x238B, v19;
	vm13 =	vcmask $0x3330;
	v7 =	vsel vm14, $0x101, v7  }
0x8f: {  	v10 =	vsel vm15, $0x282, v10;
	v11 =	vsel vm15, $0x302, v11;
	v9 =	vsel vm4, $0x283, v9  }
0x90: {  	v12 =	vsel vm4, $0x1003, v12;
	v8 =	vsel vm5, $0x204, v8;
	v13 =	vsel vm5, $0x1104, v13  }
0x91: {  	v14 =	vsel vm6, $0x1205, v14;
	v15 =	vsel vm6, $0x1285, v15;
	v16 =	vsel vm6, $0x1305, v16  }
0x92: {  	v17 =	vsel vm7, $0x2006, v17;
	v18 =	vsel vm11, $0x228A, v18;
	v20 =	vsel vm11, $0x238A, v20  }
0x93: {  	v19 =	vsel vm13, $0x300C, v19;
	v21 =	vsel vm13, $0x310C, v21;
	v22 =	vsel vm13, $0x318C, v22  }
0x94: {  	v23 =	vsel vm13, $0x320C, v23;
	v24 =	vsel vm13, $0x328C, v24;
	v25 =	vsel vm13, $0x330C, v25  }
0x95: {  	v26 =	vsel vm13, $0x338C, v26;
	v27 =	vsel vm13, $0xC, v27;
	v28 =	vsel vm13, $0x8C, v28  }
0x96: {  	v29 =	vsel vm13, $0x10C, v29;
	v30 =	vsel vm13, $0x18C, v30;
	v31 =	vsel vm13, $0x20C, v31  }
0x97: {  	v32 =	vsel vm13, $0x28C, v32;
	v33 =	vsel vm13, $0x30C, v33;
	v34 =	vsel vm13, $0x38C, v34  }
0x98: {  	v35 =	vsel vm13, $0x100C, v35;
	v36 =	vsel vm13, $0x108C, v36;
	v37 =	vsel vm13, $0x110C, v37  }
0x99: {  	v38 =	vsel vm13, $0x118C, v38;
	vm14 =	vcmask $0x3734;
	v7 =	vsel vm15, $0x182, v7  }
0x9a: {  	v10 =	vsel vm4, $0x303, v10;
	v11 =	vsel vm4, $0x383, v11;
	v9 =	vsel vm5, $0x304, v9  }
0x9b: {  	v12 =	vsel vm5, $0x1084, v12;
	v8 =	vsel vm6, $0x285, v8;
	v13 =	vsel vm6, $0x1185, v13  }
0x9c: {  	v14 =	vsel vm7, $0x1286, v14;
	v15 =	vsel vm7, $0x1306, v15;
	v16 =	vsel vm7, $0x1386, v16  }
0x9d: {  	v17 =	vsel vm8, $0x2087, v17;
	v18 =	vsel vm12, $0x230B, v18;
	v20 =	vsel vm12, $0x300B, v20  }
0x9e: {  	v22 =	vsel vm14, $0x320D, v22;
	v23 =	vsel vm14, $0x328D, v23;
	v24 =	vsel vm14, $0x330D, v24  }
0x9f: {  	v25 =	vsel vm14, $0x338D, v25;
	v26 =	vsel vm14, $0xD, v26;
	vm15 =	vcmask $0x3B38  }
0xa0: {  	v27 =	vsel vm14, $0x8D, v27;
	v15 =	vsel vm8, $0x1387, v15;
	v22 =	vsel vm15, $0x328E, v22  }
0xa1: {  	v28 =	vsel vm14, $0x10D, v28;
	v15 =	vsel vm9, $0x2008, v15;
	[tilespmem:$0x1FC50] =	vst v22;
	v22 =	vsel vm15, $0x330E, v23  }
0xa2: {  	v16 =	vsel vm8, $0x2007, v16;
	v15 =	vsel vm10, $0x2089, v15;
	[tilespmem:$0x1FC60] =	vst v22;
	v22 =	vsel vm15, $0x338E, v24  }
0xa3: {  	v16 =	vsel vm9, $0x2088, v16;
	v15 =	vsel vm11, $0x210A, v15;
	[tilespmem:$0x1FC70] =	vst v22;
	v22 =	vsel vm15, $0xE, v25  }
0xa4: {  	v16 =	vsel vm10, $0x2109, v16;
	v15 =	vsel vm12, $0x218B, v15;
	[tilespmem:$0x1FC80] =	vst v22;
	v22 =	vsel vm15, $0x8E, v26  }
0xa5: {  	v16 =	vsel vm11, $0x218A, v16;
	v15 =	vsel vm13, $0x220C, v15;
	[tilespmem:$0x1FC90] =	vst v22;
	v22 =	vsel vm15, $0x10E, v27  }
0xa6: {  	v16 =	vsel vm12, $0x220B, v16;
	v15 =	vsel vm14, $0x228D, v15;
	[tilespmem:$0x1FCA0] =	vst v22;
	v22 =	vsel vm15, $0x18E, v28  }
0xa7: {  	v29 =	vsel vm14, $0x18D, v29;
	v16 =	vsel vm13, $0x228C, v16;
	v15 =	vsel vm15, $0x230E, v15;
	[tilespmem:$0x1FCB0] =	vst v22  }
0xa8: {  	v19 =	vsel vm14, $0x308D, v19;
	v16 =	vsel vm14, $0x230D, v16;
	v22 =	vsel vm15, $0x20E, v29;
	[tilespmem:$0x1FC30] =	vst v15  }
0xa9: {  	v30 =	vsel vm14, $0x20D, v30;
	v31 =	vsel vm14, $0x28D, v31;
	v15 =	vsel vm15, $0x238E, v16;
	[tilespmem:$0x1FCC0] =	vst v22  }
0xaa: {  	v32 =	vsel vm14, $0x30D, v32;
	v33 =	vsel vm14, $0x38D, v33;
	v22 =	vsel vm15, $0x28E, v30;
	[tilespmem:$0x1FC40] =	vst v15  }
0xab: {  	v34 =	vsel vm14, $0x100D, v34;
	v35 =	vsel vm14, $0x108D, v35;
	[tilespmem:$0x1FCD0] =	vst v22;
	v22 =	vsel vm15, $0x30E, v31  }
0xac: {  	v36 =	vsel vm14, $0x110D, v36;
	v37 =	vsel vm14, $0x118D, v37;
	[tilespmem:$0x1FCE0] =	vst v22;
	v22 =	vsel vm15, $0x38E, v32  }
0xad: {  	v38 =	vsel vm14, $0x120D, v38;
	v7 =	vsel vm4, $0x203, v7;
	[tilespmem:$0x1FCF0] =	vst v22;
	v22 =	vsel vm15, $0x100E, v33  }
0xae: {  	v10 =	vsel vm5, $0x384, v10;
	v11 =	vsel vm5, $0x1004, v11;
	[tilespmem:$0x1FD00] =	vst v22;
	v22 =	vsel vm15, $0x108E, v34  }
0xaf: {  	v9 =	vsel vm6, $0x385, v9;
	v12 =	vsel vm6, $0x1105, v12;
	[tilespmem:$0x1FD10] =	vst v22;
	v22 =	vsel vm15, $0x110E, v35  }
0xb0: {  	v8 =	vsel vm7, $0x306, v8;
	v13 =	vsel vm7, $0x1206, v13;
	[tilespmem:$0x1FD20] =	vst v22;
	v22 =	vsel vm15, $0x118E, v36  }
0xb1: {  	v14 =	vsel vm8, $0x1307, v14;
	v17 =	vsel vm9, $0x2108, v17;
	[tilespmem:$0x1FD30] =	vst v22;
	v22 =	vsel vm15, $0x120E, v37  }
0xb2: {  	v7 =	vsel vm5, $0x284, v7;
	v15 =	vlaneseq.u32;
	[tilespmem:$0x1FD40] =	vst v22;
	v22 =	vsel vm15, $0x128E, v38  }
0xb3: {  	v10 =	vsel vm6, $0x1005, v10;
	v11 =	vsel vm6, $0x1085, v11;
	[tilespmem:$0x1FD50] =	vst v22;
	v22 =	vmul.u32 $0x20, v15  }
0xb4: {  	v9 =	vsel vm7, $0x1006, v9;
	v12 =	vsel vm7, $0x1186, v12;
	v8 =	vsel vm8, $0x387, v8  }
0xb5: {  	v13 =	vsel vm8, $0x1287, v13;
	v14 =	vsel vm9, $0x1388, v14;
	[tilespmem:$0x1FD60] =	vst v22;
	v22 =	vadd.s32 $0x1, v15  }
0xb6: {  	v17 =	vsel vm10, $0x2189, v17;
	v7 =	vsel vm6, $0x305, v7;
	[tilespmem:$0x1FD70] =	vst v22;
	v22 =	vadd.s32 $0x2, v15  }
0xb7: {  	v10 =	vsel vm7, $0x1086, v10;
	v11 =	vsel vm7, $0x1106, v11;
	[tilespmem:$0x1FD80] =	vst v22;
	v22 =	vadd.s32 $0x3, v15  }
0xb8: {  	v9 =	vsel vm8, $0x1087, v9;
	v12 =	vsel vm8, $0x1207, v12;
	[tilespmem:$0x1FD90] =	vst v22;
	v22 =	vadd.s32 $0x4, v15  }
0xb9: {  	v8 =	vsel vm9, $0x1008, v8;
	v13 =	vsel vm9, $0x1308, v13;
	[tilespmem:$0x1FDA0] =	vst v22;
	v22 =	vadd.s32 $0x5, v15  }
0xba: {  	v14 =	vsel vm10, $0x2009, v14;
	v17 =	vsel vm11, $0x220A, v17;
	[tilespmem:$0x1FDB0] =	vst v22;
	v22 =	vadd.s32 $0x6, v15  }
0xbb: {  	v7 =	vsel vm7, $0x386, v7;
	v10 =	vsel vm8, $0x1107, v10;
	[tilespmem:$0x1FDC0] =	vst v22;
	v22 =	vadd.s32 $0x7, v15  }
0xbc: {  	v11 =	vsel vm8, $0x1187, v11;
	v9 =	vsel vm9, $0x1108, v9;
	[tilespmem:$0x1FDD0] =	vst v22;
	v22 =	vadd.s32 $0x8, v15  }
0xbd: {  	v12 =	vsel vm9, $0x1288, v12;
	v8 =	vsel vm10, $0x1089, v8;
	[tilespmem:$0x1FDE0] =	vst v22;
	v22 =	vadd.s32 $0x9, v15  }
0xbe: {  	v13 =	vsel vm10, $0x1389, v13;
	v14 =	vsel vm11, $0x208A, v14;
	[tilespmem:$0x1FDF0] =	vst v22;
	v22 =	vadd.s32 $0xA, v15  }
0xbf: {  	v17 =	vsel vm12, $0x228B, v17;
	v7 =	vsel vm8, $0x1007, v7;
	[tilespmem:$0x1FE00] =	vst v22;
	v22 =	vcombine.low v54, v48  }
0xc0: {  	v10 =	vsel vm9, $0x1188, v10;
	v11 =	vsel vm9, $0x1208, v11;
	v9 =	vsel vm10, $0x1189, v9  }
0xc1: {  	s0 =	rddreg [dreg:$0x0];
	s3 =	srdreg.scid;
	v12 =	vsel vm10, $0x1309, v12;
	v8 =	vsel vm11, $0x110A, v8;
	[tilespmem:$0x1FE10] =	vst v22;
	v22 =	vcombine.low v55, v49  }
0xc2: {  	s1 =	rddreg [dreg:$0x1];
	s4 =	sand.u32 $0x1, s3;
	s3 =	simm.s32 $0x0;
	v13 =	vsel vm11, $0x200A, v13;
	v14 =	vsel vm12, $0x210B, v14;
	v7 =	vsel vm9, $0x1088, v7  }
0xc3: {  	[smem:$0x7FF] =	sst s3;
	v10 =	vsel vm10, $0x1209, v10;
	v11 =	vsel vm10, $0x1289, v11;
	v9 =	vsel vm11, $0x120A, v9;
	[tilespmem:$0x1FE20] =	vst v22  }
0xc4: {  	s2 =	rddreg [dreg:$0x2];
	v12 =	vsel vm11, $0x138A, v12;
	v8 =	vsel vm12, $0x118B, v8;
	v13 =	vsel vm12, $0x208B, v13;
	_ =	strace $0x80000047;
	[tilespmem:$0x1FE80] =	vst v3  }
0xc5: {  	v7 =	vsel vm10, $0x1109, v7;
	v10 =	vsel vm11, $0x128A, v10;
	v59 =	vadd.s32 $0xE, v15;
	[tilespmem:$0x1FEB0] =	vst v0  }
0xc6: {  	v11 =	vsel vm11, $0x130A, v11;
	v9 =	vsel vm12, $0x128B, v9;
	v7 =	vsel vm11, $0x118A, v7;
	[tilespmem:$0x1FED0] =	vst v59  }
0xc7: {  	v12 =	vsel vm12, $0x200B, v12;
	v7 =	vsel vm12, $0x120B, v7;
	v62 =	vadd.s32 $0xF, v15;
	[tilespmem:$0x1FEE0] =	vst v60  }
0xc8: {  	v8 =	vsel vm13, $0x120C, v8;
	v7 =	vsel vm13, $0x128C, v7;
	v63 =	vor.u32 $0x10, v15;
	[tilespmem:$0x1FF00] =	vst v62  }
0xc9: {  	v10 =	vsel vm12, $0x130B, v10;
	v11 =	vsel vm12, $0x138B, v11;
	v7 =	vsel vm14, $0x130D, v7;
	[tilespmem:$0x1FF10] =	vst v63  }
0xca: {  	v9 =	vsel vm13, $0x130C, v9;
	v8 =	vsel vm14, $0x128D, v8;
	v7 =	vsel vm15, $0x138E, v7;
	[tilespmem:$0x1FF20] =	vst v39  }
0xcb: {  	v10 =	vsel vm13, $0x138C, v10;
	v9 =	vsel vm14, $0x138D, v9;
	v8 =	vsel vm15, $0x130E, v8;
	[tilespmem:$0x1FF30] =	vst v7  }
0xcc: {  	v11 =	vsel vm13, $0x200C, v11;
	v10 =	vsel vm14, $0x200D, v10;
	v9 =	vsel vm15, $0x200E, v9;
	[tilespmem:$0x1FF40] =	vst v8  }
0xcd: {  	v12 =	vsel vm13, $0x208C, v12;
	v11 =	vsel vm14, $0x208D, v11;
	v10 =	vsel vm15, $0x208E, v10;
	[tilespmem:$0x1FF50] =	vst v9  }
0xce: {  	v13 =	vsel vm13, $0x210C, v13;
	v12 =	vsel vm14, $0x210D, v12;
	v11 =	vsel vm15, $0x210E, v11;
	[tilespmem:$0x1FF60] =	vst v10  }
0xcf: {  	v14 =	vsel vm13, $0x218C, v14;
	v13 =	vsel vm14, $0x218D, v13;
	v12 =	vsel vm15, $0x218E, v12;
	[tilespmem:$0x1FF70] =	vst v11  }
0xd0: {  	v17 =	vsel vm13, $0x230C, v17;
	v14 =	vsel vm14, $0x220D, v14;
	v13 =	vsel vm15, $0x220E, v13;
	[tilespmem:$0x1FF80] =	vst v12  }
0xd1: {  	v18 =	vsel vm13, $0x238C, v18;
	v17 =	vsel vm14, $0x238D, v17;
	v14 =	vsel vm15, $0x228E, v14;
	[tilespmem:$0x1FF90] =	vst v13  }
0xd2: {  	v21 =	vsel vm14, $0x318D, v21;
	v18 =	vsel vm14, $0x300D, v18;
	v17 =	vsel vm15, $0x300E, v17;
	[tilespmem:$0x1FFA0] =	vst v14  }
0xd3: {  	v20 =	vsel vm13, $0x308C, v20;
	v18 =	vsel vm15, $0x308E, v18;
	v48 =	vimm.s32 $0x76543210;
	[tilespmem:$0x1FFB0] =	vst v17  }
0xd4: {  	v19 =	vsel vm15, $0x310E, v19;
	v20 =	vsel vm14, $0x310D, v20;
	v54 =	vunpack.c.l.s4.s8 v48;
	[tilespmem:$0x1FFC0] =	vst v18  }
0xd5: {  	v21 =	vsel vm15, $0x320E, v21;
	v20 =	vsel vm15, $0x318E, v20;
	v49 =	vimm.s32 $0x87654321;
	[tilespmem:$0x1FFD0] =	vst v19  }
0xd6: {  	v55 =	vunpack.c.l.s4.s8 v49;
	v54 =	vunpack.c.0.s8.s32 v54;
	v22 =	vcombine.low v51, v50;
	[tilespmem:$0x1FFE0] =	vst v20  }
0xd7: {  	s5 =	stileid.u32;
	s12 =	simm.s32 $0x200;
	s13 =	simm.s32 $0x6400;
	v56 =	vunpack.c.l.s4.s8 v56;
	v51 =	vimm.s32 $0xA9876543;
	[tilespmem:$0x1FFF0] =	vst v21  }
0xd8: {  	s14 =	simm.s32 $0xA400;
	s15 =	simm.s32 $0x1;
	s16 =	simm.s32 $0xE400;
	v57 =	vunpack.c.0.s8.s32 v55;
	v6 =	vcombine.low v6, v54;
	[tilespmem:$0x1FE30] =	vst v22;
	v22 =	vadd.s32 $0xB, v15  }
0xd9: {  	s18 =	simm.s32 $0x10400;
	s19 =	simm.s32 $0x11400;
	s20 =	simm.s32 $0x2;
	v58 =	vunpack.c.l.s4.s8 v51;
	[tilespmem:$0x1FE40] =	vst v22;
	v22 =	vcombine.low v53, v52  }
0xda: {  	s21 =	simm.s32 $0x4;
	s22 =	simm.s32 $0x12400;
	s5 =	sshll.u32 s5, $0x1;
	[tilespmem:$0x1FE60] =	vst v6;
	v6 =	vunpack.c.0.s8.s32 v56;
	v55 =	vand.u32 $0xF, v57  }
0xdb: {  	s23 =	simm.s32 $0x13400;
	s24 =	simm.s32 $0x14400;
	s5 =	sor.u32 s4, s5;
	v57 =	vunpack.c.0.s8.s32 v58;
	v2 =	vcombine.low v45, v55;
	[tilespmem:$0x1FE50] =	vst v22;
	v22 =	vadd.s32 $0xC, v15  }
0xdc: {  	s25 =	simm.s32 $0x15400;
	s6 =	ssub.s32 $0x2, s4;
	s7 =	smul.u32 $0xC80, s5;
	v56 =	vand.u32 $0xF, v6;
	[tilespmem:$0x1FE70] =	vst v22  }
0xdd: {  	s8 =	sadd.s32 $0x8000, s2;
	s9 =	sadd.s32 $0xC000, s2;
	s30 =	sshrl.u32 s6, $0x1;
	v6 =	vadd.s32 $0xD, v15;
	v61 =	vand.u32 $0xF, v57;
	[tilespmem:$0x1FE90] =	vst v2;
	v58 =	vcombine.low v47, v56  }
0xde: {  	s4 =	sadd.s32 $0xF42A00, s1;
	s1 =	ssub.s32 s6, s30;
	s0 =	sadd.s32 s0, s7;
	[tilespmem:$0x1FEA0] =	vst v6;
	v0 =	vcombine.low v4, v61  }
0xdf: {  	s5 =	smul.u32 $0x32, s5;
	s31 =	smax.u32 s1, $0x1;
	[dreg:$0x4] =	wrdreg s0;
	[tilespmem:$0x1FEC0] =	vst v58  }
0xe0: {  	s7 =	sadd.s32 $0x4000, s2;
	s1 =	simm.s32 $0x0;
	v16 =	vmov v39;
	[dreg:$0x5] =	wrdreg s31;
	[tilespmem:$0x1FEF0] =	vst v0  }
.LBB2_1:
0xe1: {  	[dreg:$0x6] =	wrdreg s1  }
0xe2: {  	s0 =	rddreg [dreg:$0x4];
	s31 =	simm.s32 $0x5  }
0xe3: {  	[tilespmem:s3], [sflag:$0x5] =	stream.linear.gather [hbm4b:s0+s3], $0x6400, $0x38;
	[tilespmem:$0x16400] =	vst v63  }
0xe4: {  	_ =	swait.ge [sflag:s31], $0x6400  }
0xe5: {  	[sflag:s31] =	ssyncset.done $0x0  }
0xe6: {  	s29 =	simm.s32 $0x0;
	[sflag:s31] =	ssyncadd.s32 $0xFFFF9C00  }
0xe7: {  	[tilespmem:s13], [sflag:$0x1] =	stream.indirect.gather [hbm4b:s4+s12], $0x20, s3, s12, $0xb8;
	[tilespmem:$0x16400] =	vst v63  }
.LBB2_2:
0xe8: {  	s30 =	sshllo.u32 s29, $0x1  }
0xe9: {  	s0 =	sshll.u32 s30, $0x9  }
0xea: {  	s0 =	sand.u32 $0x3FFFFE00, s0  }
0xeb: {  	[tilespmem:s14], [sflag:$0x2] =	stream.indirect.gather [hbm4b:s4+s12], $0x20, s0, s12, $0xb8;
	[tilespmem:$0x16400] =	vst v63  }
0xec: {  	_ =	swait.ge [sflag:s15], $0x4000  }
0xed: {  	p0 =	seq.s32 s29, $0x0;
	[sflag:s15] =	ssyncset.done $0x0  }
0xee: {  	s0 =	simm.s32 @!p0 $0x3;
	[sflag:s15] =	ssyncadd.s32 $0xFFFFC000  }
0xef: {  	_ =	swait.ge @!p0 [sflag:s0], $0x1000  }
0xf0: {  	[sflag:s0] =	ssyncset.done @!p0 $0x0  }
0xf1: {  	[sflag:s0] =	ssyncadd.s32 @!p0 $0xFFFFF000  }
0xf2: {  	_ =	swait.ge @!p0 [sflag:s0], $0x1000  }
0xf3: {  	[sflag:s0] =	ssyncset.done @!p0 $0x0  }
0xf4: {  	[sflag:s0] =	ssyncadd.s32 @!p0 $0xFFFFF000  }
0xf5: {  	_ =	swait.ge @!p0 [sflag:s0], $0x1000  }
0xf6: {  	[sflag:s0] =	ssyncset.done @!p0 $0x0  }
0xf7: {  	[sflag:s0] =	ssyncadd.s32 @!p0 $0xFFFFF000  }
0xf8: {  	s1 =	sshll.u32 s29, $0x1;
	_ =	swait.ge @!p0 [sflag:s0], $0x1000  }
0xf9: {  	s6 =	simm.s32 $0x70;
	s31 =	sadd.s32 s5, s1;
	[sflag:s0] =	ssyncset.done @!p0 $0x0  }
0xfa: {  	s1 =	simm.s32 $0xFFFFFFF8;
	[sflag:s0] =	ssyncadd.s32 @!p0 $0xFFFFF000;
	s0 =	simm.s32 $0x70  }
.LBB2_3:
0xfb: {  	v36 =	vld [tilespmem:$0x1FD60];
	_ =	sdelay $0x1  }
0xfc: {  	s10 =	sadd.s32 $0xFFFFFF90, s0  }
0xfd: {  	v1 =	vmov s10  }
0xfe: {  	v1 =	vshll.u32 v1, $0x5  }
0xff: {  	v1 =	vor.u32 v36, v1  }
0x100: {  	v2 =	vor.u32 v15, v1  }
0x101: {  	v48 =	vld [tilespmem:$0x1FD70];
	_ =	sdelay $0x2  }
0x102: {  	s11 =	sadd.s32 $0xFFFFFF90, s6  }
0x103: {  	v3 =	vor.u32 s11, v8;
	v2 =	vld.idx.msk [tilespmem:v2+s13+$0x0], $0xffff  }
0x104: {  	v4 =	vor.u32 v48, v1  }
0x105: {  	v49 =	vld [tilespmem:$0x1FD80];
	_ =	sdelay $0x2  }
0x106: {  	[tilespmem:v3+s16+$0x0] =	vst.idx.msk $0xffff, v2  }
0x107: {  	v54 =	vor.u32 s11, v7;
	v2 =	vld.idx.msk [tilespmem:v4+s13+$0x0], $0xffff  }
0x108: {  	v4 =	vor.u32 v49, v1  }
0x109: {  	v50 =	vld [tilespmem:$0x1FD90];
	_ =	sdelay $0x2  }
0x10a: {  	[tilespmem:v54+s16+$0x0] =	vst.idx.msk $0xffff, v2  }
0x10b: {  	v55 =	vor.u32 s11, v9;
	v2 =	vld.idx.msk [tilespmem:v4+s13+$0x0], $0xffff  }
0x10c: {  	v4 =	vor.u32 v50, v1  }
0x10d: {  	v51 =	vld [tilespmem:$0x1FDA0];
	_ =	sdelay $0x2  }
0x10e: {  	[tilespmem:v55+s16+$0x0] =	vst.idx.msk $0xffff, v2  }
0x10f: {  	v56 =	vor.u32 s11, v10;
	v2 =	vld.idx.msk [tilespmem:v4+s13+$0x0], $0xffff  }
0x110: {  	v4 =	vor.u32 v51, v1  }
0x111: {  	v25 =	vld [tilespmem:$0x1FDB0];
	_ =	sdelay $0x2  }
0x112: {  	[tilespmem:v56+s16+$0x0] =	vst.idx.msk $0xffff, v2  }
0x113: {  	v57 =	vor.u32 s11, v11;
	v2 =	vld.idx.msk [tilespmem:v4+s13+$0x0], $0xffff  }
0x114: {  	v4 =	vor.u32 v25, v1  }
0x115: {  	v52 =	vld [tilespmem:$0x1FDC0];
	_ =	sdelay $0x1  }
0x116: {  	s26 =	sadd.s32 $0xFFFFFFA0, s0  }
0x117: {  	v58 =	vmov s26;
	[tilespmem:v57+s16+$0x0] =	vst.idx.msk $0xffff, v2  }
0x118: {  	v2 =	vshll.u32 v58, $0x5;
	v3 =	vld.idx.msk [tilespmem:v4+s13+$0x0], $0xffff;
	v4 =	vor.u32 s11, v12  }
0x119: {  	v5 =	vor.u32 v52, v1;
	v2 =	vor.u32 v36, v2  }
0x11a: {  	v6 =	vor.u32 v15, v2;
	_ =	sdelay $0x2  }
0x11b: {  	[tilespmem:v4+s16+$0x0] =	vst.idx.msk $0xffff, v3  }
0x11c: {  	s10 =	sadd.s32 $0xFFFFFFA0, s6;
	v3 =	vld.idx.msk [tilespmem:v5+s13+$0x0], $0xffff  }
0x11d: {  	v4 =	vld.idx.msk [tilespmem:v6+s13+$0x0], $0xffff;
	v5 =	vor.u32 s10, v8  }
0x11e: {  	v6 =	vor.u32 v48, v2;
	_ =	sdelay $0x3  }
0x11f: {  	[tilespmem:v5+s16+$0x0] =	vst.idx.msk $0xffff, v4  }
0x120: {  	v5 =	vor.u32 s10, v7;
	v4 =	vld.idx.msk [tilespmem:v6+s13+$0x0], $0xffff  }
0x121: {  	v6 =	vor.u32 v49, v2;
	_ =	sdelay $0x3  }
0x122: {  	[tilespmem:v5+s16+$0x0] =	vst.idx.msk $0xffff, v4  }
0x123: {  	v5 =	vor.u32 s10, v9;
	v4 =	vld.idx.msk [tilespmem:v6+s13+$0x0], $0xffff  }
0x124: {  	v6 =	vor.u32 v50, v2;
	_ =	sdelay $0x3  }
0x125: {  	[tilespmem:v5+s16+$0x0] =	vst.idx.msk $0xffff, v4  }
0x126: {  	v5 =	vor.u32 s10, v10;
	v4 =	vld.idx.msk [tilespmem:v6+s13+$0x0], $0xffff  }
0x127: {  	v6 =	vor.u32 v51, v2;
	_ =	sdelay $0x3  }
0x128: {  	[tilespmem:v5+s16+$0x0] =	vst.idx.msk $0xffff, v4  }
0x129: {  	v5 =	vor.u32 s10, v11;
	v4 =	vld.idx.msk [tilespmem:v6+s13+$0x0], $0xffff  }
0x12a: {  	v6 =	vor.u32 v25, v2;
	_ =	sdelay $0x3  }
0x12b: {  	[tilespmem:v5+s16+$0x0] =	vst.idx.msk $0xffff, v4  }
0x12c: {  	v5 =	vor.u32 s10, v12;
	v4 =	vld.idx.msk [tilespmem:v6+s13+$0x0], $0xffff  }
0x12d: {  	v53 =	vld [tilespmem:$0x1FDD0];
	v6 =	vor.u32 v52, v2;
	_ =	sdelay $0x3  }
0x12e: {  	v7 =	vor.u32 s11, v13;
	[tilespmem:v5+s16+$0x0] =	vst.idx.msk $0xffff, v4  }
0x12f: {  	v8 =	vor.u32 v53, v1;
	v5 =	vor.u32 s10, v13;
	v4 =	vld.idx.msk [tilespmem:v6+s13+$0x0], $0xffff  }
0x130: {  	v54 =	vld [tilespmem:$0x1FDE0];
	v6 =	vor.u32 v53, v2;
	_ =	sdelay $0x2  }
0x131: {  	v58 =	vld [tilespmem:$0x1FC30];
	[tilespmem:v7+s16+$0x0] =	vst.idx.msk $0xffff, v3  }
0x132: {  	v7 =	vor.u32 s11, v14;
	v3 =	vld.idx.msk [tilespmem:v8+s13+$0x0], $0xffff;
	[tilespmem:v5+s16+$0x0] =	vst.idx.msk $0xffff, v4  }
0x133: {  	v8 =	vor.u32 v54, v1;
	v5 =	vor.u32 s10, v14;
	v4 =	vld.idx.msk [tilespmem:v6+s13+$0x0], $0xffff  }
0x134: {  	v26 =	vld [tilespmem:$0x1FDF0];
	v6 =	vor.u32 v54, v2;
	_ =	sdelay $0x2  }
0x135: {  	v59 =	vld [tilespmem:$0x1FC40];
	[tilespmem:v7+s16+$0x0] =	vst.idx.msk $0xffff, v3  }
0x136: {  	v7 =	vor.u32 s11, v58;
	v3 =	vld.idx.msk [tilespmem:v8+s13+$0x0], $0xffff;
	[tilespmem:v5+s16+$0x0] =	vst.idx.msk $0xffff, v4  }
0x137: {  	v8 =	vor.u32 v26, v1;
	v5 =	vor.u32 s10, v58;
	v4 =	vld.idx.msk [tilespmem:v6+s13+$0x0], $0xffff  }
0x138: {  	v28 =	vld [tilespmem:$0x1FE00];
	v6 =	vor.u32 v26, v2;
	_ =	sdelay $0x2  }
0x139: {  	[tilespmem:v7+s16+$0x0] =	vst.idx.msk $0xffff, v3  }
0x13a: {  	v7 =	vor.u32 s11, v59;
	v3 =	vld.idx.msk [tilespmem:v8+s13+$0x0], $0xffff;
	[tilespmem:v5+s16+$0x0] =	vst.idx.msk $0xffff, v4  }
0x13b: {  	v8 =	vor.u32 v28, v1;
	v5 =	vor.u32 s10, v59;
	v4 =	vld.idx.msk [tilespmem:v6+s13+$0x0], $0xffff  }
0x13c: {  	v32 =	vld [tilespmem:$0x1FE40];
	v6 =	vor.u32 v28, v2;
	_ =	sdelay $0x2  }
0x13d: {  	[tilespmem:v7+s16+$0x0] =	vst.idx.msk $0xffff, v3  }
0x13e: {  	v7 =	vor.u32 s11, v17;
	v3 =	vld.idx.msk [tilespmem:v8+s13+$0x0], $0xffff;
	[tilespmem:v5+s16+$0x0] =	vst.idx.msk $0xffff, v4  }
0x13f: {  	v8 =	vor.u32 v32, v1;
	v5 =	vor.u32 s10, v17;
	v4 =	vld.idx.msk [tilespmem:v6+s13+$0x0], $0xffff  }
0x140: {  	v27 =	vld [tilespmem:$0x1FE70];
	v6 =	vor.u32 v32, v2;
	_ =	sdelay $0x2  }
0x141: {  	[tilespmem:v7+s16+$0x0] =	vst.idx.msk $0xffff, v3  }
0x142: {  	v7 =	vor.u32 s11, v18;
	v3 =	vld.idx.msk [tilespmem:v8+s13+$0x0], $0xffff;
	[tilespmem:v5+s16+$0x0] =	vst.idx.msk $0xffff, v4  }
0x143: {  	v8 =	vor.u32 v27, v1;
	v5 =	vor.u32 s10, v18;
	v4 =	vld.idx.msk [tilespmem:v6+s13+$0x0], $0xffff  }
0x144: {  	v40 =	vld [tilespmem:$0x1FEA0];
	v6 =	vor.u32 v27, v2;
	_ =	sdelay $0x2  }
0x145: {  	[tilespmem:v7+s16+$0x0] =	vst.idx.msk $0xffff, v3  }
0x146: {  	v7 =	vor.u32 s11, v19;
	v3 =	vld.idx.msk [tilespmem:v8+s13+$0x0], $0xffff;
	[tilespmem:v5+s16+$0x0] =	vst.idx.msk $0xffff, v4  }
0x147: {  	v8 =	vor.u32 v40, v1;
	v5 =	vor.u32 s10, v19;
	v4 =	vld.idx.msk [tilespmem:v6+s13+$0x0], $0xffff  }
0x148: {  	v0 =	vld [tilespmem:$0x1FED0];
	v6 =	vor.u32 v40, v2;
	_ =	sdelay $0x2  }
0x149: {  	[tilespmem:v7+s16+$0x0] =	vst.idx.msk $0xffff, v3  }
0x14a: {  	v7 =	vor.u32 s11, v20;
	v3 =	vld.idx.msk [tilespmem:v8+s13+$0x0], $0xffff;
	[tilespmem:v5+s16+$0x0] =	vst.idx.msk $0xffff, v4  }
0x14b: {  	v8 =	vor.u32 v0, v1;
	v5 =	vor.u32 s10, v20;
	v4 =	vld.idx.msk [tilespmem:v6+s13+$0x0], $0xffff  }
0x14c: {  	v22 =	vld [tilespmem:$0x1FF00];
	v6 =	vor.u32 v0, v2;
	_ =	sdelay $0x2  }
0x14d: {  	v60 =	vld [tilespmem:$0x1FC50];
	[tilespmem:v7+s16+$0x0] =	vst.idx.msk $0xffff, v3  }
0x14e: {  	v7 =	vor.u32 s11, v21;
	v3 =	vld.idx.msk [tilespmem:v8+s13+$0x0], $0xffff;
	[tilespmem:v5+s16+$0x0] =	vst.idx.msk $0xffff, v4  }
0x14f: {  	v8 =	vor.u32 v22, v1;
	v5 =	vor.u32 s10, v21;
	v4 =	vld.idx.msk [tilespmem:v6+s13+$0x0], $0xffff  }
0x150: {  	v23 =	vld [tilespmem:$0x1FF10];
	v6 =	vor.u32 v22, v2;
	_ =	sdelay $0x2  }
0x151: {  	v61 =	vld [tilespmem:$0x1FC60];
	[tilespmem:v7+s16+$0x0] =	vst.idx.msk $0xffff, v3  }
0x152: {  	v7 =	vor.u32 s11, v60;
	v3 =	vld.idx.msk [tilespmem:v8+s13+$0x0], $0xffff;
	[tilespmem:v5+s16+$0x0] =	vst.idx.msk $0xffff, v4  }
0x153: {  	v8 =	vor.u32 v23, v1;
	v5 =	vor.u32 s10, v60;
	v4 =	vld.idx.msk [tilespmem:v6+s13+$0x0], $0xffff  }
0x154: {  	v38 =	vld [tilespmem:$0x1FE80];
	v6 =	vor.u32 v23, v2;
	_ =	sdelay $0x2  }
0x155: {  	v62 =	vld [tilespmem:$0x1FC70];
	[tilespmem:v7+s16+$0x0] =	vst.idx.msk $0xffff, v3  }
0x156: {  	v7 =	vor.u32 s11, v61;
	v3 =	vld.idx.msk [tilespmem:v8+s13+$0x0], $0xffff;
	[tilespmem:v5+s16+$0x0] =	vst.idx.msk $0xffff, v4  }
0x157: {  	v8 =	vor.u32 v38, v1;
	v5 =	vor.u32 s10, v61;
	v4 =	vld.idx.msk [tilespmem:v6+s13+$0x0], $0xffff  }
0x158: {  	v24 =	vld [tilespmem:$0x1FEB0];
	v6 =	vor.u32 v38, v2;
	_ =	sdelay $0x2  }
0x159: {  	v63 =	vld [tilespmem:$0x1FC80];
	[tilespmem:v7+s16+$0x0] =	vst.idx.msk $0xffff, v3  }
0x15a: {  	v7 =	vor.u32 s11, v62;
	v3 =	vld.idx.msk [tilespmem:v8+s13+$0x0], $0xffff;
	[tilespmem:v5+s16+$0x0] =	vst.idx.msk $0xffff, v4  }
0x15b: {  	v8 =	vor.u32 v24, v1;
	v5 =	vor.u32 s10, v62;
	v4 =	vld.idx.msk [tilespmem:v6+s13+$0x0], $0xffff  }
0x15c: {  	v29 =	vld [tilespmem:$0x1FEE0];
	v6 =	vor.u32 v24, v2;
	_ =	sdelay $0x2  }
0x15d: {  	v30 =	vld [tilespmem:$0x1FC90];
	[tilespmem:v7+s16+$0x0] =	vst.idx.msk $0xffff, v3  }
0x15e: {  	v7 =	vor.u32 s11, v63;
	v3 =	vld.idx.msk [tilespmem:v8+s13+$0x0], $0xffff;
	[tilespmem:v5+s16+$0x0] =	vst.idx.msk $0xffff, v4  }
0x15f: {  	v8 =	vor.u32 v29, v1;
	v5 =	vor.u32 s10, v63;
	v4 =	vld.idx.msk [tilespmem:v6+s13+$0x0], $0xffff  }
0x160: {  	v31 =	vld [tilespmem:$0x1FE10];
	v6 =	vor.u32 v29, v2;
	_ =	sdelay $0x2  }
0x161: {  	v33 =	vld [tilespmem:$0x1FCA0];
	[tilespmem:v7+s16+$0x0] =	vst.idx.msk $0xffff, v3  }
0x162: {  	v7 =	vor.u32 s11, v30;
	v3 =	vld.idx.msk [tilespmem:v8+s13+$0x0], $0xffff;
	[tilespmem:v5+s16+$0x0] =	vst.idx.msk $0xffff, v4  }
0x163: {  	v8 =	vor.u32 v31, v1;
	v5 =	vor.u32 s10, v30;
	v4 =	vld.idx.msk [tilespmem:v6+s13+$0x0], $0xffff  }
0x164: {  	v34 =	vld [tilespmem:$0x1FE20];
	v6 =	vor.u32 v31, v2;
	_ =	sdelay $0x2  }
0x165: {  	v35 =	vld [tilespmem:$0x1FCB0];
	[tilespmem:v7+s16+$0x0] =	vst.idx.msk $0xffff, v3  }
0x166: {  	v7 =	vor.u32 s11, v33;
	v3 =	vld.idx.msk [tilespmem:v8+s13+$0x0], $0xffff;
	[tilespmem:v5+s16+$0x0] =	vst.idx.msk $0xffff, v4  }
0x167: {  	v8 =	vor.u32 v34, v1;
	v5 =	vor.u32 s10, v33;
	v4 =	vld.idx.msk [tilespmem:v6+s13+$0x0], $0xffff  }
0x168: {  	v37 =	vld [tilespmem:$0x1FE30];
	v6 =	vor.u32 v34, v2;
	_ =	sdelay $0x2  }
0x169: {  	v39 =	vld [tilespmem:$0x1FCC0];
	[tilespmem:v7+s16+$0x0] =	vst.idx.msk $0xffff, v3  }
0x16a: {  	v7 =	vor.u32 s11, v35;
	v3 =	vld.idx.msk [tilespmem:v8+s13+$0x0], $0xffff;
	[tilespmem:v5+s16+$0x0] =	vst.idx.msk $0xffff, v4  }
0x16b: {  	v8 =	vor.u32 v37, v1;
	v5 =	vor.u32 s10, v35;
	v4 =	vld.idx.msk [tilespmem:v6+s13+$0x0], $0xffff  }
0x16c: {  	v41 =	vld [tilespmem:$0x1FE50];
	v6 =	vor.u32 v37, v2;
	_ =	sdelay $0x2  }
0x16d: {  	v42 =	vld [tilespmem:$0x1FCD0];
	[tilespmem:v7+s16+$0x0] =	vst.idx.msk $0xffff, v3  }
0x16e: {  	v7 =	vor.u32 s11, v39;
	v3 =	vld.idx.msk [tilespmem:v8+s13+$0x0], $0xffff;
	[tilespmem:v5+s16+$0x0] =	vst.idx.msk $0xffff, v4  }
0x16f: {  	v8 =	vor.u32 v41, v1;
	v5 =	vor.u32 s10, v39;
	v4 =	vld.idx.msk [tilespmem:v6+s13+$0x0], $0xffff  }
0x170: {  	v43 =	vld [tilespmem:$0x1FE60];
	v6 =	vor.u32 v41, v2;
	_ =	sdelay $0x2  }
0x171: {  	v44 =	vld [tilespmem:$0x1FCE0];
	[tilespmem:v7+s16+$0x0] =	vst.idx.msk $0xffff, v3  }
0x172: {  	v7 =	vor.u32 s11, v42;
	v3 =	vld.idx.msk [tilespmem:v8+s13+$0x0], $0xffff;
	[tilespmem:v5+s16+$0x0] =	vst.idx.msk $0xffff, v4  }
0x173: {  	v8 =	vor.u32 v43, v1;
	v5 =	vor.u32 s10, v42;
	v4 =	vld.idx.msk [tilespmem:v6+s13+$0x0], $0xffff  }
0x174: {  	v45 =	vld [tilespmem:$0x1FE90];
	v6 =	vor.u32 v43, v2;
	_ =	sdelay $0x2  }
0x175: {  	v46 =	vld [tilespmem:$0x1FCF0];
	[tilespmem:v7+s16+$0x0] =	vst.idx.msk $0xffff, v3  }
0x176: {  	v7 =	vor.u32 s11, v44;
	v3 =	vld.idx.msk [tilespmem:v8+s13+$0x0], $0xffff;
	[tilespmem:v5+s16+$0x0] =	vst.idx.msk $0xffff, v4  }
0x177: {  	v8 =	vor.u32 v45, v1;
	v5 =	vor.u32 s10, v44;
	v4 =	vld.idx.msk [tilespmem:v6+s13+$0x0], $0xffff  }
0x178: {  	v47 =	vld [tilespmem:$0x1FEC0];
	v6 =	vor.u32 v45, v2;
	_ =	sdelay $0x2  }
0x179: {  	v55 =	vld [tilespmem:$0x1FD00];
	[tilespmem:v7+s16+$0x0] =	vst.idx.msk $0xffff, v3  }
0x17a: {  	v7 =	vor.u32 s11, v46;
	v3 =	vld.idx.msk [tilespmem:v8+s13+$0x0], $0xffff;
	[tilespmem:v5+s16+$0x0] =	vst.idx.msk $0xffff, v4  }
0x17b: {  	v8 =	vor.u32 v47, v1;
	v5 =	vor.u32 s10, v46;
	v4 =	vld.idx.msk [tilespmem:v6+s13+$0x0], $0xffff  }
0x17c: {  	v56 =	vld [tilespmem:$0x1FEF0];
	v6 =	vor.u32 v47, v2;
	_ =	sdelay $0x2  }
0x17d: {  	v57 =	vld [tilespmem:$0x1FD10];
	[tilespmem:v7+s16+$0x0] =	vst.idx.msk $0xffff, v3  }
0x17e: {  	v7 =	vor.u32 s11, v55;
	v3 =	vld.idx.msk [tilespmem:v8+s13+$0x0], $0xffff;
	[tilespmem:v5+s16+$0x0] =	vst.idx.msk $0xffff, v4  }
0x17f: {  	v8 =	vor.u32 v56, v1;
	v5 =	vor.u32 s10, v55;
	v4 =	vld.idx.msk [tilespmem:v6+s13+$0x0], $0xffff  }
0x180: {  	v9 =	vld [tilespmem:$0x1FC00];
	v6 =	vor.u32 v56, v2;
	_ =	sdelay $0x2  }
0x181: {  	v10 =	vld [tilespmem:$0x1FD20];
	[tilespmem:v7+s16+$0x0] =	vst.idx.msk $0xffff, v3  }
0x182: {  	v7 =	vor.u32 s11, v57;
	v3 =	vld.idx.msk [tilespmem:v8+s13+$0x0], $0xffff;
	[tilespmem:v5+s16+$0x0] =	vst.idx.msk $0xffff, v4  }
0x183: {  	v8 =	vor.u32 v9, v1;
	v4 =	vld.idx.msk [tilespmem:v6+s13+$0x0], $0xffff  }
0x184: {  	v5 =	vor.u32 s10, v57;
	v6 =	vor.u32 v9, v2;
	v9 =	vld [tilespmem:$0x1FC10];
	_ =	sdelay $0x2  }
0x185: {  	[tilespmem:v7+s16+$0x0] =	vst.idx.msk $0xffff, v3  }
0x186: {  	v7 =	vor.u32 s11, v10;
	v3 =	vld.idx.msk [tilespmem:v8+s13+$0x0], $0xffff  }
0x187: {  	v8 =	vor.u32 v9, v1;
	[tilespmem:v5+s16+$0x0] =	vst.idx.msk $0xffff, v4;
	v5 =	vor.u32 s10, v10;
	v10 =	vld [tilespmem:$0x1FD30];
	_ =	sdelay $0x2  }
0x188: {  	v4 =	vld.idx.msk [tilespmem:v6+s13+$0x0], $0xffff  }
0x189: {  	[tilespmem:v7+s16+$0x0] =	vst.idx.msk $0xffff, v3;
	v6 =	vor.u32 v9, v2;
	v9 =	vld [tilespmem:$0x1FC20]  }
0x18a: {  	v3 =	vld.idx.msk [tilespmem:v8+s13+$0x0], $0xffff;
	v7 =	vor.u32 s11, v10;
	_ =	sdelay $0x2  }
0x18b: {  	[tilespmem:v5+s16+$0x0] =	vst.idx.msk $0xffff, v4  }
0x18c: {  	v4 =	vld.idx.msk [tilespmem:v6+s13+$0x0], $0xffff  }
0x18d: {  	v8 =	vor.u32 v9, v1;
	v5 =	vor.u32 s10, v10;
	[tilespmem:v7+s16+$0x0] =	vst.idx.msk $0xffff, v3;
	v3 =	vld [tilespmem:$0x1FD40]  }
0x18e: {  	v6 =	vor.u32 v9, v2;
	_ =	sdelay $0x1  }
0x18f: {  	s17 =	sadd.s32 $0xFFFFFFB0, s0  }
0x190: {  	v9 =	vor.u32 v16, v1;
	v17 =	vld [tilespmem:$0x1FD50];
	v1 =	vmov s17  }
0x191: {  	s28 =	sadd.s32 $0xFFFFFFC0, s0;
	v12 =	vor.u32 v16, v2;
	v1 =	vshll.u32 v1, $0x5;
	v8 =	vld.idx.msk [tilespmem:v8+s13+$0x0], $0xffff;
	[tilespmem:v5+s16+$0x0] =	vst.idx.msk $0xffff, v4;
	v7 =	vor.u32 s11, v3  }
0x192: {  	v2 =	vmov s28;
	s17 =	sadd.s32 $0xFFFFFFD0, s0;
	v1 =	vor.u32 v36, v1;
	v5 =	vld.idx.msk [tilespmem:v6+s13+$0x0], $0xffff;
	v11 =	vor.u32 s10, v3  }
0x193: {  	s26 =	sadd.s32 $0xFFFFFFE0, s0;
	v2 =	vshll.u32 v2, $0x5;
	v13 =	vor.u32 v15, v1;
	v3 =	vmov s17  }
0x194: {  	v16 =	vld [tilespmem:$0x1FF40];
	v2 =	vor.u32 v36, v2;
	v4 =	vmov s26;
	v3 =	vshll.u32 v3, $0x5  }
0x195: {  	s28 =	sadd.s32 $0xFFFFFFF0, s0;
	v19 =	vld [tilespmem:$0x1FF40];
	v14 =	vor.u32 v15, v2;
	v4 =	vshll.u32 v4, $0x5;
	v3 =	vor.u32 v36, v3  }
0x196: {  	v21 =	vld [tilespmem:$0x1FF40];
	v6 =	vmov s28;
	v4 =	vor.u32 v36, v4;
	[tilespmem:v7+s16+$0x0] =	vst.idx.msk $0xffff, v8;
	v7 =	vor.u32 v15, v3  }
0x197: {  	v10 =	vor.u32 s11, v17;
	v6 =	vshll.u32 v6, $0x5;
	[tilespmem:v11+s16+$0x0] =	vst.idx.msk $0xffff, v5;
	v11 =	vor.u32 v15, v4;
	v8 =	vld.idx.msk [tilespmem:v9+s13+$0x0], $0xffff  }
0x198: {  	v13 =	vld.idx.msk [tilespmem:v13+s13+$0x0], $0xffff;
	v5 =	vor.u32 v36, v6;
	v9 =	vmov s0  }
0x199: {  	v15 =	vor.u32 v15, v5;
	v6 =	vshll.u32 v9, $0x5;
	v9 =	vld.idx.msk [tilespmem:v12+s13+$0x0], $0xffff;
	v12 =	vor.u32 s10, v17  }
0x19a: {  	v14 =	vld.idx.msk [tilespmem:v14+s13+$0x0], $0xffff;
	s10 =	sadd.s32 $0xFFFFFFB0, s6;
	v17 =	vlaneseq.u32;
	v6 =	vor.u32 v36, v6  }
0x19b: {  	v16 =	vor.u32 s10, v16;
	v17 =	vor.u32 v17, v6;
	v7 =	vld.idx.msk [tilespmem:v7+s13+$0x0], $0xffff  }
0x19c: {  	s11 =	sadd.s32 $0xFFFFFFC0, s6;
	[tilespmem:v10+s16+$0x0] =	vst.idx.msk $0xffff, v8;
	v10 =	vld.idx.msk [tilespmem:v11+s13+$0x0], $0xffff  }
0x19d: {  	v19 =	vor.u32 s11, v19;
	v11 =	vld [tilespmem:$0x1FF40]  }
0x19e: {  	s26 =	sadd.s32 $0xFFFFFFD0, s6;
	[tilespmem:v12+s16+$0x0] =	vst.idx.msk $0xffff, v9;
	v12 =	vld.idx.msk [tilespmem:v15+s13+$0x0], $0xffff  }
0x19f: {  	v21 =	vor.u32 s26, v21;
	v15 =	vld [tilespmem:$0x1FF40]  }
0x1a0: {  	v20 =	vor.u32 v48, v2;
	[tilespmem:v16+s16+$0x0] =	vst.idx.msk $0xffff, v13;
	v16 =	vld.idx.msk [tilespmem:v17+s13+$0x0], $0xffff  }
0x1a1: {  	v18 =	vor.u32 v48, v1;
	s28 =	sadd.s32 $0xFFFFFFE0, s6;
	v17 =	vld [tilespmem:$0x1FF40]  }
0x1a2: {  	[tilespmem:v19+s16+$0x0] =	vst.idx.msk $0xffff, v14;
	v14 =	vld [tilespmem:$0x1FF30];
	v11 =	vor.u32 s28, v11  }
0x1a3: {  	s17 =	sadd.s32 $0xFFFFFFF0, s6;
	v8 =	vor.u32 v48, v3  }
0x1a4: {  	[tilespmem:v21+s16+$0x0] =	vst.idx.msk $0xffff, v7;
	v21 =	vld [tilespmem:$0x1FF30];
	v15 =	vor.u32 s17, v15  }
0x1a5: {  	v20 =	vld.idx.msk [tilespmem:v20+s13+$0x0], $0xffff;
	v9 =	vor.u32 v48, v4  }
0x1a6: {  	v18 =	vld.idx.msk [tilespmem:v18+s13+$0x0], $0xffff;
	v17 =	vor.u32 s6, v17  }
0x1a7: {  	v19 =	vor.u32 v48, v6;
	v14 =	vor.u32 s10, v14;
	[tilespmem:v11+s16+$0x0] =	vst.idx.msk $0xffff, v10;
	v11 =	vld [tilespmem:$0x1FF30]  }
0x1a8: {  	v8 =	vld.idx.msk [tilespmem:v8+s13+$0x0], $0xffff  }
0x1a9: {  	v21 =	vor.u32 s11, v21;
	[tilespmem:v15+s16+$0x0] =	vst.idx.msk $0xffff, v12;
	v15 =	vld [tilespmem:$0x1FF30]  }
0x1aa: {  	v9 =	vld.idx.msk [tilespmem:v9+s13+$0x0], $0xffff  }
0x1ab: {  	v13 =	vor.u32 v48, v5;
	[tilespmem:v17+s16+$0x0] =	vst.idx.msk $0xffff, v16;
	v17 =	vld [tilespmem:$0x1FF30]  }
0x1ac: {  	[tilespmem:v14+s16+$0x0] =	vst.idx.msk $0xffff, v18;
	v18 =	vld.idx.msk [tilespmem:v19+s13+$0x0], $0xffff;
	v11 =	vor.u32 s26, v11  }
0x1ad: {  	v7 =	vor.u32 v49, v1;
	v19 =	vld [tilespmem:$0x1FF30]  }
0x1ae: {  	[tilespmem:v21+s16+$0x0] =	vst.idx.msk $0xffff, v20;
	v20 =	vld [tilespmem:$0x1FF50];
	v15 =	vor.u32 s28, v15  }
0x1af: {  	v10 =	vor.u32 v49, v2  }
0x1b0: {  	v13 =	vld.idx.msk [tilespmem:v13+s13+$0x0], $0xffff;
	v17 =	vor.u32 s17, v17  }
0x1b1: {  	v12 =	vor.u32 v49, v3;
	[tilespmem:v11+s16+$0x0] =	vst.idx.msk $0xffff, v8;
	v11 =	vld [tilespmem:$0x1FF50]  }
0x1b2: {  	v7 =	vld.idx.msk [tilespmem:v7+s13+$0x0], $0xffff;
	v19 =	vor.u32 s6, v19  }
0x1b3: {  	v21 =	vor.u32 v49, v6;
	v20 =	vor.u32 s10, v20;
	[tilespmem:v15+s16+$0x0] =	vst.idx.msk $0xffff, v9;
	v15 =	vld [tilespmem:$0x1FF50]  }
0x1b4: {  	v10 =	vld.idx.msk [tilespmem:v10+s13+$0x0], $0xffff  }
0x1b5: {  	v16 =	vor.u32 v49, v4;
	[tilespmem:v17+s16+$0x0] =	vst.idx.msk $0xffff, v13;
	v17 =	vld [tilespmem:$0x1FF50]  }
0x1b6: {  	v12 =	vld.idx.msk [tilespmem:v12+s13+$0x0], $0xffff;
	v11 =	vor.u32 s11, v11  }
0x1b7: {  	v14 =	vor.u32 v49, v5;
	[tilespmem:v19+s16+$0x0] =	vst.idx.msk $0xffff, v18;
	v19 =	vld [tilespmem:$0x1FF50]  }
0x1b8: {  	[tilespmem:v20+s16+$0x0] =	vst.idx.msk $0xffff, v7;
	v20 =	vld.idx.msk [tilespmem:v21+s13+$0x0], $0xffff;
	v15 =	vor.u32 s26, v15  }
0x1b9: {  	v8 =	vor.u32 v50, v1;
	v21 =	vld [tilespmem:$0x1FF50]  }
0x1ba: {  	v16 =	vld.idx.msk [tilespmem:v16+s13+$0x0], $0xffff;
	v17 =	vor.u32 s28, v17  }
0x1bb: {  	v9 =	vor.u32 v50, v2;
	[tilespmem:v11+s16+$0x0] =	vst.idx.msk $0xffff, v10;
	v10 =	vld [tilespmem:$0x1FF60]  }
0x1bc: {  	v14 =	vld.idx.msk [tilespmem:v14+s13+$0x0], $0xffff;
	v19 =	vor.u32 s17, v19  }
0x1bd: {  	v13 =	vor.u32 v50, v3;
	[tilespmem:v15+s16+$0x0] =	vst.idx.msk $0xffff, v12;
	v15 =	vld [tilespmem:$0x1FF60]  }
0x1be: {  	v8 =	vld.idx.msk [tilespmem:v8+s13+$0x0], $0xffff;
	v21 =	vor.u32 s6, v21  }
0x1bf: {  	v18 =	vor.u32 v50, v4;
	[tilespmem:v17+s16+$0x0] =	vst.idx.msk $0xffff, v16;
	v17 =	vld [tilespmem:$0x1FF60]  }
0x1c0: {  	v11 =	vor.u32 v50, v6;
	v9 =	vld.idx.msk [tilespmem:v9+s13+$0x0], $0xffff;
	v10 =	vor.u32 s10, v10  }
0x1c1: {  	[tilespmem:v19+s16+$0x0] =	vst.idx.msk $0xffff, v14;
	v19 =	vld [tilespmem:$0x1FF60]  }
0x1c2: {  	v13 =	vld.idx.msk [tilespmem:v13+s13+$0x0], $0xffff;
	v15 =	vor.u32 s11, v15  }
0x1c3: {  	v7 =	vor.u32 v50, v5;
	[tilespmem:v21+s16+$0x0] =	vst.idx.msk $0xffff, v20;
	v21 =	vld [tilespmem:$0x1FF60]  }
0x1c4: {  	v18 =	vld.idx.msk [tilespmem:v18+s13+$0x0], $0xffff;
	v17 =	vor.u32 s26, v17  }
0x1c5: {  	v12 =	vor.u32 v51, v1;
	[tilespmem:v10+s16+$0x0] =	vst.idx.msk $0xffff, v8;
	v10 =	vld.idx.msk [tilespmem:v11+s13+$0x0], $0xffff  }
0x1c6: {  	v19 =	vor.u32 s28, v19;
	v11 =	vld [tilespmem:$0x1FF60]  }
0x1c7: {  	v16 =	vor.u32 v51, v2;
	[tilespmem:v15+s16+$0x0] =	vst.idx.msk $0xffff, v9;
	v9 =	vld [tilespmem:$0x1FF70]  }
0x1c8: {  	v7 =	vld.idx.msk [tilespmem:v7+s13+$0x0], $0xffff;
	v21 =	vor.u32 s17, v21  }
0x1c9: {  	v14 =	vor.u32 v51, v3;
	[tilespmem:v17+s16+$0x0] =	vst.idx.msk $0xffff, v13;
	v17 =	vld [tilespmem:$0x1FF70]  }
0x1ca: {  	v20 =	vor.u32 v51, v4;
	v12 =	vld.idx.msk [tilespmem:v12+s13+$0x0], $0xffff  }
0x1cb: {  	[tilespmem:v19+s16+$0x0] =	vst.idx.msk $0xffff, v18;
	v19 =	vld [tilespmem:$0x1FF70];
	v11 =	vor.u32 s6, v11  }
0x1cc: {  	v15 =	vor.u32 v51, v6;
	v16 =	vld.idx.msk [tilespmem:v16+s13+$0x0], $0xffff;
	v9 =	vor.u32 s10, v9  }
0x1cd: {  	[tilespmem:v21+s16+$0x0] =	vst.idx.msk $0xffff, v7;
	v21 =	vld [tilespmem:$0x1FF70]  }
0x1ce: {  	v14 =	vld.idx.msk [tilespmem:v14+s13+$0x0], $0xffff;
	v17 =	vor.u32 s11, v17  }
0x1cf: {  	v20 =	vld.idx.msk [tilespmem:v20+s13+$0x0], $0xffff  }
0x1d0: {  	v19 =	vor.u32 s26, v19;
	[tilespmem:v11+s16+$0x0] =	vst.idx.msk $0xffff, v10;
	v11 =	vld [tilespmem:$0x1FF70]  }
0x1d1: {  	v8 =	vor.u32 v51, v5;
	[tilespmem:v9+s16+$0x0] =	vst.idx.msk $0xffff, v12;
	v12 =	vld.idx.msk [tilespmem:v15+s13+$0x0], $0xffff  }
0x1d2: {  	v21 =	vor.u32 s28, v21;
	v15 =	vld [tilespmem:$0x1FF70]  }
0x1d3: {  	v13 =	vor.u32 v25, v1;
	[tilespmem:v17+s16+$0x0] =	vst.idx.msk $0xffff, v16;
	v16 =	vld [tilespmem:$0x1FF80]  }
0x1d4: {  	v18 =	vor.u32 v25, v2  }
0x1d5: {  	v7 =	vor.u32 v25, v3;
	[tilespmem:v19+s16+$0x0] =	vst.idx.msk $0xffff, v14;
	v19 =	vld [tilespmem:$0x1FF80]  }
0x1d6: {  	v8 =	vld.idx.msk [tilespmem:v8+s13+$0x0], $0xffff;
	v11 =	vor.u32 s17, v11  }
0x1d7: {  	[tilespmem:v21+s16+$0x0] =	vst.idx.msk $0xffff, v20;
	v21 =	vld [tilespmem:$0x1FF80];
	v15 =	vor.u32 s6, v15  }
0x1d8: {  	v13 =	vld.idx.msk [tilespmem:v13+s13+$0x0], $0xffff;
	v17 =	vor.u32 v25, v6;
	v16 =	vor.u32 s10, v16  }
0x1d9: {  	v18 =	vld.idx.msk [tilespmem:v18+s13+$0x0], $0xffff  }
0x1da: {  	v7 =	vld.idx.msk [tilespmem:v7+s13+$0x0], $0xffff;
	v19 =	vor.u32 s11, v19  }
0x1db: {  	v10 =	vor.u32 v25, v4;
	[tilespmem:v11+s16+$0x0] =	vst.idx.msk $0xffff, v8;
	v11 =	vld [tilespmem:$0x1FF80]  }
0x1dc: {  	v21 =	vor.u32 s26, v21;
	[tilespmem:v15+s16+$0x0] =	vst.idx.msk $0xffff, v12;
	v15 =	vld [tilespmem:$0x1FF80]  }
0x1dd: {  	v9 =	vor.u32 v25, v5;
	[tilespmem:v16+s16+$0x0] =	vst.idx.msk $0xffff, v13;
	v16 =	vld.idx.msk [tilespmem:v17+s13+$0x0], $0xffff  }
0x1de: {  	v17 =	vld [tilespmem:$0x1FF80]  }
0x1df: {  	v14 =	vor.u32 v52, v1;
	[tilespmem:v19+s16+$0x0] =	vst.idx.msk $0xffff, v18;
	v18 =	vld [tilespmem:$0x1FF90]  }
0x1e0: {  	v20 =	vor.u32 v52, v2;
	v10 =	vld.idx.msk [tilespmem:v10+s13+$0x0], $0xffff  }
0x1e1: {  	v11 =	vor.u32 s28, v11;
	[tilespmem:v21+s16+$0x0] =	vst.idx.msk $0xffff, v7;
	v21 =	vld [tilespmem:$0x1FF90]  }
0x1e2: {  	v9 =	vld.idx.msk [tilespmem:v9+s13+$0x0], $0xffff;
	v15 =	vor.u32 s17, v15  }
0x1e3: {  	v17 =	vor.u32 s6, v17  }
0x1e4: {  	v14 =	vld.idx.msk [tilespmem:v14+s13+$0x0], $0xffff;
	v19 =	vor.u32 v52, v6;
	v18 =	vor.u32 s10, v18  }
0x1e5: {  	v20 =	vld.idx.msk [tilespmem:v20+s13+$0x0], $0xffff  }
0x1e6: {  	v21 =	vor.u32 s11, v21;
	[tilespmem:v11+s16+$0x0] =	vst.idx.msk $0xffff, v10;
	v11 =	vld [tilespmem:$0x1FF90]  }
0x1e7: {  	v8 =	vor.u32 v52, v3;
	[tilespmem:v15+s16+$0x0] =	vst.idx.msk $0xffff, v9;
	v15 =	vld [tilespmem:$0x1FF90]  }
0x1e8: {  	v12 =	vor.u32 v52, v4;
	[tilespmem:v17+s16+$0x0] =	vst.idx.msk $0xffff, v16;
	v17 =	vld [tilespmem:$0x1FF90]  }
0x1e9: {  	v13 =	vor.u32 v52, v5;
	[tilespmem:v18+s16+$0x0] =	vst.idx.msk $0xffff, v14;
	v18 =	vld.idx.msk [tilespmem:v19+s13+$0x0], $0xffff  }
0x1ea: {  	v19 =	vld [tilespmem:$0x1FF90]  }
0x1eb: {  	v7 =	vor.u32 v53, v1;
	[tilespmem:v21+s16+$0x0] =	vst.idx.msk $0xffff, v20;
	v20 =	vld [tilespmem:$0x1FFA0]  }
0x1ec: {  	v8 =	vld.idx.msk [tilespmem:v8+s13+$0x0], $0xffff;
	v11 =	vor.u32 s26, v11  }
0x1ed: {  	v12 =	vld.idx.msk [tilespmem:v12+s13+$0x0], $0xffff;
	v15 =	vor.u32 s28, v15  }
0x1ee: {  	v13 =	vld.idx.msk [tilespmem:v13+s13+$0x0], $0xffff;
	v17 =	vor.u32 s17, v17  }
0x1ef: {  	v19 =	vor.u32 s6, v19  }
0x1f0: {  	v7 =	vld.idx.msk [tilespmem:v7+s13+$0x0], $0xffff;
	v21 =	vor.u32 v53, v6;
	v20 =	vor.u32 s10, v20  }
0x1f1: {  	[tilespmem:v11+s16+$0x0] =	vst.idx.msk $0xffff, v8;
	v11 =	vld [tilespmem:$0x1FFA0]  }
0x1f2: {  	v10 =	vor.u32 v53, v2;
	[tilespmem:v15+s16+$0x0] =	vst.idx.msk $0xffff, v12;
	v15 =	vld [tilespmem:$0x1FFA0]  }
0x1f3: {  	v9 =	vor.u32 v53, v3;
	[tilespmem:v17+s16+$0x0] =	vst.idx.msk $0xffff, v13;
	v17 =	vld [tilespmem:$0x1FFA0]  }
0x1f4: {  	v16 =	vor.u32 v53, v4;
	[tilespmem:v19+s16+$0x0] =	vst.idx.msk $0xffff, v18;
	v19 =	vld [tilespmem:$0x1FFA0]  }
0x1f5: {  	v14 =	vor.u32 v53, v5;
	[tilespmem:v20+s16+$0x0] =	vst.idx.msk $0xffff, v7;
	v20 =	vld.idx.msk [tilespmem:v21+s13+$0x0], $0xffff  }
0x1f6: {  	v21 =	vld [tilespmem:$0x1FFA0]  }
0x1f7: {  	v10 =	vld.idx.msk [tilespmem:v10+s13+$0x0], $0xffff;
	v8 =	vor.u32 v54, v1;
	v11 =	vor.u32 s11, v11  }
0x1f8: {  	v12 =	vor.u32 v54, v2;
	v9 =	vld.idx.msk [tilespmem:v9+s13+$0x0], $0xffff;
	v15 =	vor.u32 s26, v15  }
0x1f9: {  	v16 =	vld.idx.msk [tilespmem:v16+s13+$0x0], $0xffff;
	v13 =	vor.u32 v54, v3;
	v17 =	vor.u32 s28, v17  }
0x1fa: {  	v14 =	vld.idx.msk [tilespmem:v14+s13+$0x0], $0xffff;
	v19 =	vor.u32 s17, v19  }
0x1fb: {  	v18 =	vor.u32 v54, v4;
	v21 =	vor.u32 s6, v21  }
0x1fc: {  	v7 =	vor.u32 v54, v5;
	v8 =	vld.idx.msk [tilespmem:v8+s13+$0x0], $0xffff;
	[tilespmem:v11+s16+$0x0] =	vst.idx.msk $0xffff, v10;
	v10 =	vor.u32 s10, v58  }
0x1fd: {  	v11 =	vor.u32 v54, v6;
	[tilespmem:v15+s16+$0x0] =	vst.idx.msk $0xffff, v9;
	v12 =	vld.idx.msk [tilespmem:v12+s13+$0x0], $0xffff;
	v15 =	vor.u32 s11, v58  }
0x1fe: {  	v13 =	vld.idx.msk [tilespmem:v13+s13+$0x0], $0xffff;
	[tilespmem:v17+s16+$0x0] =	vst.idx.msk $0xffff, v16;
	v16 =	vor.u32 v26, v2;
	v17 =	vor.u32 s26, v58  }
0x1ff: {  	v9 =	vor.u32 v26, v1;
	[tilespmem:v19+s16+$0x0] =	vst.idx.msk $0xffff, v14  }
0x200: {  	v14 =	vor.u32 v26, v3;
	v18 =	vld.idx.msk [tilespmem:v18+s13+$0x0], $0xffff;
	v19 =	vor.u32 s28, v58;
	[tilespmem:v21+s16+$0x0] =	vst.idx.msk $0xffff, v20  }
0x201: {  	v20 =	vor.u32 v26, v4;
	v7 =	vld.idx.msk [tilespmem:v7+s13+$0x0], $0xffff;
	v21 =	vor.u32 s17, v58;
	[tilespmem:v10+s16+$0x0] =	vst.idx.msk $0xffff, v8  }
0x202: {  	v8 =	vor.u32 v26, v5;
	v10 =	vld.idx.msk [tilespmem:v11+s13+$0x0], $0xffff;
	v11 =	vor.u32 s6, v58;
	[tilespmem:v15+s16+$0x0] =	vst.idx.msk $0xffff, v12  }
0x203: {  	[tilespmem:v17+s16+$0x0] =	vst.idx.msk $0xffff, v13;
	v16 =	vld.idx.msk [tilespmem:v16+s13+$0x0], $0xffff;
	v17 =	vor.u32 s11, v59  }
0x204: {  	v9 =	vld.idx.msk [tilespmem:v9+s13+$0x0], $0xffff;
	v12 =	vor.u32 s10, v59;
	v15 =	vor.u32 v26, v6  }
0x205: {  	[tilespmem:v19+s16+$0x0] =	vst.idx.msk $0xffff, v18;
	v14 =	vld.idx.msk [tilespmem:v14+s13+$0x0], $0xffff;
	v19 =	vor.u32 s26, v59  }
0x206: {  	v13 =	vor.u32 v28, v1;
	[tilespmem:v21+s16+$0x0] =	vst.idx.msk $0xffff, v7;
	v20 =	vld.idx.msk [tilespmem:v20+s13+$0x0], $0xffff  }
0x207: {  	v21 =	vor.u32 s28, v59;
	[tilespmem:v11+s16+$0x0] =	vst.idx.msk $0xffff, v10;
	v8 =	vld.idx.msk [tilespmem:v8+s13+$0x0], $0xffff  }
0x208: {  	v18 =	vor.u32 v28, v2;
	[tilespmem:v17+s16+$0x0] =	vst.idx.msk $0xffff, v16;
	v16 =	vld [tilespmem:$0x1FFB0]  }
0x209: {  	v11 =	vor.u32 s17, v59;
	[tilespmem:v12+s16+$0x0] =	vst.idx.msk $0xffff, v9;
	v12 =	vld.idx.msk [tilespmem:v15+s13+$0x0], $0xffff  }
0x20a: {  	v7 =	vor.u32 v28, v3;
	[tilespmem:v19+s16+$0x0] =	vst.idx.msk $0xffff, v14;
	v19 =	vld [tilespmem:$0x1FFB0]  }
0x20b: {  	v15 =	vor.u32 s6, v59;
	v13 =	vld.idx.msk [tilespmem:v13+s13+$0x0], $0xffff  }
0x20c: {  	v10 =	vor.u32 v28, v4;
	[tilespmem:v21+s16+$0x0] =	vst.idx.msk $0xffff, v20;
	v21 =	vld [tilespmem:$0x1FFB0]  }
0x20d: {  	v17 =	vor.u32 v28, v6;
	v18 =	vld.idx.msk [tilespmem:v18+s13+$0x0], $0xffff;
	v16 =	vor.u32 s10, v16  }
0x20e: {  	[tilespmem:v11+s16+$0x0] =	vst.idx.msk $0xffff, v8;
	v11 =	vld [tilespmem:$0x1FFB0]  }
0x20f: {  	v7 =	vld.idx.msk [tilespmem:v7+s13+$0x0], $0xffff;
	v19 =	vor.u32 s11, v19  }
0x210: {  	v9 =	vor.u32 v28, v5;
	[tilespmem:v15+s16+$0x0] =	vst.idx.msk $0xffff, v12;
	v15 =	vld [tilespmem:$0x1FFB0]  }
0x211: {  	v10 =	vld.idx.msk [tilespmem:v10+s13+$0x0], $0xffff;
	v21 =	vor.u32 s26, v21  }
0x212: {  	v14 =	vor.u32 v32, v1;
	[tilespmem:v16+s16+$0x0] =	vst.idx.msk $0xffff, v13;
	v16 =	vld.idx.msk [tilespmem:v17+s13+$0x0], $0xffff  }
0x213: {  	v11 =	vor.u32 s28, v11;
	v17 =	vld [tilespmem:$0x1FFB0]  }
0x214: {  	v20 =	vor.u32 v32, v2;
	[tilespmem:v19+s16+$0x0] =	vst.idx.msk $0xffff, v18;
	v18 =	vld [tilespmem:$0x1FFC0]  }
0x215: {  	v9 =	vld.idx.msk [tilespmem:v9+s13+$0x0], $0xffff;
	v15 =	vor.u32 s17, v15  }
0x216: {  	v8 =	vor.u32 v32, v3;
	[tilespmem:v21+s16+$0x0] =	vst.idx.msk $0xffff, v7;
	v21 =	vld [tilespmem:$0x1FFC0]  }
0x217: {  	v12 =	vor.u32 v32, v4;
	v14 =	vld.idx.msk [tilespmem:v14+s13+$0x0], $0xffff  }
0x218: {  	[tilespmem:v11+s16+$0x0] =	vst.idx.msk $0xffff, v10;
	v11 =	vld [tilespmem:$0x1FFC0];
	v17 =	vor.u32 s6, v17  }
0x219: {  	v19 =	vor.u32 v32, v6;
	v20 =	vld.idx.msk [tilespmem:v20+s13+$0x0], $0xffff;
	v18 =	vor.u32 s10, v18  }
0x21a: {  	[tilespmem:v15+s16+$0x0] =	vst.idx.msk $0xffff, v9;
	v15 =	vld [tilespmem:$0x1FFC0]  }
0x21b: {  	v8 =	vld.idx.msk [tilespmem:v8+s13+$0x0], $0xffff;
	v21 =	vor.u32 s11, v21  }
0x21c: {  	v12 =	vld.idx.msk [tilespmem:v12+s13+$0x0], $0xffff  }
0x21d: {  	v11 =	vor.u32 s26, v11;
	[tilespmem:v17+s16+$0x0] =	vst.idx.msk $0xffff, v16;
	v17 =	vld [tilespmem:$0x1FFC0]  }
0x21e: {  	v13 =	vor.u32 v32, v5;
	[tilespmem:v18+s16+$0x0] =	vst.idx.msk $0xffff, v14;
	v18 =	vld.idx.msk [tilespmem:v19+s13+$0x0], $0xffff  }
0x21f: {  	v15 =	vor.u32 s28, v15;
	v19 =	vld [tilespmem:$0x1FFC0]  }
0x220: {  	v7 =	vor.u32 v27, v1;
	[tilespmem:v21+s16+$0x0] =	vst.idx.msk $0xffff, v20;
	v20 =	vld [tilespmem:$0x1FFD0]  }
0x221: {  	v10 =	vor.u32 v27, v2  }
0x222: {  	v9 =	vor.u32 v27, v3;
	[tilespmem:v11+s16+$0x0] =	vst.idx.msk $0xffff, v8;
	v11 =	vld [tilespmem:$0x1FFD0]  }
0x223: {  	v13 =	vld.idx.msk [tilespmem:v13+s13+$0x0], $0xffff;
	v17 =	vor.u32 s17, v17  }
0x224: {  	[tilespmem:v15+s16+$0x0] =	vst.idx.msk $0xffff, v12;
	v15 =	vld [tilespmem:$0x1FFD0];
	v19 =	vor.u32 s6, v19  }
0x225: {  	v7 =	vld.idx.msk [tilespmem:v7+s13+$0x0], $0xffff;
	v21 =	vor.u32 v27, v6;
	v20 =	vor.u32 s10, v20  }
0x226: {  	v10 =	vld.idx.msk [tilespmem:v10+s13+$0x0], $0xffff  }
0x227: {  	v9 =	vld.idx.msk [tilespmem:v9+s13+$0x0], $0xffff;
	v11 =	vor.u32 s11, v11  }
0x228: {  	v16 =	vor.u32 v27, v4;
	[tilespmem:v17+s16+$0x0] =	vst.idx.msk $0xffff, v13;
	v17 =	vld [tilespmem:$0x1FFD0]  }
0x229: {  	v15 =	vor.u32 s26, v15;
	[tilespmem:v19+s16+$0x0] =	vst.idx.msk $0xffff, v18;
	v19 =	vld [tilespmem:$0x1FFD0]  }
0x22a: {  	v14 =	vor.u32 v27, v5;
	[tilespmem:v20+s16+$0x0] =	vst.idx.msk $0xffff, v7;
	v20 =	vld.idx.msk [tilespmem:v21+s13+$0x0], $0xffff  }
0x22b: {  	v21 =	vld [tilespmem:$0x1FFD0]  }
0x22c: {  	v8 =	vor.u32 v40, v1;
	[tilespmem:v11+s16+$0x0] =	vst.idx.msk $0xffff, v10;
	v10 =	vld [tilespmem:$0x1FFE0]  }
0x22d: {  	v12 =	vor.u32 v40, v2;
	v16 =	vld.idx.msk [tilespmem:v16+s13+$0x0], $0xffff  }
0x22e: {  	[tilespmem:v15+s16+$0x0] =	vst.idx.msk $0xffff, v9;
	v15 =	vld [tilespmem:$0x1FFE0];
	v17 =	vor.u32 s28, v17  }
0x22f: {  	v14 =	vld.idx.msk [tilespmem:v14+s13+$0x0], $0xffff;
	v19 =	vor.u32 s17, v19  }
0x230: {  	v21 =	vor.u32 s6, v21  }
0x231: {  	v8 =	vld.idx.msk [tilespmem:v8+s13+$0x0], $0xffff;
	v11 =	vor.u32 v40, v6;
	v10 =	vor.u32 s10, v10  }
0x232: {  	v12 =	vld.idx.msk [tilespmem:v12+s13+$0x0], $0xffff  }
0x233: {  	v15 =	vor.u32 s11, v15;
	[tilespmem:v17+s16+$0x0] =	vst.idx.msk $0xffff, v16;
	v17 =	vld [tilespmem:$0x1FFE0]  }
0x234: {  	v13 =	vor.u32 v40, v3;
	[tilespmem:v19+s16+$0x0] =	vst.idx.msk $0xffff, v14;
	v19 =	vld [tilespmem:$0x1FFE0]  }
0x235: {  	v18 =	vor.u32 v40, v4;
	[tilespmem:v21+s16+$0x0] =	vst.idx.msk $0xffff, v20;
	v21 =	vld [tilespmem:$0x1FFE0]  }
0x236: {  	v7 =	vor.u32 v40, v5;
	[tilespmem:v10+s16+$0x0] =	vst.idx.msk $0xffff, v8;
	v10 =	vld.idx.msk [tilespmem:v11+s13+$0x0], $0xffff  }
0x237: {  	v11 =	vld [tilespmem:$0x1FFE0]  }
0x238: {  	v9 =	vor.u32 v0, v1;
	[tilespmem:v15+s16+$0x0] =	vst.idx.msk $0xffff, v12;
	v12 =	vld [tilespmem:$0x1FFF0]  }
0x239: {  	v13 =	vld.idx.msk [tilespmem:v13+s13+$0x0], $0xffff;
	v17 =	vor.u32 s26, v17  }
0x23a: {  	v18 =	vld.idx.msk [tilespmem:v18+s13+$0x0], $0xffff;
	v19 =	vor.u32 s28, v19  }
0x23b: {  	v7 =	vld.idx.msk [tilespmem:v7+s13+$0x0], $0xffff;
	v21 =	vor.u32 s17, v21  }
0x23c: {  	v59 =	vld [tilespmem:$0x1FC00];
	v11 =	vor.u32 s6, v11  }
0x23d: {  	v9 =	vld.idx.msk [tilespmem:v9+s13+$0x0], $0xffff;
	v15 =	vor.u32 v0, v6;
	v12 =	vor.u32 s10, v12  }
0x23e: {  	[tilespmem:v17+s16+$0x0] =	vst.idx.msk $0xffff, v13;
	v17 =	vld [tilespmem:$0x1FFF0]  }
0x23f: {  	v16 =	vor.u32 v0, v2;
	[tilespmem:v19+s16+$0x0] =	vst.idx.msk $0xffff, v18;
	v19 =	vld [tilespmem:$0x1FFF0]  }
0x240: {  	v14 =	vor.u32 v0, v3;
	[tilespmem:v21+s16+$0x0] =	vst.idx.msk $0xffff, v7;
	v21 =	vld [tilespmem:$0x1FFF0]  }
0x241: {  	v20 =	vor.u32 v0, v4;
	[tilespmem:v11+s16+$0x0] =	vst.idx.msk $0xffff, v10;
	v11 =	vld [tilespmem:$0x1FFF0]  }
0x242: {  	v8 =	vor.u32 v0, v5;
	[tilespmem:v12+s16+$0x0] =	vst.idx.msk $0xffff, v9;
	v12 =	vld.idx.msk [tilespmem:v15+s13+$0x0], $0xffff  }
0x243: {  	v13 =	vor.u32 v22, v1;
	v15 =	vld [tilespmem:$0x1FFF0]  }
0x244: {  	v16 =	vld.idx.msk [tilespmem:v16+s13+$0x0], $0xffff;
	v17 =	vor.u32 s11, v17  }
0x245: {  	v18 =	vor.u32 v22, v2;
	v14 =	vld.idx.msk [tilespmem:v14+s13+$0x0], $0xffff;
	v19 =	vor.u32 s26, v19  }
0x246: {  	v7 =	vor.u32 v22, v3;
	v20 =	vld.idx.msk [tilespmem:v20+s13+$0x0], $0xffff;
	v21 =	vor.u32 s28, v21  }
0x247: {  	v10 =	vor.u32 v22, v4;
	v8 =	vld.idx.msk [tilespmem:v8+s13+$0x0], $0xffff;
	v11 =	vor.u32 s17, v11  }
0x248: {  	v9 =	vor.u32 v22, v5;
	v13 =	vld.idx.msk [tilespmem:v13+s13+$0x0], $0xffff;
	v15 =	vor.u32 s6, v15  }
0x249: {  	[tilespmem:v17+s16+$0x0] =	vst.idx.msk $0xffff, v16;
	v16 =	vor.u32 s10, v60;
	v17 =	vor.u32 v22, v6;
	v22 =	vld [tilespmem:$0x1FD20]  }
0x24a: {  	[tilespmem:v19+s16+$0x0] =	vst.idx.msk $0xffff, v14;
	v18 =	vld.idx.msk [tilespmem:v18+s13+$0x0], $0xffff  }
0x24b: {  	v14 =	vor.u32 v23, v1;
	[tilespmem:v21+s16+$0x0] =	vst.idx.msk $0xffff, v20;
	v7 =	vld.idx.msk [tilespmem:v7+s13+$0x0], $0xffff  }
0x24c: {  	v19 =	vor.u32 s11, v60;
	[tilespmem:v11+s16+$0x0] =	vst.idx.msk $0xffff, v8;
	v10 =	vld.idx.msk [tilespmem:v10+s13+$0x0], $0xffff  }
0x24d: {  	v20 =	vor.u32 v23, v2;
	v21 =	vor.u32 s26, v60;
	[tilespmem:v15+s16+$0x0] =	vst.idx.msk $0xffff, v12;
	v9 =	vld.idx.msk [tilespmem:v9+s13+$0x0], $0xffff  }
0x24e: {  	v8 =	vor.u32 v23, v3;
	v11 =	vor.u32 s28, v60;
	[tilespmem:v16+s16+$0x0] =	vst.idx.msk $0xffff, v13;
	v16 =	vld.idx.msk [tilespmem:v17+s13+$0x0], $0xffff  }
0x24f: {  	v12 =	vor.u32 v23, v4;
	v15 =	vor.u32 s17, v60;
	v17 =	vor.u32 s6, v60;
	v60 =	vld [tilespmem:$0x1FC10]  }
0x250: {  	v13 =	vor.u32 v23, v5;
	v14 =	vld.idx.msk [tilespmem:v14+s13+$0x0], $0xffff  }
0x251: {  	[tilespmem:v19+s16+$0x0] =	vst.idx.msk $0xffff, v18;
	v18 =	vor.u32 s10, v61;
	v19 =	vor.u32 v23, v6;
	v23 =	vld [tilespmem:$0x1FD30]  }
0x252: {  	[tilespmem:v21+s16+$0x0] =	vst.idx.msk $0xffff, v7;
	v20 =	vld.idx.msk [tilespmem:v20+s13+$0x0], $0xffff  }
0x253: {  	v7 =	vor.u32 v38, v1;
	v21 =	vor.u32 s11, v61;
	[tilespmem:v11+s16+$0x0] =	vst.idx.msk $0xffff, v10;
	v8 =	vld.idx.msk [tilespmem:v8+s13+$0x0], $0xffff  }
0x254: {  	v10 =	vor.u32 v38, v2;
	v11 =	vor.u32 s26, v61;
	[tilespmem:v15+s16+$0x0] =	vst.idx.msk $0xffff, v9;
	v12 =	vld.idx.msk [tilespmem:v12+s13+$0x0], $0xffff  }
0x255: {  	v9 =	vor.u32 v38, v3;
	v15 =	vor.u32 s28, v61;
	[tilespmem:v17+s16+$0x0] =	vst.idx.msk $0xffff, v16;
	v13 =	vld.idx.msk [tilespmem:v13+s13+$0x0], $0xffff  }
0x256: {  	v16 =	vor.u32 v38, v4;
	v17 =	vor.u32 s17, v61;
	[tilespmem:v18+s16+$0x0] =	vst.idx.msk $0xffff, v14;
	v18 =	vld.idx.msk [tilespmem:v19+s13+$0x0], $0xffff  }
0x257: {  	v14 =	vor.u32 v38, v5;
	v19 =	vor.u32 s6, v61;
	v61 =	vld [tilespmem:$0x1FD40]  }
0x258: {  	v7 =	vld.idx.msk [tilespmem:v7+s13+$0x0], $0xffff;
	[tilespmem:v21+s16+$0x0] =	vst.idx.msk $0xffff, v20;
	v20 =	vor.u32 s10, v62;
	v21 =	vor.u32 v38, v6  }
0x259: {  	[tilespmem:v11+s16+$0x0] =	vst.idx.msk $0xffff, v8;
	v10 =	vld.idx.msk [tilespmem:v10+s13+$0x0], $0xffff  }
0x25a: {  	v8 =	vor.u32 v24, v1;
	v11 =	vor.u32 s11, v62;
	[tilespmem:v15+s16+$0x0] =	vst.idx.msk $0xffff, v12;
	v9 =	vld.idx.msk [tilespmem:v9+s13+$0x0], $0xffff  }
0x25b: {  	v12 =	vor.u32 v24, v2;
	v15 =	vor.u32 s26, v62;
	[tilespmem:v17+s16+$0x0] =	vst.idx.msk $0xffff, v13;
	v16 =	vld.idx.msk [tilespmem:v16+s13+$0x0], $0xffff  }
0x25c: {  	v13 =	vor.u32 v24, v3;
	v17 =	vor.u32 s28, v62;
	[tilespmem:v19+s16+$0x0] =	vst.idx.msk $0xffff, v18;
	v14 =	vld.idx.msk [tilespmem:v14+s13+$0x0], $0xffff  }
0x25d: {  	v18 =	vor.u32 v24, v4;
	v19 =	vor.u32 s17, v62;
	[tilespmem:v20+s16+$0x0] =	vst.idx.msk $0xffff, v7;
	v20 =	vld.idx.msk [tilespmem:v21+s13+$0x0], $0xffff  }
0x25e: {  	v7 =	vor.u32 v24, v5;
	v21 =	vor.u32 s6, v62;
	v62 =	vld [tilespmem:$0x1FD50]  }
0x25f: {  	v8 =	vld.idx.msk [tilespmem:v8+s13+$0x0], $0xffff;
	[tilespmem:v11+s16+$0x0] =	vst.idx.msk $0xffff, v10;
	v10 =	vor.u32 s10, v63;
	v11 =	vor.u32 v24, v6  }
0x260: {  	[tilespmem:v15+s16+$0x0] =	vst.idx.msk $0xffff, v9;
	v9 =	vor.u32 v29, v1;
	v12 =	vld.idx.msk [tilespmem:v12+s13+$0x0], $0xffff;
	v15 =	vor.u32 s11, v63  }
0x261: {  	[tilespmem:v17+s16+$0x0] =	vst.idx.msk $0xffff, v16;
	v16 =	vor.u32 v29, v2;
	v13 =	vld.idx.msk [tilespmem:v13+s13+$0x0], $0xffff;
	v17 =	vor.u32 s26, v63  }
0x262: {  	[tilespmem:v19+s16+$0x0] =	vst.idx.msk $0xffff, v14;
	v14 =	vor.u32 v29, v3;
	v18 =	vld.idx.msk [tilespmem:v18+s13+$0x0], $0xffff;
	v19 =	vor.u32 s28, v63  }
0x263: {  	[tilespmem:v21+s16+$0x0] =	vst.idx.msk $0xffff, v20;
	v20 =	vor.u32 v29, v4;
	v7 =	vld.idx.msk [tilespmem:v7+s13+$0x0], $0xffff;
	v21 =	vor.u32 s17, v63  }
0x264: {  	[tilespmem:v10+s16+$0x0] =	vst.idx.msk $0xffff, v8;
	v8 =	vor.u32 v29, v5;
	v10 =	vld.idx.msk [tilespmem:v11+s13+$0x0], $0xffff;
	v11 =	vor.u32 s6, v63  }
0x265: {  	v9 =	vld.idx.msk [tilespmem:v9+s13+$0x0], $0xffff;
	[tilespmem:v15+s16+$0x0] =	vst.idx.msk $0xffff, v12;
	v12 =	vor.u32 s10, v30;
	v15 =	vor.u32 v29, v6  }
0x266: {  	[tilespmem:v17+s16+$0x0] =	vst.idx.msk $0xffff, v13;
	v13 =	vor.u32 v31, v1;
	v16 =	vld.idx.msk [tilespmem:v16+s13+$0x0], $0xffff;
	v17 =	vor.u32 s11, v30  }
0x267: {  	[tilespmem:v19+s16+$0x0] =	vst.idx.msk $0xffff, v18;
	v18 =	vor.u32 v31, v2;
	v14 =	vld.idx.msk [tilespmem:v14+s13+$0x0], $0xffff;
	v19 =	vor.u32 s26, v30  }
0x268: {  	[tilespmem:v21+s16+$0x0] =	vst.idx.msk $0xffff, v7;
	v7 =	vor.u32 v31, v3;
	v20 =	vld.idx.msk [tilespmem:v20+s13+$0x0], $0xffff;
	v21 =	vor.u32 s28, v30  }
0x269: {  	[tilespmem:v11+s16+$0x0] =	vst.idx.msk $0xffff, v10;
	v10 =	vor.u32 v31, v4;
	v8 =	vld.idx.msk [tilespmem:v8+s13+$0x0], $0xffff;
	v11 =	vor.u32 s17, v30  }
0x26a: {  	[tilespmem:v12+s16+$0x0] =	vst.idx.msk $0xffff, v9;
	v9 =	vor.u32 v31, v5;
	v12 =	vld.idx.msk [tilespmem:v15+s13+$0x0], $0xffff;
	v15 =	vor.u32 s6, v30  }
0x26b: {  	v13 =	vld.idx.msk [tilespmem:v13+s13+$0x0], $0xffff;
	[tilespmem:v17+s16+$0x0] =	vst.idx.msk $0xffff, v16;
	v16 =	vor.u32 s10, v33;
	v17 =	vor.u32 v31, v6  }
0x26c: {  	[tilespmem:v19+s16+$0x0] =	vst.idx.msk $0xffff, v14;
	v14 =	vor.u32 v34, v1;
	v18 =	vld.idx.msk [tilespmem:v18+s13+$0x0], $0xffff;
	v19 =	vor.u32 s11, v33  }
0x26d: {  	[tilespmem:v21+s16+$0x0] =	vst.idx.msk $0xffff, v20;
	v20 =	vor.u32 v34, v2;
	v7 =	vld.idx.msk [tilespmem:v7+s13+$0x0], $0xffff;
	v21 =	vor.u32 s26, v33  }
0x26e: {  	[tilespmem:v11+s16+$0x0] =	vst.idx.msk $0xffff, v8;
	v8 =	vor.u32 v34, v3;
	v10 =	vld.idx.msk [tilespmem:v10+s13+$0x0], $0xffff;
	v11 =	vor.u32 s28, v33  }
0x26f: {  	[tilespmem:v15+s16+$0x0] =	vst.idx.msk $0xffff, v12;
	v12 =	vor.u32 v34, v4;
	v9 =	vld.idx.msk [tilespmem:v9+s13+$0x0], $0xffff;
	v15 =	vor.u32 s17, v33  }
0x270: {  	[tilespmem:v16+s16+$0x0] =	vst.idx.msk $0xffff, v13;
	v13 =	vor.u32 v34, v5;
	v16 =	vld.idx.msk [tilespmem:v17+s13+$0x0], $0xffff;
	v17 =	vor.u32 s6, v33  }
0x271: {  	v14 =	vld.idx.msk [tilespmem:v14+s13+$0x0], $0xffff;
	[tilespmem:v19+s16+$0x0] =	vst.idx.msk $0xffff, v18;
	v18 =	vor.u32 s10, v35;
	v19 =	vor.u32 v34, v6  }
0x272: {  	[tilespmem:v21+s16+$0x0] =	vst.idx.msk $0xffff, v7;
	v7 =	vor.u32 v37, v1;
	v20 =	vld.idx.msk [tilespmem:v20+s13+$0x0], $0xffff;
	v21 =	vor.u32 s11, v35  }
0x273: {  	[tilespmem:v11+s16+$0x0] =	vst.idx.msk $0xffff, v10;
	v10 =	vor.u32 v37, v2;
	v8 =	vld.idx.msk [tilespmem:v8+s13+$0x0], $0xffff;
	v11 =	vor.u32 s26, v35  }
0x274: {  	[tilespmem:v15+s16+$0x0] =	vst.idx.msk $0xffff, v9;
	v9 =	vor.u32 v37, v3;
	v12 =	vld.idx.msk [tilespmem:v12+s13+$0x0], $0xffff;
	v15 =	vor.u32 s28, v35  }
0x275: {  	[tilespmem:v17+s16+$0x0] =	vst.idx.msk $0xffff, v16;
	v16 =	vor.u32 v37, v4;
	v13 =	vld.idx.msk [tilespmem:v13+s13+$0x0], $0xffff;
	v17 =	vor.u32 s17, v35  }
0x276: {  	[tilespmem:v18+s16+$0x0] =	vst.idx.msk $0xffff, v14;
	v14 =	vor.u32 v37, v5;
	v18 =	vld.idx.msk [tilespmem:v19+s13+$0x0], $0xffff;
	v19 =	vor.u32 s6, v35  }
0x277: {  	v7 =	vld.idx.msk [tilespmem:v7+s13+$0x0], $0xffff;
	[tilespmem:v21+s16+$0x0] =	vst.idx.msk $0xffff, v20;
	v20 =	vor.u32 s10, v39;
	v21 =	vor.u32 v37, v6  }
0x278: {  	[tilespmem:v11+s16+$0x0] =	vst.idx.msk $0xffff, v8;
	v8 =	vor.u32 v41, v1;
	v10 =	vld.idx.msk [tilespmem:v10+s13+$0x0], $0xffff;
	v11 =	vor.u32 s11, v39  }
0x279: {  	[tilespmem:v15+s16+$0x0] =	vst.idx.msk $0xffff, v12;
	v12 =	vor.u32 v41, v2;
	v9 =	vld.idx.msk [tilespmem:v9+s13+$0x0], $0xffff;
	v15 =	vor.u32 s26, v39  }
0x27a: {  	[tilespmem:v17+s16+$0x0] =	vst.idx.msk $0xffff, v13;
	v13 =	vor.u32 v41, v3;
	v16 =	vld.idx.msk [tilespmem:v16+s13+$0x0], $0xffff;
	v17 =	vor.u32 s28, v39  }
0x27b: {  	[tilespmem:v19+s16+$0x0] =	vst.idx.msk $0xffff, v18;
	v18 =	vor.u32 v41, v4;
	v14 =	vld.idx.msk [tilespmem:v14+s13+$0x0], $0xffff;
	v19 =	vor.u32 s17, v39  }
0x27c: {  	[tilespmem:v20+s16+$0x0] =	vst.idx.msk $0xffff, v7;
	v7 =	vor.u32 v41, v5;
	v20 =	vld.idx.msk [tilespmem:v21+s13+$0x0], $0xffff;
	v21 =	vor.u32 s6, v39  }
0x27d: {  	v8 =	vld.idx.msk [tilespmem:v8+s13+$0x0], $0xffff;
	[tilespmem:v11+s16+$0x0] =	vst.idx.msk $0xffff, v10;
	v10 =	vor.u32 s10, v42;
	v11 =	vor.u32 v41, v6  }
0x27e: {  	[tilespmem:v15+s16+$0x0] =	vst.idx.msk $0xffff, v9;
	v9 =	vor.u32 v43, v1;
	v12 =	vld.idx.msk [tilespmem:v12+s13+$0x0], $0xffff;
	v15 =	vor.u32 s11, v42  }
0x27f: {  	[tilespmem:v17+s16+$0x0] =	vst.idx.msk $0xffff, v16;
	v16 =	vor.u32 v43, v2;
	v13 =	vld.idx.msk [tilespmem:v13+s13+$0x0], $0xffff;
	v17 =	vor.u32 s26, v42  }
0x280: {  	[tilespmem:v19+s16+$0x0] =	vst.idx.msk $0xffff, v14;
	v14 =	vor.u32 v43, v3;
	v18 =	vld.idx.msk [tilespmem:v18+s13+$0x0], $0xffff;
	v19 =	vor.u32 s28, v42  }
0x281: {  	[tilespmem:v21+s16+$0x0] =	vst.idx.msk $0xffff, v20;
	v20 =	vor.u32 v43, v4;
	v7 =	vld.idx.msk [tilespmem:v7+s13+$0x0], $0xffff;
	v21 =	vor.u32 s17, v42  }
0x282: {  	[tilespmem:v10+s16+$0x0] =	vst.idx.msk $0xffff, v8;
	v8 =	vor.u32 v43, v5;
	v10 =	vld.idx.msk [tilespmem:v11+s13+$0x0], $0xffff;
	v11 =	vor.u32 s6, v42  }
0x283: {  	v9 =	vld.idx.msk [tilespmem:v9+s13+$0x0], $0xffff;
	[tilespmem:v15+s16+$0x0] =	vst.idx.msk $0xffff, v12;
	v12 =	vor.u32 s10, v44;
	v15 =	vor.u32 v43, v6  }
0x284: {  	[tilespmem:v17+s16+$0x0] =	vst.idx.msk $0xffff, v13;
	v13 =	vor.u32 v45, v1;
	v16 =	vld.idx.msk [tilespmem:v16+s13+$0x0], $0xffff;
	v17 =	vor.u32 s11, v44  }
0x285: {  	[tilespmem:v19+s16+$0x0] =	vst.idx.msk $0xffff, v18;
	v18 =	vor.u32 v45, v2;
	v14 =	vld.idx.msk [tilespmem:v14+s13+$0x0], $0xffff;
	v19 =	vor.u32 s26, v44  }
0x286: {  	[tilespmem:v21+s16+$0x0] =	vst.idx.msk $0xffff, v7;
	v7 =	vor.u32 v45, v3;
	v20 =	vld.idx.msk [tilespmem:v20+s13+$0x0], $0xffff;
	v21 =	vor.u32 s28, v44  }
0x287: {  	[tilespmem:v11+s16+$0x0] =	vst.idx.msk $0xffff, v10;
	v10 =	vor.u32 v45, v4;
	v8 =	vld.idx.msk [tilespmem:v8+s13+$0x0], $0xffff;
	v11 =	vor.u32 s17, v44  }
0x288: {  	[tilespmem:v12+s16+$0x0] =	vst.idx.msk $0xffff, v9;
	v9 =	vor.u32 v45, v5;
	v12 =	vld.idx.msk [tilespmem:v15+s13+$0x0], $0xffff;
	v15 =	vor.u32 s6, v44  }
0x289: {  	v13 =	vld.idx.msk [tilespmem:v13+s13+$0x0], $0xffff;
	[tilespmem:v17+s16+$0x0] =	vst.idx.msk $0xffff, v16;
	v16 =	vor.u32 s10, v46;
	v17 =	vor.u32 v45, v6  }
0x28a: {  	[tilespmem:v19+s16+$0x0] =	vst.idx.msk $0xffff, v14;
	v14 =	vor.u32 v47, v1;
	v18 =	vld.idx.msk [tilespmem:v18+s13+$0x0], $0xffff;
	v19 =	vor.u32 s11, v46  }
0x28b: {  	[tilespmem:v21+s16+$0x0] =	vst.idx.msk $0xffff, v20;
	v20 =	vor.u32 v47, v2;
	v7 =	vld.idx.msk [tilespmem:v7+s13+$0x0], $0xffff;
	v21 =	vor.u32 s26, v46  }
0x28c: {  	[tilespmem:v11+s16+$0x0] =	vst.idx.msk $0xffff, v8;
	v8 =	vor.u32 v47, v3;
	v10 =	vld.idx.msk [tilespmem:v10+s13+$0x0], $0xffff;
	v11 =	vor.u32 s28, v46  }
0x28d: {  	[tilespmem:v15+s16+$0x0] =	vst.idx.msk $0xffff, v12;
	v12 =	vor.u32 v47, v4;
	v9 =	vld.idx.msk [tilespmem:v9+s13+$0x0], $0xffff;
	v15 =	vor.u32 s17, v46  }
0x28e: {  	[tilespmem:v16+s16+$0x0] =	vst.idx.msk $0xffff, v13;
	v13 =	vor.u32 v47, v5;
	v16 =	vld.idx.msk [tilespmem:v17+s13+$0x0], $0xffff;
	v17 =	vor.u32 s6, v46  }
0x28f: {  	v14 =	vld.idx.msk [tilespmem:v14+s13+$0x0], $0xffff;
	[tilespmem:v19+s16+$0x0] =	vst.idx.msk $0xffff, v18;
	v18 =	vor.u32 s10, v55;
	v19 =	vor.u32 v47, v6  }
0x290: {  	[tilespmem:v21+s16+$0x0] =	vst.idx.msk $0xffff, v7;
	v7 =	vor.u32 v56, v1;
	v20 =	vld.idx.msk [tilespmem:v20+s13+$0x0], $0xffff;
	v21 =	vor.u32 s11, v55  }
0x291: {  	[tilespmem:v11+s16+$0x0] =	vst.idx.msk $0xffff, v10;
	v10 =	vor.u32 v56, v2;
	v8 =	vld.idx.msk [tilespmem:v8+s13+$0x0], $0xffff;
	v11 =	vor.u32 s26, v55  }
0x292: {  	[tilespmem:v15+s16+$0x0] =	vst.idx.msk $0xffff, v9;
	v9 =	vor.u32 v56, v3;
	v12 =	vld.idx.msk [tilespmem:v12+s13+$0x0], $0xffff;
	v15 =	vor.u32 s28, v55  }
0x293: {  	[tilespmem:v17+s16+$0x0] =	vst.idx.msk $0xffff, v16;
	v16 =	vor.u32 v56, v4;
	v13 =	vld.idx.msk [tilespmem:v13+s13+$0x0], $0xffff;
	v17 =	vor.u32 s17, v55  }
0x294: {  	[tilespmem:v18+s16+$0x0] =	vst.idx.msk $0xffff, v14;
	v14 =	vor.u32 v56, v5;
	v18 =	vld.idx.msk [tilespmem:v19+s13+$0x0], $0xffff;
	v19 =	vor.u32 s6, v55  }
0x295: {  	v7 =	vld.idx.msk [tilespmem:v7+s13+$0x0], $0xffff;
	[tilespmem:v21+s16+$0x0] =	vst.idx.msk $0xffff, v20;
	v20 =	vor.u32 s10, v57;
	v21 =	vor.u32 v56, v6  }
0x296: {  	[tilespmem:v11+s16+$0x0] =	vst.idx.msk $0xffff, v8;
	v8 =	vor.u32 v59, v1;
	v10 =	vld.idx.msk [tilespmem:v10+s13+$0x0], $0xffff;
	v11 =	vor.u32 s11, v57  }
0x297: {  	[tilespmem:v15+s16+$0x0] =	vst.idx.msk $0xffff, v12;
	v12 =	vor.u32 v59, v2;
	v9 =	vld.idx.msk [tilespmem:v9+s13+$0x0], $0xffff;
	v15 =	vor.u32 s26, v57  }
0x298: {  	[tilespmem:v17+s16+$0x0] =	vst.idx.msk $0xffff, v13;
	v13 =	vor.u32 v59, v3;
	v16 =	vld.idx.msk [tilespmem:v16+s13+$0x0], $0xffff;
	v17 =	vor.u32 s28, v57  }
0x299: {  	[tilespmem:v19+s16+$0x0] =	vst.idx.msk $0xffff, v18;
	v18 =	vor.u32 v59, v4;
	v14 =	vld.idx.msk [tilespmem:v14+s13+$0x0], $0xffff;
	v19 =	vor.u32 s17, v57  }
0x29a: {  	[tilespmem:v20+s16+$0x0] =	vst.idx.msk $0xffff, v7;
	v7 =	vor.u32 v59, v5;
	v20 =	vld.idx.msk [tilespmem:v21+s13+$0x0], $0xffff;
	v21 =	vor.u32 s6, v57  }
0x29b: {  	v8 =	vld.idx.msk [tilespmem:v8+s13+$0x0], $0xffff;
	[tilespmem:v11+s16+$0x0] =	vst.idx.msk $0xffff, v10;
	v10 =	vor.u32 s10, v22;
	v11 =	vor.u32 v59, v6  }
0x29c: {  	[tilespmem:v15+s16+$0x0] =	vst.idx.msk $0xffff, v9;
	v12 =	vld.idx.msk [tilespmem:v12+s13+$0x0], $0xffff;
	v15 =	vor.u32 s11, v22  }
0x29d: {  	v9 =	vor.u32 v60, v1;
	[tilespmem:v17+s16+$0x0] =	vst.idx.msk $0xffff, v16;
	v13 =	vld.idx.msk [tilespmem:v13+s13+$0x0], $0xffff;
	v17 =	vor.u32 s26, v22  }
0x29e: {  	[tilespmem:v19+s16+$0x0] =	vst.idx.msk $0xffff, v14;
	v14 =	vor.u32 v60, v3;
	v18 =	vld.idx.msk [tilespmem:v18+s13+$0x0], $0xffff;
	v19 =	vor.u32 s28, v22  }
0x29f: {  	v16 =	vor.u32 v60, v2;
	[tilespmem:v21+s16+$0x0] =	vst.idx.msk $0xffff, v20;
	v7 =	vld.idx.msk [tilespmem:v7+s13+$0x0], $0xffff  }
0x2a0: {  	v20 =	vor.u32 v60, v4;
	v21 =	vor.u32 s17, v22;
	[tilespmem:v10+s16+$0x0] =	vst.idx.msk $0xffff, v8;
	v10 =	vld.idx.msk [tilespmem:v11+s13+$0x0], $0xffff  }
0x2a1: {  	v8 =	vor.u32 v60, v5;
	v11 =	vor.u32 s6, v22;
	v22 =	vld [tilespmem:$0x1FC20];
	[tilespmem:v15+s16+$0x0] =	vst.idx.msk $0xffff, v12  }
0x2a2: {  	v9 =	vld.idx.msk [tilespmem:v9+s13+$0x0], $0xffff;
	v12 =	vor.u32 s10, v23;
	v15 =	vor.u32 v60, v6;
	[tilespmem:v17+s16+$0x0] =	vst.idx.msk $0xffff, v13  }
0x2a3: {  	[tilespmem:v19+s16+$0x0] =	vst.idx.msk $0xffff, v18;
	v14 =	vld.idx.msk [tilespmem:v14+s13+$0x0], $0xffff;
	v19 =	vor.u32 s26, v23  }
0x2a4: {  	v16 =	vld.idx.msk [tilespmem:v16+s13+$0x0], $0xffff  }
0x2a5: {  	[tilespmem:v21+s16+$0x0] =	vst.idx.msk $0xffff, v7;
	v20 =	vld.idx.msk [tilespmem:v20+s13+$0x0], $0xffff;
	v21 =	vor.u32 s28, v23  }
0x2a6: {  	[tilespmem:v11+s16+$0x0] =	vst.idx.msk $0xffff, v10;
	v8 =	vld.idx.msk [tilespmem:v8+s13+$0x0], $0xffff  }
0x2a7: {  	v13 =	vor.u32 v22, v1;
	[tilespmem:v12+s16+$0x0] =	vst.idx.msk $0xffff, v9;
	v12 =	vld.idx.msk [tilespmem:v15+s13+$0x0], $0xffff  }
0x2a8: {  	v17 =	vor.u32 s11, v23;
	v7 =	vor.u32 v22, v3;
	[tilespmem:v19+s16+$0x0] =	vst.idx.msk $0xffff, v14;
	v14 =	vld [tilespmem:$0x1FF20]  }
0x2a9: {  	v11 =	vor.u32 s17, v23;
	v19 =	vld [tilespmem:$0x1FF20]  }
0x2aa: {  	[tilespmem:v21+s16+$0x0] =	vst.idx.msk $0xffff, v20;
	v21 =	vld [tilespmem:$0x1FFF0]  }
0x2ab: {  	v9 =	vor.u32 v22, v5;
	v20 =	vld [tilespmem:$0x1FFE0]  }
0x2ac: {  	v18 =	vor.u32 v22, v2;
	v15 =	vor.u32 s6, v23;
	v13 =	vld.idx.msk [tilespmem:v13+s13+$0x0], $0xffff  }
0x2ad: {  	[tilespmem:v17+s16+$0x0] =	vst.idx.msk $0xffff, v16;
	v17 =	vor.u32 v22, v6;
	v7 =	vld.idx.msk [tilespmem:v7+s13+$0x0], $0xffff  }
0x2ae: {  	[tilespmem:v11+s16+$0x0] =	vst.idx.msk $0xffff, v8;
	v8 =	vld [tilespmem:$0x1FF20]  }
0x2af: {  	v10 =	vor.u32 v22, v4;
	v11 =	vld [tilespmem:$0x1FF20]  }
0x2b0: {  	v16 =	vor.u32 s10, v61;
	v9 =	vld.idx.msk [tilespmem:v9+s13+$0x0], $0xffff  }
0x2b1: {  	[tilespmem:v15+s16+$0x0] =	vst.idx.msk $0xffff, v12;
	v1 =	vor.u32 v14, v1;
	v14 =	vld.idx.msk [tilespmem:v18+s13+$0x0], $0xffff;
	v18 =	vor.u32 s11, v61  }
0x2b2: {  	v12 =	vld.idx.msk [tilespmem:v17+s13+$0x0], $0xffff  }
0x2b3: {  	v17 =	vld [tilespmem:$0x1FFB0];
	v2 =	vor.u32 v19, v2;
	v19 =	vor.u32 s26, v61  }
0x2b4: {  	v3 =	vor.u32 v8, v3;
	v8 =	vld.idx.msk [tilespmem:v10+s13+$0x0], $0xffff  }
0x2b5: {  	[tilespmem:v16+s16+$0x0] =	vst.idx.msk $0xffff, v13;
	v16 =	vld [tilespmem:$0x1FF20]  }
0x2b6: {  	v4 =	vor.u32 v11, v4;
	v11 =	vor.u32 s17, v61;
	[tilespmem:v18+s16+$0x0] =	vst.idx.msk $0xffff, v14;
	v18 =	vld [tilespmem:$0x1FFC0]  }
0x2b7: {  	v13 =	vor.u32 s6, v61;
	v1 =	vld.idx.msk [tilespmem:v1+s13+$0x0], $0xffff  }
0x2b8: {  	v10 =	vor.u32 s28, v61;
	[tilespmem:v19+s16+$0x0] =	vst.idx.msk $0xffff, v7;
	v19 =	vld [tilespmem:$0x1FFD0]  }
0x2b9: {  	v2 =	vld.idx.msk [tilespmem:v2+s13+$0x0], $0xffff  }
0x2ba: {  	v5 =	vor.u32 v16, v5;
	v3 =	vld.idx.msk [tilespmem:v3+s13+$0x0], $0xffff  }
0x2bb: {  	v14 =	vor.u32 s10, v62;
	v6 =	vor.u32 v16, v6;
	[tilespmem:v11+s16+$0x0] =	vst.idx.msk $0xffff, v9;
	v11 =	vld [tilespmem:$0x1FF70]  }
0x2bc: {  	v7 =	vor.u32 s11, v62;
	[tilespmem:v13+s16+$0x0] =	vst.idx.msk $0xffff, v12;
	v13 =	vld [tilespmem:$0x1FF90]  }
0x2bd: {  	[tilespmem:v10+s16+$0x0] =	vst.idx.msk $0xffff, v8;
	v8 =	vor.u32 s26, v62;
	v12 =	vld [tilespmem:$0x1FF80]  }
0x2be: {  	v9 =	vor.u32 s28, v62;
	v4 =	vld.idx.msk [tilespmem:v4+s13+$0x0], $0xffff  }
0x2bf: {  	s1 =	sadd.s32 $0x8, s1;
	v10 =	vor.u32 s17, v62;
	v5 =	vld.idx.msk [tilespmem:v5+s13+$0x0], $0xffff  }
0x2c0: {  	p1 =	slt.u32 s1, $0x18;
	[tilespmem:v14+s16+$0x0] =	vst.idx.msk $0xffff, v1;
	v63 =	vld.idx.msk [tilespmem:v6+s13+$0x0], $0xffff;
	v6 =	vor.u32 s6, v62  }
.Ltmp0:
0x2c1: {  	v14 =	vld [tilespmem:$0x1FFA0];
	[tilespmem:v7+s16+$0x0] =	vst.idx.msk $0xffff, v2;
	(pc) =	sbr.rel @p1 .LBB2_3-.Ltmp0, $4  }
0x2c2: {  	v7 =	vld [tilespmem:$0x1FF30];
	[tilespmem:v8+s16+$0x0] =	vst.idx.msk $0xffff, v3  }
0x2c3: {  	v8 =	vld [tilespmem:$0x1FF40];
	[tilespmem:v9+s16+$0x0] =	vst.idx.msk $0xffff, v4  }
0x2c4: {  	v9 =	vld [tilespmem:$0x1FF50];
	[tilespmem:v10+s16+$0x0] =	vst.idx.msk $0xffff, v5  }
0x2c5: {  	s0 =	sadd.s32 $0x80, s0;
	v15 =	vlaneseq.u32;
	s6 =	sadd.s32 $0x400, s6;
	v10 =	vld [tilespmem:$0x1FF60];
	[tilespmem:v6+s16+$0x0] =	vst.idx.msk $0xffff, v63  }
0x2c6: {  	s0 =	sshll.u32 s31, $0x9;
	s1 =	sshll.u32 s31, $0xB  }
0x2c7: {  	s0 =	sand.u32 $0x3C00, s0;
	s1 =	sand.u32 $0x7FFF0000, s1  }
0x2c8: {  	s0 =	sor.u32 s0, s1  }
0x2c9: {  	s1 =	sadd.s32 s2, s0  }
0x2ca: {  	[hbm4b:s1+s3] =	stream.linear.scatter [tilespmem:s16], [sflag:$0x3], $0x1000, $0x38;
	[tilespmem:$0x16400] =	vst v63  }
0x2cb: {  	s6 =	simm.s32 $0xF400;
	p1 =	sne.s32 s29, $0x18;
	s28 =	sadd.s32 s0, s7  }
0x2cc: {  	[hbm4b:s28+s3] =	stream.linear.scatter [tilespmem:s6], [sflag:$0x3], $0x1000, $0x38;
	[tilespmem:$0x16400] =	vst v63  }
.Ltmp1:
0x2cd: {  	_ = 	snop;
	(pc) =	sbr.rel @p1 .LBB2_6-.Ltmp1, $4  }
0x2ce: {  	s31 =	sadd.s32 s0, s8  }
0x2cf: {  	[hbm4b:s31+s3] =	stream.linear.scatter [tilespmem:s18], [sflag:$0x3], $0x1000, $0x38;
	[tilespmem:$0x16400] =	vst v63  }
0x2d0: {  	s0 =	sadd.s32 s0, s9  }
0x2d1: {  	[hbm4b:s0+s3] =	stream.linear.scatter [tilespmem:s19], [sflag:$0x3], $0x1000, $0x38;
	[tilespmem:$0x16400] =	vst v63  }
.Ltmp2:
0x2d2: {  	(pc) =	sbr.rel .LBB2_7-.Ltmp2, $4  }
0x2d3: {  	_ = 	snop  }
0x2d4: {  	_ =	swait.ge [sflag:s20], $0x4000  }
0x2d5: {  	[sflag:s20] =	ssyncset.done $0x0  }
0x2d6: {  	[sflag:s20] =	ssyncadd.s32 $0xFFFFC000  }
.LBB2_6:
0x2d7: {  	s0 =	sshll.u32 s29, $0xA  }
0x2d8: {  	s0 =	sand.u32 $0x3FFFFC00, s0  }
.Ltmp3:
0x2d9: {  	s0 =	sadd.s32 $0x400, s0;
	(pc) =	sbr.rel @p0 .LBB2_8-.Ltmp3, $4  }
0x2da: {  	[tilespmem:s13], [sflag:$0x1] =	stream.indirect.gather [hbm4b:s4+s12], $0x20, s0, s12, $0xb8;
	[tilespmem:$0x16400] =	vst v63  }
0x2db: {  	_ =	swait.ge [sflag:s20], $0x4000  }
0x2dc: {  	[sflag:s20] =	ssyncset.done $0x0  }
0x2dd: {  	[sflag:s20] =	ssyncadd.s32 $0xFFFFC000  }
.LBB2_7:
0x2de: {  	_ =	swait.ge [sflag:s21], $0x1000  }
0x2df: {  	[sflag:s21] =	ssyncset.done $0x0  }
0x2e0: {  	[sflag:s21] =	ssyncadd.s32 $0xFFFFF000  }
0x2e1: {  	_ =	swait.ge [sflag:s21], $0x1000  }
0x2e2: {  	[sflag:s21] =	ssyncset.done $0x0  }
0x2e3: {  	[sflag:s21] =	ssyncadd.s32 $0xFFFFF000  }
0x2e4: {  	_ =	swait.ge [sflag:s21], $0x1000  }
0x2e5: {  	[sflag:s21] =	ssyncset.done $0x0  }
0x2e6: {  	[sflag:s21] =	ssyncadd.s32 $0xFFFFF000  }
0x2e7: {  	_ =	swait.ge [sflag:s21], $0x1000  }
0x2e8: {  	[sflag:s21] =	ssyncset.done $0x0  }
0x2e9: {  	[sflag:s21] =	ssyncadd.s32 $0xFFFFF000  }
.LBB2_8:
0x2ea: {  	s30 =	sadd.s32 s5, s30  }
0x2eb: {  	s1 =	simm.s32 $0xFFFFFFF8;
	s0 =	simm.s32 $0x70;
	s6 =	simm.s32 $0x70  }
.LBB2_9:
0x2ec: {  	v48 =	vld [tilespmem:$0x1FD60];
	_ =	sdelay $0x1  }
0x2ed: {  	s10 =	sadd.s32 $0xFFFFFF90, s0  }
0x2ee: {  	v1 =	vmov s10  }
0x2ef: {  	v1 =	vshll.u32 v1, $0x5  }
0x2f0: {  	v1 =	vor.u32 v48, v1  }
0x2f1: {  	v2 =	vor.u32 v15, v1  }
0x2f2: {  	v49 =	vld [tilespmem:$0x1FD70];
	_ =	sdelay $0x2  }
0x2f3: {  	s11 =	sadd.s32 $0xFFFFFF90, s6  }
0x2f4: {  	v3 =	vor.u32 s11, v8;
	v2 =	vld.idx.msk [tilespmem:v2+s14+$0x0], $0xffff  }
0x2f5: {  	v4 =	vor.u32 v49, v1  }
0x2f6: {  	v50 =	vld [tilespmem:$0x1FD80];
	_ =	sdelay $0x2  }
0x2f7: {  	[tilespmem:v3+s22+$0x0] =	vst.idx.msk $0xffff, v2  }
0x2f8: {  	v54 =	vor.u32 s11, v7;
	v2 =	vld.idx.msk [tilespmem:v4+s14+$0x0], $0xffff  }
0x2f9: {  	v4 =	vor.u32 v50, v1  }
0x2fa: {  	v51 =	vld [tilespmem:$0x1FD90];
	_ =	sdelay $0x2  }
0x2fb: {  	[tilespmem:v54+s22+$0x0] =	vst.idx.msk $0xffff, v2  }
0x2fc: {  	v55 =	vor.u32 s11, v9;
	v2 =	vld.idx.msk [tilespmem:v4+s14+$0x0], $0xffff  }
0x2fd: {  	v4 =	vor.u32 v51, v1  }
0x2fe: {  	v25 =	vld [tilespmem:$0x1FDA0];
	_ =	sdelay $0x2  }
0x2ff: {  	[tilespmem:v55+s22+$0x0] =	vst.idx.msk $0xffff, v2  }
0x300: {  	v56 =	vor.u32 s11, v10;
	v2 =	vld.idx.msk [tilespmem:v4+s14+$0x0], $0xffff  }
0x301: {  	v4 =	vor.u32 v25, v1  }
0x302: {  	v52 =	vld [tilespmem:$0x1FDB0];
	_ =	sdelay $0x2  }
0x303: {  	[tilespmem:v56+s22+$0x0] =	vst.idx.msk $0xffff, v2  }
0x304: {  	v57 =	vor.u32 s11, v11;
	v2 =	vld.idx.msk [tilespmem:v4+s14+$0x0], $0xffff  }
0x305: {  	v4 =	vor.u32 v52, v1  }
0x306: {  	v53 =	vld [tilespmem:$0x1FDC0];
	_ =	sdelay $0x1  }
0x307: {  	s31 =	sadd.s32 $0xFFFFFFA0, s0  }
0x308: {  	v58 =	vmov s31;
	[tilespmem:v57+s22+$0x0] =	vst.idx.msk $0xffff, v2  }
0x309: {  	v2 =	vshll.u32 v58, $0x5;
	v3 =	vld.idx.msk [tilespmem:v4+s14+$0x0], $0xffff;
	v4 =	vor.u32 s11, v12  }
0x30a: {  	v5 =	vor.u32 v53, v1;
	v2 =	vor.u32 v48, v2  }
0x30b: {  	v6 =	vor.u32 v15, v2;
	_ =	sdelay $0x2  }
0x30c: {  	[tilespmem:v4+s22+$0x0] =	vst.idx.msk $0xffff, v3  }
0x30d: {  	s10 =	sadd.s32 $0xFFFFFFA0, s6;
	v3 =	vld.idx.msk [tilespmem:v5+s14+$0x0], $0xffff  }
0x30e: {  	v4 =	vld.idx.msk [tilespmem:v6+s14+$0x0], $0xffff;
	v5 =	vor.u32 s10, v8  }
0x30f: {  	v6 =	vor.u32 v49, v2;
	_ =	sdelay $0x3  }
0x310: {  	[tilespmem:v5+s22+$0x0] =	vst.idx.msk $0xffff, v4  }
0x311: {  	v5 =	vor.u32 s10, v7;
	v4 =	vld.idx.msk [tilespmem:v6+s14+$0x0], $0xffff  }
0x312: {  	v6 =	vor.u32 v50, v2;
	_ =	sdelay $0x3  }
0x313: {  	[tilespmem:v5+s22+$0x0] =	vst.idx.msk $0xffff, v4  }
0x314: {  	v5 =	vor.u32 s10, v9;
	v4 =	vld.idx.msk [tilespmem:v6+s14+$0x0], $0xffff  }
0x315: {  	v6 =	vor.u32 v51, v2;
	_ =	sdelay $0x3  }
0x316: {  	[tilespmem:v5+s22+$0x0] =	vst.idx.msk $0xffff, v4  }
0x317: {  	v5 =	vor.u32 s10, v10;
	v4 =	vld.idx.msk [tilespmem:v6+s14+$0x0], $0xffff  }
0x318: {  	v6 =	vor.u32 v25, v2;
	_ =	sdelay $0x3  }
0x319: {  	[tilespmem:v5+s22+$0x0] =	vst.idx.msk $0xffff, v4  }
0x31a: {  	v5 =	vor.u32 s10, v11;
	v4 =	vld.idx.msk [tilespmem:v6+s14+$0x0], $0xffff  }
0x31b: {  	v6 =	vor.u32 v52, v2;
	_ =	sdelay $0x3  }
0x31c: {  	[tilespmem:v5+s22+$0x0] =	vst.idx.msk $0xffff, v4  }
0x31d: {  	v5 =	vor.u32 s10, v12;
	v4 =	vld.idx.msk [tilespmem:v6+s14+$0x0], $0xffff  }
0x31e: {  	v54 =	vld [tilespmem:$0x1FDD0];
	v6 =	vor.u32 v53, v2;
	_ =	sdelay $0x3  }
0x31f: {  	v7 =	vor.u32 s11, v13;
	[tilespmem:v5+s22+$0x0] =	vst.idx.msk $0xffff, v4  }
0x320: {  	v8 =	vor.u32 v54, v1;
	v5 =	vor.u32 s10, v13;
	v4 =	vld.idx.msk [tilespmem:v6+s14+$0x0], $0xffff  }
0x321: {  	v27 =	vld [tilespmem:$0x1FDE0];
	v6 =	vor.u32 v54, v2;
	_ =	sdelay $0x2  }
0x322: {  	v58 =	vld [tilespmem:$0x1FC30];
	[tilespmem:v7+s22+$0x0] =	vst.idx.msk $0xffff, v3  }
0x323: {  	v7 =	vor.u32 s11, v14;
	v3 =	vld.idx.msk [tilespmem:v8+s14+$0x0], $0xffff;
	[tilespmem:v5+s22+$0x0] =	vst.idx.msk $0xffff, v4  }
0x324: {  	v8 =	vor.u32 v27, v1;
	v5 =	vor.u32 s10, v14;
	v4 =	vld.idx.msk [tilespmem:v6+s14+$0x0], $0xffff  }
0x325: {  	v26 =	vld [tilespmem:$0x1FDF0];
	v6 =	vor.u32 v27, v2;
	_ =	sdelay $0x2  }
0x326: {  	v59 =	vld [tilespmem:$0x1FC40];
	[tilespmem:v7+s22+$0x0] =	vst.idx.msk $0xffff, v3  }
0x327: {  	v7 =	vor.u32 s11, v58;
	v3 =	vld.idx.msk [tilespmem:v8+s14+$0x0], $0xffff;
	[tilespmem:v5+s22+$0x0] =	vst.idx.msk $0xffff, v4  }
0x328: {  	v8 =	vor.u32 v26, v1;
	v5 =	vor.u32 s10, v58;
	v4 =	vld.idx.msk [tilespmem:v6+s14+$0x0], $0xffff  }
0x329: {  	v28 =	vld [tilespmem:$0x1FE00];
	v6 =	vor.u32 v26, v2;
	_ =	sdelay $0x2  }
0x32a: {  	[tilespmem:v7+s22+$0x0] =	vst.idx.msk $0xffff, v3  }
0x32b: {  	v7 =	vor.u32 s11, v59;
	v3 =	vld.idx.msk [tilespmem:v8+s14+$0x0], $0xffff;
	[tilespmem:v5+s22+$0x0] =	vst.idx.msk $0xffff, v4  }
0x32c: {  	v8 =	vor.u32 v28, v1;
	v5 =	vor.u32 s10, v59;
	v4 =	vld.idx.msk [tilespmem:v6+s14+$0x0], $0xffff  }
0x32d: {  	v32 =	vld [tilespmem:$0x1FE40];
	v6 =	vor.u32 v28, v2;
	_ =	sdelay $0x2  }
0x32e: {  	[tilespmem:v7+s22+$0x0] =	vst.idx.msk $0xffff, v3  }
0x32f: {  	v7 =	vor.u32 s11, v17;
	v3 =	vld.idx.msk [tilespmem:v8+s14+$0x0], $0xffff;
	[tilespmem:v5+s22+$0x0] =	vst.idx.msk $0xffff, v4  }
0x330: {  	v8 =	vor.u32 v32, v1;
	v5 =	vor.u32 s10, v17;
	v4 =	vld.idx.msk [tilespmem:v6+s14+$0x0], $0xffff  }
0x331: {  	v38 =	vld [tilespmem:$0x1FE70];
	v6 =	vor.u32 v32, v2;
	_ =	sdelay $0x2  }
0x332: {  	[tilespmem:v7+s22+$0x0] =	vst.idx.msk $0xffff, v3  }
0x333: {  	v7 =	vor.u32 s11, v18;
	v3 =	vld.idx.msk [tilespmem:v8+s14+$0x0], $0xffff;
	[tilespmem:v5+s22+$0x0] =	vst.idx.msk $0xffff, v4  }
0x334: {  	v8 =	vor.u32 v38, v1;
	v5 =	vor.u32 s10, v18;
	v4 =	vld.idx.msk [tilespmem:v6+s14+$0x0], $0xffff  }
0x335: {  	v0 =	vld [tilespmem:$0x1FEA0];
	v6 =	vor.u32 v38, v2;
	_ =	sdelay $0x2  }
0x336: {  	[tilespmem:v7+s22+$0x0] =	vst.idx.msk $0xffff, v3  }
0x337: {  	v7 =	vor.u32 s11, v19;
	v3 =	vld.idx.msk [tilespmem:v8+s14+$0x0], $0xffff;
	[tilespmem:v5+s22+$0x0] =	vst.idx.msk $0xffff, v4  }
0x338: {  	v8 =	vor.u32 v0, v1;
	v5 =	vor.u32 s10, v19;
	v4 =	vld.idx.msk [tilespmem:v6+s14+$0x0], $0xffff  }
0x339: {  	v22 =	vld [tilespmem:$0x1FED0];
	v6 =	vor.u32 v0, v2;
	_ =	sdelay $0x2  }
0x33a: {  	[tilespmem:v7+s22+$0x0] =	vst.idx.msk $0xffff, v3  }
0x33b: {  	v7 =	vor.u32 s11, v20;
	v3 =	vld.idx.msk [tilespmem:v8+s14+$0x0], $0xffff;
	[tilespmem:v5+s22+$0x0] =	vst.idx.msk $0xffff, v4  }
0x33c: {  	v8 =	vor.u32 v22, v1;
	v5 =	vor.u32 s10, v20;
	v4 =	vld.idx.msk [tilespmem:v6+s14+$0x0], $0xffff  }
0x33d: {  	v23 =	vld [tilespmem:$0x1FF00];
	v6 =	vor.u32 v22, v2;
	_ =	sdelay $0x2  }
0x33e: {  	v60 =	vld [tilespmem:$0x1FC50];
	[tilespmem:v7+s22+$0x0] =	vst.idx.msk $0xffff, v3  }
0x33f: {  	v7 =	vor.u32 s11, v21;
	v3 =	vld.idx.msk [tilespmem:v8+s14+$0x0], $0xffff;
	[tilespmem:v5+s22+$0x0] =	vst.idx.msk $0xffff, v4  }
0x340: {  	v8 =	vor.u32 v23, v1;
	v5 =	vor.u32 s10, v21;
	v4 =	vld.idx.msk [tilespmem:v6+s14+$0x0], $0xffff  }
0x341: {  	v24 =	vld [tilespmem:$0x1FF10];
	v6 =	vor.u32 v23, v2;
	_ =	sdelay $0x2  }
0x342: {  	v61 =	vld [tilespmem:$0x1FC60];
	[tilespmem:v7+s22+$0x0] =	vst.idx.msk $0xffff, v3  }
0x343: {  	v7 =	vor.u32 s11, v60;
	v3 =	vld.idx.msk [tilespmem:v8+s14+$0x0], $0xffff;
	[tilespmem:v5+s22+$0x0] =	vst.idx.msk $0xffff, v4  }
0x344: {  	v8 =	vor.u32 v24, v1;
	v5 =	vor.u32 s10, v60;
	v4 =	vld.idx.msk [tilespmem:v6+s14+$0x0], $0xffff  }
0x345: {  	v39 =	vld [tilespmem:$0x1FE80];
	v6 =	vor.u32 v24, v2;
	_ =	sdelay $0x2  }
0x346: {  	v62 =	vld [tilespmem:$0x1FC70];
	[tilespmem:v7+s22+$0x0] =	vst.idx.msk $0xffff, v3  }
0x347: {  	v7 =	vor.u32 s11, v61;
	v3 =	vld.idx.msk [tilespmem:v8+s14+$0x0], $0xffff;
	[tilespmem:v5+s22+$0x0] =	vst.idx.msk $0xffff, v4  }
0x348: {  	v8 =	vor.u32 v39, v1;
	v5 =	vor.u32 s10, v61;
	v4 =	vld.idx.msk [tilespmem:v6+s14+$0x0], $0xffff  }
0x349: {  	v37 =	vld [tilespmem:$0x1FEB0];
	v6 =	vor.u32 v39, v2;
	_ =	sdelay $0x2  }
0x34a: {  	v63 =	vld [tilespmem:$0x1FC80];
	[tilespmem:v7+s22+$0x0] =	vst.idx.msk $0xffff, v3  }
0x34b: {  	v7 =	vor.u32 s11, v62;
	v3 =	vld.idx.msk [tilespmem:v8+s14+$0x0], $0xffff;
	[tilespmem:v5+s22+$0x0] =	vst.idx.msk $0xffff, v4  }
0x34c: {  	v8 =	vor.u32 v37, v1;
	v5 =	vor.u32 s10, v62;
	v4 =	vld.idx.msk [tilespmem:v6+s14+$0x0], $0xffff  }
0x34d: {  	v29 =	vld [tilespmem:$0x1FEE0];
	v6 =	vor.u32 v37, v2;
	_ =	sdelay $0x2  }
0x34e: {  	v30 =	vld [tilespmem:$0x1FC90];
	[tilespmem:v7+s22+$0x0] =	vst.idx.msk $0xffff, v3  }
0x34f: {  	v7 =	vor.u32 s11, v63;
	v3 =	vld.idx.msk [tilespmem:v8+s14+$0x0], $0xffff;
	[tilespmem:v5+s22+$0x0] =	vst.idx.msk $0xffff, v4  }
0x350: {  	v8 =	vor.u32 v29, v1;
	v5 =	vor.u32 s10, v63;
	v4 =	vld.idx.msk [tilespmem:v6+s14+$0x0], $0xffff  }
0x351: {  	v31 =	vld [tilespmem:$0x1FE10];
	v6 =	vor.u32 v29, v2;
	_ =	sdelay $0x2  }
0x352: {  	v33 =	vld [tilespmem:$0x1FCA0];
	[tilespmem:v7+s22+$0x0] =	vst.idx.msk $0xffff, v3  }
0x353: {  	v7 =	vor.u32 s11, v30;
	v3 =	vld.idx.msk [tilespmem:v8+s14+$0x0], $0xffff;
	[tilespmem:v5+s22+$0x0] =	vst.idx.msk $0xffff, v4  }
0x354: {  	v8 =	vor.u32 v31, v1;
	v5 =	vor.u32 s10, v30;
	v4 =	vld.idx.msk [tilespmem:v6+s14+$0x0], $0xffff  }
0x355: {  	v34 =	vld [tilespmem:$0x1FE20];
	v6 =	vor.u32 v31, v2;
	_ =	sdelay $0x2  }
0x356: {  	v35 =	vld [tilespmem:$0x1FCB0];
	[tilespmem:v7+s22+$0x0] =	vst.idx.msk $0xffff, v3  }
0x357: {  	v7 =	vor.u32 s11, v33;
	v3 =	vld.idx.msk [tilespmem:v8+s14+$0x0], $0xffff;
	[tilespmem:v5+s22+$0x0] =	vst.idx.msk $0xffff, v4  }
0x358: {  	v8 =	vor.u32 v34, v1;
	v5 =	vor.u32 s10, v33;
	v4 =	vld.idx.msk [tilespmem:v6+s14+$0x0], $0xffff  }
0x359: {  	v36 =	vld [tilespmem:$0x1FE30];
	v6 =	vor.u32 v34, v2;
	_ =	sdelay $0x2  }
0x35a: {  	v40 =	vld [tilespmem:$0x1FCC0];
	[tilespmem:v7+s22+$0x0] =	vst.idx.msk $0xffff, v3  }
0x35b: {  	v7 =	vor.u32 s11, v35;
	v3 =	vld.idx.msk [tilespmem:v8+s14+$0x0], $0xffff;
	[tilespmem:v5+s22+$0x0] =	vst.idx.msk $0xffff, v4  }
0x35c: {  	v8 =	vor.u32 v36, v1;
	v5 =	vor.u32 s10, v35;
	v4 =	vld.idx.msk [tilespmem:v6+s14+$0x0], $0xffff  }
0x35d: {  	v41 =	vld [tilespmem:$0x1FE50];
	v6 =	vor.u32 v36, v2;
	_ =	sdelay $0x2  }
0x35e: {  	v42 =	vld [tilespmem:$0x1FCD0];
	[tilespmem:v7+s22+$0x0] =	vst.idx.msk $0xffff, v3  }
0x35f: {  	v7 =	vor.u32 s11, v40;
	v3 =	vld.idx.msk [tilespmem:v8+s14+$0x0], $0xffff;
	[tilespmem:v5+s22+$0x0] =	vst.idx.msk $0xffff, v4  }
0x360: {  	v8 =	vor.u32 v41, v1;
	v5 =	vor.u32 s10, v40;
	v4 =	vld.idx.msk [tilespmem:v6+s14+$0x0], $0xffff  }
0x361: {  	v43 =	vld [tilespmem:$0x1FE60];
	v6 =	vor.u32 v41, v2;
	_ =	sdelay $0x2  }
0x362: {  	v44 =	vld [tilespmem:$0x1FCE0];
	[tilespmem:v7+s22+$0x0] =	vst.idx.msk $0xffff, v3  }
0x363: {  	v7 =	vor.u32 s11, v42;
	v3 =	vld.idx.msk [tilespmem:v8+s14+$0x0], $0xffff;
	[tilespmem:v5+s22+$0x0] =	vst.idx.msk $0xffff, v4  }
0x364: {  	v8 =	vor.u32 v43, v1;
	v5 =	vor.u32 s10, v42;
	v4 =	vld.idx.msk [tilespmem:v6+s14+$0x0], $0xffff  }
0x365: {  	v45 =	vld [tilespmem:$0x1FE90];
	v6 =	vor.u32 v43, v2;
	_ =	sdelay $0x2  }
0x366: {  	v46 =	vld [tilespmem:$0x1FCF0];
	[tilespmem:v7+s22+$0x0] =	vst.idx.msk $0xffff, v3  }
0x367: {  	v7 =	vor.u32 s11, v44;
	v3 =	vld.idx.msk [tilespmem:v8+s14+$0x0], $0xffff;
	[tilespmem:v5+s22+$0x0] =	vst.idx.msk $0xffff, v4  }
0x368: {  	v8 =	vor.u32 v45, v1;
	v5 =	vor.u32 s10, v44;
	v4 =	vld.idx.msk [tilespmem:v6+s14+$0x0], $0xffff  }
0x369: {  	v47 =	vld [tilespmem:$0x1FEC0];
	v6 =	vor.u32 v45, v2;
	_ =	sdelay $0x2  }
0x36a: {  	v55 =	vld [tilespmem:$0x1FD00];
	[tilespmem:v7+s22+$0x0] =	vst.idx.msk $0xffff, v3  }
0x36b: {  	v7 =	vor.u32 s11, v46;
	v3 =	vld.idx.msk [tilespmem:v8+s14+$0x0], $0xffff;
	[tilespmem:v5+s22+$0x0] =	vst.idx.msk $0xffff, v4  }
0x36c: {  	v8 =	vor.u32 v47, v1;
	v5 =	vor.u32 s10, v46;
	v4 =	vld.idx.msk [tilespmem:v6+s14+$0x0], $0xffff  }
0x36d: {  	v56 =	vld [tilespmem:$0x1FEF0];
	v6 =	vor.u32 v47, v2;
	_ =	sdelay $0x2  }
0x36e: {  	v57 =	vld [tilespmem:$0x1FD10];
	[tilespmem:v7+s22+$0x0] =	vst.idx.msk $0xffff, v3  }
0x36f: {  	v7 =	vor.u32 s11, v55;
	v3 =	vld.idx.msk [tilespmem:v8+s14+$0x0], $0xffff;
	[tilespmem:v5+s22+$0x0] =	vst.idx.msk $0xffff, v4  }
0x370: {  	v8 =	vor.u32 v56, v1;
	v5 =	vor.u32 s10, v55;
	v4 =	vld.idx.msk [tilespmem:v6+s14+$0x0], $0xffff  }
0x371: {  	v9 =	vld [tilespmem:$0x1FC00];
	v6 =	vor.u32 v56, v2;
	_ =	sdelay $0x2  }
0x372: {  	v10 =	vld [tilespmem:$0x1FD20];
	[tilespmem:v7+s22+$0x0] =	vst.idx.msk $0xffff, v3  }
0x373: {  	v7 =	vor.u32 s11, v57;
	v3 =	vld.idx.msk [tilespmem:v8+s14+$0x0], $0xffff;
	[tilespmem:v5+s22+$0x0] =	vst.idx.msk $0xffff, v4  }
0x374: {  	v8 =	vor.u32 v9, v1;
	v4 =	vld.idx.msk [tilespmem:v6+s14+$0x0], $0xffff  }
0x375: {  	v5 =	vor.u32 s10, v57;
	v6 =	vor.u32 v9, v2;
	v9 =	vld [tilespmem:$0x1FC10];
	_ =	sdelay $0x2  }
0x376: {  	[tilespmem:v7+s22+$0x0] =	vst.idx.msk $0xffff, v3  }
0x377: {  	v7 =	vor.u32 s11, v10;
	v3 =	vld.idx.msk [tilespmem:v8+s14+$0x0], $0xffff  }
0x378: {  	v8 =	vor.u32 v9, v1;
	[tilespmem:v5+s22+$0x0] =	vst.idx.msk $0xffff, v4;
	v5 =	vor.u32 s10, v10;
	v10 =	vld [tilespmem:$0x1FD30];
	_ =	sdelay $0x2  }
0x379: {  	v4 =	vld.idx.msk [tilespmem:v6+s14+$0x0], $0xffff  }
0x37a: {  	[tilespmem:v7+s22+$0x0] =	vst.idx.msk $0xffff, v3;
	v6 =	vor.u32 v9, v2;
	v9 =	vld [tilespmem:$0x1FC20]  }
0x37b: {  	v3 =	vld.idx.msk [tilespmem:v8+s14+$0x0], $0xffff;
	v7 =	vor.u32 s11, v10;
	_ =	sdelay $0x2  }
0x37c: {  	[tilespmem:v5+s22+$0x0] =	vst.idx.msk $0xffff, v4  }
0x37d: {  	v4 =	vld.idx.msk [tilespmem:v6+s14+$0x0], $0xffff  }
0x37e: {  	v8 =	vor.u32 v9, v1;
	v5 =	vor.u32 s10, v10;
	[tilespmem:v7+s22+$0x0] =	vst.idx.msk $0xffff, v3;
	v3 =	vld [tilespmem:$0x1FD40]  }
0x37f: {  	v6 =	vor.u32 v9, v2;
	_ =	sdelay $0x1  }
0x380: {  	s17 =	sadd.s32 $0xFFFFFFB0, s0  }
0x381: {  	v9 =	vor.u32 v16, v1;
	v17 =	vld [tilespmem:$0x1FD50];
	v1 =	vmov s17  }
0x382: {  	v12 =	vor.u32 v16, v2;
	s17 =	sadd.s32 $0xFFFFFFC0, s0;
	v1 =	vshll.u32 v1, $0x5;
	v8 =	vld.idx.msk [tilespmem:v8+s14+$0x0], $0xffff;
	[tilespmem:v5+s22+$0x0] =	vst.idx.msk $0xffff, v4;
	v7 =	vor.u32 s11, v3  }
0x383: {  	s26 =	sadd.s32 $0xFFFFFFD0, s0;
	v2 =	vmov s17;
	v1 =	vor.u32 v48, v1;
	v5 =	vld.idx.msk [tilespmem:v6+s14+$0x0], $0xffff;
	v11 =	vor.u32 s10, v3  }
0x384: {  	s28 =	sadd.s32 $0xFFFFFFE0, s0;
	v2 =	vshll.u32 v2, $0x5;
	v13 =	vor.u32 v15, v1;
	v3 =	vmov s26  }
0x385: {  	v16 =	vld [tilespmem:$0x1FF40];
	v2 =	vor.u32 v48, v2;
	v4 =	vmov s28;
	v3 =	vshll.u32 v3, $0x5  }
0x386: {  	s31 =	sadd.s32 $0xFFFFFFF0, s0;
	v19 =	vld [tilespmem:$0x1FF40];
	v14 =	vor.u32 v15, v2;
	v4 =	vshll.u32 v4, $0x5;
	v3 =	vor.u32 v48, v3  }
0x387: {  	v21 =	vld [tilespmem:$0x1FF40];
	v6 =	vmov s31;
	v4 =	vor.u32 v48, v4;
	[tilespmem:v7+s22+$0x0] =	vst.idx.msk $0xffff, v8;
	v7 =	vor.u32 v15, v3  }
0x388: {  	v10 =	vor.u32 s11, v17;
	v6 =	vshll.u32 v6, $0x5;
	[tilespmem:v11+s22+$0x0] =	vst.idx.msk $0xffff, v5;
	v11 =	vor.u32 v15, v4;
	v8 =	vld.idx.msk [tilespmem:v9+s14+$0x0], $0xffff  }
0x389: {  	v13 =	vld.idx.msk [tilespmem:v13+s14+$0x0], $0xffff;
	v5 =	vor.u32 v48, v6;
	v9 =	vmov s0  }
0x38a: {  	v15 =	vor.u32 v15, v5;
	v6 =	vshll.u32 v9, $0x5;
	v9 =	vld.idx.msk [tilespmem:v12+s14+$0x0], $0xffff;
	v12 =	vor.u32 s10, v17  }
0x38b: {  	s11 =	sadd.s32 $0xFFFFFFB0, s6;
	v14 =	vld.idx.msk [tilespmem:v14+s14+$0x0], $0xffff;
	v17 =	vlaneseq.u32;
	v6 =	vor.u32 v48, v6  }
0x38c: {  	v16 =	vor.u32 s11, v16;
	v17 =	vor.u32 v17, v6;
	v7 =	vld.idx.msk [tilespmem:v7+s14+$0x0], $0xffff  }
0x38d: {  	s17 =	sadd.s32 $0xFFFFFFC0, s6;
	[tilespmem:v10+s22+$0x0] =	vst.idx.msk $0xffff, v8;
	v10 =	vld.idx.msk [tilespmem:v11+s14+$0x0], $0xffff  }
0x38e: {  	v19 =	vor.u32 s17, v19;
	v11 =	vld [tilespmem:$0x1FF40]  }
0x38f: {  	s26 =	sadd.s32 $0xFFFFFFD0, s6;
	[tilespmem:v12+s22+$0x0] =	vst.idx.msk $0xffff, v9;
	v12 =	vld.idx.msk [tilespmem:v15+s14+$0x0], $0xffff  }
0x390: {  	v21 =	vor.u32 s26, v21;
	v15 =	vld [tilespmem:$0x1FF40]  }
0x391: {  	v18 =	vor.u32 v49, v1;
	[tilespmem:v16+s22+$0x0] =	vst.idx.msk $0xffff, v13;
	v16 =	vld.idx.msk [tilespmem:v17+s14+$0x0], $0xffff  }
0x392: {  	v20 =	vor.u32 v49, v2;
	s28 =	sadd.s32 $0xFFFFFFE0, s6;
	v17 =	vld [tilespmem:$0x1FF40]  }
0x393: {  	[tilespmem:v19+s22+$0x0] =	vst.idx.msk $0xffff, v14;
	v14 =	vld [tilespmem:$0x1FF30];
	v11 =	vor.u32 s28, v11  }
0x394: {  	s31 =	sadd.s32 $0xFFFFFFF0, s6;
	v8 =	vor.u32 v49, v3  }
0x395: {  	[tilespmem:v21+s22+$0x0] =	vst.idx.msk $0xffff, v7;
	v21 =	vld [tilespmem:$0x1FF30];
	v15 =	vor.u32 s31, v15  }
0x396: {  	v18 =	vld.idx.msk [tilespmem:v18+s14+$0x0], $0xffff;
	v9 =	vor.u32 v49, v4  }
0x397: {  	v20 =	vld.idx.msk [tilespmem:v20+s14+$0x0], $0xffff;
	v17 =	vor.u32 s6, v17  }
0x398: {  	v19 =	vor.u32 v49, v6;
	v14 =	vor.u32 s11, v14;
	[tilespmem:v11+s22+$0x0] =	vst.idx.msk $0xffff, v10;
	v11 =	vld [tilespmem:$0x1FF30]  }
0x399: {  	v8 =	vld.idx.msk [tilespmem:v8+s14+$0x0], $0xffff  }
0x39a: {  	v21 =	vor.u32 s17, v21;
	[tilespmem:v15+s22+$0x0] =	vst.idx.msk $0xffff, v12;
	v15 =	vld [tilespmem:$0x1FF30]  }
0x39b: {  	v9 =	vld.idx.msk [tilespmem:v9+s14+$0x0], $0xffff  }
0x39c: {  	v13 =	vor.u32 v49, v5;
	[tilespmem:v17+s22+$0x0] =	vst.idx.msk $0xffff, v16;
	v17 =	vld [tilespmem:$0x1FF30]  }
0x39d: {  	[tilespmem:v14+s22+$0x0] =	vst.idx.msk $0xffff, v18;
	v18 =	vld.idx.msk [tilespmem:v19+s14+$0x0], $0xffff;
	v11 =	vor.u32 s26, v11  }
0x39e: {  	v7 =	vor.u32 v50, v1;
	v19 =	vld [tilespmem:$0x1FF30]  }
0x39f: {  	[tilespmem:v21+s22+$0x0] =	vst.idx.msk $0xffff, v20;
	v20 =	vld [tilespmem:$0x1FF50];
	v15 =	vor.u32 s28, v15  }
0x3a0: {  	v10 =	vor.u32 v50, v2  }
0x3a1: {  	v13 =	vld.idx.msk [tilespmem:v13+s14+$0x0], $0xffff;
	v17 =	vor.u32 s31, v17  }
0x3a2: {  	v12 =	vor.u32 v50, v3;
	[tilespmem:v11+s22+$0x0] =	vst.idx.msk $0xffff, v8;
	v11 =	vld [tilespmem:$0x1FF50]  }
0x3a3: {  	v7 =	vld.idx.msk [tilespmem:v7+s14+$0x0], $0xffff;
	v19 =	vor.u32 s6, v19  }
0x3a4: {  	v21 =	vor.u32 v50, v6;
	v20 =	vor.u32 s11, v20;
	[tilespmem:v15+s22+$0x0] =	vst.idx.msk $0xffff, v9;
	v15 =	vld [tilespmem:$0x1FF50]  }
0x3a5: {  	v10 =	vld.idx.msk [tilespmem:v10+s14+$0x0], $0xffff  }
0x3a6: {  	v16 =	vor.u32 v50, v4;
	[tilespmem:v17+s22+$0x0] =	vst.idx.msk $0xffff, v13;
	v17 =	vld [tilespmem:$0x1FF50]  }
0x3a7: {  	v12 =	vld.idx.msk [tilespmem:v12+s14+$0x0], $0xffff;
	v11 =	vor.u32 s17, v11  }
0x3a8: {  	v14 =	vor.u32 v50, v5;
	[tilespmem:v19+s22+$0x0] =	vst.idx.msk $0xffff, v18;
	v19 =	vld [tilespmem:$0x1FF50]  }
0x3a9: {  	[tilespmem:v20+s22+$0x0] =	vst.idx.msk $0xffff, v7;
	v20 =	vld.idx.msk [tilespmem:v21+s14+$0x0], $0xffff;
	v15 =	vor.u32 s26, v15  }
0x3aa: {  	v8 =	vor.u32 v51, v1;
	v21 =	vld [tilespmem:$0x1FF50]  }
0x3ab: {  	v16 =	vld.idx.msk [tilespmem:v16+s14+$0x0], $0xffff;
	v17 =	vor.u32 s28, v17  }
0x3ac: {  	v9 =	vor.u32 v51, v2;
	[tilespmem:v11+s22+$0x0] =	vst.idx.msk $0xffff, v10;
	v10 =	vld [tilespmem:$0x1FF60]  }
0x3ad: {  	v14 =	vld.idx.msk [tilespmem:v14+s14+$0x0], $0xffff;
	v19 =	vor.u32 s31, v19  }
0x3ae: {  	v13 =	vor.u32 v51, v3;
	[tilespmem:v15+s22+$0x0] =	vst.idx.msk $0xffff, v12;
	v15 =	vld [tilespmem:$0x1FF60]  }
0x3af: {  	v8 =	vld.idx.msk [tilespmem:v8+s14+$0x0], $0xffff;
	v21 =	vor.u32 s6, v21  }
0x3b0: {  	v18 =	vor.u32 v51, v4;
	[tilespmem:v17+s22+$0x0] =	vst.idx.msk $0xffff, v16;
	v17 =	vld [tilespmem:$0x1FF60]  }
0x3b1: {  	v11 =	vor.u32 v51, v6;
	v9 =	vld.idx.msk [tilespmem:v9+s14+$0x0], $0xffff;
	v10 =	vor.u32 s11, v10  }
0x3b2: {  	[tilespmem:v19+s22+$0x0] =	vst.idx.msk $0xffff, v14;
	v19 =	vld [tilespmem:$0x1FF60]  }
0x3b3: {  	v13 =	vld.idx.msk [tilespmem:v13+s14+$0x0], $0xffff;
	v15 =	vor.u32 s17, v15  }
0x3b4: {  	v7 =	vor.u32 v51, v5;
	[tilespmem:v21+s22+$0x0] =	vst.idx.msk $0xffff, v20;
	v21 =	vld [tilespmem:$0x1FF60]  }
0x3b5: {  	v18 =	vld.idx.msk [tilespmem:v18+s14+$0x0], $0xffff;
	v17 =	vor.u32 s26, v17  }
0x3b6: {  	v12 =	vor.u32 v25, v1;
	[tilespmem:v10+s22+$0x0] =	vst.idx.msk $0xffff, v8;
	v10 =	vld.idx.msk [tilespmem:v11+s14+$0x0], $0xffff  }
0x3b7: {  	v19 =	vor.u32 s28, v19;
	v11 =	vld [tilespmem:$0x1FF60]  }
0x3b8: {  	v16 =	vor.u32 v25, v2;
	[tilespmem:v15+s22+$0x0] =	vst.idx.msk $0xffff, v9;
	v9 =	vld [tilespmem:$0x1FF70]  }
0x3b9: {  	v7 =	vld.idx.msk [tilespmem:v7+s14+$0x0], $0xffff;
	v21 =	vor.u32 s31, v21  }
0x3ba: {  	v14 =	vor.u32 v25, v3;
	[tilespmem:v17+s22+$0x0] =	vst.idx.msk $0xffff, v13;
	v17 =	vld [tilespmem:$0x1FF70]  }
0x3bb: {  	v20 =	vor.u32 v25, v4;
	v12 =	vld.idx.msk [tilespmem:v12+s14+$0x0], $0xffff  }
0x3bc: {  	[tilespmem:v19+s22+$0x0] =	vst.idx.msk $0xffff, v18;
	v19 =	vld [tilespmem:$0x1FF70];
	v11 =	vor.u32 s6, v11  }
0x3bd: {  	v15 =	vor.u32 v25, v6;
	v16 =	vld.idx.msk [tilespmem:v16+s14+$0x0], $0xffff;
	v9 =	vor.u32 s11, v9  }
0x3be: {  	[tilespmem:v21+s22+$0x0] =	vst.idx.msk $0xffff, v7;
	v21 =	vld [tilespmem:$0x1FF70]  }
0x3bf: {  	v14 =	vld.idx.msk [tilespmem:v14+s14+$0x0], $0xffff;
	v17 =	vor.u32 s17, v17  }
0x3c0: {  	v20 =	vld.idx.msk [tilespmem:v20+s14+$0x0], $0xffff  }
0x3c1: {  	v19 =	vor.u32 s26, v19;
	[tilespmem:v11+s22+$0x0] =	vst.idx.msk $0xffff, v10;
	v11 =	vld [tilespmem:$0x1FF70]  }
0x3c2: {  	v8 =	vor.u32 v25, v5;
	[tilespmem:v9+s22+$0x0] =	vst.idx.msk $0xffff, v12;
	v12 =	vld.idx.msk [tilespmem:v15+s14+$0x0], $0xffff  }
0x3c3: {  	v21 =	vor.u32 s28, v21;
	v15 =	vld [tilespmem:$0x1FF70]  }
0x3c4: {  	v13 =	vor.u32 v52, v1;
	[tilespmem:v17+s22+$0x0] =	vst.idx.msk $0xffff, v16;
	v16 =	vld [tilespmem:$0x1FF80]  }
0x3c5: {  	v18 =	vor.u32 v52, v2  }
0x3c6: {  	v7 =	vor.u32 v52, v3;
	[tilespmem:v19+s22+$0x0] =	vst.idx.msk $0xffff, v14;
	v19 =	vld [tilespmem:$0x1FF80]  }
0x3c7: {  	v8 =	vld.idx.msk [tilespmem:v8+s14+$0x0], $0xffff;
	v11 =	vor.u32 s31, v11  }
0x3c8: {  	[tilespmem:v21+s22+$0x0] =	vst.idx.msk $0xffff, v20;
	v21 =	vld [tilespmem:$0x1FF80];
	v15 =	vor.u32 s6, v15  }
0x3c9: {  	v13 =	vld.idx.msk [tilespmem:v13+s14+$0x0], $0xffff;
	v17 =	vor.u32 v52, v6;
	v16 =	vor.u32 s11, v16  }
0x3ca: {  	v18 =	vld.idx.msk [tilespmem:v18+s14+$0x0], $0xffff  }
0x3cb: {  	v7 =	vld.idx.msk [tilespmem:v7+s14+$0x0], $0xffff;
	v19 =	vor.u32 s17, v19  }
0x3cc: {  	v10 =	vor.u32 v52, v4;
	[tilespmem:v11+s22+$0x0] =	vst.idx.msk $0xffff, v8;
	v11 =	vld [tilespmem:$0x1FF80]  }
0x3cd: {  	v21 =	vor.u32 s26, v21;
	[tilespmem:v15+s22+$0x0] =	vst.idx.msk $0xffff, v12;
	v15 =	vld [tilespmem:$0x1FF80]  }
0x3ce: {  	v9 =	vor.u32 v52, v5;
	[tilespmem:v16+s22+$0x0] =	vst.idx.msk $0xffff, v13;
	v16 =	vld.idx.msk [tilespmem:v17+s14+$0x0], $0xffff  }
0x3cf: {  	v17 =	vld [tilespmem:$0x1FF80]  }
0x3d0: {  	v14 =	vor.u32 v53, v1;
	[tilespmem:v19+s22+$0x0] =	vst.idx.msk $0xffff, v18;
	v18 =	vld [tilespmem:$0x1FF90]  }
0x3d1: {  	v20 =	vor.u32 v53, v2;
	v10 =	vld.idx.msk [tilespmem:v10+s14+$0x0], $0xffff  }
0x3d2: {  	v11 =	vor.u32 s28, v11;
	[tilespmem:v21+s22+$0x0] =	vst.idx.msk $0xffff, v7;
	v21 =	vld [tilespmem:$0x1FF90]  }
0x3d3: {  	v9 =	vld.idx.msk [tilespmem:v9+s14+$0x0], $0xffff;
	v15 =	vor.u32 s31, v15  }
0x3d4: {  	v17 =	vor.u32 s6, v17  }
0x3d5: {  	v14 =	vld.idx.msk [tilespmem:v14+s14+$0x0], $0xffff;
	v19 =	vor.u32 v53, v6;
	v18 =	vor.u32 s11, v18  }
0x3d6: {  	v20 =	vld.idx.msk [tilespmem:v20+s14+$0x0], $0xffff  }
0x3d7: {  	v21 =	vor.u32 s17, v21;
	[tilespmem:v11+s22+$0x0] =	vst.idx.msk $0xffff, v10;
	v11 =	vld [tilespmem:$0x1FF90]  }
0x3d8: {  	v8 =	vor.u32 v53, v3;
	[tilespmem:v15+s22+$0x0] =	vst.idx.msk $0xffff, v9;
	v15 =	vld [tilespmem:$0x1FF90]  }
0x3d9: {  	v12 =	vor.u32 v53, v4;
	[tilespmem:v17+s22+$0x0] =	vst.idx.msk $0xffff, v16;
	v17 =	vld [tilespmem:$0x1FF90]  }
0x3da: {  	v13 =	vor.u32 v53, v5;
	[tilespmem:v18+s22+$0x0] =	vst.idx.msk $0xffff, v14;
	v18 =	vld.idx.msk [tilespmem:v19+s14+$0x0], $0xffff  }
0x3db: {  	v19 =	vld [tilespmem:$0x1FF90]  }
0x3dc: {  	v7 =	vor.u32 v54, v1;
	[tilespmem:v21+s22+$0x0] =	vst.idx.msk $0xffff, v20;
	v20 =	vld [tilespmem:$0x1FFA0]  }
0x3dd: {  	v8 =	vld.idx.msk [tilespmem:v8+s14+$0x0], $0xffff;
	v11 =	vor.u32 s26, v11  }
0x3de: {  	v12 =	vld.idx.msk [tilespmem:v12+s14+$0x0], $0xffff;
	v15 =	vor.u32 s28, v15  }
0x3df: {  	v13 =	vld.idx.msk [tilespmem:v13+s14+$0x0], $0xffff;
	v17 =	vor.u32 s31, v17  }
0x3e0: {  	v19 =	vor.u32 s6, v19  }
0x3e1: {  	v7 =	vld.idx.msk [tilespmem:v7+s14+$0x0], $0xffff;
	v21 =	vor.u32 v54, v6;
	v20 =	vor.u32 s11, v20  }
0x3e2: {  	[tilespmem:v11+s22+$0x0] =	vst.idx.msk $0xffff, v8;
	v11 =	vld [tilespmem:$0x1FFA0]  }
0x3e3: {  	v10 =	vor.u32 v54, v2;
	[tilespmem:v15+s22+$0x0] =	vst.idx.msk $0xffff, v12;
	v15 =	vld [tilespmem:$0x1FFA0]  }
0x3e4: {  	v9 =	vor.u32 v54, v3;
	[tilespmem:v17+s22+$0x0] =	vst.idx.msk $0xffff, v13;
	v17 =	vld [tilespmem:$0x1FFA0]  }
0x3e5: {  	v16 =	vor.u32 v54, v4;
	[tilespmem:v19+s22+$0x0] =	vst.idx.msk $0xffff, v18;
	v19 =	vld [tilespmem:$0x1FFA0]  }
0x3e6: {  	v14 =	vor.u32 v54, v5;
	[tilespmem:v20+s22+$0x0] =	vst.idx.msk $0xffff, v7;
	v20 =	vld.idx.msk [tilespmem:v21+s14+$0x0], $0xffff  }
0x3e7: {  	v21 =	vld [tilespmem:$0x1FFA0]  }
0x3e8: {  	v10 =	vld.idx.msk [tilespmem:v10+s14+$0x0], $0xffff;
	v8 =	vor.u32 v27, v1;
	v11 =	vor.u32 s17, v11  }
0x3e9: {  	v12 =	vor.u32 v27, v2;
	v9 =	vld.idx.msk [tilespmem:v9+s14+$0x0], $0xffff;
	v15 =	vor.u32 s26, v15  }
0x3ea: {  	v16 =	vld.idx.msk [tilespmem:v16+s14+$0x0], $0xffff;
	v13 =	vor.u32 v27, v3;
	v17 =	vor.u32 s28, v17  }
0x3eb: {  	v14 =	vld.idx.msk [tilespmem:v14+s14+$0x0], $0xffff;
	v19 =	vor.u32 s31, v19  }
0x3ec: {  	v18 =	vor.u32 v27, v4;
	v21 =	vor.u32 s6, v21  }
0x3ed: {  	v7 =	vor.u32 v27, v5;
	v8 =	vld.idx.msk [tilespmem:v8+s14+$0x0], $0xffff;
	[tilespmem:v11+s22+$0x0] =	vst.idx.msk $0xffff, v10;
	v10 =	vor.u32 s11, v58  }
0x3ee: {  	v11 =	vor.u32 v27, v6;
	[tilespmem:v15+s22+$0x0] =	vst.idx.msk $0xffff, v9;
	v12 =	vld.idx.msk [tilespmem:v12+s14+$0x0], $0xffff;
	v15 =	vor.u32 s17, v58  }
0x3ef: {  	v13 =	vld.idx.msk [tilespmem:v13+s14+$0x0], $0xffff;
	[tilespmem:v17+s22+$0x0] =	vst.idx.msk $0xffff, v16;
	v16 =	vor.u32 v26, v2;
	v17 =	vor.u32 s26, v58  }
0x3f0: {  	v9 =	vor.u32 v26, v1;
	[tilespmem:v19+s22+$0x0] =	vst.idx.msk $0xffff, v14  }
0x3f1: {  	v14 =	vor.u32 v26, v3;
	v18 =	vld.idx.msk [tilespmem:v18+s14+$0x0], $0xffff;
	v19 =	vor.u32 s28, v58;
	[tilespmem:v21+s22+$0x0] =	vst.idx.msk $0xffff, v20  }
0x3f2: {  	v20 =	vor.u32 v26, v4;
	v7 =	vld.idx.msk [tilespmem:v7+s14+$0x0], $0xffff;
	v21 =	vor.u32 s31, v58;
	[tilespmem:v10+s22+$0x0] =	vst.idx.msk $0xffff, v8  }
0x3f3: {  	v8 =	vor.u32 v26, v5;
	v10 =	vld.idx.msk [tilespmem:v11+s14+$0x0], $0xffff;
	v11 =	vor.u32 s6, v58;
	[tilespmem:v15+s22+$0x0] =	vst.idx.msk $0xffff, v12  }
0x3f4: {  	[tilespmem:v17+s22+$0x0] =	vst.idx.msk $0xffff, v13;
	v16 =	vld.idx.msk [tilespmem:v16+s14+$0x0], $0xffff;
	v17 =	vor.u32 s17, v59  }
0x3f5: {  	v9 =	vld.idx.msk [tilespmem:v9+s14+$0x0], $0xffff;
	v12 =	vor.u32 s11, v59;
	v15 =	vor.u32 v26, v6  }
0x3f6: {  	[tilespmem:v19+s22+$0x0] =	vst.idx.msk $0xffff, v18;
	v14 =	vld.idx.msk [tilespmem:v14+s14+$0x0], $0xffff;
	v19 =	vor.u32 s26, v59  }
0x3f7: {  	v13 =	vor.u32 v28, v1;
	[tilespmem:v21+s22+$0x0] =	vst.idx.msk $0xffff, v7;
	v20 =	vld.idx.msk [tilespmem:v20+s14+$0x0], $0xffff  }
0x3f8: {  	v21 =	vor.u32 s28, v59;
	[tilespmem:v11+s22+$0x0] =	vst.idx.msk $0xffff, v10;
	v8 =	vld.idx.msk [tilespmem:v8+s14+$0x0], $0xffff  }
0x3f9: {  	v18 =	vor.u32 v28, v2;
	[tilespmem:v17+s22+$0x0] =	vst.idx.msk $0xffff, v16;
	v16 =	vld [tilespmem:$0x1FFB0]  }
0x3fa: {  	v11 =	vor.u32 s31, v59;
	[tilespmem:v12+s22+$0x0] =	vst.idx.msk $0xffff, v9;
	v12 =	vld.idx.msk [tilespmem:v15+s14+$0x0], $0xffff  }
0x3fb: {  	v7 =	vor.u32 v28, v3;
	[tilespmem:v19+s22+$0x0] =	vst.idx.msk $0xffff, v14;
	v19 =	vld [tilespmem:$0x1FFB0]  }
0x3fc: {  	v15 =	vor.u32 s6, v59;
	v13 =	vld.idx.msk [tilespmem:v13+s14+$0x0], $0xffff  }
0x3fd: {  	v10 =	vor.u32 v28, v4;
	[tilespmem:v21+s22+$0x0] =	vst.idx.msk $0xffff, v20;
	v21 =	vld [tilespmem:$0x1FFB0]  }
0x3fe: {  	v17 =	vor.u32 v28, v6;
	v18 =	vld.idx.msk [tilespmem:v18+s14+$0x0], $0xffff;
	v16 =	vor.u32 s11, v16  }
0x3ff: {  	[tilespmem:v11+s22+$0x0] =	vst.idx.msk $0xffff, v8;
	v11 =	vld [tilespmem:$0x1FFB0]  }
0x400: {  	v7 =	vld.idx.msk [tilespmem:v7+s14+$0x0], $0xffff;
	v19 =	vor.u32 s17, v19  }
0x401: {  	v9 =	vor.u32 v28, v5;
	[tilespmem:v15+s22+$0x0] =	vst.idx.msk $0xffff, v12;
	v15 =	vld [tilespmem:$0x1FFB0]  }
0x402: {  	v10 =	vld.idx.msk [tilespmem:v10+s14+$0x0], $0xffff;
	v21 =	vor.u32 s26, v21  }
0x403: {  	v14 =	vor.u32 v32, v1;
	[tilespmem:v16+s22+$0x0] =	vst.idx.msk $0xffff, v13;
	v16 =	vld.idx.msk [tilespmem:v17+s14+$0x0], $0xffff  }
0x404: {  	v11 =	vor.u32 s28, v11;
	v17 =	vld [tilespmem:$0x1FFB0]  }
0x405: {  	v20 =	vor.u32 v32, v2;
	[tilespmem:v19+s22+$0x0] =	vst.idx.msk $0xffff, v18;
	v18 =	vld [tilespmem:$0x1FFC0]  }
0x406: {  	v9 =	vld.idx.msk [tilespmem:v9+s14+$0x0], $0xffff;
	v15 =	vor.u32 s31, v15  }
0x407: {  	v8 =	vor.u32 v32, v3;
	[tilespmem:v21+s22+$0x0] =	vst.idx.msk $0xffff, v7;
	v21 =	vld [tilespmem:$0x1FFC0]  }
0x408: {  	v12 =	vor.u32 v32, v4;
	v14 =	vld.idx.msk [tilespmem:v14+s14+$0x0], $0xffff  }
0x409: {  	[tilespmem:v11+s22+$0x0] =	vst.idx.msk $0xffff, v10;
	v11 =	vld [tilespmem:$0x1FFC0];
	v17 =	vor.u32 s6, v17  }
0x40a: {  	v19 =	vor.u32 v32, v6;
	v20 =	vld.idx.msk [tilespmem:v20+s14+$0x0], $0xffff;
	v18 =	vor.u32 s11, v18  }
0x40b: {  	[tilespmem:v15+s22+$0x0] =	vst.idx.msk $0xffff, v9;
	v15 =	vld [tilespmem:$0x1FFC0]  }
0x40c: {  	v8 =	vld.idx.msk [tilespmem:v8+s14+$0x0], $0xffff;
	v21 =	vor.u32 s17, v21  }
0x40d: {  	v12 =	vld.idx.msk [tilespmem:v12+s14+$0x0], $0xffff  }
0x40e: {  	v11 =	vor.u32 s26, v11;
	[tilespmem:v17+s22+$0x0] =	vst.idx.msk $0xffff, v16;
	v17 =	vld [tilespmem:$0x1FFC0]  }
0x40f: {  	v13 =	vor.u32 v32, v5;
	[tilespmem:v18+s22+$0x0] =	vst.idx.msk $0xffff, v14;
	v18 =	vld.idx.msk [tilespmem:v19+s14+$0x0], $0xffff  }
0x410: {  	v15 =	vor.u32 s28, v15;
	v19 =	vld [tilespmem:$0x1FFC0]  }
0x411: {  	v7 =	vor.u32 v38, v1;
	[tilespmem:v21+s22+$0x0] =	vst.idx.msk $0xffff, v20;
	v20 =	vld [tilespmem:$0x1FFD0]  }
0x412: {  	v10 =	vor.u32 v38, v2  }
0x413: {  	v9 =	vor.u32 v38, v3;
	[tilespmem:v11+s22+$0x0] =	vst.idx.msk $0xffff, v8;
	v11 =	vld [tilespmem:$0x1FFD0]  }
0x414: {  	v13 =	vld.idx.msk [tilespmem:v13+s14+$0x0], $0xffff;
	v17 =	vor.u32 s31, v17  }
0x415: {  	[tilespmem:v15+s22+$0x0] =	vst.idx.msk $0xffff, v12;
	v15 =	vld [tilespmem:$0x1FFD0];
	v19 =	vor.u32 s6, v19  }
0x416: {  	v7 =	vld.idx.msk [tilespmem:v7+s14+$0x0], $0xffff;
	v21 =	vor.u32 v38, v6;
	v20 =	vor.u32 s11, v20  }
0x417: {  	v10 =	vld.idx.msk [tilespmem:v10+s14+$0x0], $0xffff  }
0x418: {  	v9 =	vld.idx.msk [tilespmem:v9+s14+$0x0], $0xffff;
	v11 =	vor.u32 s17, v11  }
0x419: {  	v16 =	vor.u32 v38, v4;
	[tilespmem:v17+s22+$0x0] =	vst.idx.msk $0xffff, v13;
	v17 =	vld [tilespmem:$0x1FFD0]  }
0x41a: {  	v15 =	vor.u32 s26, v15;
	[tilespmem:v19+s22+$0x0] =	vst.idx.msk $0xffff, v18;
	v19 =	vld [tilespmem:$0x1FFD0]  }
0x41b: {  	v14 =	vor.u32 v38, v5;
	[tilespmem:v20+s22+$0x0] =	vst.idx.msk $0xffff, v7;
	v20 =	vld.idx.msk [tilespmem:v21+s14+$0x0], $0xffff  }
0x41c: {  	v21 =	vld [tilespmem:$0x1FFD0]  }
0x41d: {  	v8 =	vor.u32 v0, v1;
	[tilespmem:v11+s22+$0x0] =	vst.idx.msk $0xffff, v10;
	v10 =	vld [tilespmem:$0x1FFE0]  }
0x41e: {  	v12 =	vor.u32 v0, v2;
	v16 =	vld.idx.msk [tilespmem:v16+s14+$0x0], $0xffff  }
0x41f: {  	[tilespmem:v15+s22+$0x0] =	vst.idx.msk $0xffff, v9;
	v15 =	vld [tilespmem:$0x1FFE0];
	v17 =	vor.u32 s28, v17  }
0x420: {  	v14 =	vld.idx.msk [tilespmem:v14+s14+$0x0], $0xffff;
	v19 =	vor.u32 s31, v19  }
0x421: {  	v59 =	vld [tilespmem:$0x1FC00];
	v21 =	vor.u32 s6, v21  }
0x422: {  	v8 =	vld.idx.msk [tilespmem:v8+s14+$0x0], $0xffff;
	v11 =	vor.u32 v0, v6;
	v10 =	vor.u32 s11, v10  }
0x423: {  	v12 =	vld.idx.msk [tilespmem:v12+s14+$0x0], $0xffff  }
0x424: {  	v15 =	vor.u32 s17, v15;
	[tilespmem:v17+s22+$0x0] =	vst.idx.msk $0xffff, v16;
	v17 =	vld [tilespmem:$0x1FFE0]  }
0x425: {  	v13 =	vor.u32 v0, v3;
	[tilespmem:v19+s22+$0x0] =	vst.idx.msk $0xffff, v14;
	v19 =	vld [tilespmem:$0x1FFE0]  }
0x426: {  	v18 =	vor.u32 v0, v4;
	[tilespmem:v21+s22+$0x0] =	vst.idx.msk $0xffff, v20;
	v21 =	vld [tilespmem:$0x1FFE0]  }
0x427: {  	v7 =	vor.u32 v0, v5;
	[tilespmem:v10+s22+$0x0] =	vst.idx.msk $0xffff, v8;
	v10 =	vld.idx.msk [tilespmem:v11+s14+$0x0], $0xffff  }
0x428: {  	v9 =	vor.u32 v22, v1;
	v11 =	vld [tilespmem:$0x1FFE0]  }
0x429: {  	[tilespmem:v15+s22+$0x0] =	vst.idx.msk $0xffff, v12;
	v12 =	vld [tilespmem:$0x1FFF0]  }
0x42a: {  	v13 =	vld.idx.msk [tilespmem:v13+s14+$0x0], $0xffff;
	v17 =	vor.u32 s26, v17  }
0x42b: {  	v18 =	vld.idx.msk [tilespmem:v18+s14+$0x0], $0xffff;
	v19 =	vor.u32 s28, v19  }
0x42c: {  	v16 =	vor.u32 v22, v2;
	v7 =	vld.idx.msk [tilespmem:v7+s14+$0x0], $0xffff;
	v21 =	vor.u32 s31, v21  }
0x42d: {  	v14 =	vor.u32 v22, v3;
	v20 =	vor.u32 v22, v4;
	v9 =	vld.idx.msk [tilespmem:v9+s14+$0x0], $0xffff;
	v11 =	vor.u32 s6, v11  }
0x42e: {  	v8 =	vor.u32 v22, v5;
	v15 =	vor.u32 v22, v6;
	v22 =	vld [tilespmem:$0x1FD20];
	v12 =	vor.u32 s11, v12  }
0x42f: {  	[tilespmem:v17+s22+$0x0] =	vst.idx.msk $0xffff, v13;
	v17 =	vld [tilespmem:$0x1FFF0]  }
0x430: {  	[tilespmem:v19+s22+$0x0] =	vst.idx.msk $0xffff, v18;
	v19 =	vld [tilespmem:$0x1FFF0]  }
0x431: {  	[tilespmem:v21+s22+$0x0] =	vst.idx.msk $0xffff, v7;
	v21 =	vld [tilespmem:$0x1FFF0]  }
0x432: {  	[tilespmem:v11+s22+$0x0] =	vst.idx.msk $0xffff, v10;
	v11 =	vld [tilespmem:$0x1FFF0]  }
0x433: {  	[tilespmem:v12+s22+$0x0] =	vst.idx.msk $0xffff, v9;
	v12 =	vld.idx.msk [tilespmem:v15+s14+$0x0], $0xffff  }
0x434: {  	v13 =	vor.u32 v23, v1;
	v15 =	vld [tilespmem:$0x1FFF0]  }
0x435: {  	v16 =	vld.idx.msk [tilespmem:v16+s14+$0x0], $0xffff;
	v17 =	vor.u32 s17, v17  }
0x436: {  	v18 =	vor.u32 v23, v2;
	v14 =	vld.idx.msk [tilespmem:v14+s14+$0x0], $0xffff;
	v19 =	vor.u32 s26, v19  }
0x437: {  	v7 =	vor.u32 v23, v3;
	v20 =	vld.idx.msk [tilespmem:v20+s14+$0x0], $0xffff;
	v21 =	vor.u32 s28, v21  }
0x438: {  	v10 =	vor.u32 v23, v4;
	v8 =	vld.idx.msk [tilespmem:v8+s14+$0x0], $0xffff;
	v11 =	vor.u32 s31, v11  }
0x439: {  	v9 =	vor.u32 v23, v5;
	v13 =	vld.idx.msk [tilespmem:v13+s14+$0x0], $0xffff;
	v15 =	vor.u32 s6, v15  }
0x43a: {  	[tilespmem:v17+s22+$0x0] =	vst.idx.msk $0xffff, v16;
	v16 =	vor.u32 s11, v60;
	v17 =	vor.u32 v23, v6;
	v23 =	vld [tilespmem:$0x1FD30]  }
0x43b: {  	[tilespmem:v19+s22+$0x0] =	vst.idx.msk $0xffff, v14;
	v18 =	vld.idx.msk [tilespmem:v18+s14+$0x0], $0xffff  }
0x43c: {  	v14 =	vor.u32 v24, v1;
	v19 =	vor.u32 s17, v60;
	[tilespmem:v21+s22+$0x0] =	vst.idx.msk $0xffff, v20;
	v7 =	vld.idx.msk [tilespmem:v7+s14+$0x0], $0xffff  }
0x43d: {  	v20 =	vor.u32 v24, v2;
	v21 =	vor.u32 s26, v60;
	[tilespmem:v11+s22+$0x0] =	vst.idx.msk $0xffff, v8;
	v10 =	vld.idx.msk [tilespmem:v10+s14+$0x0], $0xffff  }
0x43e: {  	v8 =	vor.u32 v24, v3;
	v11 =	vor.u32 s28, v60;
	[tilespmem:v15+s22+$0x0] =	vst.idx.msk $0xffff, v12;
	v9 =	vld.idx.msk [tilespmem:v9+s14+$0x0], $0xffff  }
0x43f: {  	v12 =	vor.u32 v24, v4;
	v15 =	vor.u32 s31, v60;
	[tilespmem:v16+s22+$0x0] =	vst.idx.msk $0xffff, v13;
	v16 =	vld.idx.msk [tilespmem:v17+s14+$0x0], $0xffff  }
0x440: {  	v13 =	vor.u32 v24, v5;
	v17 =	vor.u32 s6, v60;
	v60 =	vld [tilespmem:$0x1FC10]  }
0x441: {  	v14 =	vld.idx.msk [tilespmem:v14+s14+$0x0], $0xffff;
	[tilespmem:v19+s22+$0x0] =	vst.idx.msk $0xffff, v18;
	v18 =	vor.u32 s11, v61;
	v19 =	vor.u32 v24, v6  }
0x442: {  	[tilespmem:v21+s22+$0x0] =	vst.idx.msk $0xffff, v7;
	v20 =	vld.idx.msk [tilespmem:v20+s14+$0x0], $0xffff  }
0x443: {  	v7 =	vor.u32 v39, v1;
	v21 =	vor.u32 s17, v61;
	[tilespmem:v11+s22+$0x0] =	vst.idx.msk $0xffff, v10;
	v8 =	vld.idx.msk [tilespmem:v8+s14+$0x0], $0xffff  }
0x444: {  	v10 =	vor.u32 v39, v2;
	v11 =	vor.u32 s26, v61;
	[tilespmem:v15+s22+$0x0] =	vst.idx.msk $0xffff, v9;
	v12 =	vld.idx.msk [tilespmem:v12+s14+$0x0], $0xffff  }
0x445: {  	v9 =	vor.u32 v39, v3;
	v15 =	vor.u32 s28, v61;
	[tilespmem:v17+s22+$0x0] =	vst.idx.msk $0xffff, v16;
	v13 =	vld.idx.msk [tilespmem:v13+s14+$0x0], $0xffff  }
0x446: {  	v16 =	vor.u32 v39, v4;
	v17 =	vor.u32 s31, v61;
	[tilespmem:v18+s22+$0x0] =	vst.idx.msk $0xffff, v14;
	v18 =	vld.idx.msk [tilespmem:v19+s14+$0x0], $0xffff  }
0x447: {  	v14 =	vor.u32 v39, v5;
	v19 =	vor.u32 s6, v61;
	v61 =	vld [tilespmem:$0x1FD40]  }
0x448: {  	v7 =	vld.idx.msk [tilespmem:v7+s14+$0x0], $0xffff;
	[tilespmem:v21+s22+$0x0] =	vst.idx.msk $0xffff, v20;
	v20 =	vor.u32 s11, v62;
	v21 =	vor.u32 v39, v6  }
0x449: {  	[tilespmem:v11+s22+$0x0] =	vst.idx.msk $0xffff, v8;
	v10 =	vld.idx.msk [tilespmem:v10+s14+$0x0], $0xffff  }
0x44a: {  	v8 =	vor.u32 v37, v1;
	v11 =	vor.u32 s17, v62;
	[tilespmem:v15+s22+$0x0] =	vst.idx.msk $0xffff, v12;
	v9 =	vld.idx.msk [tilespmem:v9+s14+$0x0], $0xffff  }
0x44b: {  	v12 =	vor.u32 v37, v2;
	v15 =	vor.u32 s26, v62;
	[tilespmem:v17+s22+$0x0] =	vst.idx.msk $0xffff, v13;
	v16 =	vld.idx.msk [tilespmem:v16+s14+$0x0], $0xffff  }
0x44c: {  	v13 =	vor.u32 v37, v3;
	v17 =	vor.u32 s28, v62;
	[tilespmem:v19+s22+$0x0] =	vst.idx.msk $0xffff, v18;
	v14 =	vld.idx.msk [tilespmem:v14+s14+$0x0], $0xffff  }
0x44d: {  	v18 =	vor.u32 v37, v4;
	v19 =	vor.u32 s31, v62;
	[tilespmem:v20+s22+$0x0] =	vst.idx.msk $0xffff, v7;
	v20 =	vld.idx.msk [tilespmem:v21+s14+$0x0], $0xffff  }
0x44e: {  	v7 =	vor.u32 v37, v5;
	v21 =	vor.u32 s6, v62;
	v62 =	vld [tilespmem:$0x1FD50]  }
0x44f: {  	v8 =	vld.idx.msk [tilespmem:v8+s14+$0x0], $0xffff;
	[tilespmem:v11+s22+$0x0] =	vst.idx.msk $0xffff, v10;
	v10 =	vor.u32 s11, v63;
	v11 =	vor.u32 v37, v6  }
0x450: {  	[tilespmem:v15+s22+$0x0] =	vst.idx.msk $0xffff, v9;
	v9 =	vor.u32 v29, v1;
	v12 =	vld.idx.msk [tilespmem:v12+s14+$0x0], $0xffff;
	v15 =	vor.u32 s17, v63  }
0x451: {  	[tilespmem:v17+s22+$0x0] =	vst.idx.msk $0xffff, v16;
	v16 =	vor.u32 v29, v2;
	v13 =	vld.idx.msk [tilespmem:v13+s14+$0x0], $0xffff;
	v17 =	vor.u32 s26, v63  }
0x452: {  	[tilespmem:v19+s22+$0x0] =	vst.idx.msk $0xffff, v14;
	v14 =	vor.u32 v29, v3;
	v18 =	vld.idx.msk [tilespmem:v18+s14+$0x0], $0xffff;
	v19 =	vor.u32 s28, v63  }
0x453: {  	[tilespmem:v21+s22+$0x0] =	vst.idx.msk $0xffff, v20;
	v20 =	vor.u32 v29, v4;
	v7 =	vld.idx.msk [tilespmem:v7+s14+$0x0], $0xffff;
	v21 =	vor.u32 s31, v63  }
0x454: {  	[tilespmem:v10+s22+$0x0] =	vst.idx.msk $0xffff, v8;
	v8 =	vor.u32 v29, v5;
	v10 =	vld.idx.msk [tilespmem:v11+s14+$0x0], $0xffff;
	v11 =	vor.u32 s6, v63  }
0x455: {  	v9 =	vld.idx.msk [tilespmem:v9+s14+$0x0], $0xffff;
	[tilespmem:v15+s22+$0x0] =	vst.idx.msk $0xffff, v12;
	v12 =	vor.u32 s11, v30;
	v15 =	vor.u32 v29, v6  }
0x456: {  	[tilespmem:v17+s22+$0x0] =	vst.idx.msk $0xffff, v13;
	v13 =	vor.u32 v31, v1;
	v16 =	vld.idx.msk [tilespmem:v16+s14+$0x0], $0xffff;
	v17 =	vor.u32 s17, v30  }
0x457: {  	[tilespmem:v19+s22+$0x0] =	vst.idx.msk $0xffff, v18;
	v18 =	vor.u32 v31, v2;
	v14 =	vld.idx.msk [tilespmem:v14+s14+$0x0], $0xffff;
	v19 =	vor.u32 s26, v30  }
0x458: {  	[tilespmem:v21+s22+$0x0] =	vst.idx.msk $0xffff, v7;
	v7 =	vor.u32 v31, v3;
	v20 =	vld.idx.msk [tilespmem:v20+s14+$0x0], $0xffff;
	v21 =	vor.u32 s28, v30  }
0x459: {  	[tilespmem:v11+s22+$0x0] =	vst.idx.msk $0xffff, v10;
	v10 =	vor.u32 v31, v4;
	v8 =	vld.idx.msk [tilespmem:v8+s14+$0x0], $0xffff;
	v11 =	vor.u32 s31, v30  }
0x45a: {  	[tilespmem:v12+s22+$0x0] =	vst.idx.msk $0xffff, v9;
	v9 =	vor.u32 v31, v5;
	v12 =	vld.idx.msk [tilespmem:v15+s14+$0x0], $0xffff;
	v15 =	vor.u32 s6, v30  }
0x45b: {  	v13 =	vld.idx.msk [tilespmem:v13+s14+$0x0], $0xffff;
	[tilespmem:v17+s22+$0x0] =	vst.idx.msk $0xffff, v16;
	v16 =	vor.u32 s11, v33;
	v17 =	vor.u32 v31, v6  }
0x45c: {  	[tilespmem:v19+s22+$0x0] =	vst.idx.msk $0xffff, v14;
	v14 =	vor.u32 v34, v1;
	v18 =	vld.idx.msk [tilespmem:v18+s14+$0x0], $0xffff;
	v19 =	vor.u32 s17, v33  }
0x45d: {  	[tilespmem:v21+s22+$0x0] =	vst.idx.msk $0xffff, v20;
	v20 =	vor.u32 v34, v2;
	v7 =	vld.idx.msk [tilespmem:v7+s14+$0x0], $0xffff;
	v21 =	vor.u32 s26, v33  }
0x45e: {  	[tilespmem:v11+s22+$0x0] =	vst.idx.msk $0xffff, v8;
	v8 =	vor.u32 v34, v3;
	v10 =	vld.idx.msk [tilespmem:v10+s14+$0x0], $0xffff;
	v11 =	vor.u32 s28, v33  }
0x45f: {  	[tilespmem:v15+s22+$0x0] =	vst.idx.msk $0xffff, v12;
	v12 =	vor.u32 v34, v4;
	v9 =	vld.idx.msk [tilespmem:v9+s14+$0x0], $0xffff;
	v15 =	vor.u32 s31, v33  }
0x460: {  	[tilespmem:v16+s22+$0x0] =	vst.idx.msk $0xffff, v13;
	v13 =	vor.u32 v34, v5;
	v16 =	vld.idx.msk [tilespmem:v17+s14+$0x0], $0xffff;
	v17 =	vor.u32 s6, v33  }
0x461: {  	v14 =	vld.idx.msk [tilespmem:v14+s14+$0x0], $0xffff;
	[tilespmem:v19+s22+$0x0] =	vst.idx.msk $0xffff, v18;
	v18 =	vor.u32 s11, v35;
	v19 =	vor.u32 v34, v6  }
0x462: {  	[tilespmem:v21+s22+$0x0] =	vst.idx.msk $0xffff, v7;
	v7 =	vor.u32 v36, v1;
	v20 =	vld.idx.msk [tilespmem:v20+s14+$0x0], $0xffff;
	v21 =	vor.u32 s17, v35  }
0x463: {  	[tilespmem:v11+s22+$0x0] =	vst.idx.msk $0xffff, v10;
	v10 =	vor.u32 v36, v2;
	v8 =	vld.idx.msk [tilespmem:v8+s14+$0x0], $0xffff;
	v11 =	vor.u32 s26, v35  }
0x464: {  	[tilespmem:v15+s22+$0x0] =	vst.idx.msk $0xffff, v9;
	v9 =	vor.u32 v36, v3;
	v12 =	vld.idx.msk [tilespmem:v12+s14+$0x0], $0xffff;
	v15 =	vor.u32 s28, v35  }
0x465: {  	[tilespmem:v17+s22+$0x0] =	vst.idx.msk $0xffff, v16;
	v16 =	vor.u32 v36, v4;
	v13 =	vld.idx.msk [tilespmem:v13+s14+$0x0], $0xffff;
	v17 =	vor.u32 s31, v35  }
0x466: {  	[tilespmem:v18+s22+$0x0] =	vst.idx.msk $0xffff, v14;
	v14 =	vor.u32 v36, v5;
	v18 =	vld.idx.msk [tilespmem:v19+s14+$0x0], $0xffff;
	v19 =	vor.u32 s6, v35  }
0x467: {  	v7 =	vld.idx.msk [tilespmem:v7+s14+$0x0], $0xffff;
	[tilespmem:v21+s22+$0x0] =	vst.idx.msk $0xffff, v20;
	v20 =	vor.u32 s11, v40;
	v21 =	vor.u32 v36, v6  }
0x468: {  	[tilespmem:v11+s22+$0x0] =	vst.idx.msk $0xffff, v8;
	v8 =	vor.u32 v41, v1;
	v10 =	vld.idx.msk [tilespmem:v10+s14+$0x0], $0xffff;
	v11 =	vor.u32 s17, v40  }
0x469: {  	[tilespmem:v15+s22+$0x0] =	vst.idx.msk $0xffff, v12;
	v12 =	vor.u32 v41, v2;
	v9 =	vld.idx.msk [tilespmem:v9+s14+$0x0], $0xffff;
	v15 =	vor.u32 s26, v40  }
0x46a: {  	[tilespmem:v17+s22+$0x0] =	vst.idx.msk $0xffff, v13;
	v13 =	vor.u32 v41, v3;
	v16 =	vld.idx.msk [tilespmem:v16+s14+$0x0], $0xffff;
	v17 =	vor.u32 s28, v40  }
0x46b: {  	[tilespmem:v19+s22+$0x0] =	vst.idx.msk $0xffff, v18;
	v18 =	vor.u32 v41, v4;
	v14 =	vld.idx.msk [tilespmem:v14+s14+$0x0], $0xffff;
	v19 =	vor.u32 s31, v40  }
0x46c: {  	[tilespmem:v20+s22+$0x0] =	vst.idx.msk $0xffff, v7;
	v7 =	vor.u32 v41, v5;
	v20 =	vld.idx.msk [tilespmem:v21+s14+$0x0], $0xffff;
	v21 =	vor.u32 s6, v40  }
0x46d: {  	v8 =	vld.idx.msk [tilespmem:v8+s14+$0x0], $0xffff;
	[tilespmem:v11+s22+$0x0] =	vst.idx.msk $0xffff, v10;
	v10 =	vor.u32 s11, v42;
	v11 =	vor.u32 v41, v6  }
0x46e: {  	[tilespmem:v15+s22+$0x0] =	vst.idx.msk $0xffff, v9;
	v9 =	vor.u32 v43, v1;
	v12 =	vld.idx.msk [tilespmem:v12+s14+$0x0], $0xffff;
	v15 =	vor.u32 s17, v42  }
0x46f: {  	[tilespmem:v17+s22+$0x0] =	vst.idx.msk $0xffff, v16;
	v16 =	vor.u32 v43, v2;
	v13 =	vld.idx.msk [tilespmem:v13+s14+$0x0], $0xffff;
	v17 =	vor.u32 s26, v42  }
0x470: {  	[tilespmem:v19+s22+$0x0] =	vst.idx.msk $0xffff, v14;
	v14 =	vor.u32 v43, v3;
	v18 =	vld.idx.msk [tilespmem:v18+s14+$0x0], $0xffff;
	v19 =	vor.u32 s28, v42  }
0x471: {  	[tilespmem:v21+s22+$0x0] =	vst.idx.msk $0xffff, v20;
	v20 =	vor.u32 v43, v4;
	v7 =	vld.idx.msk [tilespmem:v7+s14+$0x0], $0xffff;
	v21 =	vor.u32 s31, v42  }
0x472: {  	[tilespmem:v10+s22+$0x0] =	vst.idx.msk $0xffff, v8;
	v8 =	vor.u32 v43, v5;
	v10 =	vld.idx.msk [tilespmem:v11+s14+$0x0], $0xffff;
	v11 =	vor.u32 s6, v42  }
0x473: {  	v9 =	vld.idx.msk [tilespmem:v9+s14+$0x0], $0xffff;
	[tilespmem:v15+s22+$0x0] =	vst.idx.msk $0xffff, v12;
	v12 =	vor.u32 s11, v44;
	v15 =	vor.u32 v43, v6  }
0x474: {  	[tilespmem:v17+s22+$0x0] =	vst.idx.msk $0xffff, v13;
	v13 =	vor.u32 v45, v1;
	v16 =	vld.idx.msk [tilespmem:v16+s14+$0x0], $0xffff;
	v17 =	vor.u32 s17, v44  }
0x475: {  	[tilespmem:v19+s22+$0x0] =	vst.idx.msk $0xffff, v18;
	v18 =	vor.u32 v45, v2;
	v14 =	vld.idx.msk [tilespmem:v14+s14+$0x0], $0xffff;
	v19 =	vor.u32 s26, v44  }
0x476: {  	[tilespmem:v21+s22+$0x0] =	vst.idx.msk $0xffff, v7;
	v7 =	vor.u32 v45, v3;
	v20 =	vld.idx.msk [tilespmem:v20+s14+$0x0], $0xffff;
	v21 =	vor.u32 s28, v44  }
0x477: {  	[tilespmem:v11+s22+$0x0] =	vst.idx.msk $0xffff, v10;
	v10 =	vor.u32 v45, v4;
	v8 =	vld.idx.msk [tilespmem:v8+s14+$0x0], $0xffff;
	v11 =	vor.u32 s31, v44  }
0x478: {  	[tilespmem:v12+s22+$0x0] =	vst.idx.msk $0xffff, v9;
	v9 =	vor.u32 v45, v5;
	v12 =	vld.idx.msk [tilespmem:v15+s14+$0x0], $0xffff;
	v15 =	vor.u32 s6, v44  }
0x479: {  	v13 =	vld.idx.msk [tilespmem:v13+s14+$0x0], $0xffff;
	[tilespmem:v17+s22+$0x0] =	vst.idx.msk $0xffff, v16;
	v16 =	vor.u32 s11, v46;
	v17 =	vor.u32 v45, v6  }
0x47a: {  	[tilespmem:v19+s22+$0x0] =	vst.idx.msk $0xffff, v14;
	v14 =	vor.u32 v47, v1;
	v18 =	vld.idx.msk [tilespmem:v18+s14+$0x0], $0xffff;
	v19 =	vor.u32 s17, v46  }
0x47b: {  	[tilespmem:v21+s22+$0x0] =	vst.idx.msk $0xffff, v20;
	v20 =	vor.u32 v47, v2;
	v7 =	vld.idx.msk [tilespmem:v7+s14+$0x0], $0xffff;
	v21 =	vor.u32 s26, v46  }
0x47c: {  	[tilespmem:v11+s22+$0x0] =	vst.idx.msk $0xffff, v8;
	v8 =	vor.u32 v47, v3;
	v10 =	vld.idx.msk [tilespmem:v10+s14+$0x0], $0xffff;
	v11 =	vor.u32 s28, v46  }
0x47d: {  	[tilespmem:v15+s22+$0x0] =	vst.idx.msk $0xffff, v12;
	v12 =	vor.u32 v47, v4;
	v9 =	vld.idx.msk [tilespmem:v9+s14+$0x0], $0xffff;
	v15 =	vor.u32 s31, v46  }
0x47e: {  	[tilespmem:v16+s22+$0x0] =	vst.idx.msk $0xffff, v13;
	v13 =	vor.u32 v47, v5;
	v16 =	vld.idx.msk [tilespmem:v17+s14+$0x0], $0xffff;
	v17 =	vor.u32 s6, v46  }
0x47f: {  	v14 =	vld.idx.msk [tilespmem:v14+s14+$0x0], $0xffff;
	[tilespmem:v19+s22+$0x0] =	vst.idx.msk $0xffff, v18;
	v18 =	vor.u32 s11, v55;
	v19 =	vor.u32 v47, v6  }
0x480: {  	[tilespmem:v21+s22+$0x0] =	vst.idx.msk $0xffff, v7;
	v7 =	vor.u32 v56, v1;
	v20 =	vld.idx.msk [tilespmem:v20+s14+$0x0], $0xffff;
	v21 =	vor.u32 s17, v55  }
0x481: {  	[tilespmem:v11+s22+$0x0] =	vst.idx.msk $0xffff, v10;
	v10 =	vor.u32 v56, v2;
	v8 =	vld.idx.msk [tilespmem:v8+s14+$0x0], $0xffff;
	v11 =	vor.u32 s26, v55  }
0x482: {  	[tilespmem:v15+s22+$0x0] =	vst.idx.msk $0xffff, v9;
	v9 =	vor.u32 v56, v3;
	v12 =	vld.idx.msk [tilespmem:v12+s14+$0x0], $0xffff;
	v15 =	vor.u32 s28, v55  }
0x483: {  	[tilespmem:v17+s22+$0x0] =	vst.idx.msk $0xffff, v16;
	v16 =	vor.u32 v56, v4;
	v13 =	vld.idx.msk [tilespmem:v13+s14+$0x0], $0xffff;
	v17 =	vor.u32 s31, v55  }
0x484: {  	[tilespmem:v18+s22+$0x0] =	vst.idx.msk $0xffff, v14;
	v14 =	vor.u32 v56, v5;
	v18 =	vld.idx.msk [tilespmem:v19+s14+$0x0], $0xffff;
	v19 =	vor.u32 s6, v55  }
0x485: {  	v7 =	vld.idx.msk [tilespmem:v7+s14+$0x0], $0xffff;
	[tilespmem:v21+s22+$0x0] =	vst.idx.msk $0xffff, v20;
	v20 =	vor.u32 s11, v57;
	v21 =	vor.u32 v56, v6  }
0x486: {  	[tilespmem:v11+s22+$0x0] =	vst.idx.msk $0xffff, v8;
	v8 =	vor.u32 v59, v1;
	v10 =	vld.idx.msk [tilespmem:v10+s14+$0x0], $0xffff;
	v11 =	vor.u32 s17, v57  }
0x487: {  	[tilespmem:v15+s22+$0x0] =	vst.idx.msk $0xffff, v12;
	v12 =	vor.u32 v59, v2;
	v9 =	vld.idx.msk [tilespmem:v9+s14+$0x0], $0xffff;
	v15 =	vor.u32 s26, v57  }
0x488: {  	[tilespmem:v17+s22+$0x0] =	vst.idx.msk $0xffff, v13;
	v13 =	vor.u32 v59, v3;
	v16 =	vld.idx.msk [tilespmem:v16+s14+$0x0], $0xffff;
	v17 =	vor.u32 s28, v57  }
0x489: {  	[tilespmem:v19+s22+$0x0] =	vst.idx.msk $0xffff, v18;
	v18 =	vor.u32 v59, v4;
	v14 =	vld.idx.msk [tilespmem:v14+s14+$0x0], $0xffff;
	v19 =	vor.u32 s31, v57  }
0x48a: {  	[tilespmem:v20+s22+$0x0] =	vst.idx.msk $0xffff, v7;
	v7 =	vor.u32 v59, v5;
	v20 =	vld.idx.msk [tilespmem:v21+s14+$0x0], $0xffff;
	v21 =	vor.u32 s6, v57  }
0x48b: {  	v8 =	vld.idx.msk [tilespmem:v8+s14+$0x0], $0xffff;
	[tilespmem:v11+s22+$0x0] =	vst.idx.msk $0xffff, v10;
	v10 =	vor.u32 s11, v22;
	v11 =	vor.u32 v59, v6  }
0x48c: {  	[tilespmem:v15+s22+$0x0] =	vst.idx.msk $0xffff, v9;
	v12 =	vld.idx.msk [tilespmem:v12+s14+$0x0], $0xffff;
	v15 =	vor.u32 s17, v22  }
0x48d: {  	v9 =	vor.u32 v60, v1;
	[tilespmem:v17+s22+$0x0] =	vst.idx.msk $0xffff, v16;
	v13 =	vld.idx.msk [tilespmem:v13+s14+$0x0], $0xffff;
	v17 =	vor.u32 s26, v22  }
0x48e: {  	[tilespmem:v19+s22+$0x0] =	vst.idx.msk $0xffff, v14;
	v14 =	vor.u32 v60, v3;
	v18 =	vld.idx.msk [tilespmem:v18+s14+$0x0], $0xffff;
	v19 =	vor.u32 s28, v22  }
0x48f: {  	v16 =	vor.u32 v60, v2;
	[tilespmem:v21+s22+$0x0] =	vst.idx.msk $0xffff, v20;
	v7 =	vld.idx.msk [tilespmem:v7+s14+$0x0], $0xffff  }
0x490: {  	v20 =	vor.u32 v60, v4;
	v21 =	vor.u32 s31, v22;
	[tilespmem:v10+s22+$0x0] =	vst.idx.msk $0xffff, v8;
	v10 =	vld.idx.msk [tilespmem:v11+s14+$0x0], $0xffff  }
0x491: {  	v8 =	vor.u32 v60, v5;
	v11 =	vor.u32 s6, v22;
	v22 =	vld [tilespmem:$0x1FC20];
	[tilespmem:v15+s22+$0x0] =	vst.idx.msk $0xffff, v12  }
0x492: {  	v9 =	vld.idx.msk [tilespmem:v9+s14+$0x0], $0xffff;
	v12 =	vor.u32 s11, v23;
	v15 =	vor.u32 v60, v6;
	[tilespmem:v17+s22+$0x0] =	vst.idx.msk $0xffff, v13  }
0x493: {  	[tilespmem:v19+s22+$0x0] =	vst.idx.msk $0xffff, v18;
	v14 =	vld.idx.msk [tilespmem:v14+s14+$0x0], $0xffff;
	v19 =	vor.u32 s26, v23  }
0x494: {  	v16 =	vld.idx.msk [tilespmem:v16+s14+$0x0], $0xffff  }
0x495: {  	[tilespmem:v21+s22+$0x0] =	vst.idx.msk $0xffff, v7;
	v20 =	vld.idx.msk [tilespmem:v20+s14+$0x0], $0xffff;
	v21 =	vor.u32 s28, v23  }
0x496: {  	[tilespmem:v11+s22+$0x0] =	vst.idx.msk $0xffff, v10;
	v8 =	vld.idx.msk [tilespmem:v8+s14+$0x0], $0xffff  }
0x497: {  	v13 =	vor.u32 v22, v1;
	[tilespmem:v12+s22+$0x0] =	vst.idx.msk $0xffff, v9;
	v12 =	vld.idx.msk [tilespmem:v15+s14+$0x0], $0xffff  }
0x498: {  	v17 =	vor.u32 s17, v23;
	v7 =	vor.u32 v22, v3;
	[tilespmem:v19+s22+$0x0] =	vst.idx.msk $0xffff, v14;
	v14 =	vld [tilespmem:$0x1FF20]  }
0x499: {  	v11 =	vor.u32 s31, v23;
	v19 =	vld [tilespmem:$0x1FF20]  }
0x49a: {  	[tilespmem:v21+s22+$0x0] =	vst.idx.msk $0xffff, v20;
	v21 =	vld [tilespmem:$0x1FFF0]  }
0x49b: {  	v9 =	vor.u32 v22, v5;
	v20 =	vld [tilespmem:$0x1FFE0]  }
0x49c: {  	v18 =	vor.u32 v22, v2;
	v15 =	vor.u32 s6, v23;
	v13 =	vld.idx.msk [tilespmem:v13+s14+$0x0], $0xffff  }
0x49d: {  	[tilespmem:v17+s22+$0x0] =	vst.idx.msk $0xffff, v16;
	v17 =	vor.u32 v22, v6;
	v7 =	vld.idx.msk [tilespmem:v7+s14+$0x0], $0xffff  }
0x49e: {  	[tilespmem:v11+s22+$0x0] =	vst.idx.msk $0xffff, v8;
	v8 =	vld [tilespmem:$0x1FF20]  }
0x49f: {  	v10 =	vor.u32 v22, v4;
	v11 =	vld [tilespmem:$0x1FF20]  }
0x4a0: {  	v16 =	vor.u32 s11, v61;
	v9 =	vld.idx.msk [tilespmem:v9+s14+$0x0], $0xffff  }
0x4a1: {  	[tilespmem:v15+s22+$0x0] =	vst.idx.msk $0xffff, v12;
	v1 =	vor.u32 v14, v1;
	v14 =	vld.idx.msk [tilespmem:v18+s14+$0x0], $0xffff;
	v18 =	vor.u32 s17, v61  }
0x4a2: {  	v12 =	vld.idx.msk [tilespmem:v17+s14+$0x0], $0xffff  }
0x4a3: {  	v17 =	vld [tilespmem:$0x1FFB0];
	v2 =	vor.u32 v19, v2;
	v19 =	vor.u32 s26, v61  }
0x4a4: {  	v3 =	vor.u32 v8, v3;
	v8 =	vld.idx.msk [tilespmem:v10+s14+$0x0], $0xffff  }
0x4a5: {  	[tilespmem:v16+s22+$0x0] =	vst.idx.msk $0xffff, v13;
	v16 =	vld [tilespmem:$0x1FF20]  }
0x4a6: {  	v4 =	vor.u32 v11, v4;
	v11 =	vor.u32 s31, v61;
	[tilespmem:v18+s22+$0x0] =	vst.idx.msk $0xffff, v14;
	v18 =	vld [tilespmem:$0x1FFC0]  }
0x4a7: {  	v13 =	vor.u32 s6, v61;
	v1 =	vld.idx.msk [tilespmem:v1+s14+$0x0], $0xffff  }
0x4a8: {  	v10 =	vor.u32 s28, v61;
	[tilespmem:v19+s22+$0x0] =	vst.idx.msk $0xffff, v7;
	v19 =	vld [tilespmem:$0x1FFD0]  }
0x4a9: {  	v2 =	vld.idx.msk [tilespmem:v2+s14+$0x0], $0xffff  }
0x4aa: {  	v5 =	vor.u32 v16, v5;
	v3 =	vld.idx.msk [tilespmem:v3+s14+$0x0], $0xffff  }
0x4ab: {  	v14 =	vor.u32 s11, v62;
	v6 =	vor.u32 v16, v6;
	[tilespmem:v11+s22+$0x0] =	vst.idx.msk $0xffff, v9;
	v11 =	vld [tilespmem:$0x1FF70]  }
0x4ac: {  	v7 =	vor.u32 s17, v62;
	[tilespmem:v13+s22+$0x0] =	vst.idx.msk $0xffff, v12;
	v13 =	vld [tilespmem:$0x1FF90]  }
0x4ad: {  	[tilespmem:v10+s22+$0x0] =	vst.idx.msk $0xffff, v8;
	v8 =	vor.u32 s26, v62;
	v12 =	vld [tilespmem:$0x1FF80]  }
0x4ae: {  	v9 =	vor.u32 s28, v62;
	v4 =	vld.idx.msk [tilespmem:v4+s14+$0x0], $0xffff  }
0x4af: {  	s1 =	sadd.s32 $0x8, s1;
	v10 =	vor.u32 s31, v62;
	v5 =	vld.idx.msk [tilespmem:v5+s14+$0x0], $0xffff  }
0x4b0: {  	p0 =	slt.u32 s1, $0x18;
	[tilespmem:v14+s22+$0x0] =	vst.idx.msk $0xffff, v1;
	v63 =	vld.idx.msk [tilespmem:v6+s14+$0x0], $0xffff;
	v6 =	vor.u32 s6, v62  }
.Ltmp4:
0x4b1: {  	v14 =	vld [tilespmem:$0x1FFA0];
	[tilespmem:v7+s22+$0x0] =	vst.idx.msk $0xffff, v2;
	(pc) =	sbr.rel @p0 .LBB2_9-.Ltmp4, $4  }
0x4b2: {  	v7 =	vld [tilespmem:$0x1FF30];
	[tilespmem:v8+s22+$0x0] =	vst.idx.msk $0xffff, v3  }
0x4b3: {  	v8 =	vld [tilespmem:$0x1FF40];
	[tilespmem:v9+s22+$0x0] =	vst.idx.msk $0xffff, v4  }
0x4b4: {  	v9 =	vld [tilespmem:$0x1FF50];
	[tilespmem:v10+s22+$0x0] =	vst.idx.msk $0xffff, v5  }
0x4b5: {  	s0 =	sadd.s32 $0x80, s0;
	v15 =	vlaneseq.u32;
	s6 =	sadd.s32 $0x400, s6;
	v10 =	vld [tilespmem:$0x1FF60];
	[tilespmem:v6+s22+$0x0] =	vst.idx.msk $0xffff, v63  }
0x4b6: {  	s0 =	sshll.u32 s30, $0x9;
	s1 =	sshll.u32 s30, $0xB  }
0x4b7: {  	s0 =	sand.u32 $0x3E00, s0;
	s1 =	sand.u32 $0x7FFF0000, s1  }
0x4b8: {  	s0 =	sor.u32 s0, s1  }
0x4b9: {  	s29 =	sadd.s32 $0x1, s29;
	s1 =	sadd.s32 s2, s0  }
0x4ba: {  	[hbm4b:s1+s3] =	stream.linear.scatter [tilespmem:s22], [sflag:$0x4], $0x1000, $0x38;
	[tilespmem:$0x16400] =	vst v63  }
0x4bb: {  	p0 =	sne.s32 s29, $0x19;
	s30 =	sadd.s32 s0, s7  }
0x4bc: {  	[hbm4b:s30+s3] =	stream.linear.scatter [tilespmem:s23], [sflag:$0x4], $0x1000, $0x38;
	[tilespmem:$0x16400] =	vst v63  }
.Ltmp5:
0x4bd: {  	_ = 	snop;
	(pc) =	sbr.rel @p0 .LBB2_2-.Ltmp5, $4  }
0x4be: {  	s31 =	sadd.s32 s0, s8  }
0x4bf: {  	[hbm4b:s31+s3] =	stream.linear.scatter [tilespmem:s24], [sflag:$0x4], $0x1000, $0x38;
	[tilespmem:$0x16400] =	vst v63  }
0x4c0: {  	s0 =	sadd.s32 s0, s9  }
0x4c1: {  	[hbm4b:s0+s3] =	stream.linear.scatter [tilespmem:s25], [sflag:$0x4], $0x1000, $0x38;
	[tilespmem:$0x16400] =	vst v63  }
0x4c2: {  	s0 =	simm.s32 $0x3  }
0x4c3: {  	_ =	swait.ge [sflag:s0], $0x1000  }
0x4c4: {  	[sflag:s0] =	ssyncset.done $0x0  }
0x4c5: {  	[sflag:s0] =	ssyncadd.s32 $0xFFFFF000  }
0x4c6: {  	_ =	swait.ge [sflag:s0], $0x1000  }
0x4c7: {  	[sflag:s0] =	ssyncset.done $0x0  }
0x4c8: {  	[sflag:s0] =	ssyncadd.s32 $0xFFFFF000  }
0x4c9: {  	_ =	swait.ge [sflag:s0], $0x1000  }
0x4ca: {  	[sflag:s0] =	ssyncset.done $0x0  }
0x4cb: {  	[sflag:s0] =	ssyncadd.s32 $0xFFFFF000  }
0x4cc: {  	_ =	swait.ge [sflag:s0], $0x1000  }
0x4cd: {  	[sflag:s0] =	ssyncset.done $0x0  }
0x4ce: {  	[sflag:s0] =	ssyncadd.s32 $0xFFFFF000  }
0x4cf: {  	_ =	swait.ge [sflag:s21], $0x1000  }
0x4d0: {  	[sflag:s21] =	ssyncset.done $0x0  }
0x4d1: {  	[sflag:s21] =	ssyncadd.s32 $0xFFFFF000  }
0x4d2: {  	_ =	swait.ge [sflag:s21], $0x1000  }
0x4d3: {  	[sflag:s21] =	ssyncset.done $0x0  }
0x4d4: {  	[sflag:s21] =	ssyncadd.s32 $0xFFFFF000  }
0x4d5: {  	_ =	swait.ge [sflag:s21], $0x1000  }
0x4d6: {  	[sflag:s21] =	ssyncset.done $0x0  }
0x4d7: {  	[sflag:s21] =	ssyncadd.s32 $0xFFFFF000  }
0x4d8: {  	_ =	swait.ge [sflag:s21], $0x1000  }
0x4d9: {  	s1 =	rddreg [dreg:$0x6]  }
0x4da: {  	s31 =	rddreg [dreg:$0x5];
	s1 =	sadd.s32 $0x1, s1  }
0x4db: {  	p0 =	sne.s32 s1, s31  }
.Ltmp6:
0x4dc: {  	_ = 	snop;
	(pc) =	sbr.rel @p0 .LBB2_1-.Ltmp6, $3  }
0x4dd: {  	_ =	sdelay $0x1  }
0x4de: {  	[sflag:s21] =	ssyncset.done $0x0  }
0x4df: {  	[sflag:s21] =	ssyncadd.s32 $0xFFFFF000  }
0x4e0: {  	_ =	sfence.sel $0x180000  }
0x4e1: {  	[bflag:$0x0] =	sbarrier.arrive $0xFFFF  }
0x4e2: {  	_ =	strace $0x90000047  }
0x4e3: {  	s0 =	stileid.u32;
	[bflag:$0x2] =	sbarrier.arrive $0xFFFF  }
0x4e4: {  	p0 =	sne.s32 s0, $0x0;
	s0 =	rddreg [dreg:$0x3]  }
0x4e5: {  	s0 =	sadd.s32 @!p0 $0x100000, s0  }
0x4e6: {  	[sflag:s0] =	ssyncadd.tile.s32 @!p0 $0x1;
	_ =	shalt  }
.Lfunc_end2:
_tile_overlayer_lowered:
.L_overlay_start_2:
0x4e7: {  	(tag) =	ssettag $0x2  }
0x4e8: {  	s0 =	rddreg [dreg:$0x0];
	s2 =	stileid.u32  }
0x4e9: {  	s1 =	rddreg [dreg:$0x1];
	p0 =	sne.s32 s2, $0x0  }
0x4ea: {  	s3 =	rddreg [dreg:$0x2];
	[bflag:$0x3] =	sbarrier.arrive $0xFFFF;
	s2 =	simm.s32 @!p0 $0x1C05  }
0x4eb: {  	[timem:s3], [sflag:s2] =	dma.local @!p0 [hbm:s0], s1  }
0x4ec: {  	s0 =	simm.s32 @!p0 $0x5  }
0x4ed: {  	_ =	swait.ge @!p0 [sflag:s0], s1  }
0x4ee: {  	s1 =	ssub.s32 @!p0 $0x0, s1;
	[sflag:s0] =	ssyncset.done @!p0 $0x0  }
0x4ef: {  	[sflag:s0] =	ssyncadd.s32 @!p0 s1  }
0x4f0: {  	[bflag:$0x3] =	sbarrier.arrive $0xFFFF  }
0x4f1: {  	_ =	shalt  }

</sc_bundles>
